<compile_context>
chip_gen: v7x
topology: tpu7x:2x2x1
jax: 0.10.2.dev20260603
libtpu: 0.0.44.dev20260713+nightly
codegen_flags: <defaults>
</compile_context>

<pallas_src>
import functools

import jax
import jax.numpy as jnp
from jax import lax
from jax.experimental import pallas as pl
from jax.experimental.pallas import tpu as pltpu
from jax.experimental.pallas import tpu_sc as plsc

N, T, D = 10000, 8, 128
E, DE = 320000, 16
H = 256

NC, NS = 2, 16
E2 = E // NC
CH = 80
CPT = E2 // NS // CH
NPAIR = (CPT - 1) // 2
SLA = 624
TAILB = NS * SLA
TAILN = N - TAILB

def _sc_mesh():
    return plsc.VectorSubcoreMesh(core_axis_name="c", subcore_axis_name="s")



def _deg_partials(dst):

    @functools.partial(
        pl.kernel,
        out_type=jax.ShapeDtypeStruct((NC, N, 16), jnp.float32),
        mesh=_sc_mesh(),
        scratch_types=[
            pltpu.VMEM((CH,), jnp.int32),
            pltpu.VMEM((CH, 16), jnp.float32),
            pltpu.VMEM((CH, 16), jnp.float32),
            pltpu.VMEM_SHARED((N, 16), jnp.float32),
        ],
    )
    def k(dst_hbm, out_hbm, di_v, ones_v, zeros_v, acc_sh):
        cid = lax.axis_index("c")
        sid = lax.axis_index("s")

        @pl.loop(0, CH)
        def _(i):
            ones_v[i, :] = jnp.ones((16,), jnp.float32)

        zsrc = zeros_v
        @pl.loop(0, CH)
        def _(i):
            zsrc[i, :] = jnp.zeros((16,), jnp.float32)

        @pl.loop(0, SLA // CH)
        def _(i):
            pltpu.sync_copy(zsrc, acc_sh.at[pl.ds(sid * SLA + i * CH, CH)])
        rem = SLA - (SLA // CH) * CH
        if rem:
            pltpu.sync_copy(zsrc.at[pl.ds(0, rem)],
                            acc_sh.at[pl.ds(sid * SLA + (SLA // CH) * CH, rem)])

        @pl.when(sid == NS - 1)
        def _():
            pltpu.sync_copy(zsrc.at[pl.ds(0, TAILN)],
                            acc_sh.at[pl.ds(TAILB, TAILN)])

        plsc.subcore_barrier()

        base = (cid * NS + sid) * CPT * CH

        @pl.loop(0, CPT)
        def _(i):
            pltpu.sync_copy(dst_hbm.at[pl.ds(base + i * CH, CH)], di_v)
            pltpu.sync_copy(ones_v, acc_sh.at[di_v], add=True)

        plsc.subcore_barrier()
        pltpu.sync_copy(acc_sh.at[pl.ds(sid * SLA, SLA)],
                        out_hbm.at[cid, pl.ds(sid * SLA, SLA)])

        @pl.when(sid == NS - 1)
        def _():
            pltpu.sync_copy(acc_sh.at[pl.ds(TAILB, TAILN)],
                            out_hbm.at[cid, pl.ds(TAILB, TAILN)])

    return k(dst)


def _seg_partials(table, src, dst):

    @functools.partial(
        pl.kernel,
        out_type=jax.ShapeDtypeStruct((NC, N, 128), jnp.float32),
        mesh=_sc_mesh(),
        scratch_types=[
            pltpu.VMEM((CH,), jnp.int32),
            pltpu.VMEM((CH,), jnp.int32),
            pltpu.VMEM((CH,), jnp.int32),
            pltpu.VMEM((CH,), jnp.int32),
            pltpu.VMEM((CH, 128), jnp.float32),
            pltpu.VMEM((CH, 128), jnp.float32),
            pltpu.VMEM_SHARED((N, 128), jnp.float32),
            pltpu.SemaphoreType.DMA,
            pltpu.SemaphoreType.DMA,
        ],
    )
    def k(tbl_hbm, src_hbm, dst_hbm, out_hbm, sa_v, da_v, sb_v, db_v,
          ra_v, rb_v, acc_sh, sema, semb):
        cid = lax.axis_index("c")
        sid = lax.axis_index("s")

        @pl.loop(0, CH)
        def _(i):
            @pl.loop(0, 128, step=16)
            def _(j):
                ra_v[i, pl.ds(j, 16)] = jnp.zeros((16,), jnp.float32)

        @pl.loop(0, SLA // CH)
        def _(i):
            pltpu.sync_copy(ra_v, acc_sh.at[pl.ds(sid * SLA + i * CH, CH)])
        rem = SLA - (SLA // CH) * CH
        if rem:
            pltpu.sync_copy(ra_v.at[pl.ds(0, rem)],
                            acc_sh.at[pl.ds(sid * SLA + (SLA // CH) * CH, rem)])

        @pl.when(sid == NS - 1)
        def _():
            pltpu.sync_copy(ra_v.at[pl.ds(0, TAILN)],
                            acc_sh.at[pl.ds(TAILB, TAILN)])

        plsc.subcore_barrier()

        base = (cid * NS + sid) * CPT * CH

        def load_idx(c, sv, dv):
            pltpu.sync_copy(src_hbm.at[pl.ds(base + c * CH, CH)], sv)
            pltpu.sync_copy(dst_hbm.at[pl.ds(base + c * CH, CH)], dv)

        def start_gather(sv, rv, sem):
            return pltpu.async_copy(tbl_hbm.at[sv], rv, sem)

        def finish(sv, dv, rv, sem):
            pltpu.make_async_copy(tbl_hbm.at[sv], rv, sem).wait()
            pltpu.sync_copy(rv, acc_sh.at[dv], add=True)

        load_idx(0, sa_v, da_v)
        start_gather(sa_v, ra_v, sema)

        @pl.loop(0, NPAIR)
        def _(i):
            c = 2 * i
            load_idx(c + 1, sb_v, db_v)
            start_gather(sb_v, rb_v, semb)
            finish(sa_v, da_v, ra_v, sema)
            load_idx(c + 2, sa_v, da_v)
            start_gather(sa_v, ra_v, sema)
            finish(sb_v, db_v, rb_v, semb)

        finish(sa_v, da_v, ra_v, sema)

        plsc.subcore_barrier()
        pltpu.sync_copy(acc_sh.at[pl.ds(sid * SLA, SLA)],
                        out_hbm.at[cid, pl.ds(sid * SLA, SLA)])

        @pl.when(sid == NS - 1)
        def _():
            pltpu.sync_copy(acc_sh.at[pl.ds(TAILB, TAILN)],
                            out_hbm.at[cid, pl.ds(TAILB, TAILN)])

    return k(table, src, dst)



def _node_stage(node_seq, W_ihT, W_hhT, b_ih2, b_hh2, W1):
    BN = 1000

    def body(x_ref, wih_ref, whh_ref, bih_ref, bhh_ref, w1_ref,
             xl_ref, xr_ref):
        wih = wih_ref[...]
        whh = whh_ref[...]
        bih = bih_ref[...]
        bhh = bhh_ref[...]
        h = jnp.zeros((BN, D), jnp.float32)
        for t in range(T):
            xt = x_ref[:, t, :]
            gi = jnp.dot(xt, wih, preferred_element_type=jnp.float32) + bih
            gh = jnp.dot(h, whh, preferred_element_type=jnp.float32) + bhh
            r = jax.nn.sigmoid(gi[:, :D] + gh[:, :D])
            z = jax.nn.sigmoid(gi[:, D:2 * D] + gh[:, D:2 * D])
            n = jnp.tanh(gi[:, 2 * D:] + r * gh[:, 2 * D:])
            h = (1.0 - z) * n + z * h
        xw = jnp.dot(h, w1_ref[...], preferred_element_type=jnp.float32)
        xl_ref[...] = xw[:, :128]
        xr_ref[...] = xw[:, 128:]

    return pl.pallas_call(
        body,
        grid=(N // BN,),
        in_specs=[
            pl.BlockSpec((BN, T, D), lambda i: (i, 0, 0)),
            pl.BlockSpec((D, 3 * D), lambda i: (0, 0)),
            pl.BlockSpec((D, 3 * D), lambda i: (0, 0)),
            pl.BlockSpec((1, 3 * D), lambda i: (0, 0)),
            pl.BlockSpec((1, 3 * D), lambda i: (0, 0)),
            pl.BlockSpec((D, H), lambda i: (0, 0)),
        ],
        out_specs=[
            pl.BlockSpec((BN, 128), lambda i: (i, 0)),
            pl.BlockSpec((BN, 128), lambda i: (i, 0)),
        ],
        out_shape=[
            jax.ShapeDtypeStruct((N, 128), jnp.float32),
            jax.ShapeDtypeStruct((N, 128), jnp.float32),
        ],
    )(node_seq, W_ihT, W_hhT, b_ih2, b_hh2, W1)


def _scale_stage(xw1L, xw1R, degp):
    BN = 1000

    def body(xl_ref, xr_ref, dp_ref, sl_ref, sr_ref, dv_ref):
        deg = dp_ref[0][:, 0:1] + dp_ref[1][:, 0:1] + 1.0
        dinv = lax.rsqrt(deg)
        sl_ref[...] = xl_ref[...] * dinv
        sr_ref[...] = xr_ref[...] * dinv
        dv_ref[...] = jnp.broadcast_to(dinv, (BN, 128))

    return pl.pallas_call(
        body,
        grid=(N // BN,),
        in_specs=[
            pl.BlockSpec((BN, 128), lambda i: (i, 0)),
            pl.BlockSpec((BN, 128), lambda i: (i, 0)),
            pl.BlockSpec((NC, BN, 16), lambda i: (0, i, 0)),
        ],
        out_specs=[
            pl.BlockSpec((BN, 128), lambda i: (i, 0)),
            pl.BlockSpec((BN, 128), lambda i: (i, 0)),
            pl.BlockSpec((BN, 128), lambda i: (i, 0)),
        ],
        out_shape=[
            jax.ShapeDtypeStruct((N, 128), jnp.float32),
            jax.ShapeDtypeStruct((N, 128), jnp.float32),
            jax.ShapeDtypeStruct((N, 128), jnp.float32),
        ],
    )(xw1L, xw1R, degp)


def _mid_stage(g1pL, g1pR, s1L, s1R, dinvb, b1_2, W2):
    BN = 1000

    def body(gl_ref, gr_ref, sl_ref, sr_ref, dv_ref, b1_ref, w2_ref, o_ref):
        dinv = dv_ref[:, 0:1]
        b1 = b1_ref[...]
        hl = jnp.maximum(
            dinv * (gl_ref[0] + gl_ref[1] + sl_ref[...]) + b1[:, :128], 0.0)
        hr = jnp.maximum(
            dinv * (gr_ref[0] + gr_ref[1] + sr_ref[...]) + b1[:, 128:], 0.0)
        hcat = jnp.concatenate([hl, hr], axis=1)
        o_ref[...] = jnp.dot(hcat, w2_ref[...],
                             preferred_element_type=jnp.float32) * dinv

    return pl.pallas_call(
        body,
        grid=(N // BN,),
        in_specs=[
            pl.BlockSpec((NC, BN, 128), lambda i: (0, i, 0)),
            pl.BlockSpec((NC, BN, 128), lambda i: (0, i, 0)),
            pl.BlockSpec((BN, 128), lambda i: (i, 0)),
            pl.BlockSpec((BN, 128), lambda i: (i, 0)),
            pl.BlockSpec((BN, 128), lambda i: (i, 0)),
            pl.BlockSpec((1, H), lambda i: (0, 0)),
            pl.BlockSpec((H, D), lambda i: (0, 0)),
        ],
        out_specs=pl.BlockSpec((BN, 128), lambda i: (i, 0)),
        out_shape=jax.ShapeDtypeStruct((N, 128), jnp.float32),
    )(g1pL, g1pR, s1L, s1R, dinvb, b1_2, W2)


def _final_stage(g2p, s2, dinvb, b2_2):
    BN = 1000

    def body(g_ref, s_ref, dv_ref, b2_ref, o_ref):
        dinv = dv_ref[:, 0:1]
        o_ref[...] = dinv * (g_ref[0] + g_ref[1] + s_ref[...]) + b2_ref[...]

    return pl.pallas_call(
        body,
        grid=(N // BN,),
        in_specs=[
            pl.BlockSpec((NC, BN, 128), lambda i: (0, i, 0)),
            pl.BlockSpec((BN, 128), lambda i: (i, 0)),
            pl.BlockSpec((BN, 128), lambda i: (i, 0)),
            pl.BlockSpec((1, D), lambda i: (0, 0)),
        ],
        out_specs=pl.BlockSpec((BN, 128), lambda i: (i, 0)),
        out_shape=jax.ShapeDtypeStruct((N, D), jnp.float32),
    )(g2p, s2, dinvb, b2_2)


def _edge_stage(eseq2, W_ih16, W_hh16, b_i16, b_h16, W_fc16, b_fc16):
    BE = 6400
    BP = BE // 16
    G = DE * DE

    def body(x_ref, wi_ref, wh_ref, bi_ref, bh_ref, wf_ref, bf_ref, o_ref):
        wi = wi_ref[...]
        wh = wh_ref[...]
        bi = bi_ref[...]
        bh = bh_ref[...]
        h = jnp.zeros((BP, G), jnp.float32)
        for t in range(T):
            xt = jnp.concatenate(
                [x_ref[pl.ds(j * BP, BP), DE * t:DE * (t + 1)]
                 for j in range(16)], axis=1)
            gi = jnp.dot(xt, wi, preferred_element_type=jnp.float32) + bi
            gh = jnp.dot(h, wh, preferred_element_type=jnp.float32) + bh
            r = jax.nn.sigmoid(gi[:, :G] + gh[:, :G])
            z = jax.nn.sigmoid(gi[:, G:2 * G] + gh[:, G:2 * G])
            n = jnp.tanh(gi[:, 2 * G:] + r * gh[:, 2 * G:])
            h = (1.0 - z) * n + z * h
        e = jnp.dot(h, wf_ref[...],
                    preferred_element_type=jnp.float32) + bf_ref[...]
        o_ref[...] = e

    return pl.pallas_call(
        body,
        grid=(E // BE,),
        in_specs=[
            pl.BlockSpec((BE, 128), lambda i: (i, 0)),
            pl.BlockSpec((G, 3 * G), lambda i: (0, 0)),
            pl.BlockSpec((G, 3 * G), lambda i: (0, 0)),
            pl.BlockSpec((1, 3 * G), lambda i: (0, 0)),
            pl.BlockSpec((1, 3 * G), lambda i: (0, 0)),
            pl.BlockSpec((G, G), lambda i: (0, 0)),
            pl.BlockSpec((1, G), lambda i: (0, 0)),
        ],
        out_specs=pl.BlockSpec((BP, G), lambda i: (i, 0)),
        out_shape=jax.ShapeDtypeStruct((E // 16, G), jnp.float32),
    )(eseq2, W_ih16, W_hh16, b_i16, b_h16, W_fc16, b_fc16)



def kernel(node_seq, edge_seq, edge_index,
           W_ih_n, W_hh_n, b_ih_n, b_hh_n,
           W_ih_e, W_hh_e, b_ih_e, b_hh_e,
           W_gcn1, b_gcn1, W_gcn2, b_gcn2, W_fc, b_fc):
    src = edge_index[0].astype(jnp.int32)
    dst = edge_index[1].astype(jnp.int32)

    W_ihT_n = W_ih_n.T
    W_hhT_n = W_hh_n.T
    b_ihn2 = b_ih_n.reshape(1, -1)
    b_hhn2 = b_hh_n.reshape(1, -1)

    eye16 = jnp.eye(16, dtype=jnp.float32)

    def blockdiag(w):
        return jnp.kron(eye16, w)

    W_ih16 = jnp.concatenate(
        [blockdiag(W_ih_e[16 * g:16 * (g + 1), :].T) for g in range(3)], axis=1)
    W_hh16 = jnp.concatenate(
        [blockdiag(W_hh_e[16 * g:16 * (g + 1), :].T) for g in range(3)], axis=1)
    b_i16 = jnp.concatenate(
        [jnp.tile(b_ih_e[16 * g:16 * (g + 1)], 16) for g in range(3)]
    ).reshape(1, -1)
    b_h16 = jnp.concatenate(
        [jnp.tile(b_hh_e[16 * g:16 * (g + 1)], 16) for g in range(3)]
    ).reshape(1, -1)
    W_fc16 = blockdiag(W_fc.T)
    b_fc16 = jnp.tile(b_fc, 16).reshape(1, -1)

    degp = _deg_partials(dst)
    xw1L, xw1R = _node_stage(node_seq, W_ihT_n, W_hhT_n,
                             b_ihn2, b_hhn2, W_gcn1)
    s1L, s1R, dinvb = _scale_stage(xw1L, xw1R, degp)
    g1pL = _seg_partials(s1L, src, dst)
    g1pR = _seg_partials(s1R, src, dst)
    s2 = _mid_stage(g1pL, g1pR, s1L, s1R, dinvb, b_gcn1.reshape(1, -1), W_gcn2)
    g2p = _seg_partials(s2, src, dst)
    x_rec = _final_stage(g2p, s2, dinvb, b_gcn2.reshape(1, -1))

    eseq2 = edge_seq.reshape(E, T * DE)
    e_pack = _edge_stage(eseq2, W_ih16, W_hh16, b_i16, b_h16, W_fc16, b_fc16)
    NB = E // 6400
    e_rec = (e_pack.reshape(NB, 400, 16, DE).transpose(0, 2, 1, 3)
             .reshape(E, DE))

    return (x_rec, e_rec)

# --- scband reference (transcript-rebuilt; emitter-appended) ---
"""Pipeline reference for scband-dhgnnbaseline-91053306675811 (READ-ONLY COPY).

The authoritative reference and input builder live on the scoring server;
editing this copy changes nothing except your own understanding.
"""

import jax, jax.numpy as jnp
import numpy as np

N, T, D = 10000, 8, 128
E, DE = 320000, 16
H = 256


def setup_inputs(seed: int = 0) -> dict:
    key = jax.random.key(seed)
    ks = jax.random.split(key, 16)
    def rn(k, shape, scale=0.05):
        return jax.random.normal(k, shape, dtype=jnp.float32) * scale
    inp = {
        "node_seq": jax.random.normal(ks[0], (N, T, D), dtype=jnp.float32),
        "edge_seq": jax.random.normal(ks[1], (E, T, DE), dtype=jnp.float32),
        "edge_index": jax.random.randint(ks[2], (2, E), 0, N),
        "W_ih_n": rn(ks[3], (3 * D, D)), "W_hh_n": rn(ks[4], (3 * D, D)),
        "b_ih_n": jnp.zeros((3 * D,), jnp.float32), "b_hh_n": jnp.zeros((3 * D,), jnp.float32),
        "W_ih_e": rn(ks[5], (3 * DE, DE)), "W_hh_e": rn(ks[6], (3 * DE, DE)),
        "b_ih_e": jnp.zeros((3 * DE,), jnp.float32), "b_hh_e": jnp.zeros((3 * DE,), jnp.float32),
        "W_gcn1": rn(ks[7], (D, H)), "b_gcn1": jnp.zeros((H,), jnp.float32),
        "W_gcn2": rn(ks[8], (H, D)), "b_gcn2": jnp.zeros((D,), jnp.float32),
        "W_fc": rn(ks[9], (DE, DE)), "b_fc": jnp.zeros((DE,), jnp.float32),
    }
    return inp


def _gru_last(x_seq, W_ih, W_hh, b_ih, b_hh):
    # PyTorch nn.GRU (batch_first), return last hidden state h_T
    Hd = W_hh.shape[1]
    def step(h, x):
        gi = x @ W_ih.T + b_ih
        gh = h @ W_hh.T + b_hh
        i_r, i_z, i_n = jnp.split(gi, 3, axis=-1)
        h_r, h_z, h_n = jnp.split(gh, 3, axis=-1)
        r = jax.nn.sigmoid(i_r + h_r)
        z = jax.nn.sigmoid(i_z + h_z)
        n = jnp.tanh(i_n + r * h_n)
        h_new = (1.0 - z) * n + z * h
        return h_new, None
    h0 = jnp.zeros((x_seq.shape[0], Hd), dtype=x_seq.dtype)
    x_t = jnp.swapaxes(x_seq, 0, 1)  # [T, B, dim]
    h_last, _ = jax.lax.scan(step, h0, x_t)
    return h_last


def _gcn(x, edge_index, W, b):
    # PyG GCNConv: add self-loops, symmetric normalization, scatter-add to dst
    n = x.shape[0]
    src, dst = edge_index[0], edge_index[1]
    loop = jnp.arange(n)
    src_f = jnp.concatenate([src, loop])
    dst_f = jnp.concatenate([dst, loop])
    deg = jax.ops.segment_sum(jnp.ones_like(dst_f, dtype=x.dtype), dst_f, num_segments=n)
    dinv = jnp.where(deg > 0, deg ** -0.5, 0.0)
    norm = dinv[src_f] * dinv[dst_f]
    xw = x @ W
    msg = xw[src_f] * norm[:, None]
    out = jax.ops.segment_sum(msg, dst_f, num_segments=n)
    return out + b


def reference(node_seq, edge_seq, edge_index,
              W_ih_n, W_hh_n, b_ih_n, b_hh_n,
              W_ih_e, W_hh_e, b_ih_e, b_hh_e,
              W_gcn1, b_gcn1, W_gcn2, b_gcn2, W_fc, b_fc):
    x_t = _gru_last(node_seq, W_ih_n, W_hh_n, b_ih_n, b_hh_n)
    h = jax.nn.relu(_gcn(x_t, edge_index, W_gcn1, b_gcn1))
    x_rec = _gcn(h, edge_index, W_gcn2, b_gcn2)
    e_t = _gru_last(edge_seq, W_ih_e, W_hh_e, b_ih_e, b_hh_e)
    e_rec = e_t @ W_fc.T + b_fc
    return (x_rec, e_rec)

if __name__ == "__main__":
    import jax
    _d = setup_inputs()
    print(jax.jit(kernel)(*tuple(_d.values())))

</pallas_src>

<mosaic_0001>
#map = affine_map<(d0, d1) -> (0, 0)>
#map1 = affine_map<(d0, d1) -> (0)>
#map2 = affine_map<(d0, d1) -> (0, 0, 0)>
module attributes {stable_mosaic.version = 14 : i64} {
  func.func @k(%arg0: i32, %arg1: i32, %arg2: memref<10000x128xf32, #tpu.memory_space<hbm>>, %arg3: memref<320000xi32, #tpu.memory_space<hbm>>, %arg4: memref<320000xi32, #tpu.memory_space<hbm>>, %arg5: memref<2x10000x128xf32, #tpu.memory_space<hbm>>, %arg6: memref<80xi32, #tpu.memory_space<vmem>>, %arg7: memref<80xi32, #tpu.memory_space<vmem>>, %arg8: memref<80xi32, #tpu.memory_space<vmem>>, %arg9: memref<80xi32, #tpu.memory_space<vmem>>, %arg10: memref<80x128xf32, #tpu.memory_space<vmem>>, %arg11: memref<80x128xf32, #tpu.memory_space<vmem>>, %arg12: memref<10000x128xf32, #tpu.memory_space<vmem_shared>>, %arg13: memref<!tpu.dma_semaphore, #tpu.memory_space<semaphore_mem>>, %arg14: memref<!tpu.dma_semaphore, #tpu.memory_space<semaphore_mem>>) attributes {dimension_semantics = [#tpu.dimension_semantics<core_parallel>, #tpu.dimension_semantics<subcore_parallel>], iteration_bounds = array<i64: 2, 16>, scalar_prefetch = 0 : i64, scratch_operands = 9 : i64, tpu.core_type = #tpu.core_type<sc_vector_subcore>, window_params = [{transform_indices = #map}, {transform_indices = #map1}, {transform_indices = #map1}, {transform_indices = #map2}]} {
    %scan3A = arith.constant 0 : i32
    %scan3A_0 = arith.constant 80 : i32
    %scan3A_1 = arith.addi %scan3A, %scan3A_0 : i32
    %scan3A_2 = arith.constant 1 : i32
    scf.for %scan3A_43 = %scan3A to %scan3A_1 step %scan3A_2  : i32 {
      %mul3A_44 = arith.constant 1 : i32
      %mul3A_45 = arith.muli %scan3A_43, %mul3A_44 : i32
      %add3A_46 = arith.constant 0 : i32
      %add3A_47 = arith.addi %add3A_46, %mul3A_45 : i32
      %scan3A_48 = arith.constant 0 : i32
      %scan3A_49 = arith.constant 8 : i32
      %scan3A_50 = arith.addi %scan3A_48, %scan3A_49 : i32
      %scan3A_51 = arith.constant 1 : i32
      scf.for %scan3A_53 = %scan3A_48 to %scan3A_50 step %scan3A_51  : i32 {
        %mul3A_54 = arith.constant 16 : i32
        %mul3A_55 = arith.muli %scan3A_53, %mul3A_54 : i32
        %add3A_56 = arith.constant 0 : i32
        %add3A_57 = arith.addi %add3A_56, %mul3A_55 : i32
        %broadcast_in_dim3A = arith.constant 0.000000e+00 : f32
        %broadcast_in_dim3A_58 = vector.broadcast %broadcast_in_dim3A : f32 to vector<16xf32>
        %swap3A = arith.index_cast %add3A_47 : i32 to index
        %swap3A_59 = arith.index_cast %add3A_57 : i32 to index
        %swap3A_60 = tpu.vector_load %arg10[%swap3A, %swap3A_59] {strides = array<i32>} : memref<80x128xf32, #tpu.memory_space<vmem>>, vector<1x16xf32>,
        %swap3A_61 = vector.shape_cast %swap3A_60 : vector<1x16xf32> to vector<16xf32>
        %swap3A_62 = vector.shape_cast %broadcast_in_dim3A_58 : vector<16xf32> to vector<1x16xf32>
        tpu.vector_store %arg10[%swap3A, %swap3A_59], %swap3A_62 {strides = array<i32>} : memref<80x128xf32, #tpu.memory_space<vmem>>, vector<1x16xf32>,
      }
      %scan3A_52 = arith.constant 8 : i32
    }
    %scan3A_3 = arith.constant 80 : i32
    %scan3A_4 = arith.constant 0 : i32
    %scan3A_5 = arith.constant 7 : i32
    %scan3A_6 = arith.addi %scan3A_4, %scan3A_5 : i32
    %scan3A_7 = arith.constant 1 : i32
    scf.for %scan3A_43 = %scan3A_4 to %scan3A_6 step %scan3A_7  : i32 {
      %mul3A_44 = arith.constant 1 : i32
      %mul3A_45 = arith.muli %scan3A_43, %mul3A_44 : i32
      %add3A_46 = arith.constant 0 : i32
      %add3A_47 = arith.addi %add3A_46, %mul3A_45 : i32
      %mul3A_48 = arith.constant 624 : i32
      %mul3A_49 = arith.muli %arg1, %mul3A_48 : i32
      %mul3A_50 = arith.constant 80 : i32
      %mul3A_51 = arith.muli %add3A_47, %mul3A_50 : i32
      %add3A_52 = arith.addi %mul3A_49, %mul3A_51 : i32
      "tpu.region"() ({
        %run_scoped3A = tpu.sem_alloc : memref<!tpu.dma_semaphore, #tpu.memory_space<semaphore_mem>>
        %dma_start3A_53 = arith.constant 0 : i32
        %dma_start3A_54 = tpu.memref_slice %arg12[%add3A_52, %dma_start3A_53] : memref<10000x128xf32, #tpu.memory_space<vmem_shared>> -> memref<80x128xf32, #tpu.memory_space<vmem_shared>>
        %dma_start3A_55 = arith.constant 0 : i32
        %dma_start3A_56 = tpu.memref_slice %arg12[%add3A_52, %dma_start3A_55] : memref<10000x128xf32, #tpu.memory_space<vmem_shared>> -> memref<80x128xf32, #tpu.memory_space<vmem_shared>>
        tpu.enqueue_dma source(%arg10 : memref<80x128xf32, #tpu.memory_space<vmem>>) target(%dma_start3A_56 : memref<80x128xf32, #tpu.memory_space<vmem_shared>>) target_semaphore(%run_scoped3A : memref<!tpu.dma_semaphore, #tpu.memory_space<semaphore_mem>>)
        %dma_wait3A_57 = arith.constant 0 : i32
        %dma_wait3A_58 = tpu.memref_slice %arg12[%add3A_52, %dma_wait3A_57] : memref<10000x128xf32, #tpu.memory_space<vmem_shared>> -> memref<80x128xf32, #tpu.memory_space<vmem_shared>>
        %dma_wait3A_59 = arith.constant 0 : i32
        %dma_wait3A_60 = tpu.memref_slice %arg12[%add3A_52, %dma_wait3A_59] : memref<10000x128xf32, #tpu.memory_space<vmem_shared>> -> memref<80x128xf32, #tpu.memory_space<vmem_shared>>
        tpu.wait_dma2 semaphore(%run_scoped3A : memref<!tpu.dma_semaphore, #tpu.memory_space<semaphore_mem>>) src(%arg10 : memref<80x128xf32, #tpu.memory_space<vmem>>) dst(%dma_wait3A_60 : memref<80x128xf32, #tpu.memory_space<vmem_shared>>)
        tpu.yield
      }) : () -> ()
    }
    %scan3A_8 = arith.constant 7 : i32
    %mul3A = arith.constant 624 : i32
    %mul3A_9 = arith.muli %arg1, %mul3A : i32
    %add3A = arith.constant 560 : i32
    %add3A_10 = arith.addi %mul3A_9, %add3A : i32
    "tpu.region"() ({
      %run_scoped3A = tpu.sem_alloc : memref<!tpu.dma_semaphore, #tpu.memory_space<semaphore_mem>>
      %dma_start3A_43 = arith.constant 0 : i32
      %dma_start3A_44 = arith.constant 0 : i32
      %dma_start3A_45 = tpu.memref_slice %arg10[%dma_start3A_43, %dma_start3A_44] : memref<80x128xf32, #tpu.memory_space<vmem>> -> memref<64x128xf32, #tpu.memory_space<vmem>>
      %dma_start3A_46 = arith.constant 0 : i32
      %dma_start3A_47 = tpu.memref_slice %arg12[%add3A_10, %dma_start3A_46] : memref<10000x128xf32, #tpu.memory_space<vmem_shared>> -> memref<64x128xf32, #tpu.memory_space<vmem_shared>>
      %dma_start3A_48 = arith.constant 0 : i32
      %dma_start3A_49 = tpu.memref_slice %arg12[%add3A_10, %dma_start3A_48] : memref<10000x128xf32, #tpu.memory_space<vmem_shared>> -> memref<64x128xf32, #tpu.memory_space<vmem_shared>>
      %dma_start3A_50 = arith.constant 0 : i32
      %dma_start3A_51 = arith.constant 0 : i32
      %dma_start3A_52 = tpu.memref_slice %arg10[%dma_start3A_50, %dma_start3A_51] : memref<80x128xf32, #tpu.memory_space<vmem>> -> memref<64x128xf32, #tpu.memory_space<vmem>>
      tpu.enqueue_dma source(%dma_start3A_52 : memref<64x128xf32, #tpu.memory_space<vmem>>) target(%dma_start3A_49 : memref<64x128xf32, #tpu.memory_space<vmem_shared>>) target_semaphore(%run_scoped3A : memref<!tpu.dma_semaphore, #tpu.memory_space<semaphore_mem>>)
      %dma_wait3A_53 = arith.constant 0 : i32
      %dma_wait3A_54 = arith.constant 0 : i32
      %dma_wait3A_55 = tpu.memref_slice %arg10[%dma_wait3A_53, %dma_wait3A_54] : memref<80x128xf32, #tpu.memory_space<vmem>> -> memref<64x128xf32, #tpu.memory_space<vmem>>
      %dma_wait3A_56 = arith.constant 0 : i32
      %dma_wait3A_57 = tpu.memref_slice %arg12[%add3A_10, %dma_wait3A_56] : memref<10000x128xf32, #tpu.memory_space<vmem_shared>> -> memref<64x128xf32, #tpu.memory_space<vmem_shared>>
      %dma_wait3A_58 = arith.constant 0 : i32
      %dma_wait3A_59 = tpu.memref_slice %arg12[%add3A_10, %dma_wait3A_58] : memref<10000x128xf32, #tpu.memory_space<vmem_shared>> -> memref<64x128xf32, #tpu.memory_space<vmem_shared>>
      %dma_wait3A_60 = arith.constant 0 : i32
      %dma_wait3A_61 = arith.constant 0 : i32
      %dma_wait3A_62 = tpu.memref_slice %arg10[%dma_wait3A_60, %dma_wait3A_61] : memref<80x128xf32, #tpu.memory_space<vmem>> -> memref<64x128xf32, #tpu.memory_space<vmem>>
      tpu.wait_dma2 semaphore(%run_scoped3A : memref<!tpu.dma_semaphore, #tpu.memory_space<semaphore_mem>>) src(%dma_wait3A_62 : memref<64x128xf32, #tpu.memory_space<vmem>>) dst(%dma_wait3A_59 : memref<64x128xf32, #tpu.memory_space<vmem_shared>>)
      tpu.yield
    }) : () -> ()
    %eq3A = arith.constant 15 : i32
    %eq3A_11 = arith.cmpi eq, %arg1, %eq3A : i32
    %convert_element_type3A = arith.extui %eq3A_11 : i1 to i32
    %cond3A = arith.constant 0 : i32
    %cond3A_12 = arith.cmpi ne, %convert_element_type3A, %cond3A : i32
    scf.if %cond3A_12 {
      "tpu.region"() ({
        %run_scoped3A = tpu.sem_alloc : memref<!tpu.dma_semaphore, #tpu.memory_space<semaphore_mem>>
        %dma_start3A_43 = arith.constant 0 : i32
        %dma_start3A_44 = arith.constant 0 : i32
        %dma_start3A_45 = tpu.memref_slice %arg10[%dma_start3A_43, %dma_start3A_44] : memref<80x128xf32, #tpu.memory_space<vmem>> -> memref<16x128xf32, #tpu.memory_space<vmem>>
        %dma_start3A_46 = arith.constant 9984 : i32
        %dma_start3A_47 = arith.constant 0 : i32
        %dma_start3A_48 = tpu.memref_slice %arg12[%dma_start3A_46, %dma_start3A_47] : memref<10000x128xf32, #tpu.memory_space<vmem_shared>> -> memref<16x128xf32, #tpu.memory_space<vmem_shared>>
        %dma_start3A_49 = arith.constant 9984 : i32
        %dma_start3A_50 = arith.constant 0 : i32
        %dma_start3A_51 = tpu.memref_slice %arg12[%dma_start3A_49, %dma_start3A_50] : memref<10000x128xf32, #tpu.memory_space<vmem_shared>> -> memref<16x128xf32, #tpu.memory_space<vmem_shared>>
        %dma_start3A_52 = arith.constant 0 : i32
        %dma_start3A_53 = arith.constant 0 : i32
        %dma_start3A_54 = tpu.memref_slice %arg10[%dma_start3A_52, %dma_start3A_53] : memref<80x128xf32, #tpu.memory_space<vmem>> -> memref<16x128xf32, #tpu.memory_space<vmem>>
        tpu.enqueue_dma source(%dma_start3A_54 : memref<16x128xf32, #tpu.memory_space<vmem>>) target(%dma_start3A_51 : memref<16x128xf32, #tpu.memory_space<vmem_shared>>) target_semaphore(%run_scoped3A : memref<!tpu.dma_semaphore, #tpu.memory_space<semaphore_mem>>)
        %dma_wait3A_55 = arith.constant 0 : i32
        %dma_wait3A_56 = arith.constant 0 : i32
        %dma_wait3A_57 = tpu.memref_slice %arg10[%dma_wait3A_55, %dma_wait3A_56] : memref<80x128xf32, #tpu.memory_space<vmem>> -> memref<16x128xf32, #tpu.memory_space<vmem>>
        %dma_wait3A_58 = arith.constant 9984 : i32
        %dma_wait3A_59 = arith.constant 0 : i32
        %dma_wait3A_60 = tpu.memref_slice %arg12[%dma_wait3A_58, %dma_wait3A_59] : memref<10000x128xf32, #tpu.memory_space<vmem_shared>> -> memref<16x128xf32, #tpu.memory_space<vmem_shared>>
        %dma_wait3A_61 = arith.constant 9984 : i32
        %dma_wait3A_62 = arith.constant 0 : i32
        %dma_wait3A_63 = tpu.memref_slice %arg12[%dma_wait3A_61, %dma_wait3A_62] : memref<10000x128xf32, #tpu.memory_space<vmem_shared>> -> memref<16x128xf32, #tpu.memory_space<vmem_shared>>
        %dma_wait3A_64 = arith.constant 0 : i32
        %dma_wait3A_65 = arith.constant 0 : i32
        %dma_wait3A_66 = tpu.memref_slice %arg10[%dma_wait3A_64, %dma_wait3A_65] : memref<80x128xf32, #tpu.memory_space<vmem>> -> memref<16x128xf32, #tpu.memory_space<vmem>>
        tpu.wait_dma2 semaphore(%run_scoped3A : memref<!tpu.dma_semaphore, #tpu.memory_space<semaphore_mem>>) src(%dma_wait3A_66 : memref<16x128xf32, #tpu.memory_space<vmem>>) dst(%dma_wait3A_63 : memref<16x128xf32, #tpu.memory_space<vmem_shared>>)
        tpu.yield
      }) : () -> ()
    } else {
    }
    %barrier3A = arith.constant 0 : index
    tpu.barrier barrier_id(%barrier3A)
    %mul3A_13 = arith.constant 16 : i32
    %mul3A_14 = arith.muli %arg0, %mul3A_13 : i32
    %add3A_15 = arith.addi %mul3A_14, %arg1 : i32
    %mul3A_16 = arith.constant 125 : i32
    %mul3A_17 = arith.muli %add3A_15, %mul3A_16 : i32
    %mul3A_18 = arith.constant 80 : i32
    %mul3A_19 = arith.muli %mul3A_17, %mul3A_18 : i32
    %add3A_20 = arith.constant 0 : i32
    %add3A_21 = arith.addi %mul3A_19, %add3A_20 : i32
    "tpu.region"() ({
      %run_scoped3A = tpu.sem_alloc : memref<!tpu.dma_semaphore, #tpu.memory_space<semaphore_mem>>
      %dma_start3A_43 = tpu.memref_slice %arg3[%add3A_21] : memref<320000xi32, #tpu.memory_space<hbm>> -> memref<80xi32, #tpu.memory_space<hbm>>
      %dma_start3A_44 = tpu.memref_slice %arg3[%add3A_21] : memref<320000xi32, #tpu.memory_space<hbm>> -> memref<80xi32, #tpu.memory_space<hbm>>
      tpu.enqueue_dma source(%dma_start3A_44 : memref<80xi32, #tpu.memory_space<hbm>>) target(%arg6 : memref<80xi32, #tpu.memory_space<vmem>>) target_semaphore(%run_scoped3A : memref<!tpu.dma_semaphore, #tpu.memory_space<semaphore_mem>>)
      %dma_wait3A_45 = tpu.memref_slice %arg3[%add3A_21] : memref<320000xi32, #tpu.memory_space<hbm>> -> memref<80xi32, #tpu.memory_space<hbm>>
      %dma_wait3A_46 = tpu.memref_slice %arg3[%add3A_21] : memref<320000xi32, #tpu.memory_space<hbm>> -> memref<80xi32, #tpu.memory_space<hbm>>
      tpu.wait_dma2 semaphore(%run_scoped3A : memref<!tpu.dma_semaphore, #tpu.memory_space<semaphore_mem>>) src(%dma_wait3A_46 : memref<80xi32, #tpu.memory_space<hbm>>) dst(%arg6 : memref<80xi32, #tpu.memory_space<vmem>>)
      tpu.yield
    }) : () -> ()
    %add3A_22 = arith.constant 0 : i32
    %add3A_23 = arith.addi %mul3A_19, %add3A_22 : i32
    "tpu.region"() ({
      %run_scoped3A = tpu.sem_alloc : memref<!tpu.dma_semaphore, #tpu.memory_space<semaphore_mem>>
      %dma_start3A_43 = tpu.memref_slice %arg4[%add3A_23] : memref<320000xi32, #tpu.memory_space<hbm>> -> memref<80xi32, #tpu.memory_space<hbm>>
      %dma_start3A_44 = tpu.memref_slice %arg4[%add3A_23] : memref<320000xi32, #tpu.memory_space<hbm>> -> memref<80xi32, #tpu.memory_space<hbm>>
      tpu.enqueue_dma source(%dma_start3A_44 : memref<80xi32, #tpu.memory_space<hbm>>) target(%arg7 : memref<80xi32, #tpu.memory_space<vmem>>) target_semaphore(%run_scoped3A : memref<!tpu.dma_semaphore, #tpu.memory_space<semaphore_mem>>)
      %dma_wait3A_45 = tpu.memref_slice %arg4[%add3A_23] : memref<320000xi32, #tpu.memory_space<hbm>> -> memref<80xi32, #tpu.memory_space<hbm>>
      %dma_wait3A_46 = tpu.memref_slice %arg4[%add3A_23] : memref<320000xi32, #tpu.memory_space<hbm>> -> memref<80xi32, #tpu.memory_space<hbm>>
      tpu.wait_dma2 semaphore(%run_scoped3A : memref<!tpu.dma_semaphore, #tpu.memory_space<semaphore_mem>>) src(%dma_wait3A_46 : memref<80xi32, #tpu.memory_space<hbm>>) dst(%arg7 : memref<80xi32, #tpu.memory_space<vmem>>)
      tpu.yield
    }) : () -> ()
    %dma_start3A = arith.constant 0 : i32
    %dma_start3A_24 = arith.constant 0 : i32
    %dma_start3A_25 = tpu.memref_slice %arg2[%dma_start3A, %dma_start3A_24] : memref<10000x128xf32, #tpu.memory_space<hbm>> -> memref<10000x128xf32, #tpu.memory_space<hbm>>
    tpu.enqueue_indirect_dma source(%dma_start3A_25 : memref<10000x128xf32, #tpu.memory_space<hbm>>) target(%arg10 : memref<80x128xf32, #tpu.memory_space<vmem>>) offsets(%arg6 : memref<80xi32, #tpu.memory_space<vmem>>) semaphore(%arg13 : memref<!tpu.dma_semaphore, #tpu.memory_space<semaphore_mem>>)
    %scan3A_26 = arith.constant 0 : i32
    %scan3A_27 = arith.constant 62 : i32
    %scan3A_28 = arith.addi %scan3A_26, %scan3A_27 : i32
    %scan3A_29 = arith.constant 1 : i32
    scf.for %scan3A_43 = %scan3A_26 to %scan3A_28 step %scan3A_29  : i32 {
      %mul3A_44 = arith.constant 1 : i32
      %mul3A_45 = arith.muli %scan3A_43, %mul3A_44 : i32
      %add3A_46 = arith.constant 0 : i32
      %add3A_47 = arith.addi %add3A_46, %mul3A_45 : i32
      %mul3A_48 = arith.constant 2 : i32
      %mul3A_49 = arith.muli %mul3A_48, %add3A_47 : i32
      %add3A_50 = arith.constant 1 : i32
      %add3A_51 = arith.addi %mul3A_49, %add3A_50 : i32
      %mul3A_52 = arith.constant 80 : i32
      %mul3A_53 = arith.muli %add3A_51, %mul3A_52 : i32
      %add3A_54 = arith.addi %mul3A_19, %mul3A_53 : i32
      "tpu.region"() ({
        %run_scoped3A = tpu.sem_alloc : memref<!tpu.dma_semaphore, #tpu.memory_space<semaphore_mem>>
        %dma_start3A_78 = tpu.memref_slice %arg3[%add3A_54] : memref<320000xi32, #tpu.memory_space<hbm>> -> memref<80xi32, #tpu.memory_space<hbm>>
        %dma_start3A_79 = tpu.memref_slice %arg3[%add3A_54] : memref<320000xi32, #tpu.memory_space<hbm>> -> memref<80xi32, #tpu.memory_space<hbm>>
        tpu.enqueue_dma source(%dma_start3A_79 : memref<80xi32, #tpu.memory_space<hbm>>) target(%arg8 : memref<80xi32, #tpu.memory_space<vmem>>) target_semaphore(%run_scoped3A : memref<!tpu.dma_semaphore, #tpu.memory_space<semaphore_mem>>)
        %dma_wait3A_80 = tpu.memref_slice %arg3[%add3A_54] : memref<320000xi32, #tpu.memory_space<hbm>> -> memref<80xi32, #tpu.memory_space<hbm>>
        %dma_wait3A_81 = tpu.memref_slice %arg3[%add3A_54] : memref<320000xi32, #tpu.memory_space<hbm>> -> memref<80xi32, #tpu.memory_space<hbm>>
        tpu.wait_dma2 semaphore(%run_scoped3A : memref<!tpu.dma_semaphore, #tpu.memory_space<semaphore_mem>>) src(%dma_wait3A_81 : memref<80xi32, #tpu.memory_space<hbm>>) dst(%arg8 : memref<80xi32, #tpu.memory_space<vmem>>)
        tpu.yield
      }) : () -> ()
      %mul3A_55 = arith.constant 80 : i32
      %mul3A_56 = arith.muli %add3A_51, %mul3A_55 : i32
      %add3A_57 = arith.addi %mul3A_19, %mul3A_56 : i32
      "tpu.region"() ({
        %run_scoped3A = tpu.sem_alloc : memref<!tpu.dma_semaphore, #tpu.memory_space<semaphore_mem>>
        %dma_start3A_78 = tpu.memref_slice %arg4[%add3A_57] : memref<320000xi32, #tpu.memory_space<hbm>> -> memref<80xi32, #tpu.memory_space<hbm>>
        %dma_start3A_79 = tpu.memref_slice %arg4[%add3A_57] : memref<320000xi32, #tpu.memory_space<hbm>> -> memref<80xi32, #tpu.memory_space<hbm>>
        tpu.enqueue_dma source(%dma_start3A_79 : memref<80xi32, #tpu.memory_space<hbm>>) target(%arg9 : memref<80xi32, #tpu.memory_space<vmem>>) target_semaphore(%run_scoped3A : memref<!tpu.dma_semaphore, #tpu.memory_space<semaphore_mem>>)
        %dma_wait3A_80 = tpu.memref_slice %arg4[%add3A_57] : memref<320000xi32, #tpu.memory_space<hbm>> -> memref<80xi32, #tpu.memory_space<hbm>>
        %dma_wait3A_81 = tpu.memref_slice %arg4[%add3A_57] : memref<320000xi32, #tpu.memory_space<hbm>> -> memref<80xi32, #tpu.memory_space<hbm>>
        tpu.wait_dma2 semaphore(%run_scoped3A : memref<!tpu.dma_semaphore, #tpu.memory_space<semaphore_mem>>) src(%dma_wait3A_81 : memref<80xi32, #tpu.memory_space<hbm>>) dst(%arg9 : memref<80xi32, #tpu.memory_space<vmem>>)
        tpu.yield
      }) : () -> ()
      %dma_start3A_58 = arith.constant 0 : i32
      %dma_start3A_59 = arith.constant 0 : i32
      %dma_start3A_60 = tpu.memref_slice %arg2[%dma_start3A_58, %dma_start3A_59] : memref<10000x128xf32, #tpu.memory_space<hbm>> -> memref<10000x128xf32, #tpu.memory_space<hbm>>
      tpu.enqueue_indirect_dma source(%dma_start3A_60 : memref<10000x128xf32, #tpu.memory_space<hbm>>) target(%arg11 : memref<80x128xf32, #tpu.memory_space<vmem>>) offsets(%arg8 : memref<80xi32, #tpu.memory_space<vmem>>) semaphore(%arg14 : memref<!tpu.dma_semaphore, #tpu.memory_space<semaphore_mem>>)
      %dma_wait3A_61 = arith.constant 0 : i32
      %dma_wait3A_62 = arith.constant 0 : i32
      %dma_wait3A_63 = tpu.memref_slice %arg2[%dma_wait3A_61, %dma_wait3A_62] : memref<10000x128xf32, #tpu.memory_space<hbm>> -> memref<10000x128xf32, #tpu.memory_space<hbm>>
      tpu.wait_indirect_dma semaphore(%arg13 : memref<!tpu.dma_semaphore, #tpu.memory_space<semaphore_mem>>) src(%dma_wait3A_63 : memref<10000x128xf32, #tpu.memory_space<hbm>>) dst(%arg10 : memref<80x128xf32, #tpu.memory_space<vmem>>)
      "tpu.region"() ({
        %run_scoped3A = tpu.sem_alloc : memref<!tpu.dma_semaphore, #tpu.memory_space<semaphore_mem>>
        %dma_start3A_78 = arith.constant 0 : i32
        %dma_start3A_79 = arith.constant 0 : i32
        %dma_start3A_80 = tpu.memref_slice %arg12[%dma_start3A_78, %dma_start3A_79] : memref<10000x128xf32, #tpu.memory_space<vmem_shared>> -> memref<10000x128xf32, #tpu.memory_space<vmem_shared>>
        tpu.enqueue_indirect_dma source(%arg10 : memref<80x128xf32, #tpu.memory_space<vmem>>) target(%dma_start3A_80 : memref<10000x128xf32, #tpu.memory_space<vmem_shared>>) offsets(%arg7 : memref<80xi32, #tpu.memory_space<vmem>>) semaphore(%run_scoped3A : memref<!tpu.dma_semaphore, #tpu.memory_space<semaphore_mem>>) {add = true}
        %dma_wait3A_81 = arith.constant 0 : i32
        %dma_wait3A_82 = arith.constant 0 : i32
        %dma_wait3A_83 = tpu.memref_slice %arg12[%dma_wait3A_81, %dma_wait3A_82] : memref<10000x128xf32, #tpu.memory_space<vmem_shared>> -> memref<10000x128xf32, #tpu.memory_space<vmem_shared>>
        tpu.wait_indirect_dma semaphore(%run_scoped3A : memref<!tpu.dma_semaphore, #tpu.memory_space<semaphore_mem>>) src(%arg10 : memref<80x128xf32, #tpu.memory_space<vmem>>) dst(%dma_wait3A_83 : memref<10000x128xf32, #tpu.memory_space<vmem_shared>>)
        tpu.yield
      }) : () -> ()
      %add3A_64 = arith.constant 2 : i32
      %add3A_65 = arith.addi %mul3A_49, %add3A_64 : i32
      %mul3A_66 = arith.constant 80 : i32
      %mul3A_67 = arith.muli %add3A_65, %mul3A_66 : i32
      %add3A_68 = arith.addi %mul3A_19, %mul3A_67 : i32
      "tpu.region"() ({
        %run_scoped3A = tpu.sem_alloc : memref<!tpu.dma_semaphore, #tpu.memory_space<semaphore_mem>>
        %dma_start3A_78 = tpu.memref_slice %arg3[%add3A_68] : memref<320000xi32, #tpu.memory_space<hbm>> -> memref<80xi32, #tpu.memory_space<hbm>>
        %dma_start3A_79 = tpu.memref_slice %arg3[%add3A_68] : memref<320000xi32, #tpu.memory_space<hbm>> -> memref<80xi32, #tpu.memory_space<hbm>>
        tpu.enqueue_dma source(%dma_start3A_79 : memref<80xi32, #tpu.memory_space<hbm>>) target(%arg6 : memref<80xi32, #tpu.memory_space<vmem>>) target_semaphore(%run_scoped3A : memref<!tpu.dma_semaphore, #tpu.memory_space<semaphore_mem>>)
        %dma_wait3A_80 = tpu.memref_slice %arg3[%add3A_68] : memref<320000xi32, #tpu.memory_space<hbm>> -> memref<80xi32, #tpu.memory_space<hbm>>
        %dma_wait3A_81 = tpu.memref_slice %arg3[%add3A_68] : memref<320000xi32, #tpu.memory_space<hbm>> -> memref<80xi32, #tpu.memory_space<hbm>>
        tpu.wait_dma2 semaphore(%run_scoped3A : memref<!tpu.dma_semaphore, #tpu.memory_space<semaphore_mem>>) src(%dma_wait3A_81 : memref<80xi32, #tpu.memory_space<hbm>>) dst(%arg6 : memref<80xi32, #tpu.memory_space<vmem>>)
        tpu.yield
      }) : () -> ()
      %mul3A_69 = arith.constant 80 : i32
      %mul3A_70 = arith.muli %add3A_65, %mul3A_69 : i32
      %add3A_71 = arith.addi %mul3A_19, %mul3A_70 : i32
      "tpu.region"() ({
        %run_scoped3A = tpu.sem_alloc : memref<!tpu.dma_semaphore, #tpu.memory_space<semaphore_mem>>
        %dma_start3A_78 = tpu.memref_slice %arg4[%add3A_71] : memref<320000xi32, #tpu.memory_space<hbm>> -> memref<80xi32, #tpu.memory_space<hbm>>
        %dma_start3A_79 = tpu.memref_slice %arg4[%add3A_71] : memref<320000xi32, #tpu.memory_space<hbm>> -> memref<80xi32, #tpu.memory_space<hbm>>
        tpu.enqueue_dma source(%dma_start3A_79 : memref<80xi32, #tpu.memory_space<hbm>>) target(%arg7 : memref<80xi32, #tpu.memory_space<vmem>>) target_semaphore(%run_scoped3A : memref<!tpu.dma_semaphore, #tpu.memory_space<semaphore_mem>>)
        %dma_wait3A_80 = tpu.memref_slice %arg4[%add3A_71] : memref<320000xi32, #tpu.memory_space<hbm>> -> memref<80xi32, #tpu.memory_space<hbm>>
        %dma_wait3A_81 = tpu.memref_slice %arg4[%add3A_71] : memref<320000xi32, #tpu.memory_space<hbm>> -> memref<80xi32, #tpu.memory_space<hbm>>
        tpu.wait_dma2 semaphore(%run_scoped3A : memref<!tpu.dma_semaphore, #tpu.memory_space<semaphore_mem>>) src(%dma_wait3A_81 : memref<80xi32, #tpu.memory_space<hbm>>) dst(%arg7 : memref<80xi32, #tpu.memory_space<vmem>>)
        tpu.yield
      }) : () -> ()
      %dma_start3A_72 = arith.constant 0 : i32
      %dma_start3A_73 = arith.constant 0 : i32
      %dma_start3A_74 = tpu.memref_slice %arg2[%dma_start3A_72, %dma_start3A_73] : memref<10000x128xf32, #tpu.memory_space<hbm>> -> memref<10000x128xf32, #tpu.memory_space<hbm>>
      tpu.enqueue_indirect_dma source(%dma_start3A_74 : memref<10000x128xf32, #tpu.memory_space<hbm>>) target(%arg10 : memref<80x128xf32, #tpu.memory_space<vmem>>) offsets(%arg6 : memref<80xi32, #tpu.memory_space<vmem>>) semaphore(%arg13 : memref<!tpu.dma_semaphore, #tpu.memory_space<semaphore_mem>>)
      %dma_wait3A_75 = arith.constant 0 : i32
      %dma_wait3A_76 = arith.constant 0 : i32
      %dma_wait3A_77 = tpu.memref_slice %arg2[%dma_wait3A_75, %dma_wait3A_76] : memref<10000x128xf32, #tpu.memory_space<hbm>> -> memref<10000x128xf32, #tpu.memory_space<hbm>>
      tpu.wait_indirect_dma semaphore(%arg14 : memref<!tpu.dma_semaphore, #tpu.memory_space<semaphore_mem>>) src(%dma_wait3A_77 : memref<10000x128xf32, #tpu.memory_space<hbm>>) dst(%arg11 : memref<80x128xf32, #tpu.memory_space<vmem>>)
      "tpu.region"() ({
        %run_scoped3A = tpu.sem_alloc : memref<!tpu.dma_semaphore, #tpu.memory_space<semaphore_mem>>
        %dma_start3A_78 = arith.constant 0 : i32
        %dma_start3A_79 = arith.constant 0 : i32
        %dma_start3A_80 = tpu.memref_slice %arg12[%dma_start3A_78, %dma_start3A_79] : memref<10000x128xf32, #tpu.memory_space<vmem_shared>> -> memref<10000x128xf32, #tpu.memory_space<vmem_shared>>
        tpu.enqueue_indirect_dma source(%arg11 : memref<80x128xf32, #tpu.memory_space<vmem>>) target(%dma_start3A_80 : memref<10000x128xf32, #tpu.memory_space<vmem_shared>>) offsets(%arg9 : memref<80xi32, #tpu.memory_space<vmem>>) semaphore(%run_scoped3A : memref<!tpu.dma_semaphore, #tpu.memory_space<semaphore_mem>>) {add = true}
        %dma_wait3A_81 = arith.constant 0 : i32
        %dma_wait3A_82 = arith.constant 0 : i32
        %dma_wait3A_83 = tpu.memref_slice %arg12[%dma_wait3A_81, %dma_wait3A_82] : memref<10000x128xf32, #tpu.memory_space<vmem_shared>> -> memref<10000x128xf32, #tpu.memory_space<vmem_shared>>
        tpu.wait_indirect_dma semaphore(%run_scoped3A : memref<!tpu.dma_semaphore, #tpu.memory_space<semaphore_mem>>) src(%arg11 : memref<80x128xf32, #tpu.memory_space<vmem>>) dst(%dma_wait3A_83 : memref<10000x128xf32, #tpu.memory_space<vmem_shared>>)
        tpu.yield
      }) : () -> ()
    }
    %scan3A_30 = arith.constant 62 : i32
    %dma_wait3A = arith.constant 0 : i32
    %dma_wait3A_31 = arith.constant 0 : i32
    %dma_wait3A_32 = tpu.memref_slice %arg2[%dma_wait3A, %dma_wait3A_31] : memref<10000x128xf32, #tpu.memory_space<hbm>> -> memref<10000x128xf32, #tpu.memory_space<hbm>>
    tpu.wait_indirect_dma semaphore(%arg13 : memref<!tpu.dma_semaphore, #tpu.memory_space<semaphore_mem>>) src(%dma_wait3A_32 : memref<10000x128xf32, #tpu.memory_space<hbm>>) dst(%arg10 : memref<80x128xf32, #tpu.memory_space<vmem>>)
    "tpu.region"() ({
      %run_scoped3A = tpu.sem_alloc : memref<!tpu.dma_semaphore, #tpu.memory_space<semaphore_mem>>
      %dma_start3A_43 = arith.constant 0 : i32
      %dma_start3A_44 = arith.constant 0 : i32
      %dma_start3A_45 = tpu.memref_slice %arg12[%dma_start3A_43, %dma_start3A_44] : memref<10000x128xf32, #tpu.memory_space<vmem_shared>> -> memref<10000x128xf32, #tpu.memory_space<vmem_shared>>
      tpu.enqueue_indirect_dma source(%arg10 : memref<80x128xf32, #tpu.memory_space<vmem>>) target(%dma_start3A_45 : memref<10000x128xf32, #tpu.memory_space<vmem_shared>>) offsets(%arg7 : memref<80xi32, #tpu.memory_space<vmem>>) semaphore(%run_scoped3A : memref<!tpu.dma_semaphore, #tpu.memory_space<semaphore_mem>>) {add = true}
      %dma_wait3A_46 = arith.constant 0 : i32
      %dma_wait3A_47 = arith.constant 0 : i32
      %dma_wait3A_48 = tpu.memref_slice %arg12[%dma_wait3A_46, %dma_wait3A_47] : memref<10000x128xf32, #tpu.memory_space<vmem_shared>> -> memref<10000x128xf32, #tpu.memory_space<vmem_shared>>
      tpu.wait_indirect_dma semaphore(%run_scoped3A : memref<!tpu.dma_semaphore, #tpu.memory_space<semaphore_mem>>) src(%arg10 : memref<80x128xf32, #tpu.memory_space<vmem>>) dst(%dma_wait3A_48 : memref<10000x128xf32, #tpu.memory_space<vmem_shared>>)
      tpu.yield
    }) : () -> ()
    %barrier3A_33 = arith.constant 0 : index
    tpu.barrier barrier_id(%barrier3A_33)
    %mul3A_34 = arith.constant 624 : i32
    %mul3A_35 = arith.muli %arg1, %mul3A_34 : i32
    %mul3A_36 = arith.constant 624 : i32
    %mul3A_37 = arith.muli %arg1, %mul3A_36 : i32
    "tpu.region"() ({
      %run_scoped3A = tpu.sem_alloc : memref<!tpu.dma_semaphore, #tpu.memory_space<semaphore_mem>>
      %dma_start3A_43 = arith.constant 0 : i32
      %dma_start3A_44 = tpu.memref_slice %arg5[%arg0, %mul3A_37, %dma_start3A_43] : memref<2x10000x128xf32, #tpu.memory_space<hbm>> -> memref<1x624x128xf32, #tpu.memory_space<hbm>>
      %dma_start3A_45 = tpu.memref_squeeze %dma_start3A_44 : memref<1x624x128xf32, #tpu.memory_space<hbm>> -> memref<624x128xf32, #tpu.memory_space<hbm>>
      %dma_start3A_46 = arith.constant 0 : i32
      %dma_start3A_47 = tpu.memref_slice %arg12[%mul3A_35, %dma_start3A_46] : memref<10000x128xf32, #tpu.memory_space<vmem_shared>> -> memref<624x128xf32, #tpu.memory_space<vmem_shared>>
      tpu.enqueue_dma source(%dma_start3A_47 : memref<624x128xf32, #tpu.memory_space<vmem_shared>>) target(%dma_start3A_45 : memref<624x128xf32, #tpu.memory_space<hbm>>) target_semaphore(%run_scoped3A : memref<!tpu.dma_semaphore, #tpu.memory_space<semaphore_mem>>)
      %dma_wait3A_48 = arith.constant 0 : i32
      %dma_wait3A_49 = tpu.memref_slice %arg5[%arg0, %mul3A_37, %dma_wait3A_48] : memref<2x10000x128xf32, #tpu.memory_space<hbm>> -> memref<1x624x128xf32, #tpu.memory_space<hbm>>
      %dma_wait3A_50 = tpu.memref_squeeze %dma_wait3A_49 : memref<1x624x128xf32, #tpu.memory_space<hbm>> -> memref<624x128xf32, #tpu.memory_space<hbm>>
      %dma_wait3A_51 = arith.constant 0 : i32
      %dma_wait3A_52 = tpu.memref_slice %arg12[%mul3A_35, %dma_wait3A_51] : memref<10000x128xf32, #tpu.memory_space<vmem_shared>> -> memref<624x128xf32, #tpu.memory_space<vmem_shared>>
      tpu.wait_dma2 semaphore(%run_scoped3A : memref<!tpu.dma_semaphore, #tpu.memory_space<semaphore_mem>>) src(%dma_wait3A_52 : memref<624x128xf32, #tpu.memory_space<vmem_shared>>) dst(%dma_wait3A_50 : memref<624x128xf32, #tpu.memory_space<hbm>>)
      tpu.yield
    }) : () -> ()
    %eq3A_38 = arith.constant 15 : i32
    %eq3A_39 = arith.cmpi eq, %arg1, %eq3A_38 : i32
    %convert_element_type3A_40 = arith.extui %eq3A_39 : i1 to i32
    %cond3A_41 = arith.constant 0 : i32
    %cond3A_42 = arith.cmpi ne, %convert_element_type3A_40, %cond3A_41 : i32
    scf.if %cond3A_42 {
      "tpu.region"() ({
        %run_scoped3A = tpu.sem_alloc : memref<!tpu.dma_semaphore, #tpu.memory_space<semaphore_mem>>
        %dma_start3A_43 = arith.constant 9984 : i32
        %dma_start3A_44 = arith.constant 0 : i32
        %dma_start3A_45 = tpu.memref_slice %arg5[%arg0, %dma_start3A_43, %dma_start3A_44] : memref<2x10000x128xf32, #tpu.memory_space<hbm>> -> memref<1x16x128xf32, #tpu.memory_space<hbm>>
        %dma_start3A_46 = tpu.memref_squeeze %dma_start3A_45 : memref<1x16x128xf32, #tpu.memory_space<hbm>> -> memref<16x128xf32, #tpu.memory_space<hbm>>
        %dma_start3A_47 = arith.constant 9984 : i32
        %dma_start3A_48 = arith.constant 0 : i32
        %dma_start3A_49 = tpu.memref_slice %arg12[%dma_start3A_47, %dma_start3A_48] : memref<10000x128xf32, #tpu.memory_space<vmem_shared>> -> memref<16x128xf32, #tpu.memory_space<vmem_shared>>
        tpu.enqueue_dma source(%dma_start3A_49 : memref<16x128xf32, #tpu.memory_space<vmem_shared>>) target(%dma_start3A_46 : memref<16x128xf32, #tpu.memory_space<hbm>>) target_semaphore(%run_scoped3A : memref<!tpu.dma_semaphore, #tpu.memory_space<semaphore_mem>>)
        %dma_wait3A_50 = arith.constant 9984 : i32
        %dma_wait3A_51 = arith.constant 0 : i32
        %dma_wait3A_52 = tpu.memref_slice %arg5[%arg0, %dma_wait3A_50, %dma_wait3A_51] : memref<2x10000x128xf32, #tpu.memory_space<hbm>> -> memref<1x16x128xf32, #tpu.memory_space<hbm>>
        %dma_wait3A_53 = tpu.memref_squeeze %dma_wait3A_52 : memref<1x16x128xf32, #tpu.memory_space<hbm>> -> memref<16x128xf32, #tpu.memory_space<hbm>>
        %dma_wait3A_54 = arith.constant 9984 : i32
        %dma_wait3A_55 = arith.constant 0 : i32
        %dma_wait3A_56 = tpu.memref_slice %arg12[%dma_wait3A_54, %dma_wait3A_55] : memref<10000x128xf32, #tpu.memory_space<vmem_shared>> -> memref<16x128xf32, #tpu.memory_space<vmem_shared>>
        tpu.wait_dma2 semaphore(%run_scoped3A : memref<!tpu.dma_semaphore, #tpu.memory_space<semaphore_mem>>) src(%dma_wait3A_56 : memref<16x128xf32, #tpu.memory_space<vmem_shared>>) dst(%dma_wait3A_53 : memref<16x128xf32, #tpu.memory_space<hbm>>)
        tpu.yield
      }) : () -> ()
    } else {
    }
    return
  }
}

#map = affine_map<(d0, d1) -> (0, 0)>
#map1 = affine_map<(d0, d1) -> (0)>
#map2 = affine_map<(d0, d1) -> (0, 0, 0)>
module attributes {stable_mosaic.version = 14 : i64} {
  func.func @k(%arg0: i32, %arg1: i32, %arg2: memref<10000x128xf32, #tpu.memory_space<hbm>>, %arg3: memref<320000xi32, #tpu.memory_space<hbm>>, %arg4: memref<320000xi32, #tpu.memory_space<hbm>>, %arg5: memref<2x10000x128xf32, #tpu.memory_space<hbm>>, %arg6: memref<80xi32, #tpu.memory_space<vmem>>, %arg7: memref<80xi32, #tpu.memory_space<vmem>>, %arg8: memref<80xi32, #tpu.memory_space<vmem>>, %arg9: memref<80xi32, #tpu.memory_space<vmem>>, %arg10: memref<80x128xf32, #tpu.memory_space<vmem>>, %arg11: memref<80x128xf32, #tpu.memory_space<vmem>>, %arg12: memref<10000x128xf32, #tpu.memory_space<vmem_shared>>, %arg13: memref<!tpu.dma_semaphore, #tpu.memory_space<semaphore_mem>>, %arg14: memref<!tpu.dma_semaphore, #tpu.memory_space<semaphore_mem>>) attributes {dimension_semantics = [#tpu.dimension_semantics<core_parallel>, #tpu.dimension_semantics<subcore_parallel>], iteration_bounds = array<i64: 2, 16>, scalar_prefetch = 0 : i64, scratch_operands = 9 : i64, tpu.core_type = #tpu.core_type<sc_vector_subcore>, window_params = [{transform_indices = #map}, {transform_indices = #map1}, {transform_indices = #map1}, {transform_indices = #map2}]} {
    %scan3A = arith.constant 0 : i32
    %scan3A_0 = arith.constant 80 : i32
    %scan3A_1 = arith.addi %scan3A, %scan3A_0 : i32
    %scan3A_2 = arith.constant 1 : i32
    scf.for %scan3A_43 = %scan3A to %scan3A_1 step %scan3A_2  : i32 {
      %mul3A_44 = arith.constant 1 : i32
      %mul3A_45 = arith.muli %scan3A_43, %mul3A_44 : i32
      %add3A_46 = arith.constant 0 : i32
      %add3A_47 = arith.addi %add3A_46, %mul3A_45 : i32
      %scan3A_48 = arith.constant 0 : i32
      %scan3A_49 = arith.constant 8 : i32
      %scan3A_50 = arith.addi %scan3A_48, %scan3A_49 : i32
      %scan3A_51 = arith.constant 1 : i32
      scf.for %scan3A_53 = %scan3A_48 to %scan3A_50 step %scan3A_51  : i32 {
        %mul3A_54 = arith.constant 16 : i32
        %mul3A_55 = arith.muli %scan3A_53, %mul3A_54 : i32
        %add3A_56 = arith.constant 0 : i32
        %add3A_57 = arith.addi %add3A_56, %mul3A_55 : i32
        %broadcast_in_dim3A = arith.constant 0.000000e+00 : f32
        %broadcast_in_dim3A_58 = vector.broadcast %broadcast_in_dim3A : f32 to vector<16xf32>
        %swap3A = arith.index_cast %add3A_47 : i32 to index
        %swap3A_59 = arith.index_cast %add3A_57 : i32 to index
        %swap3A_60 = tpu.vector_load %arg10[%swap3A, %swap3A_59] {strides = array<i32>} : memref<80x128xf32, #tpu.memory_space<vmem>>, vector<1x16xf32>,
        %swap3A_61 = vector.shape_cast %swap3A_60 : vector<1x16xf32> to vector<16xf32>
        %swap3A_62 = vector.shape_cast %broadcast_in_dim3A_58 : vector<16xf32> to vector<1x16xf32>
        tpu.vector_store %arg10[%swap3A, %swap3A_59], %swap3A_62 {strides = array<i32>} : memref<80x128xf32, #tpu.memory_space<vmem>>, vector<1x16xf32>,
      }
      %scan3A_52 = arith.constant 8 : i32
    }
    %scan3A_3 = arith.constant 80 : i32
    %scan3A_4 = arith.constant 0 : i32
    %scan3A_5 = arith.constant 7 : i32
    %scan3A_6 = arith.addi %scan3A_4, %scan3A_5 : i32
    %scan3A_7 = arith.constant 1 : i32
    scf.for %scan3A_43 = %scan3A_4 to %scan3A_6 step %scan3A_7  : i32 {
      %mul3A_44 = arith.constant 1 : i32
      %mul3A_45 = arith.muli %scan3A_43, %mul3A_44 : i32
      %add3A_46 = arith.constant 0 : i32
      %add3A_47 = arith.addi %add3A_46, %mul3A_45 : i32
      %mul3A_48 = arith.constant 624 : i32
      %mul3A_49 = arith.muli %arg1, %mul3A_48 : i32
      %mul3A_50 = arith.constant 80 : i32
      %mul3A_51 = arith.muli %add3A_47, %mul3A_50 : i32
      %add3A_52 = arith.addi %mul3A_49, %mul3A_51 : i32
      "tpu.region"() ({
        %run_scoped3A = tpu.sem_alloc : memref<!tpu.dma_semaphore, #tpu.memory_space<semaphore_mem>>
        %dma_start3A_53 = arith.constant 0 : i32
        %dma_start3A_54 = tpu.memref_slice %arg12[%add3A_52, %dma_start3A_53] : memref<10000x128xf32, #tpu.memory_space<vmem_shared>> -> memref<80x128xf32, #tpu.memory_space<vmem_shared>>
        %dma_start3A_55 = arith.constant 0 : i32
        %dma_start3A_56 = tpu.memref_slice %arg12[%add3A_52, %dma_start3A_55] : memref<10000x128xf32, #tpu.memory_space<vmem_shared>> -> memref<80x128xf32, #tpu.memory_space<vmem_shared>>
        tpu.enqueue_dma source(%arg10 : memref<80x128xf32, #tpu.memory_space<vmem>>) target(%dma_start3A_56 : memref<80x128xf32, #tpu.memory_space<vmem_shared>>) target_semaphore(%run_scoped3A : memref<!tpu.dma_semaphore, #tpu.memory_space<semaphore_mem>>)
        %dma_wait3A_57 = arith.constant 0 : i32
        %dma_wait3A_58 = tpu.memref_slice %arg12[%add3A_52, %dma_wait3A_57] : memref<10000x128xf32, #tpu.memory_space<vmem_shared>> -> memref<80x128xf32, #tpu.memory_space<vmem_shared>>
        %dma_wait3A_59 = arith.constant 0 : i32
        %dma_wait3A_60 = tpu.memref_slice %arg12[%add3A_52, %dma_wait3A_59] : memref<10000x128xf32, #tpu.memory_space<vmem_shared>> -> memref<80x128xf32, #tpu.memory_space<vmem_shared>>
        tpu.wait_dma2 semaphore(%run_scoped3A : memref<!tpu.dma_semaphore, #tpu.memory_space<semaphore_mem>>) src(%arg10 : memref<80x128xf32, #tpu.memory_space<vmem>>) dst(%dma_wait3A_60 : memref<80x128xf32, #tpu.memory_space<vmem_shared>>)
        tpu.yield
      }) : () -> ()
    }
    %scan3A_8 = arith.constant 7 : i32
    %mul3A = arith.constant 624 : i32
    %mul3A_9 = arith.muli %arg1, %mul3A : i32
    %add3A = arith.constant 560 : i32
    %add3A_10 = arith.addi %mul3A_9, %add3A : i32
    "tpu.region"() ({
      %run_scoped3A = tpu.sem_alloc : memref<!tpu.dma_semaphore, #tpu.memory_space<semaphore_mem>>
      %dma_start3A_43 = arith.constant 0 : i32
      %dma_start3A_44 = arith.constant 0 : i32
      %dma_start3A_45 = tpu.memref_slice %arg10[%dma_start3A_43, %dma_start3A_44] : memref<80x128xf32, #tpu.memory_space<vmem>> -> memref<64x128xf32, #tpu.memory_space<vmem>>
      %dma_start3A_46 = arith.constant 0 : i32
      %dma_start3A_47 = tpu.memref_slice %arg12[%add3A_10, %dma_start3A_46] : memref<10000x128xf32, #tpu.memory_space<vmem_shared>> -> memref<64x128xf32, #tpu.memory_space<vmem_shared>>
      %dma_start3A_48 = arith.constant 0 : i32
      %dma_start3A_49 = tpu.memref_slice %arg12[%add3A_10, %dma_start3A_48] : memref<10000x128xf32, #tpu.memory_space<vmem_shared>> -> memref<64x128xf32, #tpu.memory_space<vmem_shared>>
      %dma_start3A_50 = arith.constant 0 : i32
      %dma_start3A_51 = arith.constant 0 : i32
      %dma_start3A_52 = tpu.memref_slice %arg10[%dma_start3A_50, %dma_start3A_51] : memref<80x128xf32, #tpu.memory_space<vmem>> -> memref<64x128xf32, #tpu.memory_space<vmem>>
      tpu.enqueue_dma source(%dma_start3A_52 : memref<64x128xf32, #tpu.memory_space<vmem>>) target(%dma_start3A_49 : memref<64x128xf32, #tpu.memory_space<vmem_shared>>) target_semaphore(%run_scoped3A : memref<!tpu.dma_semaphore, #tpu.memory_space<semaphore_mem>>)
      %dma_wait3A_53 = arith.constant 0 : i32
      %dma_wait3A_54 = arith.constant 0 : i32
      %dma_wait3A_55 = tpu.memref_slice %arg10[%dma_wait3A_53, %dma_wait3A_54] : memref<80x128xf32, #tpu.memory_space<vmem>> -> memref<64x128xf32, #tpu.memory_space<vmem>>
      %dma_wait3A_56 = arith.constant 0 : i32
      %dma_wait3A_57 = tpu.memref_slice %arg12[%add3A_10, %dma_wait3A_56] : memref<10000x128xf32, #tpu.memory_space<vmem_shared>> -> memref<64x128xf32, #tpu.memory_space<vmem_shared>>
      %dma_wait3A_58 = arith.constant 0 : i32
      %dma_wait3A_59 = tpu.memref_slice %arg12[%add3A_10, %dma_wait3A_58] : memref<10000x128xf32, #tpu.memory_space<vmem_shared>> -> memref<64x128xf32, #tpu.memory_space<vmem_shared>>
      %dma_wait3A_60 = arith.constant 0 : i32
      %dma_wait3A_61 = arith.constant 0 : i32
      %dma_wait3A_62 = tpu.memref_slice %arg10[%dma_wait3A_60, %dma_wait3A_61] : memref<80x128xf32, #tpu.memory_space<vmem>> -> memref<64x128xf32, #tpu.memory_space<vmem>>
      tpu.wait_dma2 semaphore(%run_scoped3A : memref<!tpu.dma_semaphore, #tpu.memory_space<semaphore_mem>>) src(%dma_wait3A_62 : memref<64x128xf32, #tpu.memory_space<vmem>>) dst(%dma_wait3A_59 : memref<64x128xf32, #tpu.memory_space<vmem_shared>>)
      tpu.yield
    }) : () -> ()
    %eq3A = arith.constant 15 : i32
    %eq3A_11 = arith.cmpi eq, %arg1, %eq3A : i32
    %convert_element_type3A = arith.extui %eq3A_11 : i1 to i32
    %cond3A = arith.constant 0 : i32
    %cond3A_12 = arith.cmpi ne, %convert_element_type3A, %cond3A : i32
    scf.if %cond3A_12 {
      "tpu.region"() ({
        %run_scoped3A = tpu.sem_alloc : memref<!tpu.dma_semaphore, #tpu.memory_space<semaphore_mem>>
        %dma_start3A_43 = arith.constant 0 : i32
        %dma_start3A_44 = arith.constant 0 : i32
        %dma_start3A_45 = tpu.memref_slice %arg10[%dma_start3A_43, %dma_start3A_44] : memref<80x128xf32, #tpu.memory_space<vmem>> -> memref<16x128xf32, #tpu.memory_space<vmem>>
        %dma_start3A_46 = arith.constant 9984 : i32
        %dma_start3A_47 = arith.constant 0 : i32
        %dma_start3A_48 = tpu.memref_slice %arg12[%dma_start3A_46, %dma_start3A_47] : memref<10000x128xf32, #tpu.memory_space<vmem_shared>> -> memref<16x128xf32, #tpu.memory_space<vmem_shared>>
        %dma_start3A_49 = arith.constant 9984 : i32
        %dma_start3A_50 = arith.constant 0 : i32
        %dma_start3A_51 = tpu.memref_slice %arg12[%dma_start3A_49, %dma_start3A_50] : memref<10000x128xf32, #tpu.memory_space<vmem_shared>> -> memref<16x128xf32, #tpu.memory_space<vmem_shared>>
        %dma_start3A_52 = arith.constant 0 : i32
        %dma_start3A_53 = arith.constant 0 : i32
        %dma_start3A_54 = tpu.memref_slice %arg10[%dma_start3A_52, %dma_start3A_53] : memref<80x128xf32, #tpu.memory_space<vmem>> -> memref<16x128xf32, #tpu.memory_space<vmem>>
        tpu.enqueue_dma source(%dma_start3A_54 : memref<16x128xf32, #tpu.memory_space<vmem>>) target(%dma_start3A_51 : memref<16x128xf32, #tpu.memory_space<vmem_shared>>) target_semaphore(%run_scoped3A : memref<!tpu.dma_semaphore, #tpu.memory_space<semaphore_mem>>)
        %dma_wait3A_55 = arith.constant 0 : i32
        %dma_wait3A_56 = arith.constant 0 : i32
        %dma_wait3A_57 = tpu.memref_slice %arg10[%dma_wait3A_55, %dma_wait3A_56] : memref<80x128xf32, #tpu.memory_space<vmem>> -> memref<16x128xf32, #tpu.memory_space<vmem>>
        %dma_wait3A_58 = arith.constant 9984 : i32
        %dma_wait3A_59 = arith.constant 0 : i32
        %dma_wait3A_60 = tpu.memref_slice %arg12[%dma_wait3A_58, %dma_wait3A_59] : memref<10000x128xf32, #tpu.memory_space<vmem_shared>> -> memref<16x128xf32, #tpu.memory_space<vmem_shared>>
        %dma_wait3A_61 = arith.constant 9984 : i32
        %dma_wait3A_62 = arith.constant 0 : i32
        %dma_wait3A_63 = tpu.memref_slice %arg12[%dma_wait3A_61, %dma_wait3A_62] : memref<10000x128xf32, #tpu.memory_space<vmem_shared>> -> memref<16x128xf32, #tpu.memory_space<vmem_shared>>
        %dma_wait3A_64 = arith.constant 0 : i32
        %dma_wait3A_65 = arith.constant 0 : i32
        %dma_wait3A_66 = tpu.memref_slice %arg10[%dma_wait3A_64, %dma_wait3A_65] : memref<80x128xf32, #tpu.memory_space<vmem>> -> memref<16x128xf32, #tpu.memory_space<vmem>>
        tpu.wait_dma2 semaphore(%run_scoped3A : memref<!tpu.dma_semaphore, #tpu.memory_space<semaphore_mem>>) src(%dma_wait3A_66 : memref<16x128xf32, #tpu.memory_space<vmem>>) dst(%dma_wait3A_63 : memref<16x128xf32, #tpu.memory_space<vmem_shared>>)
        tpu.yield
      }) : () -> ()
    } else {
    }
    %barrier3A = arith.constant 0 : index
    tpu.barrier barrier_id(%barrier3A)
    %mul3A_13 = arith.constant 16 : i32
    %mul3A_14 = arith.muli %arg0, %mul3A_13 : i32
    %add3A_15 = arith.addi %mul3A_14, %arg1 : i32
    %mul3A_16 = arith.constant 125 : i32
    %mul3A_17 = arith.muli %add3A_15, %mul3A_16 : i32
    %mul3A_18 = arith.constant 80 : i32
    %mul3A_19 = arith.muli %mul3A_17, %mul3A_18 : i32
    %add3A_20 = arith.constant 0 : i32
    %add3A_21 = arith.addi %mul3A_19, %add3A_20 : i32
    "tpu.region"() ({
      %run_scoped3A = tpu.sem_alloc : memref<!tpu.dma_semaphore, #tpu.memory_space<semaphore_mem>>
      %dma_start3A_43 = tpu.memref_slice %arg3[%add3A_21] : memref<320000xi32, #tpu.memory_space<hbm>> -> memref<80xi32, #tpu.memory_space<hbm>>
      %dma_start3A_44 = tpu.memref_slice %arg3[%add3A_21] : memref<320000xi32, #tpu.memory_space<hbm>> -> memref<80xi32, #tpu.memory_space<hbm>>
      tpu.enqueue_dma source(%dma_start3A_44 : memref<80xi32, #tpu.memory_space<hbm>>) target(%arg6 : memref<80xi32, #tpu.memory_space<vmem>>) target_semaphore(%run_scoped3A : memref<!tpu.dma_semaphore, #tpu.memory_space<semaphore_mem>>)
      %dma_wait3A_45 = tpu.memref_slice %arg3[%add3A_21] : memref<320000xi32, #tpu.memory_space<hbm>> -> memref<80xi32, #tpu.memory_space<hbm>>
      %dma_wait3A_46 = tpu.memref_slice %arg3[%add3A_21] : memref<320000xi32, #tpu.memory_space<hbm>> -> memref<80xi32, #tpu.memory_space<hbm>>
      tpu.wait_dma2 semaphore(%run_scoped3A : memref<!tpu.dma_semaphore, #tpu.memory_space<semaphore_mem>>) src(%dma_wait3A_46 : memref<80xi32, #tpu.memory_space<hbm>>) dst(%arg6 : memref<80xi32, #tpu.memory_space<vmem>>)
      tpu.yield
    }) : () -> ()
    %add3A_22 = arith.constant 0 : i32
    %add3A_23 = arith.addi %mul3A_19, %add3A_22 : i32
    "tpu.region"() ({
      %run_scoped3A = tpu.sem_alloc : memref<!tpu.dma_semaphore, #tpu.memory_space<semaphore_mem>>
      %dma_start3A_43 = tpu.memref_slice %arg4[%add3A_23] : memref<320000xi32, #tpu.memory_space<hbm>> -> memref<80xi32, #tpu.memory_space<hbm>>
      %dma_start3A_44 = tpu.memref_slice %arg4[%add3A_23] : memref<320000xi32, #tpu.memory_space<hbm>> -> memref<80xi32, #tpu.memory_space<hbm>>
      tpu.enqueue_dma source(%dma_start3A_44 : memref<80xi32, #tpu.memory_space<hbm>>) target(%arg7 : memref<80xi32, #tpu.memory_space<vmem>>) target_semaphore(%run_scoped3A : memref<!tpu.dma_semaphore, #tpu.memory_space<semaphore_mem>>)
      %dma_wait3A_45 = tpu.memref_slice %arg4[%add3A_23] : memref<320000xi32, #tpu.memory_space<hbm>> -> memref<80xi32, #tpu.memory_space<hbm>>
      %dma_wait3A_46 = tpu.memref_slice %arg4[%add3A_23] : memref<320000xi32, #tpu.memory_space<hbm>> -> memref<80xi32, #tpu.memory_space<hbm>>
      tpu.wait_dma2 semaphore(%run_scoped3A : memref<!tpu.dma_semaphore, #tpu.memory_space<semaphore_mem>>) src(%dma_wait3A_46 : memref<80xi32, #tpu.memory_space<hbm>>) dst(%arg7 : memref<80xi32, #tpu.memory_space<vmem>>)
      tpu.yield
    }) : () -> ()
    %dma_start3A = arith.constant 0 : i32
    %dma_start3A_24 = arith.constant 0 : i32
    %dma_start3A_25 = tpu.memref_slice %arg2[%dma_start3A, %dma_start3A_24] : memref<10000x128xf32, #tpu.memory_space<hbm>> -> memref<10000x128xf32, #tpu.memory_space<hbm>>
    tpu.enqueue_indirect_dma source(%dma_start3A_25 : memref<10000x128xf32, #tpu.memory_space<hbm>>) target(%arg10 : memref<80x128xf32, #tpu.memory_space<vmem>>) offsets(%arg6 : memref<80xi32, #tpu.memory_space<vmem>>) semaphore(%arg13 : memref<!tpu.dma_semaphore, #tpu.memory_space<semaphore_mem>>)
    %scan3A_26 = arith.constant 0 : i32
    %scan3A_27 = arith.constant 62 : i32
    %scan3A_28 = arith.addi %scan3A_26, %scan3A_27 : i32
    %scan3A_29 = arith.constant 1 : i32
    scf.for %scan3A_43 = %scan3A_26 to %scan3A_28 step %scan3A_29  : i32 {
      %mul3A_44 = arith.constant 1 : i32
      %mul3A_45 = arith.muli %scan3A_43, %mul3A_44 : i32
      %add3A_46 = arith.constant 0 : i32
      %add3A_47 = arith.addi %add3A_46, %mul3A_45 : i32
      %mul3A_48 = arith.constant 2 : i32
      %mul3A_49 = arith.muli %mul3A_48, %add3A_47 : i32
      %add3A_50 = arith.constant 1 : i32
      %add3A_51 = arith.addi %mul3A_49, %add3A_50 : i32
      %mul3A_52 = arith.constant 80 : i32
      %mul3A_53 = arith.muli %add3A_51, %mul3A_52 : i32
      %add3A_54 = arith.addi %mul3A_19, %mul3A_53 : i32
      "tpu.region"() ({
        %run_scoped3A = tpu.sem_alloc : memref<!tpu.dma_semaphore, #tpu.memory_space<semaphore_mem>>
        %dma_start3A_78 = tpu.memref_slice %arg3[%add3A_54] : memref<320000xi32, #tpu.memory_space<hbm>> -> memref<80xi32, #tpu.memory_space<hbm>>
        %dma_start3A_79 = tpu.memref_slice %arg3[%add3A_54] : memref<320000xi32, #tpu.memory_space<hbm>> -> memref<80xi32, #tpu.memory_space<hbm>>
        tpu.enqueue_dma source(%dma_start3A_79 : memref<80xi32, #tpu.memory_space<hbm>>) target(%arg8 : memref<80xi32, #tpu.memory_space<vmem>>) target_semaphore(%run_scoped3A : memref<!tpu.dma_semaphore, #tpu.memory_space<semaphore_mem>>)
        %dma_wait3A_80 = tpu.memref_slice %arg3[%add3A_54] : memref<320000xi32, #tpu.memory_space<hbm>> -> memref<80xi32, #tpu.memory_space<hbm>>
        %dma_wait3A_81 = tpu.memref_slice %arg3[%add3A_54] : memref<320000xi32, #tpu.memory_space<hbm>> -> memref<80xi32, #tpu.memory_space<hbm>>
        tpu.wait_dma2 semaphore(%run_scoped3A : memref<!tpu.dma_semaphore, #tpu.memory_space<semaphore_mem>>) src(%dma_wait3A_81 : memref<80xi32, #tpu.memory_space<hbm>>) dst(%arg8 : memref<80xi32, #tpu.memory_space<vmem>>)
        tpu.yield
      }) : () -> ()
      %mul3A_55 = arith.constant 80 : i32
      %mul3A_56 = arith.muli %add3A_51, %mul3A_55 : i32
      %add3A_57 = arith.addi %mul3A_19, %mul3A_56 : i32
      "tpu.region"() ({
        %run_scoped3A = tpu.sem_alloc : memref<!tpu.dma_semaphore, #tpu.memory_space<semaphore_mem>>
        %dma_start3A_78 = tpu.memref_slice %arg4[%add3A_57] : memref<320000xi32, #tpu.memory_space<hbm>> -> memref<80xi32, #tpu.memory_space<hbm>>
        %dma_start3A_79 = tpu.memref_slice %arg4[%add3A_57] : memref<320000xi32, #tpu.memory_space<hbm>> -> memref<80xi32, #tpu.memory_space<hbm>>
        tpu.enqueue_dma source(%dma_start3A_79 : memref<80xi32, #tpu.memory_space<hbm>>) target(%arg9 : memref<80xi32, #tpu.memory_space<vmem>>) target_semaphore(%run_scoped3A : memref<!tpu.dma_semaphore, #tpu.memory_space<semaphore_mem>>)
        %dma_wait3A_80 = tpu.memref_slice %arg4[%add3A_57] : memref<320000xi32, #tpu.memory_space<hbm>> -> memref<80xi32, #tpu.memory_space<hbm>>
        %dma_wait3A_81 = tpu.memref_slice %arg4[%add3A_57] : memref<320000xi32, #tpu.memory_space<hbm>> -> memref<80xi32, #tpu.memory_space<hbm>>
        tpu.wait_dma2 semaphore(%run_scoped3A : memref<!tpu.dma_semaphore, #tpu.memory_space<semaphore_mem>>) src(%dma_wait3A_81 : memref<80xi32, #tpu.memory_space<hbm>>) dst(%arg9 : memref<80xi32, #tpu.memory_space<vmem>>)
        tpu.yield
      }) : () -> ()
      %dma_start3A_58 = arith.constant 0 : i32
      %dma_start3A_59 = arith.constant 0 : i32
      %dma_start3A_60 = tpu.memref_slice %arg2[%dma_start3A_58, %dma_start3A_59] : memref<10000x128xf32, #tpu.memory_space<hbm>> -> memref<10000x128xf32, #tpu.memory_space<hbm>>
      tpu.enqueue_indirect_dma source(%dma_start3A_60 : memref<10000x128xf32, #tpu.memory_space<hbm>>) target(%arg11 : memref<80x128xf32, #tpu.memory_space<vmem>>) offsets(%arg8 : memref<80xi32, #tpu.memory_space<vmem>>) semaphore(%arg14 : memref<!tpu.dma_semaphore, #tpu.memory_space<semaphore_mem>>)
      %dma_wait3A_61 = arith.constant 0 : i32
      %dma_wait3A_62 = arith.constant 0 : i32
      %dma_wait3A_63 = tpu.memref_slice %arg2[%dma_wait3A_61, %dma_wait3A_62] : memref<10000x128xf32, #tpu.memory_space<hbm>> -> memref<10000x128xf32, #tpu.memory_space<hbm>>
      tpu.wait_indirect_dma semaphore(%arg13 : memref<!tpu.dma_semaphore, #tpu.memory_space<semaphore_mem>>) src(%dma_wait3A_63 : memref<10000x128xf32, #tpu.memory_space<hbm>>) dst(%arg10 : memref<80x128xf32, #tpu.memory_space<vmem>>)
      "tpu.region"() ({
        %run_scoped3A = tpu.sem_alloc : memref<!tpu.dma_semaphore, #tpu.memory_space<semaphore_mem>>
        %dma_start3A_78 = arith.constant 0 : i32
        %dma_start3A_79 = arith.constant 0 : i32
        %dma_start3A_80 = tpu.memref_slice %arg12[%dma_start3A_78, %dma_start3A_79] : memref<10000x128xf32, #tpu.memory_space<vmem_shared>> -> memref<10000x128xf32, #tpu.memory_space<vmem_shared>>
        tpu.enqueue_indirect_dma source(%arg10 : memref<80x128xf32, #tpu.memory_space<vmem>>) target(%dma_start3A_80 : memref<10000x128xf32, #tpu.memory_space<vmem_shared>>) offsets(%arg7 : memref<80xi32, #tpu.memory_space<vmem>>) semaphore(%run_scoped3A : memref<!tpu.dma_semaphore, #tpu.memory_space<semaphore_mem>>) {add = true}
        %dma_wait3A_81 = arith.constant 0 : i32
        %dma_wait3A_82 = arith.constant 0 : i32
        %dma_wait3A_83 = tpu.memref_slice %arg12[%dma_wait3A_81, %dma_wait3A_82] : memref<10000x128xf32, #tpu.memory_space<vmem_shared>> -> memref<10000x128xf32, #tpu.memory_space<vmem_shared>>
        tpu.wait_indirect_dma semaphore(%run_scoped3A : memref<!tpu.dma_semaphore, #tpu.memory_space<semaphore_mem>>) src(%arg10 : memref<80x128xf32, #tpu.memory_space<vmem>>) dst(%dma_wait3A_83 : memref<10000x128xf32, #tpu.memory_space<vmem_shared>>)
        tpu.yield
      }) : () -> ()
      %add3A_64 = arith.constant 2 : i32
      %add3A_65 = arith.addi %mul3A_49, %add3A_64 : i32
      %mul3A_66 = arith.constant 80 : i32
      %mul3A_67 = arith.muli %add3A_65, %mul3A_66 : i32
      %add3A_68 = arith.addi %mul3A_19, %mul3A_67 : i32
      "tpu.region"() ({
        %run_scoped3A = tpu.sem_alloc : memref<!tpu.dma_semaphore, #tpu.memory_space<semaphore_mem>>
        %dma_start3A_78 = tpu.memref_slice %arg3[%add3A_68] : memref<320000xi32, #tpu.memory_space<hbm>> -> memref<80xi32, #tpu.memory_space<hbm>>
        %dma_start3A_79 = tpu.memref_slice %arg3[%add3A_68] : memref<320000xi32, #tpu.memory_space<hbm>> -> memref<80xi32, #tpu.memory_space<hbm>>
        tpu.enqueue_dma source(%dma_start3A_79 : memref<80xi32, #tpu.memory_space<hbm>>) target(%arg6 : memref<80xi32, #tpu.memory_space<vmem>>) target_semaphore(%run_scoped3A : memref<!tpu.dma_semaphore, #tpu.memory_space<semaphore_mem>>)
        %dma_wait3A_80 = tpu.memref_slice %arg3[%add3A_68] : memref<320000xi32, #tpu.memory_space<hbm>> -> memref<80xi32, #tpu.memory_space<hbm>>
        %dma_wait3A_81 = tpu.memref_slice %arg3[%add3A_68] : memref<320000xi32, #tpu.memory_space<hbm>> -> memref<80xi32, #tpu.memory_space<hbm>>
        tpu.wait_dma2 semaphore(%run_scoped3A : memref<!tpu.dma_semaphore, #tpu.memory_space<semaphore_mem>>) src(%dma_wait3A_81 : memref<80xi32, #tpu.memory_space<hbm>>) dst(%arg6 : memref<80xi32, #tpu.memory_space<vmem>>)
        tpu.yield
      }) : () -> ()
      %mul3A_69 = arith.constant 80 : i32
      %mul3A_70 = arith.muli %add3A_65, %mul3A_69 : i32
      %add3A_71 = arith.addi %mul3A_19, %mul3A_70 : i32
      "tpu.region"() ({
        %run_scoped3A = tpu.sem_alloc : memref<!tpu.dma_semaphore, #tpu.memory_space<semaphore_mem>>
        %dma_start3A_78 = tpu.memref_slice %arg4[%add3A_71] : memref<320000xi32, #tpu.memory_space<hbm>> -> memref<80xi32, #tpu.memory_space<hbm>>
        %dma_start3A_79 = tpu.memref_slice %arg4[%add3A_71] : memref<320000xi32, #tpu.memory_space<hbm>> -> memref<80xi32, #tpu.memory_space<hbm>>
        tpu.enqueue_dma source(%dma_start3A_79 : memref<80xi32, #tpu.memory_space<hbm>>) target(%arg7 : memref<80xi32, #tpu.memory_space<vmem>>) target_semaphore(%run_scoped3A : memref<!tpu.dma_semaphore, #tpu.memory_space<semaphore_mem>>)
        %dma_wait3A_80 = tpu.memref_slice %arg4[%add3A_71] : memref<320000xi32, #tpu.memory_space<hbm>> -> memref<80xi32, #tpu.memory_space<hbm>>
        %dma_wait3A_81 = tpu.memref_slice %arg4[%add3A_71] : memref<320000xi32, #tpu.memory_space<hbm>> -> memref<80xi32, #tpu.memory_space<hbm>>
        tpu.wait_dma2 semaphore(%run_scoped3A : memref<!tpu.dma_semaphore, #tpu.memory_space<semaphore_mem>>) src(%dma_wait3A_81 : memref<80xi32, #tpu.memory_space<hbm>>) dst(%arg7 : memref<80xi32, #tpu.memory_space<vmem>>)
        tpu.yield
      }) : () -> ()
      %dma_start3A_72 = arith.constant 0 : i32
      %dma_start3A_73 = arith.constant 0 : i32
      %dma_start3A_74 = tpu.memref_slice %arg2[%dma_start3A_72, %dma_start3A_73] : memref<10000x128xf32, #tpu.memory_space<hbm>> -> memref<10000x128xf32, #tpu.memory_space<hbm>>
      tpu.enqueue_indirect_dma source(%dma_start3A_74 : memref<10000x128xf32, #tpu.memory_space<hbm>>) target(%arg10 : memref<80x128xf32, #tpu.memory_space<vmem>>) offsets(%arg6 : memref<80xi32, #tpu.memory_space<vmem>>) semaphore(%arg13 : memref<!tpu.dma_semaphore, #tpu.memory_space<semaphore_mem>>)
      %dma_wait3A_75 = arith.constant 0 : i32
      %dma_wait3A_76 = arith.constant 0 : i32
      %dma_wait3A_77 = tpu.memref_slice %arg2[%dma_wait3A_75, %dma_wait3A_76] : memref<10000x128xf32, #tpu.memory_space<hbm>> -> memref<10000x128xf32, #tpu.memory_space<hbm>>
      tpu.wait_indirect_dma semaphore(%arg14 : memref<!tpu.dma_semaphore, #tpu.memory_space<semaphore_mem>>) src(%dma_wait3A_77 : memref<10000x128xf32, #tpu.memory_space<hbm>>) dst(%arg11 : memref<80x128xf32, #tpu.memory_space<vmem>>)
      "tpu.region"() ({
        %run_scoped3A = tpu.sem_alloc : memref<!tpu.dma_semaphore, #tpu.memory_space<semaphore_mem>>
        %dma_start3A_78 = arith.constant 0 : i32
        %dma_start3A_79 = arith.constant 0 : i32
        %dma_start3A_80 = tpu.memref_slice %arg12[%dma_start3A_78, %dma_start3A_79] : memref<10000x128xf32, #tpu.memory_space<vmem_shared>> -> memref<10000x128xf32, #tpu.memory_space<vmem_shared>>
        tpu.enqueue_indirect_dma source(%arg11 : memref<80x128xf32, #tpu.memory_space<vmem>>) target(%dma_start3A_80 : memref<10000x128xf32, #tpu.memory_space<vmem_shared>>) offsets(%arg9 : memref<80xi32, #tpu.memory_space<vmem>>) semaphore(%run_scoped3A : memref<!tpu.dma_semaphore, #tpu.memory_space<semaphore_mem>>) {add = true}
        %dma_wait3A_81 = arith.constant 0 : i32
        %dma_wait3A_82 = arith.constant 0 : i32
        %dma_wait3A_83 = tpu.memref_slice %arg12[%dma_wait3A_81, %dma_wait3A_82] : memref<10000x128xf32, #tpu.memory_space<vmem_shared>> -> memref<10000x128xf32, #tpu.memory_space<vmem_shared>>
        tpu.wait_indirect_dma semaphore(%run_scoped3A : memref<!tpu.dma_semaphore, #tpu.memory_space<semaphore_mem>>) src(%arg11 : memref<80x128xf32, #tpu.memory_space<vmem>>) dst(%dma_wait3A_83 : memref<10000x128xf32, #tpu.memory_space<vmem_shared>>)
        tpu.yield
      }) : () -> ()
    }
    %scan3A_30 = arith.constant 62 : i32
    %dma_wait3A = arith.constant 0 : i32
    %dma_wait3A_31 = arith.constant 0 : i32
    %dma_wait3A_32 = tpu.memref_slice %arg2[%dma_wait3A, %dma_wait3A_31] : memref<10000x128xf32, #tpu.memory_space<hbm>> -> memref<10000x128xf32, #tpu.memory_space<hbm>>
    tpu.wait_indirect_dma semaphore(%arg13 : memref<!tpu.dma_semaphore, #tpu.memory_space<semaphore_mem>>) src(%dma_wait3A_32 : memref<10000x128xf32, #tpu.memory_space<hbm>>) dst(%arg10 : memref<80x128xf32, #tpu.memory_space<vmem>>)
    "tpu.region"() ({
      %run_scoped3A = tpu.sem_alloc : memref<!tpu.dma_semaphore, #tpu.memory_space<semaphore_mem>>
      %dma_start3A_43 = arith.constant 0 : i32
      %dma_start3A_44 = arith.constant 0 : i32
      %dma_start3A_45 = tpu.memref_slice %arg12[%dma_start3A_43, %dma_start3A_44] : memref<10000x128xf32, #tpu.memory_space<vmem_shared>> -> memref<10000x128xf32, #tpu.memory_space<vmem_shared>>
      tpu.enqueue_indirect_dma source(%arg10 : memref<80x128xf32, #tpu.memory_space<vmem>>) target(%dma_start3A_45 : memref<10000x128xf32, #tpu.memory_space<vmem_shared>>) offsets(%arg7 : memref<80xi32, #tpu.memory_space<vmem>>) semaphore(%run_scoped3A : memref<!tpu.dma_semaphore, #tpu.memory_space<semaphore_mem>>) {add = true}
      %dma_wait3A_46 = arith.constant 0 : i32
      %dma_wait3A_47 = arith.constant 0 : i32
      %dma_wait3A_48 = tpu.memref_slice %arg12[%dma_wait3A_46, %dma_wait3A_47] : memref<10000x128xf32, #tpu.memory_space<vmem_shared>> -> memref<10000x128xf32, #tpu.memory_space<vmem_shared>>
      tpu.wait_indirect_dma semaphore(%run_scoped3A : memref<!tpu.dma_semaphore, #tpu.memory_space<semaphore_mem>>) src(%arg10 : memref<80x128xf32, #tpu.memory_space<vmem>>) dst(%dma_wait3A_48 : memref<10000x128xf32, #tpu.memory_space<vmem_shared>>)
      tpu.yield
    }) : () -> ()
    %barrier3A_33 = arith.constant 0 : index
    tpu.barrier barrier_id(%barrier3A_33)
    %mul3A_34 = arith.constant 624 : i32
    %mul3A_35 = arith.muli %arg1, %mul3A_34 : i32
    %mul3A_36 = arith.constant 624 : i32
    %mul3A_37 = arith.muli %arg1, %mul3A_36 : i32
    "tpu.region"() ({
      %run_scoped3A = tpu.sem_alloc : memref<!tpu.dma_semaphore, #tpu.memory_space<semaphore_mem>>
      %dma_start3A_43 = arith.constant 0 : i32
      %dma_start3A_44 = tpu.memref_slice %arg5[%arg0, %mul3A_37, %dma_start3A_43] : memref<2x10000x128xf32, #tpu.memory_space<hbm>> -> memref<1x624x128xf32, #tpu.memory_space<hbm>>
      %dma_start3A_45 = tpu.memref_squeeze %dma_start3A_44 : memref<1x624x128xf32, #tpu.memory_space<hbm>> -> memref<624x128xf32, #tpu.memory_space<hbm>>
      %dma_start3A_46 = arith.constant 0 : i32
      %dma_start3A_47 = tpu.memref_slice %arg12[%mul3A_35, %dma_start3A_46] : memref<10000x128xf32, #tpu.memory_space<vmem_shared>> -> memref<624x128xf32, #tpu.memory_space<vmem_shared>>
      tpu.enqueue_dma source(%dma_start3A_47 : memref<624x128xf32, #tpu.memory_space<vmem_shared>>) target(%dma_start3A_45 : memref<624x128xf32, #tpu.memory_space<hbm>>) target_semaphore(%run_scoped3A : memref<!tpu.dma_semaphore, #tpu.memory_space<semaphore_mem>>)
      %dma_wait3A_48 = arith.constant 0 : i32
      %dma_wait3A_49 = tpu.memref_slice %arg5[%arg0, %mul3A_37, %dma_wait3A_48] : memref<2x10000x128xf32, #tpu.memory_space<hbm>> -> memref<1x624x128xf32, #tpu.memory_space<hbm>>
      %dma_wait3A_50 = tpu.memref_squeeze %dma_wait3A_49 : memref<1x624x128xf32, #tpu.memory_space<hbm>> -> memref<624x128xf32, #tpu.memory_space<hbm>>
      %dma_wait3A_51 = arith.constant 0 : i32
      %dma_wait3A_52 = tpu.memref_slice %arg12[%mul3A_35, %dma_wait3A_51] : memref<10000x128xf32, #tpu.memory_space<vmem_shared>> -> memref<624x128xf32, #tpu.memory_space<vmem_shared>>
      tpu.wait_dma2 semaphore(%run_scoped3A : memref<!tpu.dma_semaphore, #tpu.memory_space<semaphore_mem>>) src(%dma_wait3A_52 : memref<624x128xf32, #tpu.memory_space<vmem_shared>>) dst(%dma_wait3A_50 : memref<624x128xf32, #tpu.memory_space<hbm>>)
      tpu.yield
    }) : () -> ()
    %eq3A_38 = arith.constant 15 : i32
    %eq3A_39 = arith.cmpi eq, %arg1, %eq3A_38 : i32
    %convert_element_type3A_40 = arith.extui %eq3A_39 : i1 to i32
    %cond3A_41 = arith.constant 0 : i32
    %cond3A_42 = arith.cmpi ne, %convert_element_type3A_40, %cond3A_41 : i32
    scf.if %cond3A_42 {
      "tpu.region"() ({
        %run_scoped3A = tpu.sem_alloc : memref<!tpu.dma_semaphore, #tpu.memory_space<semaphore_mem>>
        %dma_start3A_43 = arith.constant 9984 : i32
        %dma_start3A_44 = arith.constant 0 : i32
        %dma_start3A_45 = tpu.memref_slice %arg5[%arg0, %dma_start3A_43, %dma_start3A_44] : memref<2x10000x128xf32, #tpu.memory_space<hbm>> -> memref<1x16x128xf32, #tpu.memory_space<hbm>>
        %dma_start3A_46 = tpu.memref_squeeze %dma_start3A_45 : memref<1x16x128xf32, #tpu.memory_space<hbm>> -> memref<16x128xf32, #tpu.memory_space<hbm>>
        %dma_start3A_47 = arith.constant 9984 : i32
        %dma_start3A_48 = arith.constant 0 : i32
        %dma_start3A_49 = tpu.memref_slice %arg12[%dma_start3A_47, %dma_start3A_48] : memref<10000x128xf32, #tpu.memory_space<vmem_shared>> -> memref<16x128xf32, #tpu.memory_space<vmem_shared>>
        tpu.enqueue_dma source(%dma_start3A_49 : memref<16x128xf32, #tpu.memory_space<vmem_shared>>) target(%dma_start3A_46 : memref<16x128xf32, #tpu.memory_space<hbm>>) target_semaphore(%run_scoped3A : memref<!tpu.dma_semaphore, #tpu.memory_space<semaphore_mem>>)
        %dma_wait3A_50 = arith.constant 9984 : i32
        %dma_wait3A_51 = arith.constant 0 : i32
        %dma_wait3A_52 = tpu.memref_slice %arg5[%arg0, %dma_wait3A_50, %dma_wait3A_51] : memref<2x10000x128xf32, #tpu.memory_space<hbm>> -> memref<1x16x128xf32, #tpu.memory_space<hbm>>
        %dma_wait3A_53 = tpu.memref_squeeze %dma_wait3A_52 : memref<1x16x128xf32, #tpu.memory_space<hbm>> -> memref<16x128xf32, #tpu.memory_space<hbm>>
        %dma_wait3A_54 = arith.constant 9984 : i32
        %dma_wait3A_55 = arith.constant 0 : i32
        %dma_wait3A_56 = tpu.memref_slice %arg12[%dma_wait3A_54, %dma_wait3A_55] : memref<10000x128xf32, #tpu.memory_space<vmem_shared>> -> memref<16x128xf32, #tpu.memory_space<vmem_shared>>
        tpu.wait_dma2 semaphore(%run_scoped3A : memref<!tpu.dma_semaphore, #tpu.memory_space<semaphore_mem>>) src(%dma_wait3A_56 : memref<16x128xf32, #tpu.memory_space<vmem_shared>>) dst(%dma_wait3A_53 : memref<16x128xf32, #tpu.memory_space<hbm>>)
        tpu.yield
      }) : () -> ()
    } else {
    }
    return
  }
}

#map = affine_map<(d0, d1) -> (0, 0)>
#map1 = affine_map<(d0, d1) -> (0)>
#map2 = affine_map<(d0, d1) -> (0, 0, 0)>
module attributes {stable_mosaic.version = 14 : i64} {
  func.func @k(%arg0: i32, %arg1: i32, %arg2: memref<10000x128xf32, #tpu.memory_space<hbm>>, %arg3: memref<320000xi32, #tpu.memory_space<hbm>>, %arg4: memref<320000xi32, #tpu.memory_space<hbm>>, %arg5: memref<2x10000x128xf32, #tpu.memory_space<hbm>>, %arg6: memref<80xi32, #tpu.memory_space<vmem>>, %arg7: memref<80xi32, #tpu.memory_space<vmem>>, %arg8: memref<80xi32, #tpu.memory_space<vmem>>, %arg9: memref<80xi32, #tpu.memory_space<vmem>>, %arg10: memref<80x128xf32, #tpu.memory_space<vmem>>, %arg11: memref<80x128xf32, #tpu.memory_space<vmem>>, %arg12: memref<10000x128xf32, #tpu.memory_space<vmem_shared>>, %arg13: memref<!tpu.dma_semaphore, #tpu.memory_space<semaphore_mem>>, %arg14: memref<!tpu.dma_semaphore, #tpu.memory_space<semaphore_mem>>) attributes {dimension_semantics = [#tpu.dimension_semantics<core_parallel>, #tpu.dimension_semantics<subcore_parallel>], iteration_bounds = array<i64: 2, 16>, scalar_prefetch = 0 : i64, scratch_operands = 9 : i64, tpu.core_type = #tpu.core_type<sc_vector_subcore>, window_params = [{transform_indices = #map}, {transform_indices = #map1}, {transform_indices = #map1}, {transform_indices = #map2}]} {
    %scan3A = arith.constant 0 : i32
    %scan3A_0 = arith.constant 80 : i32
    %scan3A_1 = arith.addi %scan3A, %scan3A_0 : i32
    %scan3A_2 = arith.constant 1 : i32
    scf.for %scan3A_43 = %scan3A to %scan3A_1 step %scan3A_2  : i32 {
      %mul3A_44 = arith.constant 1 : i32
      %mul3A_45 = arith.muli %scan3A_43, %mul3A_44 : i32
      %add3A_46 = arith.constant 0 : i32
      %add3A_47 = arith.addi %add3A_46, %mul3A_45 : i32
      %scan3A_48 = arith.constant 0 : i32
      %scan3A_49 = arith.constant 8 : i32
      %scan3A_50 = arith.addi %scan3A_48, %scan3A_49 : i32
      %scan3A_51 = arith.constant 1 : i32
      scf.for %scan3A_53 = %scan3A_48 to %scan3A_50 step %scan3A_51  : i32 {
        %mul3A_54 = arith.constant 16 : i32
        %mul3A_55 = arith.muli %scan3A_53, %mul3A_54 : i32
        %add3A_56 = arith.constant 0 : i32
        %add3A_57 = arith.addi %add3A_56, %mul3A_55 : i32
        %broadcast_in_dim3A = arith.constant 0.000000e+00 : f32
        %broadcast_in_dim3A_58 = vector.broadcast %broadcast_in_dim3A : f32 to vector<16xf32>
        %swap3A = arith.index_cast %add3A_47 : i32 to index
        %swap3A_59 = arith.index_cast %add3A_57 : i32 to index
        %swap3A_60 = tpu.vector_load %arg10[%swap3A, %swap3A_59] {strides = array<i32>} : memref<80x128xf32, #tpu.memory_space<vmem>>, vector<1x16xf32>,
        %swap3A_61 = vector.shape_cast %swap3A_60 : vector<1x16xf32> to vector<16xf32>
        %swap3A_62 = vector.shape_cast %broadcast_in_dim3A_58 : vector<16xf32> to vector<1x16xf32>
        tpu.vector_store %arg10[%swap3A, %swap3A_59], %swap3A_62 {strides = array<i32>} : memref<80x128xf32, #tpu.memory_space<vmem>>, vector<1x16xf32>,
      }
      %scan3A_52 = arith.constant 8 : i32
    }
    %scan3A_3 = arith.constant 80 : i32
    %scan3A_4 = arith.constant 0 : i32
    %scan3A_5 = arith.constant 7 : i32
    %scan3A_6 = arith.addi %scan3A_4, %scan3A_5 : i32
    %scan3A_7 = arith.constant 1 : i32
    scf.for %scan3A_43 = %scan3A_4 to %scan3A_6 step %scan3A_7  : i32 {
      %mul3A_44 = arith.constant 1 : i32
      %mul3A_45 = arith.muli %scan3A_43, %mul3A_44 : i32
      %add3A_46 = arith.constant 0 : i32
      %add3A_47 = arith.addi %add3A_46, %mul3A_45 : i32
      %mul3A_48 = arith.constant 624 : i32
      %mul3A_49 = arith.muli %arg1, %mul3A_48 : i32
      %mul3A_50 = arith.constant 80 : i32
      %mul3A_51 = arith.muli %add3A_47, %mul3A_50 : i32
      %add3A_52 = arith.addi %mul3A_49, %mul3A_51 : i32
      "tpu.region"() ({
        %run_scoped3A = tpu.sem_alloc : memref<!tpu.dma_semaphore, #tpu.memory_space<semaphore_mem>>
        %dma_start3A_53 = arith.constant 0 : i32
        %dma_start3A_54 = tpu.memref_slice %arg12[%add3A_52, %dma_start3A_53] : memref<10000x128xf32, #tpu.memory_space<vmem_shared>> -> memref<80x128xf32, #tpu.memory_space<vmem_shared>>
        %dma_start3A_55 = arith.constant 0 : i32
        %dma_start3A_56 = tpu.memref_slice %arg12[%add3A_52, %dma_start3A_55] : memref<10000x128xf32, #tpu.memory_space<vmem_shared>> -> memref<80x128xf32, #tpu.memory_space<vmem_shared>>
        tpu.enqueue_dma source(%arg10 : memref<80x128xf32, #tpu.memory_space<vmem>>) target(%dma_start3A_56 : memref<80x128xf32, #tpu.memory_space<vmem_shared>>) target_semaphore(%run_scoped3A : memref<!tpu.dma_semaphore, #tpu.memory_space<semaphore_mem>>)
        %dma_wait3A_57 = arith.constant 0 : i32
        %dma_wait3A_58 = tpu.memref_slice %arg12[%add3A_52, %dma_wait3A_57] : memref<10000x128xf32, #tpu.memory_space<vmem_shared>> -> memref<80x128xf32, #tpu.memory_space<vmem_shared>>
        %dma_wait3A_59 = arith.constant 0 : i32
        %dma_wait3A_60 = tpu.memref_slice %arg12[%add3A_52, %dma_wait3A_59] : memref<10000x128xf32, #tpu.memory_space<vmem_shared>> -> memref<80x128xf32, #tpu.memory_space<vmem_shared>>
        tpu.wait_dma2 semaphore(%run_scoped3A : memref<!tpu.dma_semaphore, #tpu.memory_space<semaphore_mem>>) src(%arg10 : memref<80x128xf32, #tpu.memory_space<vmem>>) dst(%dma_wait3A_60 : memref<80x128xf32, #tpu.memory_space<vmem_shared>>)
        tpu.yield
      }) : () -> ()
    }
    %scan3A_8 = arith.constant 7 : i32
    %mul3A = arith.constant 624 : i32
    %mul3A_9 = arith.muli %arg1, %mul3A : i32
    %add3A = arith.constant 560 : i32
    %add3A_10 = arith.addi %mul3A_9, %add3A : i32
    "tpu.region"() ({
      %run_scoped3A = tpu.sem_alloc : memref<!tpu.dma_semaphore, #tpu.memory_space<semaphore_mem>>
      %dma_start3A_43 = arith.constant 0 : i32
      %dma_start3A_44 = arith.constant 0 : i32
      %dma_start3A_45 = tpu.memref_slice %arg10[%dma_start3A_43, %dma_start3A_44] : memref<80x128xf32, #tpu.memory_space<vmem>> -> memref<64x128xf32, #tpu.memory_space<vmem>>
      %dma_start3A_46 = arith.constant 0 : i32
      %dma_start3A_47 = tpu.memref_slice %arg12[%add3A_10, %dma_start3A_46] : memref<10000x128xf32, #tpu.memory_space<vmem_shared>> -> memref<64x128xf32, #tpu.memory_space<vmem_shared>>
      %dma_start3A_48 = arith.constant 0 : i32
      %dma_start3A_49 = tpu.memref_slice %arg12[%add3A_10, %dma_start3A_48] : memref<10000x128xf32, #tpu.memory_space<vmem_shared>> -> memref<64x128xf32, #tpu.memory_space<vmem_shared>>
      %dma_start3A_50 = arith.constant 0 : i32
      %dma_start3A_51 = arith.constant 0 : i32
      %dma_start3A_52 = tpu.memref_slice %arg10[%dma_start3A_50, %dma_start3A_51] : memref<80x128xf32, #tpu.memory_space<vmem>> -> memref<64x128xf32, #tpu.memory_space<vmem>>
      tpu.enqueue_dma source(%dma_start3A_52 : memref<64x128xf32, #tpu.memory_space<vmem>>) target(%dma_start3A_49 : memref<64x128xf32, #tpu.memory_space<vmem_shared>>) target_semaphore(%run_scoped3A : memref<!tpu.dma_semaphore, #tpu.memory_space<semaphore_mem>>)
      %dma_wait3A_53 = arith.constant 0 : i32
      %dma_wait3A_54 = arith.constant 0 : i32
      %dma_wait3A_55 = tpu.memref_slice %arg10[%dma_wait3A_53, %dma_wait3A_54] : memref<80x128xf32, #tpu.memory_space<vmem>> -> memref<64x128xf32, #tpu.memory_space<vmem>>
      %dma_wait3A_56 = arith.constant 0 : i32
      %dma_wait3A_57 = tpu.memref_slice %arg12[%add3A_10, %dma_wait3A_56] : memref<10000x128xf32, #tpu.memory_space<vmem_shared>> -> memref<64x128xf32, #tpu.memory_space<vmem_shared>>
      %dma_wait3A_58 = arith.constant 0 : i32
      %dma_wait3A_59 = tpu.memref_slice %arg12[%add3A_10, %dma_wait3A_58] : memref<10000x128xf32, #tpu.memory_space<vmem_shared>> -> memref<64x128xf32, #tpu.memory_space<vmem_shared>>
      %dma_wait3A_60 = arith.constant 0 : i32
      %dma_wait3A_61 = arith.constant 0 : i32
      %dma_wait3A_62 = tpu.memref_slice %arg10[%dma_wait3A_60, %dma_wait3A_61] : memref<80x128xf32, #tpu.memory_space<vmem>> -> memref<64x128xf32, #tpu.memory_space<vmem>>
      tpu.wait_dma2 semaphore(%run_scoped3A : memref<!tpu.dma_semaphore, #tpu.memory_space<semaphore_mem>>) src(%dma_wait3A_62 : memref<64x128xf32, #tpu.memory_space<vmem>>) dst(%dma_wait3A_59 : memref<64x128xf32, #tpu.memory_space<vmem_shared>>)
      tpu.yield
    }) : () -> ()
    %eq3A = arith.constant 15 : i32
    %eq3A_11 = arith.cmpi eq, %arg1, %eq3A : i32
    %convert_element_type3A = arith.extui %eq3A_11 : i1 to i32
    %cond3A = arith.constant 0 : i32
    %cond3A_12 = arith.cmpi ne, %convert_element_type3A, %cond3A : i32
    scf.if %cond3A_12 {
      "tpu.region"() ({
        %run_scoped3A = tpu.sem_alloc : memref<!tpu.dma_semaphore, #tpu.memory_space<semaphore_mem>>
        %dma_start3A_43 = arith.constant 0 : i32
        %dma_start3A_44 = arith.constant 0 : i32
        %dma_start3A_45 = tpu.memref_slice %arg10[%dma_start3A_43, %dma_start3A_44] : memref<80x128xf32, #tpu.memory_space<vmem>> -> memref<16x128xf32, #tpu.memory_space<vmem>>
        %dma_start3A_46 = arith.constant 9984 : i32
        %dma_start3A_47 = arith.constant 0 : i32
        %dma_start3A_48 = tpu.memref_slice %arg12[%dma_start3A_46, %dma_start3A_47] : memref<10000x128xf32, #tpu.memory_space<vmem_shared>> -> memref<16x128xf32, #tpu.memory_space<vmem_shared>>
        %dma_start3A_49 = arith.constant 9984 : i32
        %dma_start3A_50 = arith.constant 0 : i32
        %dma_start3A_51 = tpu.memref_slice %arg12[%dma_start3A_49, %dma_start3A_50] : memref<10000x128xf32, #tpu.memory_space<vmem_shared>> -> memref<16x128xf32, #tpu.memory_space<vmem_shared>>
        %dma_start3A_52 = arith.constant 0 : i32
        %dma_start3A_53 = arith.constant 0 : i32
        %dma_start3A_54 = tpu.memref_slice %arg10[%dma_start3A_52, %dma_start3A_53] : memref<80x128xf32, #tpu.memory_space<vmem>> -> memref<16x128xf32, #tpu.memory_space<vmem>>
        tpu.enqueue_dma source(%dma_start3A_54 : memref<16x128xf32, #tpu.memory_space<vmem>>) target(%dma_start3A_51 : memref<16x128xf32, #tpu.memory_space<vmem_shared>>) target_semaphore(%run_scoped3A : memref<!tpu.dma_semaphore, #tpu.memory_space<semaphore_mem>>)
        %dma_wait3A_55 = arith.constant 0 : i32
        %dma_wait3A_56 = arith.constant 0 : i32
        %dma_wait3A_57 = tpu.memref_slice %arg10[%dma_wait3A_55, %dma_wait3A_56] : memref<80x128xf32, #tpu.memory_space<vmem>> -> memref<16x128xf32, #tpu.memory_space<vmem>>
        %dma_wait3A_58 = arith.constant 9984 : i32
        %dma_wait3A_59 = arith.constant 0 : i32
        %dma_wait3A_60 = tpu.memref_slice %arg12[%dma_wait3A_58, %dma_wait3A_59] : memref<10000x128xf32, #tpu.memory_space<vmem_shared>> -> memref<16x128xf32, #tpu.memory_space<vmem_shared>>
        %dma_wait3A_61 = arith.constant 9984 : i32
        %dma_wait3A_62 = arith.constant 0 : i32
        %dma_wait3A_63 = tpu.memref_slice %arg12[%dma_wait3A_61, %dma_wait3A_62] : memref<10000x128xf32, #tpu.memory_space<vmem_shared>> -> memref<16x128xf32, #tpu.memory_space<vmem_shared>>
        %dma_wait3A_64 = arith.constant 0 : i32
        %dma_wait3A_65 = arith.constant 0 : i32
        %dma_wait3A_66 = tpu.memref_slice %arg10[%dma_wait3A_64, %dma_wait3A_65] : memref<80x128xf32, #tpu.memory_space<vmem>> -> memref<16x128xf32, #tpu.memory_space<vmem>>
        tpu.wait_dma2 semaphore(%run_scoped3A : memref<!tpu.dma_semaphore, #tpu.memory_space<semaphore_mem>>) src(%dma_wait3A_66 : memref<16x128xf32, #tpu.memory_space<vmem>>) dst(%dma_wait3A_63 : memref<16x128xf32, #tpu.memory_space<vmem_shared>>)
        tpu.yield
      }) : () -> ()
    } else {
    }
    %barrier3A = arith.constant 0 : index
    tpu.barrier barrier_id(%barrier3A)
    %mul3A_13 = arith.constant 16 : i32
    %mul3A_14 = arith.muli %arg0, %mul3A_13 : i32
    %add3A_15 = arith.addi %mul3A_14, %arg1 : i32
    %mul3A_16 = arith.constant 125 : i32
    %mul3A_17 = arith.muli %add3A_15, %mul3A_16 : i32
    %mul3A_18 = arith.constant 80 : i32
    %mul3A_19 = arith.muli %mul3A_17, %mul3A_18 : i32
    %add3A_20 = arith.constant 0 : i32
    %add3A_21 = arith.addi %mul3A_19, %add3A_20 : i32
    "tpu.region"() ({
      %run_scoped3A = tpu.sem_alloc : memref<!tpu.dma_semaphore, #tpu.memory_space<semaphore_mem>>
      %dma_start3A_43 = tpu.memref_slice %arg3[%add3A_21] : memref<320000xi32, #tpu.memory_space<hbm>> -> memref<80xi32, #tpu.memory_space<hbm>>
      %dma_start3A_44 = tpu.memref_slice %arg3[%add3A_21] : memref<320000xi32, #tpu.memory_space<hbm>> -> memref<80xi32, #tpu.memory_space<hbm>>
      tpu.enqueue_dma source(%dma_start3A_44 : memref<80xi32, #tpu.memory_space<hbm>>) target(%arg6 : memref<80xi32, #tpu.memory_space<vmem>>) target_semaphore(%run_scoped3A : memref<!tpu.dma_semaphore, #tpu.memory_space<semaphore_mem>>)
      %dma_wait3A_45 = tpu.memref_slice %arg3[%add3A_21] : memref<320000xi32, #tpu.memory_space<hbm>> -> memref<80xi32, #tpu.memory_space<hbm>>
      %dma_wait3A_46 = tpu.memref_slice %arg3[%add3A_21] : memref<320000xi32, #tpu.memory_space<hbm>> -> memref<80xi32, #tpu.memory_space<hbm>>
      tpu.wait_dma2 semaphore(%run_scoped3A : memref<!tpu.dma_semaphore, #tpu.memory_space<semaphore_mem>>) src(%dma_wait3A_46 : memref<80xi32, #tpu.memory_space<hbm>>) dst(%arg6 : memref<80xi32, #tpu.memory_space<vmem>>)
      tpu.yield
    }) : () -> ()
    %add3A_22 = arith.constant 0 : i32
    %add3A_23 = arith.addi %mul3A_19, %add3A_22 : i32
    "tpu.region"() ({
      %run_scoped3A = tpu.sem_alloc : memref<!tpu.dma_semaphore, #tpu.memory_space<semaphore_mem>>
      %dma_start3A_43 = tpu.memref_slice %arg4[%add3A_23] : memref<320000xi32, #tpu.memory_space<hbm>> -> memref<80xi32, #tpu.memory_space<hbm>>
      %dma_start3A_44 = tpu.memref_slice %arg4[%add3A_23] : memref<320000xi32, #tpu.memory_space<hbm>> -> memref<80xi32, #tpu.memory_space<hbm>>
      tpu.enqueue_dma source(%dma_start3A_44 : memref<80xi32, #tpu.memory_space<hbm>>) target(%arg7 : memref<80xi32, #tpu.memory_space<vmem>>) target_semaphore(%run_scoped3A : memref<!tpu.dma_semaphore, #tpu.memory_space<semaphore_mem>>)
      %dma_wait3A_45 = tpu.memref_slice %arg4[%add3A_23] : memref<320000xi32, #tpu.memory_space<hbm>> -> memref<80xi32, #tpu.memory_space<hbm>>
      %dma_wait3A_46 = tpu.memref_slice %arg4[%add3A_23] : memref<320000xi32, #tpu.memory_space<hbm>> -> memref<80xi32, #tpu.memory_space<hbm>>
      tpu.wait_dma2 semaphore(%run_scoped3A : memref<!tpu.dma_semaphore, #tpu.memory_space<semaphore_mem>>) src(%dma_wait3A_46 : memref<80xi32, #tpu.memory_space<hbm>>) dst(%arg7 : memref<80xi32, #tpu.memory_space<vmem>>)
      tpu.yield
    }) : () -> ()
    %dma_start3A = arith.constant 0 : i32
    %dma_start3A_24 = arith.constant 0 : i32
    %dma_start3A_25 = tpu.memref_slice %arg2[%dma_start3A, %dma_start3A_24] : memref<10000x128xf32, #tpu.memory_space<hbm>> -> memref<10000x128xf32, #tpu.memory_space<hbm>>
    tpu.enqueue_indirect_dma source(%dma_start3A_25 : memref<10000x128xf32, #tpu.memory_space<hbm>>) target(%arg10 : memref<80x128xf32, #tpu.memory_space<vmem>>) offsets(%arg6 : memref<80xi32, #tpu.memory_space<vmem>>) semaphore(%arg13 : memref<!tpu.dma_semaphore, #tpu.memory_space<semaphore_mem>>)
    %scan3A_26 = arith.constant 0 : i32
    %scan3A_27 = arith.constant 62 : i32
    %scan3A_28 = arith.addi %scan3A_26, %scan3A_27 : i32
    %scan3A_29 = arith.constant 1 : i32
    scf.for %scan3A_43 = %scan3A_26 to %scan3A_28 step %scan3A_29  : i32 {
      %mul3A_44 = arith.constant 1 : i32
      %mul3A_45 = arith.muli %scan3A_43, %mul3A_44 : i32
      %add3A_46 = arith.constant 0 : i32
      %add3A_47 = arith.addi %add3A_46, %mul3A_45 : i32
      %mul3A_48 = arith.constant 2 : i32
      %mul3A_49 = arith.muli %mul3A_48, %add3A_47 : i32
      %add3A_50 = arith.constant 1 : i32
      %add3A_51 = arith.addi %mul3A_49, %add3A_50 : i32
      %mul3A_52 = arith.constant 80 : i32
      %mul3A_53 = arith.muli %add3A_51, %mul3A_52 : i32
      %add3A_54 = arith.addi %mul3A_19, %mul3A_53 : i32
      "tpu.region"() ({
        %run_scoped3A = tpu.sem_alloc : memref<!tpu.dma_semaphore, #tpu.memory_space<semaphore_mem>>
        %dma_start3A_78 = tpu.memref_slice %arg3[%add3A_54] : memref<320000xi32, #tpu.memory_space<hbm>> -> memref<80xi32, #tpu.memory_space<hbm>>
        %dma_start3A_79 = tpu.memref_slice %arg3[%add3A_54] : memref<320000xi32, #tpu.memory_space<hbm>> -> memref<80xi32, #tpu.memory_space<hbm>>
        tpu.enqueue_dma source(%dma_start3A_79 : memref<80xi32, #tpu.memory_space<hbm>>) target(%arg8 : memref<80xi32, #tpu.memory_space<vmem>>) target_semaphore(%run_scoped3A : memref<!tpu.dma_semaphore, #tpu.memory_space<semaphore_mem>>)
        %dma_wait3A_80 = tpu.memref_slice %arg3[%add3A_54] : memref<320000xi32, #tpu.memory_space<hbm>> -> memref<80xi32, #tpu.memory_space<hbm>>
        %dma_wait3A_81 = tpu.memref_slice %arg3[%add3A_54] : memref<320000xi32, #tpu.memory_space<hbm>> -> memref<80xi32, #tpu.memory_space<hbm>>
        tpu.wait_dma2 semaphore(%run_scoped3A : memref<!tpu.dma_semaphore, #tpu.memory_space<semaphore_mem>>) src(%dma_wait3A_81 : memref<80xi32, #tpu.memory_space<hbm>>) dst(%arg8 : memref<80xi32, #tpu.memory_space<vmem>>)
        tpu.yield
      }) : () -> ()
      %mul3A_55 = arith.constant 80 : i32
      %mul3A_56 = arith.muli %add3A_51, %mul3A_55 : i32
      %add3A_57 = arith.addi %mul3A_19, %mul3A_56 : i32
      "tpu.region"() ({
        %run_scoped3A = tpu.sem_alloc : memref<!tpu.dma_semaphore, #tpu.memory_space<semaphore_mem>>
        %dma_start3A_78 = tpu.memref_slice %arg4[%add3A_57] : memref<320000xi32, #tpu.memory_space<hbm>> -> memref<80xi32, #tpu.memory_space<hbm>>
        %dma_start3A_79 = tpu.memref_slice %arg4[%add3A_57] : memref<320000xi32, #tpu.memory_space<hbm>> -> memref<80xi32, #tpu.memory_space<hbm>>
        tpu.enqueue_dma source(%dma_start3A_79 : memref<80xi32, #tpu.memory_space<hbm>>) target(%arg9 : memref<80xi32, #tpu.memory_space<vmem>>) target_semaphore(%run_scoped3A : memref<!tpu.dma_semaphore, #tpu.memory_space<semaphore_mem>>)
        %dma_wait3A_80 = tpu.memref_slice %arg4[%add3A_57] : memref<320000xi32, #tpu.memory_space<hbm>> -> memref<80xi32, #tpu.memory_space<hbm>>
        %dma_wait3A_81 = tpu.memref_slice %arg4[%add3A_57] : memref<320000xi32, #tpu.memory_space<hbm>> -> memref<80xi32, #tpu.memory_space<hbm>>
        tpu.wait_dma2 semaphore(%run_scoped3A : memref<!tpu.dma_semaphore, #tpu.memory_space<semaphore_mem>>) src(%dma_wait3A_81 : memref<80xi32, #tpu.memory_space<hbm>>) dst(%arg9 : memref<80xi32, #tpu.memory_space<vmem>>)
        tpu.yield
      }) : () -> ()
      %dma_start3A_58 = arith.constant 0 : i32
      %dma_start3A_59 = arith.constant 0 : i32
      %dma_start3A_60 = tpu.memref_slice %arg2[%dma_start3A_58, %dma_start3A_59] : memref<10000x128xf32, #tpu.memory_space<hbm>> -> memref<10000x128xf32, #tpu.memory_space<hbm>>
      tpu.enqueue_indirect_dma source(%dma_start3A_60 : memref<10000x128xf32, #tpu.memory_space<hbm>>) target(%arg11 : memref<80x128xf32, #tpu.memory_space<vmem>>) offsets(%arg8 : memref<80xi32, #tpu.memory_space<vmem>>) semaphore(%arg14 : memref<!tpu.dma_semaphore, #tpu.memory_space<semaphore_mem>>)
      %dma_wait3A_61 = arith.constant 0 : i32
      %dma_wait3A_62 = arith.constant 0 : i32
      %dma_wait3A_63 = tpu.memref_slice %arg2[%dma_wait3A_61, %dma_wait3A_62] : memref<10000x128xf32, #tpu.memory_space<hbm>> -> memref<10000x128xf32, #tpu.memory_space<hbm>>
      tpu.wait_indirect_dma semaphore(%arg13 : memref<!tpu.dma_semaphore, #tpu.memory_space<semaphore_mem>>) src(%dma_wait3A_63 : memref<10000x128xf32, #tpu.memory_space<hbm>>) dst(%arg10 : memref<80x128xf32, #tpu.memory_space<vmem>>)
      "tpu.region"() ({
        %run_scoped3A = tpu.sem_alloc : memref<!tpu.dma_semaphore, #tpu.memory_space<semaphore_mem>>
        %dma_start3A_78 = arith.constant 0 : i32
        %dma_start3A_79 = arith.constant 0 : i32
        %dma_start3A_80 = tpu.memref_slice %arg12[%dma_start3A_78, %dma_start3A_79] : memref<10000x128xf32, #tpu.memory_space<vmem_shared>> -> memref<10000x128xf32, #tpu.memory_space<vmem_shared>>
        tpu.enqueue_indirect_dma source(%arg10 : memref<80x128xf32, #tpu.memory_space<vmem>>) target(%dma_start3A_80 : memref<10000x128xf32, #tpu.memory_space<vmem_shared>>) offsets(%arg7 : memref<80xi32, #tpu.memory_space<vmem>>) semaphore(%run_scoped3A : memref<!tpu.dma_semaphore, #tpu.memory_space<semaphore_mem>>) {add = true}
        %dma_wait3A_81 = arith.constant 0 : i32
        %dma_wait3A_82 = arith.constant 0 : i32
        %dma_wait3A_83 = tpu.memref_slice %arg12[%dma_wait3A_81, %dma_wait3A_82] : memref<10000x128xf32, #tpu.memory_space<vmem_shared>> -> memref<10000x128xf32, #tpu.memory_space<vmem_shared>>
        tpu.wait_indirect_dma semaphore(%run_scoped3A : memref<!tpu.dma_semaphore, #tpu.memory_space<semaphore_mem>>) src(%arg10 : memref<80x128xf32, #tpu.memory_space<vmem>>) dst(%dma_wait3A_83 : memref<10000x128xf32, #tpu.memory_space<vmem_shared>>)
        tpu.yield
      }) : () -> ()
      %add3A_64 = arith.constant 2 : i32
      %add3A_65 = arith.addi %mul3A_49, %add3A_64 : i32
      %mul3A_66 = arith.constant 80 : i32
      %mul3A_67 = arith.muli %add3A_65, %mul3A_66 : i32
      %add3A_68 = arith.addi %mul3A_19, %mul3A_67 : i32
      "tpu.region"() ({
        %run_scoped3A = tpu.sem_alloc : memref<!tpu.dma_semaphore, #tpu.memory_space<semaphore_mem>>
        %dma_start3A_78 = tpu.memref_slice %arg3[%add3A_68] : memref<320000xi32, #tpu.memory_space<hbm>> -> memref<80xi32, #tpu.memory_space<hbm>>
        %dma_start3A_79 = tpu.memref_slice %arg3[%add3A_68] : memref<320000xi32, #tpu.memory_space<hbm>> -> memref<80xi32, #tpu.memory_space<hbm>>
        tpu.enqueue_dma source(%dma_start3A_79 : memref<80xi32, #tpu.memory_space<hbm>>) target(%arg6 : memref<80xi32, #tpu.memory_space<vmem>>) target_semaphore(%run_scoped3A : memref<!tpu.dma_semaphore, #tpu.memory_space<semaphore_mem>>)
        %dma_wait3A_80 = tpu.memref_slice %arg3[%add3A_68] : memref<320000xi32, #tpu.memory_space<hbm>> -> memref<80xi32, #tpu.memory_space<hbm>>
        %dma_wait3A_81 = tpu.memref_slice %arg3[%add3A_68] : memref<320000xi32, #tpu.memory_space<hbm>> -> memref<80xi32, #tpu.memory_space<hbm>>
        tpu.wait_dma2 semaphore(%run_scoped3A : memref<!tpu.dma_semaphore, #tpu.memory_space<semaphore_mem>>) src(%dma_wait3A_81 : memref<80xi32, #tpu.memory_space<hbm>>) dst(%arg6 : memref<80xi32, #tpu.memory_space<vmem>>)
        tpu.yield
      }) : () -> ()
      %mul3A_69 = arith.constant 80 : i32
      %mul3A_70 = arith.muli %add3A_65, %mul3A_69 : i32
      %add3A_71 = arith.addi %mul3A_19, %mul3A_70 : i32
      "tpu.region"() ({
        %run_scoped3A = tpu.sem_alloc : memref<!tpu.dma_semaphore, #tpu.memory_space<semaphore_mem>>
        %dma_start3A_78 = tpu.memref_slice %arg4[%add3A_71] : memref<320000xi32, #tpu.memory_space<hbm>> -> memref<80xi32, #tpu.memory_space<hbm>>
        %dma_start3A_79 = tpu.memref_slice %arg4[%add3A_71] : memref<320000xi32, #tpu.memory_space<hbm>> -> memref<80xi32, #tpu.memory_space<hbm>>
        tpu.enqueue_dma source(%dma_start3A_79 : memref<80xi32, #tpu.memory_space<hbm>>) target(%arg7 : memref<80xi32, #tpu.memory_space<vmem>>) target_semaphore(%run_scoped3A : memref<!tpu.dma_semaphore, #tpu.memory_space<semaphore_mem>>)
        %dma_wait3A_80 = tpu.memref_slice %arg4[%add3A_71] : memref<320000xi32, #tpu.memory_space<hbm>> -> memref<80xi32, #tpu.memory_space<hbm>>
        %dma_wait3A_81 = tpu.memref_slice %arg4[%add3A_71] : memref<320000xi32, #tpu.memory_space<hbm>> -> memref<80xi32, #tpu.memory_space<hbm>>
        tpu.wait_dma2 semaphore(%run_scoped3A : memref<!tpu.dma_semaphore, #tpu.memory_space<semaphore_mem>>) src(%dma_wait3A_81 : memref<80xi32, #tpu.memory_space<hbm>>) dst(%arg7 : memref<80xi32, #tpu.memory_space<vmem>>)
        tpu.yield
      }) : () -> ()
      %dma_start3A_72 = arith.constant 0 : i32
      %dma_start3A_73 = arith.constant 0 : i32
      %dma_start3A_74 = tpu.memref_slice %arg2[%dma_start3A_72, %dma_start3A_73] : memref<10000x128xf32, #tpu.memory_space<hbm>> -> memref<10000x128xf32, #tpu.memory_space<hbm>>
      tpu.enqueue_indirect_dma source(%dma_start3A_74 : memref<10000x128xf32, #tpu.memory_space<hbm>>) target(%arg10 : memref<80x128xf32, #tpu.memory_space<vmem>>) offsets(%arg6 : memref<80xi32, #tpu.memory_space<vmem>>) semaphore(%arg13 : memref<!tpu.dma_semaphore, #tpu.memory_space<semaphore_mem>>)
      %dma_wait3A_75 = arith.constant 0 : i32
      %dma_wait3A_76 = arith.constant 0 : i32
      %dma_wait3A_77 = tpu.memref_slice %arg2[%dma_wait3A_75, %dma_wait3A_76] : memref<10000x128xf32, #tpu.memory_space<hbm>> -> memref<10000x128xf32, #tpu.memory_space<hbm>>
      tpu.wait_indirect_dma semaphore(%arg14 : memref<!tpu.dma_semaphore, #tpu.memory_space<semaphore_mem>>) src(%dma_wait3A_77 : memref<10000x128xf32, #tpu.memory_space<hbm>>) dst(%arg11 : memref<80x128xf32, #tpu.memory_space<vmem>>)
      "tpu.region"() ({
        %run_scoped3A = tpu.sem_alloc : memref<!tpu.dma_semaphore, #tpu.memory_space<semaphore_mem>>
        %dma_start3A_78 = arith.constant 0 : i32
        %dma_start3A_79 = arith.constant 0 : i32
        %dma_start3A_80 = tpu.memref_slice %arg12[%dma_start3A_78, %dma_start3A_79] : memref<10000x128xf32, #tpu.memory_space<vmem_shared>> -> memref<10000x128xf32, #tpu.memory_space<vmem_shared>>
        tpu.enqueue_indirect_dma source(%arg11 : memref<80x128xf32, #tpu.memory_space<vmem>>) target(%dma_start3A_80 : memref<10000x128xf32, #tpu.memory_space<vmem_shared>>) offsets(%arg9 : memref<80xi32, #tpu.memory_space<vmem>>) semaphore(%run_scoped3A : memref<!tpu.dma_semaphore, #tpu.memory_space<semaphore_mem>>) {add = true}
        %dma_wait3A_81 = arith.constant 0 : i32
        %dma_wait3A_82 = arith.constant 0 : i32
        %dma_wait3A_83 = tpu.memref_slice %arg12[%dma_wait3A_81, %dma_wait3A_82] : memref<10000x128xf32, #tpu.memory_space<vmem_shared>> -> memref<10000x128xf32, #tpu.memory_space<vmem_shared>>
        tpu.wait_indirect_dma semaphore(%run_scoped3A : memref<!tpu.dma_semaphore, #tpu.memory_space<semaphore_mem>>) src(%arg11 : memref<80x128xf32, #tpu.memory_space<vmem>>) dst(%dma_wait3A_83 : memref<10000x128xf32, #tpu.memory_space<vmem_shared>>)
        tpu.yield
      }) : () -> ()
    }
    %scan3A_30 = arith.constant 62 : i32
    %dma_wait3A = arith.constant 0 : i32
    %dma_wait3A_31 = arith.constant 0 : i32
    %dma_wait3A_32 = tpu.memref_slice %arg2[%dma_wait3A, %dma_wait3A_31] : memref<10000x128xf32, #tpu.memory_space<hbm>> -> memref<10000x128xf32, #tpu.memory_space<hbm>>
    tpu.wait_indirect_dma semaphore(%arg13 : memref<!tpu.dma_semaphore, #tpu.memory_space<semaphore_mem>>) src(%dma_wait3A_32 : memref<10000x128xf32, #tpu.memory_space<hbm>>) dst(%arg10 : memref<80x128xf32, #tpu.memory_space<vmem>>)
    "tpu.region"() ({
      %run_scoped3A = tpu.sem_alloc : memref<!tpu.dma_semaphore, #tpu.memory_space<semaphore_mem>>
      %dma_start3A_43 = arith.constant 0 : i32
      %dma_start3A_44 = arith.constant 0 : i32
      %dma_start3A_45 = tpu.memref_slice %arg12[%dma_start3A_43, %dma_start3A_44] : memref<10000x128xf32, #tpu.memory_space<vmem_shared>> -> memref<10000x128xf32, #tpu.memory_space<vmem_shared>>
      tpu.enqueue_indirect_dma source(%arg10 : memref<80x128xf32, #tpu.memory_space<vmem>>) target(%dma_start3A_45 : memref<10000x128xf32, #tpu.memory_space<vmem_shared>>) offsets(%arg7 : memref<80xi32, #tpu.memory_space<vmem>>) semaphore(%run_scoped3A : memref<!tpu.dma_semaphore, #tpu.memory_space<semaphore_mem>>) {add = true}
      %dma_wait3A_46 = arith.constant 0 : i32
      %dma_wait3A_47 = arith.constant 0 : i32
      %dma_wait3A_48 = tpu.memref_slice %arg12[%dma_wait3A_46, %dma_wait3A_47] : memref<10000x128xf32, #tpu.memory_space<vmem_shared>> -> memref<10000x128xf32, #tpu.memory_space<vmem_shared>>
      tpu.wait_indirect_dma semaphore(%run_scoped3A : memref<!tpu.dma_semaphore, #tpu.memory_space<semaphore_mem>>) src(%arg10 : memref<80x128xf32, #tpu.memory_space<vmem>>) dst(%dma_wait3A_48 : memref<10000x128xf32, #tpu.memory_space<vmem_shared>>)
      tpu.yield
    }) : () -> ()
    %barrier3A_33 = arith.constant 0 : index
    tpu.barrier barrier_id(%barrier3A_33)
    %mul3A_34 = arith.constant 624 : i32
    %mul3A_35 = arith.muli %arg1, %mul3A_34 : i32
    %mul3A_36 = arith.constant 624 : i32
    %mul3A_37 = arith.muli %arg1, %mul3A_36 : i32
    "tpu.region"() ({
      %run_scoped3A = tpu.sem_alloc : memref<!tpu.dma_semaphore, #tpu.memory_space<semaphore_mem>>
      %dma_start3A_43 = arith.constant 0 : i32
      %dma_start3A_44 = tpu.memref_slice %arg5[%arg0, %mul3A_37, %dma_start3A_43] : memref<2x10000x128xf32, #tpu.memory_space<hbm>> -> memref<1x624x128xf32, #tpu.memory_space<hbm>>
      %dma_start3A_45 = tpu.memref_squeeze %dma_start3A_44 : memref<1x624x128xf32, #tpu.memory_space<hbm>> -> memref<624x128xf32, #tpu.memory_space<hbm>>
      %dma_start3A_46 = arith.constant 0 : i32
      %dma_start3A_47 = tpu.memref_slice %arg12[%mul3A_35, %dma_start3A_46] : memref<10000x128xf32, #tpu.memory_space<vmem_shared>> -> memref<624x128xf32, #tpu.memory_space<vmem_shared>>
      tpu.enqueue_dma source(%dma_start3A_47 : memref<624x128xf32, #tpu.memory_space<vmem_shared>>) target(%dma_start3A_45 : memref<624x128xf32, #tpu.memory_space<hbm>>) target_semaphore(%run_scoped3A : memref<!tpu.dma_semaphore, #tpu.memory_space<semaphore_mem>>)
      %dma_wait3A_48 = arith.constant 0 : i32
      %dma_wait3A_49 = tpu.memref_slice %arg5[%arg0, %mul3A_37, %dma_wait3A_48] : memref<2x10000x128xf32, #tpu.memory_space<hbm>> -> memref<1x624x128xf32, #tpu.memory_space<hbm>>
      %dma_wait3A_50 = tpu.memref_squeeze %dma_wait3A_49 : memref<1x624x128xf32, #tpu.memory_space<hbm>> -> memref<624x128xf32, #tpu.memory_space<hbm>>
      %dma_wait3A_51 = arith.constant 0 : i32
      %dma_wait3A_52 = tpu.memref_slice %arg12[%mul3A_35, %dma_wait3A_51] : memref<10000x128xf32, #tpu.memory_space<vmem_shared>> -> memref<624x128xf32, #tpu.memory_space<vmem_shared>>
      tpu.wait_dma2 semaphore(%run_scoped3A : memref<!tpu.dma_semaphore, #tpu.memory_space<semaphore_mem>>) src(%dma_wait3A_52 : memref<624x128xf32, #tpu.memory_space<vmem_shared>>) dst(%dma_wait3A_50 : memref<624x128xf32, #tpu.memory_space<hbm>>)
      tpu.yield
    }) : () -> ()
    %eq3A_38 = arith.constant 15 : i32
    %eq3A_39 = arith.cmpi eq, %arg1, %eq3A_38 : i32
    %convert_element_type3A_40 = arith.extui %eq3A_39 : i1 to i32
    %cond3A_41 = arith.constant 0 : i32
    %cond3A_42 = arith.cmpi ne, %convert_element_type3A_40, %cond3A_41 : i32
    scf.if %cond3A_42 {
      "tpu.region"() ({
        %run_scoped3A = tpu.sem_alloc : memref<!tpu.dma_semaphore, #tpu.memory_space<semaphore_mem>>
        %dma_start3A_43 = arith.constant 9984 : i32
        %dma_start3A_44 = arith.constant 0 : i32
        %dma_start3A_45 = tpu.memref_slice %arg5[%arg0, %dma_start3A_43, %dma_start3A_44] : memref<2x10000x128xf32, #tpu.memory_space<hbm>> -> memref<1x16x128xf32, #tpu.memory_space<hbm>>
        %dma_start3A_46 = tpu.memref_squeeze %dma_start3A_45 : memref<1x16x128xf32, #tpu.memory_space<hbm>> -> memref<16x128xf32, #tpu.memory_space<hbm>>
        %dma_start3A_47 = arith.constant 9984 : i32
        %dma_start3A_48 = arith.constant 0 : i32
        %dma_start3A_49 = tpu.memref_slice %arg12[%dma_start3A_47, %dma_start3A_48] : memref<10000x128xf32, #tpu.memory_space<vmem_shared>> -> memref<16x128xf32, #tpu.memory_space<vmem_shared>>
        tpu.enqueue_dma source(%dma_start3A_49 : memref<16x128xf32, #tpu.memory_space<vmem_shared>>) target(%dma_start3A_46 : memref<16x128xf32, #tpu.memory_space<hbm>>) target_semaphore(%run_scoped3A : memref<!tpu.dma_semaphore, #tpu.memory_space<semaphore_mem>>)
        %dma_wait3A_50 = arith.constant 9984 : i32
        %dma_wait3A_51 = arith.constant 0 : i32
        %dma_wait3A_52 = tpu.memref_slice %arg5[%arg0, %dma_wait3A_50, %dma_wait3A_51] : memref<2x10000x128xf32, #tpu.memory_space<hbm>> -> memref<1x16x128xf32, #tpu.memory_space<hbm>>
        %dma_wait3A_53 = tpu.memref_squeeze %dma_wait3A_52 : memref<1x16x128xf32, #tpu.memory_space<hbm>> -> memref<16x128xf32, #tpu.memory_space<hbm>>
        %dma_wait3A_54 = arith.constant 9984 : i32
        %dma_wait3A_55 = arith.constant 0 : i32
        %dma_wait3A_56 = tpu.memref_slice %arg12[%dma_wait3A_54, %dma_wait3A_55] : memref<10000x128xf32, #tpu.memory_space<vmem_shared>> -> memref<16x128xf32, #tpu.memory_space<vmem_shared>>
        tpu.wait_dma2 semaphore(%run_scoped3A : memref<!tpu.dma_semaphore, #tpu.memory_space<semaphore_mem>>) src(%dma_wait3A_56 : memref<16x128xf32, #tpu.memory_space<vmem_shared>>) dst(%dma_wait3A_53 : memref<16x128xf32, #tpu.memory_space<hbm>>)
        tpu.yield
      }) : () -> ()
    } else {
    }
    return
  }
}

#map = affine_map<(d0, d1) -> (0)>
#map1 = affine_map<(d0, d1) -> (0, 0, 0)>
module attributes {stable_mosaic.version = 14 : i64} {
  func.func @k(%arg0: i32, %arg1: i32, %arg2: memref<320000xi32, #tpu.memory_space<hbm>>, %arg3: memref<2x10000x16xf32, #tpu.memory_space<hbm>>, %arg4: memref<80xi32, #tpu.memory_space<vmem>>, %arg5: memref<80x16xf32, #tpu.memory_space<vmem>>, %arg6: memref<80x16xf32, #tpu.memory_space<vmem>>, %arg7: memref<10000x16xf32, #tpu.memory_space<vmem_shared>>) attributes {dimension_semantics = [#tpu.dimension_semantics<core_parallel>, #tpu.dimension_semantics<subcore_parallel>], iteration_bounds = array<i64: 2, 16>, scalar_prefetch = 0 : i64, scratch_operands = 4 : i64, tpu.core_type = #tpu.core_type<sc_vector_subcore>, window_params = [{transform_indices = #map}, {transform_indices = #map1}]} {
    %scan3A = arith.constant 0 : i32
    %scan3A_0 = arith.constant 80 : i32
    %scan3A_1 = arith.addi %scan3A, %scan3A_0 : i32
    %scan3A_2 = arith.constant 1 : i32
    scf.for %scan3A_40 = %scan3A to %scan3A_1 step %scan3A_2  : i32 {
      %mul3A_41 = arith.constant 1 : i32
      %mul3A_42 = arith.muli %scan3A_40, %mul3A_41 : i32
      %add3A_43 = arith.constant 0 : i32
      %add3A_44 = arith.addi %add3A_43, %mul3A_42 : i32
      %broadcast_in_dim3A = arith.constant 1.000000e+00 : f32
      %broadcast_in_dim3A_45 = vector.broadcast %broadcast_in_dim3A : f32 to vector<16xf32>
      %swap3A = arith.index_cast %add3A_44 : i32 to index
      %swap3A_46 = arith.constant 0 : index
      %swap3A_47 = tpu.vector_load %arg5[%swap3A, %swap3A_46] {strides = array<i32>} : memref<80x16xf32, #tpu.memory_space<vmem>>, vector<1x16xf32>,
      %swap3A_48 = vector.shape_cast %swap3A_47 : vector<1x16xf32> to vector<16xf32>
      %swap3A_49 = vector.shape_cast %broadcast_in_dim3A_45 : vector<16xf32> to vector<1x16xf32>
      tpu.vector_store %arg5[%swap3A, %swap3A_46], %swap3A_49 {strides = array<i32>} : memref<80x16xf32, #tpu.memory_space<vmem>>, vector<1x16xf32>,
    }
    %scan3A_3 = arith.constant 80 : i32
    %scan3A_4 = arith.constant 0 : i32
    %scan3A_5 = arith.constant 80 : i32
    %scan3A_6 = arith.addi %scan3A_4, %scan3A_5 : i32
    %scan3A_7 = arith.constant 1 : i32
    scf.for %scan3A_40 = %scan3A_4 to %scan3A_6 step %scan3A_7  : i32 {
      %mul3A_41 = arith.constant 1 : i32
      %mul3A_42 = arith.muli %scan3A_40, %mul3A_41 : i32
      %add3A_43 = arith.constant 0 : i32
      %add3A_44 = arith.addi %add3A_43, %mul3A_42 : i32
      %broadcast_in_dim3A = arith.constant 0.000000e+00 : f32
      %broadcast_in_dim3A_45 = vector.broadcast %broadcast_in_dim3A : f32 to vector<16xf32>
      %swap3A = arith.index_cast %add3A_44 : i32 to index
      %swap3A_46 = arith.constant 0 : index
      %swap3A_47 = tpu.vector_load %arg6[%swap3A, %swap3A_46] {strides = array<i32>} : memref<80x16xf32, #tpu.memory_space<vmem>>, vector<1x16xf32>,
      %swap3A_48 = vector.shape_cast %swap3A_47 : vector<1x16xf32> to vector<16xf32>
      %swap3A_49 = vector.shape_cast %broadcast_in_dim3A_45 : vector<16xf32> to vector<1x16xf32>
      tpu.vector_store %arg6[%swap3A, %swap3A_46], %swap3A_49 {strides = array<i32>} : memref<80x16xf32, #tpu.memory_space<vmem>>, vector<1x16xf32>,
    }
    %scan3A_8 = arith.constant 80 : i32
    %scan3A_9 = arith.constant 0 : i32
    %scan3A_10 = arith.constant 7 : i32
    %scan3A_11 = arith.addi %scan3A_9, %scan3A_10 : i32
    %scan3A_12 = arith.constant 1 : i32
    scf.for %scan3A_40 = %scan3A_9 to %scan3A_11 step %scan3A_12  : i32 {
      %mul3A_41 = arith.constant 1 : i32
      %mul3A_42 = arith.muli %scan3A_40, %mul3A_41 : i32
      %add3A_43 = arith.constant 0 : i32
      %add3A_44 = arith.addi %add3A_43, %mul3A_42 : i32
      %mul3A_45 = arith.constant 624 : i32
      %mul3A_46 = arith.muli %arg1, %mul3A_45 : i32
      %mul3A_47 = arith.constant 80 : i32
      %mul3A_48 = arith.muli %add3A_44, %mul3A_47 : i32
      %add3A_49 = arith.addi %mul3A_46, %mul3A_48 : i32
      "tpu.region"() ({
        %run_scoped3A = tpu.sem_alloc : memref<!tpu.dma_semaphore, #tpu.memory_space<semaphore_mem>>
        %dma_start3A = arith.constant 0 : i32
        %dma_start3A_50 = tpu.memref_slice %arg7[%add3A_49, %dma_start3A] : memref<10000x16xf32, #tpu.memory_space<vmem_shared>> -> memref<80x16xf32, #tpu.memory_space<vmem_shared>>
        %dma_start3A_51 = arith.constant 0 : i32
        %dma_start3A_52 = tpu.memref_slice %arg7[%add3A_49, %dma_start3A_51] : memref<10000x16xf32, #tpu.memory_space<vmem_shared>> -> memref<80x16xf32, #tpu.memory_space<vmem_shared>>
        tpu.enqueue_dma source(%arg6 : memref<80x16xf32, #tpu.memory_space<vmem>>) target(%dma_start3A_52 : memref<80x16xf32, #tpu.memory_space<vmem_shared>>) target_semaphore(%run_scoped3A : memref<!tpu.dma_semaphore, #tpu.memory_space<semaphore_mem>>)
        %dma_wait3A = arith.constant 0 : i32
        %dma_wait3A_53 = tpu.memref_slice %arg7[%add3A_49, %dma_wait3A] : memref<10000x16xf32, #tpu.memory_space<vmem_shared>> -> memref<80x16xf32, #tpu.memory_space<vmem_shared>>
        %dma_wait3A_54 = arith.constant 0 : i32
        %dma_wait3A_55 = tpu.memref_slice %arg7[%add3A_49, %dma_wait3A_54] : memref<10000x16xf32, #tpu.memory_space<vmem_shared>> -> memref<80x16xf32, #tpu.memory_space<vmem_shared>>
        tpu.wait_dma2 semaphore(%run_scoped3A : memref<!tpu.dma_semaphore, #tpu.memory_space<semaphore_mem>>) src(%arg6 : memref<80x16xf32, #tpu.memory_space<vmem>>) dst(%dma_wait3A_55 : memref<80x16xf32, #tpu.memory_space<vmem_shared>>)
        tpu.yield
      }) : () -> ()
    }
    %scan3A_13 = arith.constant 7 : i32
    %mul3A = arith.constant 624 : i32
    %mul3A_14 = arith.muli %arg1, %mul3A : i32
    %add3A = arith.constant 560 : i32
    %add3A_15 = arith.addi %mul3A_14, %add3A : i32
    "tpu.region"() ({
      %run_scoped3A = tpu.sem_alloc : memref<!tpu.dma_semaphore, #tpu.memory_space<semaphore_mem>>
      %dma_start3A = arith.constant 0 : i32
      %dma_start3A_40 = arith.constant 0 : i32
      %dma_start3A_41 = tpu.memref_slice %arg6[%dma_start3A, %dma_start3A_40] : memref<80x16xf32, #tpu.memory_space<vmem>> -> memref<64x16xf32, #tpu.memory_space<vmem>>
      %dma_start3A_42 = arith.constant 0 : i32
      %dma_start3A_43 = tpu.memref_slice %arg7[%add3A_15, %dma_start3A_42] : memref<10000x16xf32, #tpu.memory_space<vmem_shared>> -> memref<64x16xf32, #tpu.memory_space<vmem_shared>>
      %dma_start3A_44 = arith.constant 0 : i32
      %dma_start3A_45 = tpu.memref_slice %arg7[%add3A_15, %dma_start3A_44] : memref<10000x16xf32, #tpu.memory_space<vmem_shared>> -> memref<64x16xf32, #tpu.memory_space<vmem_shared>>
      %dma_start3A_46 = arith.constant 0 : i32
      %dma_start3A_47 = arith.constant 0 : i32
      %dma_start3A_48 = tpu.memref_slice %arg6[%dma_start3A_46, %dma_start3A_47] : memref<80x16xf32, #tpu.memory_space<vmem>> -> memref<64x16xf32, #tpu.memory_space<vmem>>
      tpu.enqueue_dma source(%dma_start3A_48 : memref<64x16xf32, #tpu.memory_space<vmem>>) target(%dma_start3A_45 : memref<64x16xf32, #tpu.memory_space<vmem_shared>>) target_semaphore(%run_scoped3A : memref<!tpu.dma_semaphore, #tpu.memory_space<semaphore_mem>>)
      %dma_wait3A = arith.constant 0 : i32
      %dma_wait3A_49 = arith.constant 0 : i32
      %dma_wait3A_50 = tpu.memref_slice %arg6[%dma_wait3A, %dma_wait3A_49] : memref<80x16xf32, #tpu.memory_space<vmem>> -> memref<64x16xf32, #tpu.memory_space<vmem>>
      %dma_wait3A_51 = arith.constant 0 : i32
      %dma_wait3A_52 = tpu.memref_slice %arg7[%add3A_15, %dma_wait3A_51] : memref<10000x16xf32, #tpu.memory_space<vmem_shared>> -> memref<64x16xf32, #tpu.memory_space<vmem_shared>>
      %dma_wait3A_53 = arith.constant 0 : i32
      %dma_wait3A_54 = tpu.memref_slice %arg7[%add3A_15, %dma_wait3A_53] : memref<10000x16xf32, #tpu.memory_space<vmem_shared>> -> memref<64x16xf32, #tpu.memory_space<vmem_shared>>
      %dma_wait3A_55 = arith.constant 0 : i32
      %dma_wait3A_56 = arith.constant 0 : i32
      %dma_wait3A_57 = tpu.memref_slice %arg6[%dma_wait3A_55, %dma_wait3A_56] : memref<80x16xf32, #tpu.memory_space<vmem>> -> memref<64x16xf32, #tpu.memory_space<vmem>>
      tpu.wait_dma2 semaphore(%run_scoped3A : memref<!tpu.dma_semaphore, #tpu.memory_space<semaphore_mem>>) src(%dma_wait3A_57 : memref<64x16xf32, #tpu.memory_space<vmem>>) dst(%dma_wait3A_54 : memref<64x16xf32, #tpu.memory_space<vmem_shared>>)
      tpu.yield
    }) : () -> ()
    %eq3A = arith.constant 15 : i32
    %eq3A_16 = arith.cmpi eq, %arg1, %eq3A : i32
    %convert_element_type3A = arith.extui %eq3A_16 : i1 to i32
    %cond3A = arith.constant 0 : i32
    %cond3A_17 = arith.cmpi ne, %convert_element_type3A, %cond3A : i32
    scf.if %cond3A_17 {
      "tpu.region"() ({
        %run_scoped3A = tpu.sem_alloc : memref<!tpu.dma_semaphore, #tpu.memory_space<semaphore_mem>>
        %dma_start3A = arith.constant 0 : i32
        %dma_start3A_40 = arith.constant 0 : i32
        %dma_start3A_41 = tpu.memref_slice %arg6[%dma_start3A, %dma_start3A_40] : memref<80x16xf32, #tpu.memory_space<vmem>> -> memref<16x16xf32, #tpu.memory_space<vmem>>
        %dma_start3A_42 = arith.constant 9984 : i32
        %dma_start3A_43 = arith.constant 0 : i32
        %dma_start3A_44 = tpu.memref_slice %arg7[%dma_start3A_42, %dma_start3A_43] : memref<10000x16xf32, #tpu.memory_space<vmem_shared>> -> memref<16x16xf32, #tpu.memory_space<vmem_shared>>
        %dma_start3A_45 = arith.constant 9984 : i32
        %dma_start3A_46 = arith.constant 0 : i32
        %dma_start3A_47 = tpu.memref_slice %arg7[%dma_start3A_45, %dma_start3A_46] : memref<10000x16xf32, #tpu.memory_space<vmem_shared>> -> memref<16x16xf32, #tpu.memory_space<vmem_shared>>
        %dma_start3A_48 = arith.constant 0 : i32
        %dma_start3A_49 = arith.constant 0 : i32
        %dma_start3A_50 = tpu.memref_slice %arg6[%dma_start3A_48, %dma_start3A_49] : memref<80x16xf32, #tpu.memory_space<vmem>> -> memref<16x16xf32, #tpu.memory_space<vmem>>
        tpu.enqueue_dma source(%dma_start3A_50 : memref<16x16xf32, #tpu.memory_space<vmem>>) target(%dma_start3A_47 : memref<16x16xf32, #tpu.memory_space<vmem_shared>>) target_semaphore(%run_scoped3A : memref<!tpu.dma_semaphore, #tpu.memory_space<semaphore_mem>>)
        %dma_wait3A = arith.constant 0 : i32
        %dma_wait3A_51 = arith.constant 0 : i32
        %dma_wait3A_52 = tpu.memref_slice %arg6[%dma_wait3A, %dma_wait3A_51] : memref<80x16xf32, #tpu.memory_space<vmem>> -> memref<16x16xf32, #tpu.memory_space<vmem>>
        %dma_wait3A_53 = arith.constant 9984 : i32
        %dma_wait3A_54 = arith.constant 0 : i32
        %dma_wait3A_55 = tpu.memref_slice %arg7[%dma_wait3A_53, %dma_wait3A_54] : memref<10000x16xf32, #tpu.memory_space<vmem_shared>> -> memref<16x16xf32, #tpu.memory_space<vmem_shared>>
        %dma_wait3A_56 = arith.constant 9984 : i32
        %dma_wait3A_57 = arith.constant 0 : i32
        %dma_wait3A_58 = tpu.memref_slice %arg7[%dma_wait3A_56, %dma_wait3A_57] : memref<10000x16xf32, #tpu.memory_space<vmem_shared>> -> memref<16x16xf32, #tpu.memory_space<vmem_shared>>
        %dma_wait3A_59 = arith.constant 0 : i32
        %dma_wait3A_60 = arith.constant 0 : i32
        %dma_wait3A_61 = tpu.memref_slice %arg6[%dma_wait3A_59, %dma_wait3A_60] : memref<80x16xf32, #tpu.memory_space<vmem>> -> memref<16x16xf32, #tpu.memory_space<vmem>>
        tpu.wait_dma2 semaphore(%run_scoped3A : memref<!tpu.dma_semaphore, #tpu.memory_space<semaphore_mem>>) src(%dma_wait3A_61 : memref<16x16xf32, #tpu.memory_space<vmem>>) dst(%dma_wait3A_58 : memref<16x16xf32, #tpu.memory_space<vmem_shared>>)
        tpu.yield
      }) : () -> ()
    } else {
    }
    %barrier3A = arith.constant 0 : index
    tpu.barrier barrier_id(%barrier3A)
    %mul3A_18 = arith.constant 16 : i32
    %mul3A_19 = arith.muli %arg0, %mul3A_18 : i32
    %add3A_20 = arith.addi %mul3A_19, %arg1 : i32
    %mul3A_21 = arith.constant 125 : i32
    %mul3A_22 = arith.muli %add3A_20, %mul3A_21 : i32
    %mul3A_23 = arith.constant 80 : i32
    %mul3A_24 = arith.muli %mul3A_22, %mul3A_23 : i32
    %scan3A_25 = arith.constant 0 : i32
    %scan3A_26 = arith.constant 125 : i32
    %scan3A_27 = arith.addi %scan3A_25, %scan3A_26 : i32
    %scan3A_28 = arith.constant 1 : i32
    scf.for %scan3A_40 = %scan3A_25 to %scan3A_27 step %scan3A_28  : i32 {
      %mul3A_41 = arith.constant 1 : i32
      %mul3A_42 = arith.muli %scan3A_40, %mul3A_41 : i32
      %add3A_43 = arith.constant 0 : i32
      %add3A_44 = arith.addi %add3A_43, %mul3A_42 : i32
      %mul3A_45 = arith.constant 80 : i32
      %mul3A_46 = arith.muli %add3A_44, %mul3A_45 : i32
      %add3A_47 = arith.addi %mul3A_24, %mul3A_46 : i32
      "tpu.region"() ({
        %run_scoped3A = tpu.sem_alloc : memref<!tpu.dma_semaphore, #tpu.memory_space<semaphore_mem>>
        %dma_start3A = tpu.memref_slice %arg2[%add3A_47] : memref<320000xi32, #tpu.memory_space<hbm>> -> memref<80xi32, #tpu.memory_space<hbm>>
        %dma_start3A_48 = tpu.memref_slice %arg2[%add3A_47] : memref<320000xi32, #tpu.memory_space<hbm>> -> memref<80xi32, #tpu.memory_space<hbm>>
        tpu.enqueue_dma source(%dma_start3A_48 : memref<80xi32, #tpu.memory_space<hbm>>) target(%arg4 : memref<80xi32, #tpu.memory_space<vmem>>) target_semaphore(%run_scoped3A : memref<!tpu.dma_semaphore, #tpu.memory_space<semaphore_mem>>)
        %dma_wait3A = tpu.memref_slice %arg2[%add3A_47] : memref<320000xi32, #tpu.memory_space<hbm>> -> memref<80xi32, #tpu.memory_space<hbm>>
        %dma_wait3A_49 = tpu.memref_slice %arg2[%add3A_47] : memref<320000xi32, #tpu.memory_space<hbm>> -> memref<80xi32, #tpu.memory_space<hbm>>
        tpu.wait_dma2 semaphore(%run_scoped3A : memref<!tpu.dma_semaphore, #tpu.memory_space<semaphore_mem>>) src(%dma_wait3A_49 : memref<80xi32, #tpu.memory_space<hbm>>) dst(%arg4 : memref<80xi32, #tpu.memory_space<vmem>>)
        tpu.yield
      }) : () -> ()
      "tpu.region"() ({
        %run_scoped3A = tpu.sem_alloc : memref<!tpu.dma_semaphore, #tpu.memory_space<semaphore_mem>>
        %dma_start3A = arith.constant 0 : i32
        %dma_start3A_48 = arith.constant 0 : i32
        %dma_start3A_49 = tpu.memref_slice %arg7[%dma_start3A, %dma_start3A_48] : memref<10000x16xf32, #tpu.memory_space<vmem_shared>> -> memref<10000x16xf32, #tpu.memory_space<vmem_shared>>
        tpu.enqueue_indirect_dma source(%arg5 : memref<80x16xf32, #tpu.memory_space<vmem>>) target(%dma_start3A_49 : memref<10000x16xf32, #tpu.memory_space<vmem_shared>>) offsets(%arg4 : memref<80xi32, #tpu.memory_space<vmem>>) semaphore(%run_scoped3A : memref<!tpu.dma_semaphore, #tpu.memory_space<semaphore_mem>>) {add = true}
        %dma_wait3A = arith.constant 0 : i32
        %dma_wait3A_50 = arith.constant 0 : i32
        %dma_wait3A_51 = tpu.memref_slice %arg7[%dma_wait3A, %dma_wait3A_50] : memref<10000x16xf32, #tpu.memory_space<vmem_shared>> -> memref<10000x16xf32, #tpu.memory_space<vmem_shared>>
        tpu.wait_indirect_dma semaphore(%run_scoped3A : memref<!tpu.dma_semaphore, #tpu.memory_space<semaphore_mem>>) src(%arg5 : memref<80x16xf32, #tpu.memory_space<vmem>>) dst(%dma_wait3A_51 : memref<10000x16xf32, #tpu.memory_space<vmem_shared>>)
        tpu.yield
      }) : () -> ()
    }
    %scan3A_29 = arith.constant 125 : i32
    %barrier3A_30 = arith.constant 0 : index
    tpu.barrier barrier_id(%barrier3A_30)
    %mul3A_31 = arith.constant 624 : i32
    %mul3A_32 = arith.muli %arg1, %mul3A_31 : i32
    %mul3A_33 = arith.constant 624 : i32
    %mul3A_34 = arith.muli %arg1, %mul3A_33 : i32
    "tpu.region"() ({
      %run_scoped3A = tpu.sem_alloc : memref<!tpu.dma_semaphore, #tpu.memory_space<semaphore_mem>>
      %dma_start3A = arith.constant 0 : i32
      %dma_start3A_40 = tpu.memref_slice %arg3[%arg0, %mul3A_34, %dma_start3A] : memref<2x10000x16xf32, #tpu.memory_space<hbm>> -> memref<1x624x16xf32, #tpu.memory_space<hbm>>
      %dma_start3A_41 = tpu.memref_squeeze %dma_start3A_40 : memref<1x624x16xf32, #tpu.memory_space<hbm>> -> memref<624x16xf32, #tpu.memory_space<hbm>>
      %dma_start3A_42 = arith.constant 0 : i32
      %dma_start3A_43 = tpu.memref_slice %arg7[%mul3A_32, %dma_start3A_42] : memref<10000x16xf32, #tpu.memory_space<vmem_shared>> -> memref<624x16xf32, #tpu.memory_space<vmem_shared>>
      tpu.enqueue_dma source(%dma_start3A_43 : memref<624x16xf32, #tpu.memory_space<vmem_shared>>) target(%dma_start3A_41 : memref<624x16xf32, #tpu.memory_space<hbm>>) target_semaphore(%run_scoped3A : memref<!tpu.dma_semaphore, #tpu.memory_space<semaphore_mem>>)
      %dma_wait3A = arith.constant 0 : i32
      %dma_wait3A_44 = tpu.memref_slice %arg3[%arg0, %mul3A_34, %dma_wait3A] : memref<2x10000x16xf32, #tpu.memory_space<hbm>> -> memref<1x624x16xf32, #tpu.memory_space<hbm>>
      %dma_wait3A_45 = tpu.memref_squeeze %dma_wait3A_44 : memref<1x624x16xf32, #tpu.memory_space<hbm>> -> memref<624x16xf32, #tpu.memory_space<hbm>>
      %dma_wait3A_46 = arith.constant 0 : i32
      %dma_wait3A_47 = tpu.memref_slice %arg7[%mul3A_32, %dma_wait3A_46] : memref<10000x16xf32, #tpu.memory_space<vmem_shared>> -> memref<624x16xf32, #tpu.memory_space<vmem_shared>>
      tpu.wait_dma2 semaphore(%run_scoped3A : memref<!tpu.dma_semaphore, #tpu.memory_space<semaphore_mem>>) src(%dma_wait3A_47 : memref<624x16xf32, #tpu.memory_space<vmem_shared>>) dst(%dma_wait3A_45 : memref<624x16xf32, #tpu.memory_space<hbm>>)
      tpu.yield
    }) : () -> ()
    %eq3A_35 = arith.constant 15 : i32
    %eq3A_36 = arith.cmpi eq, %arg1, %eq3A_35 : i32
    %convert_element_type3A_37 = arith.extui %eq3A_36 : i1 to i32
    %cond3A_38 = arith.constant 0 : i32
    %cond3A_39 = arith.cmpi ne, %convert_element_type3A_37, %cond3A_38 : i32
    scf.if %cond3A_39 {
      "tpu.region"() ({
        %run_scoped3A = tpu.sem_alloc : memref<!tpu.dma_semaphore, #tpu.memory_space<semaphore_mem>>
        %dma_start3A = arith.constant 9984 : i32
        %dma_start3A_40 = arith.constant 0 : i32
        %dma_start3A_41 = tpu.memref_slice %arg3[%arg0, %dma_start3A, %dma_start3A_40] : memref<2x10000x16xf32, #tpu.memory_space<hbm>> -> memref<1x16x16xf32, #tpu.memory_space<hbm>>
        %dma_start3A_42 = tpu.memref_squeeze %dma_start3A_41 : memref<1x16x16xf32, #tpu.memory_space<hbm>> -> memref<16x16xf32, #tpu.memory_space<hbm>>
        %dma_start3A_43 = arith.constant 9984 : i32
        %dma_start3A_44 = arith.constant 0 : i32
        %dma_start3A_45 = tpu.memref_slice %arg7[%dma_start3A_43, %dma_start3A_44] : memref<10000x16xf32, #tpu.memory_space<vmem_shared>> -> memref<16x16xf32, #tpu.memory_space<vmem_shared>>
        tpu.enqueue_dma source(%dma_start3A_45 : memref<16x16xf32, #tpu.memory_space<vmem_shared>>) target(%dma_start3A_42 : memref<16x16xf32, #tpu.memory_space<hbm>>) target_semaphore(%run_scoped3A : memref<!tpu.dma_semaphore, #tpu.memory_space<semaphore_mem>>)
        %dma_wait3A = arith.constant 9984 : i32
        %dma_wait3A_46 = arith.constant 0 : i32
        %dma_wait3A_47 = tpu.memref_slice %arg3[%arg0, %dma_wait3A, %dma_wait3A_46] : memref<2x10000x16xf32, #tpu.memory_space<hbm>> -> memref<1x16x16xf32, #tpu.memory_space<hbm>>
        %dma_wait3A_48 = tpu.memref_squeeze %dma_wait3A_47 : memref<1x16x16xf32, #tpu.memory_space<hbm>> -> memref<16x16xf32, #tpu.memory_space<hbm>>
        %dma_wait3A_49 = arith.constant 9984 : i32
        %dma_wait3A_50 = arith.constant 0 : i32
        %dma_wait3A_51 = tpu.memref_slice %arg7[%dma_wait3A_49, %dma_wait3A_50] : memref<10000x16xf32, #tpu.memory_space<vmem_shared>> -> memref<16x16xf32, #tpu.memory_space<vmem_shared>>
        tpu.wait_dma2 semaphore(%run_scoped3A : memref<!tpu.dma_semaphore, #tpu.memory_space<semaphore_mem>>) src(%dma_wait3A_51 : memref<16x16xf32, #tpu.memory_space<vmem_shared>>) dst(%dma_wait3A_48 : memref<16x16xf32, #tpu.memory_space<hbm>>)
        tpu.yield
      }) : () -> ()
    } else {
    }
    return
  }
}

module attributes {stable_mosaic.version = 14 : i64} {
  func.func @body(%arg0: i32, %arg1: memref<1000x8x128xf32, #tpu.memory_space<vmem>>, %arg2: memref<128x384xf32, #tpu.memory_space<vmem>>, %arg3: memref<128x384xf32, #tpu.memory_space<vmem>>, %arg4: memref<1x384xf32, #tpu.memory_space<vmem>>, %arg5: memref<1x384xf32, #tpu.memory_space<vmem>>, %arg6: memref<128x256xf32, #tpu.memory_space<vmem>>, %arg7: memref<1000x128xf32, #tpu.memory_space<vmem>>, %arg8: memref<1000x128xf32, #tpu.memory_space<vmem>>) attributes {dimension_semantics = [#tpu.dimension_semantics<arbitrary>], iteration_bounds = array<i64: 10>, scalar_prefetch = 0 : i64, scratch_operands = 0 : i64, tpu.core_type = #tpu.core_type<tc>, window_params = [{transform_indices = @transform_0, window_bounds = array<i64: 1000, 8, 128>}, {pipeline_mode = #tpu.pipeline_mode<synchronous>, transform_indices = @transform_1, window_bounds = array<i64: 128, 384>}, {pipeline_mode = #tpu.pipeline_mode<synchronous>, transform_indices = @transform_2, window_bounds = array<i64: 128, 384>}, {pipeline_mode = #tpu.pipeline_mode<synchronous>, transform_indices = @transform_3, window_bounds = array<i64: 1, 384>}, {pipeline_mode = #tpu.pipeline_mode<synchronous>, transform_indices = @transform_4, window_bounds = array<i64: 1, 384>}, {pipeline_mode = #tpu.pipeline_mode<synchronous>, transform_indices = @transform_5, window_bounds = array<i64: 128, 256>}, {transform_indices = @transform_6, window_bounds = array<i64: 1000, 128>}, {transform_indices = @transform_7, window_bounds = array<i64: 1000, 128>}]} {
    %get3A = arith.constant 0 : index
    %get3A_0 = arith.constant 0 : index
    %get3A_1 = vector.load %arg2[%get3A, %get3A_0] : memref<128x384xf32, #tpu.memory_space<vmem>>, vector<128x384xf32>
    %get3A_2 = arith.constant 0 : index
    %get3A_3 = arith.constant 0 : index
    %get3A_4 = vector.load %arg3[%get3A_2, %get3A_3] : memref<128x384xf32, #tpu.memory_space<vmem>>, vector<128x384xf32>
    %get3A_5 = arith.constant 0 : index
    %get3A_6 = arith.constant 0 : index
    %get3A_7 = vector.load %arg4[%get3A_5, %get3A_6] : memref<1x384xf32, #tpu.memory_space<vmem>>, vector<1x384xf32>
    %get3A_8 = arith.constant 0 : index
    %get3A_9 = arith.constant 0 : index
    %get3A_10 = vector.load %arg5[%get3A_8, %get3A_9] : memref<1x384xf32, #tpu.memory_space<vmem>>, vector<1x384xf32>
    %broadcast_in_dim3A = arith.constant 0.000000e+00 : f32
    %broadcast_in_dim3A_11 = vector.broadcast %broadcast_in_dim3A : f32 to vector<1000x128xf32>
    %get3A_12 = arith.constant 0 : index
    %get3A_13 = arith.constant 0 : index
    %get3A_14 = arith.constant 0 : index
    %get3A_15 = vector.load %arg1[%get3A_12, %get3A_13, %get3A_14] : memref<1000x8x128xf32, #tpu.memory_space<vmem>>, vector<1000x1x128xf32>
    %get3A_16 = vector.shape_cast %get3A_15 : vector<1000x1x128xf32> to vector<1000x128xf32>
    %dot_general3A = arith.constant dense<0.000000e+00> : vector<1000x384xf32>
    %dot_general3A_17 = tpu.matmul %get3A_16, %get3A_1, %dot_general3A {dimension_numbers = #tpu.dot_dimension_numbers<[1], [0], [0], [1], [0, 0, 1, 1], [], []>, transpose_lhs_hint = false} : vector<1000x128xf32>, vector<128x384xf32>, vector<1000x384xf32> -> vector<1000x384xf32>
    %add3A = vector.broadcast %get3A_7 : vector<1x384xf32> to vector<1000x384xf32>
    %add3A_18 = arith.addf %dot_general3A_17, %add3A : vector<1000x384xf32>
    %dot_general3A_19 = arith.constant dense<0.000000e+00> : vector<1000x384xf32>
    %dot_general3A_20 = tpu.matmul %broadcast_in_dim3A_11, %get3A_4, %dot_general3A_19 {dimension_numbers = #tpu.dot_dimension_numbers<[1], [0], [0], [1], [0, 0, 1, 1], [], []>, transpose_lhs_hint = false} : vector<1000x128xf32>, vector<128x384xf32>, vector<1000x384xf32> -> vector<1000x384xf32>
    %add3A_21 = vector.broadcast %get3A_10 : vector<1x384xf32> to vector<1000x384xf32>
    %add3A_22 = arith.addf %dot_general3A_20, %add3A_21 : vector<1000x384xf32>
    %slice3A = vector.extract_strided_slice %add3A_18 {offsets = [0, 0], sizes = [1000, 128], strides = [1, 1]} : vector<1000x384xf32> to vector<1000x128xf32>
    %slice3A_23 = vector.extract_strided_slice %add3A_22 {offsets = [0, 0], sizes = [1000, 128], strides = [1, 1]} : vector<1000x384xf32> to vector<1000x128xf32>
    %add3A_24 = arith.addf %slice3A, %slice3A_23 : vector<1000x128xf32>
    %logistic3A = arith.negf %add3A_24 : vector<1000x128xf32>
    %logistic3A_25 = math.exp %logistic3A : vector<1000x128xf32>
    %logistic3A_26 = arith.constant 1.000000e+00 : f32
    %logistic3A_27 = vector.broadcast %logistic3A_26 : f32 to vector<1000x128xf32>
    %logistic3A_28 = arith.addf %logistic3A_27, %logistic3A_25 : vector<1000x128xf32>
    %logistic3A_29 = arith.divf %logistic3A_27, %logistic3A_28 : vector<1000x128xf32>
    %slice3A_30 = vector.extract_strided_slice %add3A_18 {offsets = [0, 128], sizes = [1000, 128], strides = [1, 1]} : vector<1000x384xf32> to vector<1000x128xf32>
    %slice3A_31 = vector.extract_strided_slice %add3A_22 {offsets = [0, 128], sizes = [1000, 128], strides = [1, 1]} : vector<1000x384xf32> to vector<1000x128xf32>
    %add3A_32 = arith.addf %slice3A_30, %slice3A_31 : vector<1000x128xf32>
    %logistic3A_33 = arith.negf %add3A_32 : vector<1000x128xf32>
    %logistic3A_34 = math.exp %logistic3A_33 : vector<1000x128xf32>
    %logistic3A_35 = arith.constant 1.000000e+00 : f32
    %logistic3A_36 = vector.broadcast %logistic3A_35 : f32 to vector<1000x128xf32>
    %logistic3A_37 = arith.addf %logistic3A_36, %logistic3A_34 : vector<1000x128xf32>
    %logistic3A_38 = arith.divf %logistic3A_36, %logistic3A_37 : vector<1000x128xf32>
    %slice3A_39 = vector.extract_strided_slice %add3A_18 {offsets = [0, 256], sizes = [1000, 128], strides = [1, 1]} : vector<1000x384xf32> to vector<1000x128xf32>
    %slice3A_40 = vector.extract_strided_slice %add3A_22 {offsets = [0, 256], sizes = [1000, 128], strides = [1, 1]} : vector<1000x384xf32> to vector<1000x128xf32>
    %mul3A = arith.mulf %logistic3A_29, %slice3A_40 : vector<1000x128xf32>
    %add3A_41 = arith.addf %slice3A_39, %mul3A : vector<1000x128xf32>
    %tanh3A = math.tanh %add3A_41 : vector<1000x128xf32>
    %sub3A = arith.constant 1.000000e+00 : f32
    %sub3A_42 = vector.broadcast %sub3A : f32 to vector<1000x128xf32>
    %sub3A_43 = arith.subf %sub3A_42, %logistic3A_38 : vector<1000x128xf32>
    %mul3A_44 = arith.mulf %sub3A_43, %tanh3A : vector<1000x128xf32>
    %mul3A_45 = arith.mulf %logistic3A_38, %broadcast_in_dim3A_11 : vector<1000x128xf32>
    %add3A_46 = arith.addf %mul3A_44, %mul3A_45 : vector<1000x128xf32>
    %get3A_47 = arith.constant 0 : index
    %get3A_48 = arith.constant 1 : index
    %get3A_49 = arith.constant 0 : index
    %get3A_50 = vector.load %arg1[%get3A_47, %get3A_48, %get3A_49] : memref<1000x8x128xf32, #tpu.memory_space<vmem>>, vector<1000x1x128xf32>
    %get3A_51 = vector.shape_cast %get3A_50 : vector<1000x1x128xf32> to vector<1000x128xf32>
    %dot_general3A_52 = arith.constant dense<0.000000e+00> : vector<1000x384xf32>
    %dot_general3A_53 = tpu.matmul %get3A_51, %get3A_1, %dot_general3A_52 {dimension_numbers = #tpu.dot_dimension_numbers<[1], [0], [0], [1], [0, 0, 1, 1], [], []>, transpose_lhs_hint = false} : vector<1000x128xf32>, vector<128x384xf32>, vector<1000x384xf32> -> vector<1000x384xf32>
    %add3A_54 = vector.broadcast %get3A_7 : vector<1x384xf32> to vector<1000x384xf32>
    %add3A_55 = arith.addf %dot_general3A_53, %add3A_54 : vector<1000x384xf32>
    %dot_general3A_56 = arith.constant dense<0.000000e+00> : vector<1000x384xf32>
    %dot_general3A_57 = tpu.matmul %add3A_46, %get3A_4, %dot_general3A_56 {dimension_numbers = #tpu.dot_dimension_numbers<[1], [0], [0], [1], [0, 0, 1, 1], [], []>, transpose_lhs_hint = false} : vector<1000x128xf32>, vector<128x384xf32>, vector<1000x384xf32> -> vector<1000x384xf32>
    %add3A_58 = vector.broadcast %get3A_10 : vector<1x384xf32> to vector<1000x384xf32>
    %add3A_59 = arith.addf %dot_general3A_57, %add3A_58 : vector<1000x384xf32>
    %slice3A_60 = vector.extract_strided_slice %add3A_55 {offsets = [0, 0], sizes = [1000, 128], strides = [1, 1]} : vector<1000x384xf32> to vector<1000x128xf32>
    %slice3A_61 = vector.extract_strided_slice %add3A_59 {offsets = [0, 0], sizes = [1000, 128], strides = [1, 1]} : vector<1000x384xf32> to vector<1000x128xf32>
    %add3A_62 = arith.addf %slice3A_60, %slice3A_61 : vector<1000x128xf32>
    %logistic3A_63 = arith.negf %add3A_62 : vector<1000x128xf32>
    %logistic3A_64 = math.exp %logistic3A_63 : vector<1000x128xf32>
    %logistic3A_65 = arith.constant 1.000000e+00 : f32
    %logistic3A_66 = vector.broadcast %logistic3A_65 : f32 to vector<1000x128xf32>
    %logistic3A_67 = arith.addf %logistic3A_66, %logistic3A_64 : vector<1000x128xf32>
    %logistic3A_68 = arith.divf %logistic3A_66, %logistic3A_67 : vector<1000x128xf32>
    %slice3A_69 = vector.extract_strided_slice %add3A_55 {offsets = [0, 128], sizes = [1000, 128], strides = [1, 1]} : vector<1000x384xf32> to vector<1000x128xf32>
    %slice3A_70 = vector.extract_strided_slice %add3A_59 {offsets = [0, 128], sizes = [1000, 128], strides = [1, 1]} : vector<1000x384xf32> to vector<1000x128xf32>
    %add3A_71 = arith.addf %slice3A_69, %slice3A_70 : vector<1000x128xf32>
    %logistic3A_72 = arith.negf %add3A_71 : vector<1000x128xf32>
    %logistic3A_73 = math.exp %logistic3A_72 : vector<1000x128xf32>
    %logistic3A_74 = arith.constant 1.000000e+00 : f32
    %logistic3A_75 = vector.broadcast %logistic3A_74 : f32 to vector<1000x128xf32>
    %logistic3A_76 = arith.addf %logistic3A_75, %logistic3A_73 : vector<1000x128xf32>
    %logistic3A_77 = arith.divf %logistic3A_75, %logistic3A_76 : vector<1000x128xf32>
    %slice3A_78 = vector.extract_strided_slice %add3A_55 {offsets = [0, 256], sizes = [1000, 128], strides = [1, 1]} : vector<1000x384xf32> to vector<1000x128xf32>
    %slice3A_79 = vector.extract_strided_slice %add3A_59 {offsets = [0, 256], sizes = [1000, 128], strides = [1, 1]} : vector<1000x384xf32> to vector<1000x128xf32>
    %mul3A_80 = arith.mulf %logistic3A_68, %slice3A_79 : vector<1000x128xf32>
    %add3A_81 = arith.addf %slice3A_78, %mul3A_80 : vector<1000x128xf32>
    %tanh3A_82 = math.tanh %add3A_81 : vector<1000x128xf32>
    %sub3A_83 = arith.constant 1.000000e+00 : f32
    %sub3A_84 = vector.broadcast %sub3A_83 : f32 to vector<1000x128xf32>
    %sub3A_85 = arith.subf %sub3A_84, %logistic3A_77 : vector<1000x128xf32>
    %mul3A_86 = arith.mulf %sub3A_85, %tanh3A_82 : vector<1000x128xf32>
    %mul3A_87 = arith.mulf %logistic3A_77, %add3A_46 : vector<1000x128xf32>
    %add3A_88 = arith.addf %mul3A_86, %mul3A_87 : vector<1000x128xf32>
    %get3A_89 = arith.constant 0 : index
    %get3A_90 = arith.constant 2 : index
    %get3A_91 = arith.constant 0 : index
    %get3A_92 = vector.load %arg1[%get3A_89, %get3A_90, %get3A_91] : memref<1000x8x128xf32, #tpu.memory_space<vmem>>, vector<1000x1x128xf32>
    %get3A_93 = vector.shape_cast %get3A_92 : vector<1000x1x128xf32> to vector<1000x128xf32>
    %dot_general3A_94 = arith.constant dense<0.000000e+00> : vector<1000x384xf32>
    %dot_general3A_95 = tpu.matmul %get3A_93, %get3A_1, %dot_general3A_94 {dimension_numbers = #tpu.dot_dimension_numbers<[1], [0], [0], [1], [0, 0, 1, 1], [], []>, transpose_lhs_hint = false} : vector<1000x128xf32>, vector<128x384xf32>, vector<1000x384xf32> -> vector<1000x384xf32>
    %add3A_96 = vector.broadcast %get3A_7 : vector<1x384xf32> to vector<1000x384xf32>
    %add3A_97 = arith.addf %dot_general3A_95, %add3A_96 : vector<1000x384xf32>
    %dot_general3A_98 = arith.constant dense<0.000000e+00> : vector<1000x384xf32>
    %dot_general3A_99 = tpu.matmul %add3A_88, %get3A_4, %dot_general3A_98 {dimension_numbers = #tpu.dot_dimension_numbers<[1], [0], [0], [1], [0, 0, 1, 1], [], []>, transpose_lhs_hint = false} : vector<1000x128xf32>, vector<128x384xf32>, vector<1000x384xf32> -> vector<1000x384xf32>
    %add3A_100 = vector.broadcast %get3A_10 : vector<1x384xf32> to vector<1000x384xf32>
    %add3A_101 = arith.addf %dot_general3A_99, %add3A_100 : vector<1000x384xf32>
    %slice3A_102 = vector.extract_strided_slice %add3A_97 {offsets = [0, 0], sizes = [1000, 128], strides = [1, 1]} : vector<1000x384xf32> to vector<1000x128xf32>
    %slice3A_103 = vector.extract_strided_slice %add3A_101 {offsets = [0, 0], sizes = [1000, 128], strides = [1, 1]} : vector<1000x384xf32> to vector<1000x128xf32>
    %add3A_104 = arith.addf %slice3A_102, %slice3A_103 : vector<1000x128xf32>
    %logistic3A_105 = arith.negf %add3A_104 : vector<1000x128xf32>
    %logistic3A_106 = math.exp %logistic3A_105 : vector<1000x128xf32>
    %logistic3A_107 = arith.constant 1.000000e+00 : f32
    %logistic3A_108 = vector.broadcast %logistic3A_107 : f32 to vector<1000x128xf32>
    %logistic3A_109 = arith.addf %logistic3A_108, %logistic3A_106 : vector<1000x128xf32>
    %logistic3A_110 = arith.divf %logistic3A_108, %logistic3A_109 : vector<1000x128xf32>
    %slice3A_111 = vector.extract_strided_slice %add3A_97 {offsets = [0, 128], sizes = [1000, 128], strides = [1, 1]} : vector<1000x384xf32> to vector<1000x128xf32>
    %slice3A_112 = vector.extract_strided_slice %add3A_101 {offsets = [0, 128], sizes = [1000, 128], strides = [1, 1]} : vector<1000x384xf32> to vector<1000x128xf32>
    %add3A_113 = arith.addf %slice3A_111, %slice3A_112 : vector<1000x128xf32>
    %logistic3A_114 = arith.negf %add3A_113 : vector<1000x128xf32>
    %logistic3A_115 = math.exp %logistic3A_114 : vector<1000x128xf32>
    %logistic3A_116 = arith.constant 1.000000e+00 : f32
    %logistic3A_117 = vector.broadcast %logistic3A_116 : f32 to vector<1000x128xf32>
    %logistic3A_118 = arith.addf %logistic3A_117, %logistic3A_115 : vector<1000x128xf32>
    %logistic3A_119 = arith.divf %logistic3A_117, %logistic3A_118 : vector<1000x128xf32>
    %slice3A_120 = vector.extract_strided_slice %add3A_97 {offsets = [0, 256], sizes = [1000, 128], strides = [1, 1]} : vector<1000x384xf32> to vector<1000x128xf32>
    %slice3A_121 = vector.extract_strided_slice %add3A_101 {offsets = [0, 256], sizes = [1000, 128], strides = [1, 1]} : vector<1000x384xf32> to vector<1000x128xf32>
    %mul3A_122 = arith.mulf %logistic3A_110, %slice3A_121 : vector<1000x128xf32>
    %add3A_123 = arith.addf %slice3A_120, %mul3A_122 : vector<1000x128xf32>
    %tanh3A_124 = math.tanh %add3A_123 : vector<1000x128xf32>
    %sub3A_125 = arith.constant 1.000000e+00 : f32
    %sub3A_126 = vector.broadcast %sub3A_125 : f32 to vector<1000x128xf32>
    %sub3A_127 = arith.subf %sub3A_126, %logistic3A_119 : vector<1000x128xf32>
    %mul3A_128 = arith.mulf %sub3A_127, %tanh3A_124 : vector<1000x128xf32>
    %mul3A_129 = arith.mulf %logistic3A_119, %add3A_88 : vector<1000x128xf32>
    %add3A_130 = arith.addf %mul3A_128, %mul3A_129 : vector<1000x128xf32>
    %get3A_131 = arith.constant 0 : index
    %get3A_132 = arith.constant 3 : index
    %get3A_133 = arith.constant 0 : index
    %get3A_134 = vector.load %arg1[%get3A_131, %get3A_132, %get3A_133] : memref<1000x8x128xf32, #tpu.memory_space<vmem>>, vector<1000x1x128xf32>
    %get3A_135 = vector.shape_cast %get3A_134 : vector<1000x1x128xf32> to vector<1000x128xf32>
    %dot_general3A_136 = arith.constant dense<0.000000e+00> : vector<1000x384xf32>
    %dot_general3A_137 = tpu.matmul %get3A_135, %get3A_1, %dot_general3A_136 {dimension_numbers = #tpu.dot_dimension_numbers<[1], [0], [0], [1], [0, 0, 1, 1], [], []>, transpose_lhs_hint = false} : vector<1000x128xf32>, vector<128x384xf32>, vector<1000x384xf32> -> vector<1000x384xf32>
    %add3A_138 = vector.broadcast %get3A_7 : vector<1x384xf32> to vector<1000x384xf32>
    %add3A_139 = arith.addf %dot_general3A_137, %add3A_138 : vector<1000x384xf32>
    %dot_general3A_140 = arith.constant dense<0.000000e+00> : vector<1000x384xf32>
    %dot_general3A_141 = tpu.matmul %add3A_130, %get3A_4, %dot_general3A_140 {dimension_numbers = #tpu.dot_dimension_numbers<[1], [0], [0], [1], [0, 0, 1, 1], [], []>, transpose_lhs_hint = false} : vector<1000x128xf32>, vector<128x384xf32>, vector<1000x384xf32> -> vector<1000x384xf32>
    %add3A_142 = vector.broadcast %get3A_10 : vector<1x384xf32> to vector<1000x384xf32>
    %add3A_143 = arith.addf %dot_general3A_141, %add3A_142 : vector<1000x384xf32>
    %slice3A_144 = vector.extract_strided_slice %add3A_139 {offsets = [0, 0], sizes = [1000, 128], strides = [1, 1]} : vector<1000x384xf32> to vector<1000x128xf32>
    %slice3A_145 = vector.extract_strided_slice %add3A_143 {offsets = [0, 0], sizes = [1000, 128], strides = [1, 1]} : vector<1000x384xf32> to vector<1000x128xf32>
    %add3A_146 = arith.addf %slice3A_144, %slice3A_145 : vector<1000x128xf32>
    %logistic3A_147 = arith.negf %add3A_146 : vector<1000x128xf32>
    %logistic3A_148 = math.exp %logistic3A_147 : vector<1000x128xf32>
    %logistic3A_149 = arith.constant 1.000000e+00 : f32
    %logistic3A_150 = vector.broadcast %logistic3A_149 : f32 to vector<1000x128xf32>
    %logistic3A_151 = arith.addf %logistic3A_150, %logistic3A_148 : vector<1000x128xf32>
    %logistic3A_152 = arith.divf %logistic3A_150, %logistic3A_151 : vector<1000x128xf32>
    %slice3A_153 = vector.extract_strided_slice %add3A_139 {offsets = [0, 128], sizes = [1000, 128], strides = [1, 1]} : vector<1000x384xf32> to vector<1000x128xf32>
    %slice3A_154 = vector.extract_strided_slice %add3A_143 {offsets = [0, 128], sizes = [1000, 128], strides = [1, 1]} : vector<1000x384xf32> to vector<1000x128xf32>
    %add3A_155 = arith.addf %slice3A_153, %slice3A_154 : vector<1000x128xf32>
    %logistic3A_156 = arith.negf %add3A_155 : vector<1000x128xf32>
    %logistic3A_157 = math.exp %logistic3A_156 : vector<1000x128xf32>
    %logistic3A_158 = arith.constant 1.000000e+00 : f32
    %logistic3A_159 = vector.broadcast %logistic3A_158 : f32 to vector<1000x128xf32>
    %logistic3A_160 = arith.addf %logistic3A_159, %logistic3A_157 : vector<1000x128xf32>
    %logistic3A_161 = arith.divf %logistic3A_159, %logistic3A_160 : vector<1000x128xf32>
    %slice3A_162 = vector.extract_strided_slice %add3A_139 {offsets = [0, 256], sizes = [1000, 128], strides = [1, 1]} : vector<1000x384xf32> to vector<1000x128xf32>
    %slice3A_163 = vector.extract_strided_slice %add3A_143 {offsets = [0, 256], sizes = [1000, 128], strides = [1, 1]} : vector<1000x384xf32> to vector<1000x128xf32>
    %mul3A_164 = arith.mulf %logistic3A_152, %slice3A_163 : vector<1000x128xf32>
    %add3A_165 = arith.addf %slice3A_162, %mul3A_164 : vector<1000x128xf32>
    %tanh3A_166 = math.tanh %add3A_165 : vector<1000x128xf32>
    %sub3A_167 = arith.constant 1.000000e+00 : f32
    %sub3A_168 = vector.broadcast %sub3A_167 : f32 to vector<1000x128xf32>
    %sub3A_169 = arith.subf %sub3A_168, %logistic3A_161 : vector<1000x128xf32>
    %mul3A_170 = arith.mulf %sub3A_169, %tanh3A_166 : vector<1000x128xf32>
    %mul3A_171 = arith.mulf %logistic3A_161, %add3A_130 : vector<1000x128xf32>
    %add3A_172 = arith.addf %mul3A_170, %mul3A_171 : vector<1000x128xf32>
    %get3A_173 = arith.constant 0 : index
    %get3A_174 = arith.constant 4 : index
    %get3A_175 = arith.constant 0 : index
    %get3A_176 = vector.load %arg1[%get3A_173, %get3A_174, %get3A_175] : memref<1000x8x128xf32, #tpu.memory_space<vmem>>, vector<1000x1x128xf32>
    %get3A_177 = vector.shape_cast %get3A_176 : vector<1000x1x128xf32> to vector<1000x128xf32>
    %dot_general3A_178 = arith.constant dense<0.000000e+00> : vector<1000x384xf32>
    %dot_general3A_179 = tpu.matmul %get3A_177, %get3A_1, %dot_general3A_178 {dimension_numbers = #tpu.dot_dimension_numbers<[1], [0], [0], [1], [0, 0, 1, 1], [], []>, transpose_lhs_hint = false} : vector<1000x128xf32>, vector<128x384xf32>, vector<1000x384xf32> -> vector<1000x384xf32>
    %add3A_180 = vector.broadcast %get3A_7 : vector<1x384xf32> to vector<1000x384xf32>
    %add3A_181 = arith.addf %dot_general3A_179, %add3A_180 : vector<1000x384xf32>
    %dot_general3A_182 = arith.constant dense<0.000000e+00> : vector<1000x384xf32>
    %dot_general3A_183 = tpu.matmul %add3A_172, %get3A_4, %dot_general3A_182 {dimension_numbers = #tpu.dot_dimension_numbers<[1], [0], [0], [1], [0, 0, 1, 1], [], []>, transpose_lhs_hint = false} : vector<1000x128xf32>, vector<128x384xf32>, vector<1000x384xf32> -> vector<1000x384xf32>
    %add3A_184 = vector.broadcast %get3A_10 : vector<1x384xf32> to vector<1000x384xf32>
    %add3A_185 = arith.addf %dot_general3A_183, %add3A_184 : vector<1000x384xf32>
    %slice3A_186 = vector.extract_strided_slice %add3A_181 {offsets = [0, 0], sizes = [1000, 128], strides = [1, 1]} : vector<1000x384xf32> to vector<1000x128xf32>
    %slice3A_187 = vector.extract_strided_slice %add3A_185 {offsets = [0, 0], sizes = [1000, 128], strides = [1, 1]} : vector<1000x384xf32> to vector<1000x128xf32>
    %add3A_188 = arith.addf %slice3A_186, %slice3A_187 : vector<1000x128xf32>
    %logistic3A_189 = arith.negf %add3A_188 : vector<1000x128xf32>
    %logistic3A_190 = math.exp %logistic3A_189 : vector<1000x128xf32>
    %logistic3A_191 = arith.constant 1.000000e+00 : f32
    %logistic3A_192 = vector.broadcast %logistic3A_191 : f32 to vector<1000x128xf32>
    %logistic3A_193 = arith.addf %logistic3A_192, %logistic3A_190 : vector<1000x128xf32>
    %logistic3A_194 = arith.divf %logistic3A_192, %logistic3A_193 : vector<1000x128xf32>
    %slice3A_195 = vector.extract_strided_slice %add3A_181 {offsets = [0, 128], sizes = [1000, 128], strides = [1, 1]} : vector<1000x384xf32> to vector<1000x128xf32>
    %slice3A_196 = vector.extract_strided_slice %add3A_185 {offsets = [0, 128], sizes = [1000, 128], strides = [1, 1]} : vector<1000x384xf32> to vector<1000x128xf32>
    %add3A_197 = arith.addf %slice3A_195, %slice3A_196 : vector<1000x128xf32>
    %logistic3A_198 = arith.negf %add3A_197 : vector<1000x128xf32>
    %logistic3A_199 = math.exp %logistic3A_198 : vector<1000x128xf32>
    %logistic3A_200 = arith.constant 1.000000e+00 : f32
    %logistic3A_201 = vector.broadcast %logistic3A_200 : f32 to vector<1000x128xf32>
    %logistic3A_202 = arith.addf %logistic3A_201, %logistic3A_199 : vector<1000x128xf32>
    %logistic3A_203 = arith.divf %logistic3A_201, %logistic3A_202 : vector<1000x128xf32>
    %slice3A_204 = vector.extract_strided_slice %add3A_181 {offsets = [0, 256], sizes = [1000, 128], strides = [1, 1]} : vector<1000x384xf32> to vector<1000x128xf32>
    %slice3A_205 = vector.extract_strided_slice %add3A_185 {offsets = [0, 256], sizes = [1000, 128], strides = [1, 1]} : vector<1000x384xf32> to vector<1000x128xf32>
    %mul3A_206 = arith.mulf %logistic3A_194, %slice3A_205 : vector<1000x128xf32>
    %add3A_207 = arith.addf %slice3A_204, %mul3A_206 : vector<1000x128xf32>
    %tanh3A_208 = math.tanh %add3A_207 : vector<1000x128xf32>
    %sub3A_209 = arith.constant 1.000000e+00 : f32
    %sub3A_210 = vector.broadcast %sub3A_209 : f32 to vector<1000x128xf32>
    %sub3A_211 = arith.subf %sub3A_210, %logistic3A_203 : vector<1000x128xf32>
    %mul3A_212 = arith.mulf %sub3A_211, %tanh3A_208 : vector<1000x128xf32>
    %mul3A_213 = arith.mulf %logistic3A_203, %add3A_172 : vector<1000x128xf32>
    %add3A_214 = arith.addf %mul3A_212, %mul3A_213 : vector<1000x128xf32>
    %get3A_215 = arith.constant 0 : index
    %get3A_216 = arith.constant 5 : index
    %get3A_217 = arith.constant 0 : index
    %get3A_218 = vector.load %arg1[%get3A_215, %get3A_216, %get3A_217] : memref<1000x8x128xf32, #tpu.memory_space<vmem>>, vector<1000x1x128xf32>
    %get3A_219 = vector.shape_cast %get3A_218 : vector<1000x1x128xf32> to vector<1000x128xf32>
    %dot_general3A_220 = arith.constant dense<0.000000e+00> : vector<1000x384xf32>
    %dot_general3A_221 = tpu.matmul %get3A_219, %get3A_1, %dot_general3A_220 {dimension_numbers = #tpu.dot_dimension_numbers<[1], [0], [0], [1], [0, 0, 1, 1], [], []>, transpose_lhs_hint = false} : vector<1000x128xf32>, vector<128x384xf32>, vector<1000x384xf32> -> vector<1000x384xf32>
    %add3A_222 = vector.broadcast %get3A_7 : vector<1x384xf32> to vector<1000x384xf32>
    %add3A_223 = arith.addf %dot_general3A_221, %add3A_222 : vector<1000x384xf32>
    %dot_general3A_224 = arith.constant dense<0.000000e+00> : vector<1000x384xf32>
    %dot_general3A_225 = tpu.matmul %add3A_214, %get3A_4, %dot_general3A_224 {dimension_numbers = #tpu.dot_dimension_numbers<[1], [0], [0], [1], [0, 0, 1, 1], [], []>, transpose_lhs_hint = false} : vector<1000x128xf32>, vector<128x384xf32>, vector<1000x384xf32> -> vector<1000x384xf32>
    %add3A_226 = vector.broadcast %get3A_10 : vector<1x384xf32> to vector<1000x384xf32>
    %add3A_227 = arith.addf %dot_general3A_225, %add3A_226 : vector<1000x384xf32>
    %slice3A_228 = vector.extract_strided_slice %add3A_223 {offsets = [0, 0], sizes = [1000, 128], strides = [1, 1]} : vector<1000x384xf32> to vector<1000x128xf32>
    %slice3A_229 = vector.extract_strided_slice %add3A_227 {offsets = [0, 0], sizes = [1000, 128], strides = [1, 1]} : vector<1000x384xf32> to vector<1000x128xf32>
    %add3A_230 = arith.addf %slice3A_228, %slice3A_229 : vector<1000x128xf32>
    %logistic3A_231 = arith.negf %add3A_230 : vector<1000x128xf32>
    %logistic3A_232 = math.exp %logistic3A_231 : vector<1000x128xf32>
    %logistic3A_233 = arith.constant 1.000000e+00 : f32
    %logistic3A_234 = vector.broadcast %logistic3A_233 : f32 to vector<1000x128xf32>
    %logistic3A_235 = arith.addf %logistic3A_234, %logistic3A_232 : vector<1000x128xf32>
    %logistic3A_236 = arith.divf %logistic3A_234, %logistic3A_235 : vector<1000x128xf32>
    %slice3A_237 = vector.extract_strided_slice %add3A_223 {offsets = [0, 128], sizes = [1000, 128], strides = [1, 1]} : vector<1000x384xf32> to vector<1000x128xf32>
    %slice3A_238 = vector.extract_strided_slice %add3A_227 {offsets = [0, 128], sizes = [1000, 128], strides = [1, 1]} : vector<1000x384xf32> to vector<1000x128xf32>
    %add3A_239 = arith.addf %slice3A_237, %slice3A_238 : vector<1000x128xf32>
    %logistic3A_240 = arith.negf %add3A_239 : vector<1000x128xf32>
    %logistic3A_241 = math.exp %logistic3A_240 : vector<1000x128xf32>
    %logistic3A_242 = arith.constant 1.000000e+00 : f32
    %logistic3A_243 = vector.broadcast %logistic3A_242 : f32 to vector<1000x128xf32>
    %logistic3A_244 = arith.addf %logistic3A_243, %logistic3A_241 : vector<1000x128xf32>
    %logistic3A_245 = arith.divf %logistic3A_243, %logistic3A_244 : vector<1000x128xf32>
    %slice3A_246 = vector.extract_strided_slice %add3A_223 {offsets = [0, 256], sizes = [1000, 128], strides = [1, 1]} : vector<1000x384xf32> to vector<1000x128xf32>
    %slice3A_247 = vector.extract_strided_slice %add3A_227 {offsets = [0, 256], sizes = [1000, 128], strides = [1, 1]} : vector<1000x384xf32> to vector<1000x128xf32>
    %mul3A_248 = arith.mulf %logistic3A_236, %slice3A_247 : vector<1000x128xf32>
    %add3A_249 = arith.addf %slice3A_246, %mul3A_248 : vector<1000x128xf32>
    %tanh3A_250 = math.tanh %add3A_249 : vector<1000x128xf32>
    %sub3A_251 = arith.constant 1.000000e+00 : f32
    %sub3A_252 = vector.broadcast %sub3A_251 : f32 to vector<1000x128xf32>
    %sub3A_253 = arith.subf %sub3A_252, %logistic3A_245 : vector<1000x128xf32>
    %mul3A_254 = arith.mulf %sub3A_253, %tanh3A_250 : vector<1000x128xf32>
    %mul3A_255 = arith.mulf %logistic3A_245, %add3A_214 : vector<1000x128xf32>
    %add3A_256 = arith.addf %mul3A_254, %mul3A_255 : vector<1000x128xf32>
    %get3A_257 = arith.constant 0 : index
    %get3A_258 = arith.constant 6 : index
    %get3A_259 = arith.constant 0 : index
    %get3A_260 = vector.load %arg1[%get3A_257, %get3A_258, %get3A_259] : memref<1000x8x128xf32, #tpu.memory_space<vmem>>, vector<1000x1x128xf32>
    %get3A_261 = vector.shape_cast %get3A_260 : vector<1000x1x128xf32> to vector<1000x128xf32>
    %dot_general3A_262 = arith.constant dense<0.000000e+00> : vector<1000x384xf32>
    %dot_general3A_263 = tpu.matmul %get3A_261, %get3A_1, %dot_general3A_262 {dimension_numbers = #tpu.dot_dimension_numbers<[1], [0], [0], [1], [0, 0, 1, 1], [], []>, transpose_lhs_hint = false} : vector<1000x128xf32>, vector<128x384xf32>, vector<1000x384xf32> -> vector<1000x384xf32>
    %add3A_264 = vector.broadcast %get3A_7 : vector<1x384xf32> to vector<1000x384xf32>
    %add3A_265 = arith.addf %dot_general3A_263, %add3A_264 : vector<1000x384xf32>
    %dot_general3A_266 = arith.constant dense<0.000000e+00> : vector<1000x384xf32>
    %dot_general3A_267 = tpu.matmul %add3A_256, %get3A_4, %dot_general3A_266 {dimension_numbers = #tpu.dot_dimension_numbers<[1], [0], [0], [1], [0, 0, 1, 1], [], []>, transpose_lhs_hint = false} : vector<1000x128xf32>, vector<128x384xf32>, vector<1000x384xf32> -> vector<1000x384xf32>
    %add3A_268 = vector.broadcast %get3A_10 : vector<1x384xf32> to vector<1000x384xf32>
    %add3A_269 = arith.addf %dot_general3A_267, %add3A_268 : vector<1000x384xf32>
    %slice3A_270 = vector.extract_strided_slice %add3A_265 {offsets = [0, 0], sizes = [1000, 128], strides = [1, 1]} : vector<1000x384xf32> to vector<1000x128xf32>
    %slice3A_271 = vector.extract_strided_slice %add3A_269 {offsets = [0, 0], sizes = [1000, 128], strides = [1, 1]} : vector<1000x384xf32> to vector<1000x128xf32>
    %add3A_272 = arith.addf %slice3A_270, %slice3A_271 : vector<1000x128xf32>
    %logistic3A_273 = arith.negf %add3A_272 : vector<1000x128xf32>
    %logistic3A_274 = math.exp %logistic3A_273 : vector<1000x128xf32>
    %logistic3A_275 = arith.constant 1.000000e+00 : f32
    %logistic3A_276 = vector.broadcast %logistic3A_275 : f32 to vector<1000x128xf32>
    %logistic3A_277 = arith.addf %logistic3A_276, %logistic3A_274 : vector<1000x128xf32>
    %logistic3A_278 = arith.divf %logistic3A_276, %logistic3A_277 : vector<1000x128xf32>
    %slice3A_279 = vector.extract_strided_slice %add3A_265 {offsets = [0, 128], sizes = [1000, 128], strides = [1, 1]} : vector<1000x384xf32> to vector<1000x128xf32>
    %slice3A_280 = vector.extract_strided_slice %add3A_269 {offsets = [0, 128], sizes = [1000, 128], strides = [1, 1]} : vector<1000x384xf32> to vector<1000x128xf32>
    %add3A_281 = arith.addf %slice3A_279, %slice3A_280 : vector<1000x128xf32>
    %logistic3A_282 = arith.negf %add3A_281 : vector<1000x128xf32>
    %logistic3A_283 = math.exp %logistic3A_282 : vector<1000x128xf32>
    %logistic3A_284 = arith.constant 1.000000e+00 : f32
    %logistic3A_285 = vector.broadcast %logistic3A_284 : f32 to vector<1000x128xf32>
    %logistic3A_286 = arith.addf %logistic3A_285, %logistic3A_283 : vector<1000x128xf32>
    %logistic3A_287 = arith.divf %logistic3A_285, %logistic3A_286 : vector<1000x128xf32>
    %slice3A_288 = vector.extract_strided_slice %add3A_265 {offsets = [0, 256], sizes = [1000, 128], strides = [1, 1]} : vector<1000x384xf32> to vector<1000x128xf32>
    %slice3A_289 = vector.extract_strided_slice %add3A_269 {offsets = [0, 256], sizes = [1000, 128], strides = [1, 1]} : vector<1000x384xf32> to vector<1000x128xf32>
    %mul3A_290 = arith.mulf %logistic3A_278, %slice3A_289 : vector<1000x128xf32>
    %add3A_291 = arith.addf %slice3A_288, %mul3A_290 : vector<1000x128xf32>
    %tanh3A_292 = math.tanh %add3A_291 : vector<1000x128xf32>
    %sub3A_293 = arith.constant 1.000000e+00 : f32
    %sub3A_294 = vector.broadcast %sub3A_293 : f32 to vector<1000x128xf32>
    %sub3A_295 = arith.subf %sub3A_294, %logistic3A_287 : vector<1000x128xf32>
    %mul3A_296 = arith.mulf %sub3A_295, %tanh3A_292 : vector<1000x128xf32>
    %mul3A_297 = arith.mulf %logistic3A_287, %add3A_256 : vector<1000x128xf32>
    %add3A_298 = arith.addf %mul3A_296, %mul3A_297 : vector<1000x128xf32>
    %get3A_299 = arith.constant 0 : index
    %get3A_300 = arith.constant 7 : index
    %get3A_301 = arith.constant 0 : index
    %get3A_302 = vector.load %arg1[%get3A_299, %get3A_300, %get3A_301] : memref<1000x8x128xf32, #tpu.memory_space<vmem>>, vector<1000x1x128xf32>
    %get3A_303 = vector.shape_cast %get3A_302 : vector<1000x1x128xf32> to vector<1000x128xf32>
    %dot_general3A_304 = arith.constant dense<0.000000e+00> : vector<1000x384xf32>
    %dot_general3A_305 = tpu.matmul %get3A_303, %get3A_1, %dot_general3A_304 {dimension_numbers = #tpu.dot_dimension_numbers<[1], [0], [0], [1], [0, 0, 1, 1], [], []>, transpose_lhs_hint = false} : vector<1000x128xf32>, vector<128x384xf32>, vector<1000x384xf32> -> vector<1000x384xf32>
    %add3A_306 = vector.broadcast %get3A_7 : vector<1x384xf32> to vector<1000x384xf32>
    %add3A_307 = arith.addf %dot_general3A_305, %add3A_306 : vector<1000x384xf32>
    %dot_general3A_308 = arith.constant dense<0.000000e+00> : vector<1000x384xf32>
    %dot_general3A_309 = tpu.matmul %add3A_298, %get3A_4, %dot_general3A_308 {dimension_numbers = #tpu.dot_dimension_numbers<[1], [0], [0], [1], [0, 0, 1, 1], [], []>, transpose_lhs_hint = false} : vector<1000x128xf32>, vector<128x384xf32>, vector<1000x384xf32> -> vector<1000x384xf32>
    %add3A_310 = vector.broadcast %get3A_10 : vector<1x384xf32> to vector<1000x384xf32>
    %add3A_311 = arith.addf %dot_general3A_309, %add3A_310 : vector<1000x384xf32>
    %slice3A_312 = vector.extract_strided_slice %add3A_307 {offsets = [0, 0], sizes = [1000, 128], strides = [1, 1]} : vector<1000x384xf32> to vector<1000x128xf32>
    %slice3A_313 = vector.extract_strided_slice %add3A_311 {offsets = [0, 0], sizes = [1000, 128], strides = [1, 1]} : vector<1000x384xf32> to vector<1000x128xf32>
    %add3A_314 = arith.addf %slice3A_312, %slice3A_313 : vector<1000x128xf32>
    %logistic3A_315 = arith.negf %add3A_314 : vector<1000x128xf32>
    %logistic3A_316 = math.exp %logistic3A_315 : vector<1000x128xf32>
    %logistic3A_317 = arith.constant 1.000000e+00 : f32
    %logistic3A_318 = vector.broadcast %logistic3A_317 : f32 to vector<1000x128xf32>
    %logistic3A_319 = arith.addf %logistic3A_318, %logistic3A_316 : vector<1000x128xf32>
    %logistic3A_320 = arith.divf %logistic3A_318, %logistic3A_319 : vector<1000x128xf32>
    %slice3A_321 = vector.extract_strided_slice %add3A_307 {offsets = [0, 128], sizes = [1000, 128], strides = [1, 1]} : vector<1000x384xf32> to vector<1000x128xf32>
    %slice3A_322 = vector.extract_strided_slice %add3A_311 {offsets = [0, 128], sizes = [1000, 128], strides = [1, 1]} : vector<1000x384xf32> to vector<1000x128xf32>
    %add3A_323 = arith.addf %slice3A_321, %slice3A_322 : vector<1000x128xf32>
    %logistic3A_324 = arith.negf %add3A_323 : vector<1000x128xf32>
    %logistic3A_325 = math.exp %logistic3A_324 : vector<1000x128xf32>
    %logistic3A_326 = arith.constant 1.000000e+00 : f32
    %logistic3A_327 = vector.broadcast %logistic3A_326 : f32 to vector<1000x128xf32>
    %logistic3A_328 = arith.addf %logistic3A_327, %logistic3A_325 : vector<1000x128xf32>
    %logistic3A_329 = arith.divf %logistic3A_327, %logistic3A_328 : vector<1000x128xf32>
    %slice3A_330 = vector.extract_strided_slice %add3A_307 {offsets = [0, 256], sizes = [1000, 128], strides = [1, 1]} : vector<1000x384xf32> to vector<1000x128xf32>
    %slice3A_331 = vector.extract_strided_slice %add3A_311 {offsets = [0, 256], sizes = [1000, 128], strides = [1, 1]} : vector<1000x384xf32> to vector<1000x128xf32>
    %mul3A_332 = arith.mulf %logistic3A_320, %slice3A_331 : vector<1000x128xf32>
    %add3A_333 = arith.addf %slice3A_330, %mul3A_332 : vector<1000x128xf32>
    %tanh3A_334 = math.tanh %add3A_333 : vector<1000x128xf32>
    %sub3A_335 = arith.constant 1.000000e+00 : f32
    %sub3A_336 = vector.broadcast %sub3A_335 : f32 to vector<1000x128xf32>
    %sub3A_337 = arith.subf %sub3A_336, %logistic3A_329 : vector<1000x128xf32>
    %mul3A_338 = arith.mulf %sub3A_337, %tanh3A_334 : vector<1000x128xf32>
    %mul3A_339 = arith.mulf %logistic3A_329, %add3A_298 : vector<1000x128xf32>
    %add3A_340 = arith.addf %mul3A_338, %mul3A_339 : vector<1000x128xf32>
    %get3A_341 = arith.constant 0 : index
    %get3A_342 = arith.constant 0 : index
    %get3A_343 = vector.load %arg6[%get3A_341, %get3A_342] : memref<128x256xf32, #tpu.memory_space<vmem>>, vector<128x256xf32>
    %dot_general3A_344 = arith.constant dense<0.000000e+00> : vector<1000x256xf32>
    %dot_general3A_345 = tpu.matmul %add3A_340, %get3A_343, %dot_general3A_344 {dimension_numbers = #tpu.dot_dimension_numbers<[1], [0], [0], [1], [0, 0, 1, 1], [], []>, transpose_lhs_hint = false} : vector<1000x128xf32>, vector<128x256xf32>, vector<1000x256xf32> -> vector<1000x256xf32>
    %slice3A_346 = vector.extract_strided_slice %dot_general3A_345 {offsets = [0, 0], sizes = [1000, 128], strides = [1, 1]} : vector<1000x256xf32> to vector<1000x128xf32>
    %swap3A = arith.constant 0 : index
    %swap3A_347 = arith.constant 0 : index
    %swap3A_348 = vector.load %arg7[%swap3A, %swap3A_347] : memref<1000x128xf32, #tpu.memory_space<vmem>>, vector<1000x128xf32>
    tpu.vector_store %arg7[%swap3A, %swap3A_347], %slice3A_346 {strides = array<i32>} : memref<1000x128xf32, #tpu.memory_space<vmem>>, vector<1000x128xf32>,
    %slice3A_349 = vector.extract_strided_slice %dot_general3A_345 {offsets = [0, 128], sizes = [1000, 128], strides = [1, 1]} : vector<1000x256xf32> to vector<1000x128xf32>
    %swap3A_350 = arith.constant 0 : index
    %swap3A_351 = arith.constant 0 : index
    %swap3A_352 = vector.load %arg8[%swap3A_350, %swap3A_351] : memref<1000x128xf32, #tpu.memory_space<vmem>>, vector<1000x128xf32>
    tpu.vector_store %arg8[%swap3A_350, %swap3A_351], %slice3A_349 {strides = array<i32>} : memref<1000x128xf32, #tpu.memory_space<vmem>>, vector<1000x128xf32>,
    return
  }
  func.func @transform_0(%arg0: i32) -> (i32, i32, i32) {
    %c0_i32 = arith.constant 0 : i32
    %c0_i32_0 = arith.constant 0 : i32
    %c0_i32_1 = arith.constant 0 : i32
    return %arg0, %c0_i32, %c0_i32_0 : i32, i32, i32
  }
  func.func @transform_1(%arg0: i32) -> (i32, i32) {
    %c0_i32 = arith.constant 0 : i32
    %c0_i32_0 = arith.constant 0 : i32
    %c0_i32_1 = arith.constant 0 : i32
    return %c0_i32, %c0_i32_0 : i32, i32
  }
  func.func @transform_2(%arg0: i32) -> (i32, i32) {
    %c0_i32 = arith.constant 0 : i32
    %c0_i32_0 = arith.constant 0 : i32
    %c0_i32_1 = arith.constant 0 : i32
    return %c0_i32, %c0_i32_0 : i32, i32
  }
  func.func @transform_3(%arg0: i32) -> (i32, i32) {
    %c0_i32 = arith.constant 0 : i32
    %c0_i32_0 = arith.constant 0 : i32
    %c0_i32_1 = arith.constant 0 : i32
    return %c0_i32, %c0_i32_0 : i32, i32
  }
  func.func @transform_4(%arg0: i32) -> (i32, i32) {
    %c0_i32 = arith.constant 0 : i32
    %c0_i32_0 = arith.constant 0 : i32
    %c0_i32_1 = arith.constant 0 : i32
    return %c0_i32, %c0_i32_0 : i32, i32
  }
  func.func @transform_5(%arg0: i32) -> (i32, i32) {
    %c0_i32 = arith.constant 0 : i32
    %c0_i32_0 = arith.constant 0 : i32
    %c0_i32_1 = arith.constant 0 : i32
    return %c0_i32, %c0_i32_0 : i32, i32
  }
  func.func @transform_6(%arg0: i32) -> (i32, i32) {
    %c0_i32 = arith.constant 0 : i32
    %c0_i32_0 = arith.constant 0 : i32
    return %arg0, %c0_i32 : i32, i32
  }
  func.func @transform_7(%arg0: i32) -> (i32, i32) {
    %c0_i32 = arith.constant 0 : i32
    %c0_i32_0 = arith.constant 0 : i32
    return %arg0, %c0_i32 : i32, i32
  }
}

module attributes {stable_mosaic.version = 14 : i64} {
  func.func @body(%arg0: i32, %arg1: memref<2x1000x128xf32, #tpu.memory_space<vmem>>, %arg2: memref<2x1000x128xf32, #tpu.memory_space<vmem>>, %arg3: memref<1000x128xf32, #tpu.memory_space<vmem>>, %arg4: memref<1000x128xf32, #tpu.memory_space<vmem>>, %arg5: memref<1000x128xf32, #tpu.memory_space<vmem>>, %arg6: memref<1x256xf32, #tpu.memory_space<vmem>>, %arg7: memref<256x128xf32, #tpu.memory_space<vmem>>, %arg8: memref<1000x128xf32, #tpu.memory_space<vmem>>) attributes {dimension_semantics = [#tpu.dimension_semantics<arbitrary>], iteration_bounds = array<i64: 10>, scalar_prefetch = 0 : i64, scratch_operands = 0 : i64, tpu.core_type = #tpu.core_type<tc>, window_params = [{transform_indices = @transform_0, window_bounds = array<i64: 2, 1000, 128>}, {transform_indices = @transform_1, window_bounds = array<i64: 2, 1000, 128>}, {transform_indices = @transform_2, window_bounds = array<i64: 1000, 128>}, {transform_indices = @transform_3, window_bounds = array<i64: 1000, 128>}, {transform_indices = @transform_4, window_bounds = array<i64: 1000, 128>}, {pipeline_mode = #tpu.pipeline_mode<synchronous>, transform_indices = @transform_5, window_bounds = array<i64: 1, 256>}, {pipeline_mode = #tpu.pipeline_mode<synchronous>, transform_indices = @transform_6, window_bounds = array<i64: 256, 128>}, {transform_indices = @transform_7, window_bounds = array<i64: 1000, 128>}]} {
    %get3A = arith.constant 0 : index
    %get3A_0 = arith.constant 0 : index
    %get3A_1 = vector.load %arg5[%get3A, %get3A_0] : memref<1000x128xf32, #tpu.memory_space<vmem>>, vector<1000x1xf32>
    %get3A_2 = arith.constant 0 : index
    %get3A_3 = arith.constant 0 : index
    %get3A_4 = vector.load %arg6[%get3A_2, %get3A_3] : memref<1x256xf32, #tpu.memory_space<vmem>>, vector<1x256xf32>
    %get3A_5 = arith.constant 0 : index
    %get3A_6 = arith.constant 0 : index
    %get3A_7 = arith.constant 0 : index
    %get3A_8 = vector.load %arg1[%get3A_5, %get3A_6, %get3A_7] : memref<2x1000x128xf32, #tpu.memory_space<vmem>>, vector<1x1000x128xf32>
    %get3A_9 = vector.shape_cast %get3A_8 : vector<1x1000x128xf32> to vector<1000x128xf32>
    %get3A_10 = arith.constant 1 : index
    %get3A_11 = arith.constant 0 : index
    %get3A_12 = arith.constant 0 : index
    %get3A_13 = vector.load %arg1[%get3A_10, %get3A_11, %get3A_12] : memref<2x1000x128xf32, #tpu.memory_space<vmem>>, vector<1x1000x128xf32>
    %get3A_14 = vector.shape_cast %get3A_13 : vector<1x1000x128xf32> to vector<1000x128xf32>
    %add3A = arith.addf %get3A_9, %get3A_14 : vector<1000x128xf32>
    %get3A_15 = arith.constant 0 : index
    %get3A_16 = arith.constant 0 : index
    %get3A_17 = vector.load %arg3[%get3A_15, %get3A_16] : memref<1000x128xf32, #tpu.memory_space<vmem>>, vector<1000x128xf32>
    %add3A_18 = arith.addf %add3A, %get3A_17 : vector<1000x128xf32>
    %mul3A = vector.broadcast %get3A_1 : vector<1000x1xf32> to vector<1000x128xf32>
    %mul3A_19 = arith.mulf %mul3A, %add3A_18 : vector<1000x128xf32>
    %slice3A = vector.extract_strided_slice %get3A_4 {offsets = [0, 0], sizes = [1, 128], strides = [1, 1]} : vector<1x256xf32> to vector<1x128xf32>
    %add3A_20 = vector.broadcast %slice3A : vector<1x128xf32> to vector<1000x128xf32>
    %add3A_21 = arith.addf %mul3A_19, %add3A_20 : vector<1000x128xf32>
    %max3A = arith.constant 0.000000e+00 : f32
    %max3A_22 = vector.broadcast %max3A : f32 to vector<1000x128xf32>
    %max3A_23 = arith.maximumf %add3A_21, %max3A_22 : vector<1000x128xf32>
    %get3A_24 = arith.constant 0 : index
    %get3A_25 = arith.constant 0 : index
    %get3A_26 = arith.constant 0 : index
    %get3A_27 = vector.load %arg2[%get3A_24, %get3A_25, %get3A_26] : memref<2x1000x128xf32, #tpu.memory_space<vmem>>, vector<1x1000x128xf32>
    %get3A_28 = vector.shape_cast %get3A_27 : vector<1x1000x128xf32> to vector<1000x128xf32>
    %get3A_29 = arith.constant 1 : index
    %get3A_30 = arith.constant 0 : index
    %get3A_31 = arith.constant 0 : index
    %get3A_32 = vector.load %arg2[%get3A_29, %get3A_30, %get3A_31] : memref<2x1000x128xf32, #tpu.memory_space<vmem>>, vector<1x1000x128xf32>
    %get3A_33 = vector.shape_cast %get3A_32 : vector<1x1000x128xf32> to vector<1000x128xf32>
    %add3A_34 = arith.addf %get3A_28, %get3A_33 : vector<1000x128xf32>
    %get3A_35 = arith.constant 0 : index
    %get3A_36 = arith.constant 0 : index
    %get3A_37 = vector.load %arg4[%get3A_35, %get3A_36] : memref<1000x128xf32, #tpu.memory_space<vmem>>, vector<1000x128xf32>
    %add3A_38 = arith.addf %add3A_34, %get3A_37 : vector<1000x128xf32>
    %mul3A_39 = vector.broadcast %get3A_1 : vector<1000x1xf32> to vector<1000x128xf32>
    %mul3A_40 = arith.mulf %mul3A_39, %add3A_38 : vector<1000x128xf32>
    %slice3A_41 = vector.extract_strided_slice %get3A_4 {offsets = [0, 128], sizes = [1, 128], strides = [1, 1]} : vector<1x256xf32> to vector<1x128xf32>
    %add3A_42 = vector.broadcast %slice3A_41 : vector<1x128xf32> to vector<1000x128xf32>
    %add3A_43 = arith.addf %mul3A_40, %add3A_42 : vector<1000x128xf32>
    %max3A_44 = arith.constant 0.000000e+00 : f32
    %max3A_45 = vector.broadcast %max3A_44 : f32 to vector<1000x128xf32>
    %max3A_46 = arith.maximumf %add3A_43, %max3A_45 : vector<1000x128xf32>
    %concatenate3A = tpu.concatenate %max3A_23, %max3A_46 in 1 : vector<1000x128xf32>, vector<1000x128xf32> -> vector<1000x256xf32>
    %get3A_47 = arith.constant 0 : index
    %get3A_48 = arith.constant 0 : index
    %get3A_49 = vector.load %arg7[%get3A_47, %get3A_48] : memref<256x128xf32, #tpu.memory_space<vmem>>, vector<256x128xf32>
    %dot_general3A = arith.constant dense<0.000000e+00> : vector<1000x128xf32>
    %dot_general3A_50 = tpu.matmul %concatenate3A, %get3A_49, %dot_general3A {dimension_numbers = #tpu.dot_dimension_numbers<[1], [0], [0], [1], [0, 0, 1, 1], [], []>, transpose_lhs_hint = false} : vector<1000x256xf32>, vector<256x128xf32>, vector<1000x128xf32> -> vector<1000x128xf32>
    %mul3A_51 = vector.broadcast %get3A_1 : vector<1000x1xf32> to vector<1000x128xf32>
    %mul3A_52 = arith.mulf %dot_general3A_50, %mul3A_51 : vector<1000x128xf32>
    %swap3A = arith.constant 0 : index
    %swap3A_53 = arith.constant 0 : index
    %swap3A_54 = vector.load %arg8[%swap3A, %swap3A_53] : memref<1000x128xf32, #tpu.memory_space<vmem>>, vector<1000x128xf32>
    tpu.vector_store %arg8[%swap3A, %swap3A_53], %mul3A_52 {strides = array<i32>} : memref<1000x128xf32, #tpu.memory_space<vmem>>, vector<1000x128xf32>,
    return
  }
  func.func @transform_0(%arg0: i32) -> (i32, i32, i32) {
    %c0_i32 = arith.constant 0 : i32
    %c0_i32_0 = arith.constant 0 : i32
    %c0_i32_1 = arith.constant 0 : i32
    return %c0_i32, %arg0, %c0_i32_0 : i32, i32, i32
  }
  func.func @transform_1(%arg0: i32) -> (i32, i32, i32) {
    %c0_i32 = arith.constant 0 : i32
    %c0_i32_0 = arith.constant 0 : i32
    %c0_i32_1 = arith.constant 0 : i32
    return %c0_i32, %arg0, %c0_i32_0 : i32, i32, i32
  }
  func.func @transform_2(%arg0: i32) -> (i32, i32) {
    %c0_i32 = arith.constant 0 : i32
    %c0_i32_0 = arith.constant 0 : i32
    return %arg0, %c0_i32 : i32, i32
  }
  func.func @transform_3(%arg0: i32) -> (i32, i32) {
    %c0_i32 = arith.constant 0 : i32
    %c0_i32_0 = arith.constant 0 : i32
    return %arg0, %c0_i32 : i32, i32
  }
  func.func @transform_4(%arg0: i32) -> (i32, i32) {
    %c0_i32 = arith.constant 0 : i32
    %c0_i32_0 = arith.constant 0 : i32
    return %arg0, %c0_i32 : i32, i32
  }
  func.func @transform_5(%arg0: i32) -> (i32, i32) {
    %c0_i32 = arith.constant 0 : i32
    %c0_i32_0 = arith.constant 0 : i32
    %c0_i32_1 = arith.constant 0 : i32
    return %c0_i32, %c0_i32_0 : i32, i32
  }
  func.func @transform_6(%arg0: i32) -> (i32, i32) {
    %c0_i32 = arith.constant 0 : i32
    %c0_i32_0 = arith.constant 0 : i32
    %c0_i32_1 = arith.constant 0 : i32
    return %c0_i32, %c0_i32_0 : i32, i32
  }
  func.func @transform_7(%arg0: i32) -> (i32, i32) {
    %c0_i32 = arith.constant 0 : i32
    %c0_i32_0 = arith.constant 0 : i32
    return %arg0, %c0_i32 : i32, i32
  }
}

module attributes {stable_mosaic.version = 14 : i64} {
  func.func @body(%arg0: i32, %arg1: memref<1000x128xf32, #tpu.memory_space<vmem>>, %arg2: memref<1000x128xf32, #tpu.memory_space<vmem>>, %arg3: memref<2x1000x16xf32, #tpu.memory_space<vmem>>, %arg4: memref<1000x128xf32, #tpu.memory_space<vmem>>, %arg5: memref<1000x128xf32, #tpu.memory_space<vmem>>, %arg6: memref<1000x128xf32, #tpu.memory_space<vmem>>) attributes {dimension_semantics = [#tpu.dimension_semantics<arbitrary>], iteration_bounds = array<i64: 10>, scalar_prefetch = 0 : i64, scratch_operands = 0 : i64, tpu.core_type = #tpu.core_type<tc>, window_params = [{transform_indices = @transform_0, window_bounds = array<i64: 1000, 128>}, {transform_indices = @transform_1, window_bounds = array<i64: 1000, 128>}, {transform_indices = @transform_2, window_bounds = array<i64: 2, 1000, 16>}, {transform_indices = @transform_3, window_bounds = array<i64: 1000, 128>}, {transform_indices = @transform_4, window_bounds = array<i64: 1000, 128>}, {transform_indices = @transform_5, window_bounds = array<i64: 1000, 128>}]} {
    %get3A = arith.constant 0 : index
    %get3A_0 = arith.constant 0 : index
    %get3A_1 = arith.constant 0 : index
    %get3A_2 = vector.load %arg3[%get3A, %get3A_0, %get3A_1] : memref<2x1000x16xf32, #tpu.memory_space<vmem>>, vector<1x1000x16xf32>
    %get3A_3 = vector.shape_cast %get3A_2 : vector<1x1000x16xf32> to vector<1000x16xf32>
    %slice3A = vector.extract_strided_slice %get3A_3 {offsets = [0, 0], sizes = [1000, 1], strides = [1, 1]} : vector<1000x16xf32> to vector<1000x1xf32>
    %get3A_4 = arith.constant 1 : index
    %get3A_5 = arith.constant 0 : index
    %get3A_6 = arith.constant 0 : index
    %get3A_7 = vector.load %arg3[%get3A_4, %get3A_5, %get3A_6] : memref<2x1000x16xf32, #tpu.memory_space<vmem>>, vector<1x1000x16xf32>
    %get3A_8 = vector.shape_cast %get3A_7 : vector<1x1000x16xf32> to vector<1000x16xf32>
    %slice3A_9 = vector.extract_strided_slice %get3A_8 {offsets = [0, 0], sizes = [1000, 1], strides = [1, 1]} : vector<1000x16xf32> to vector<1000x1xf32>
    %add3A = arith.addf %slice3A, %slice3A_9 : vector<1000x1xf32>
    %add3A_10 = arith.constant 1.000000e+00 : f32
    %add3A_11 = vector.broadcast %add3A_10 : f32 to vector<1000x1xf32>
    %add3A_12 = arith.addf %add3A, %add3A_11 : vector<1000x1xf32>
    %rsqrt3A = math.rsqrt %add3A_12 : vector<1000x1xf32>
    %get3A_13 = arith.constant 0 : index
    %get3A_14 = arith.constant 0 : index
    %get3A_15 = vector.load %arg1[%get3A_13, %get3A_14] : memref<1000x128xf32, #tpu.memory_space<vmem>>, vector<1000x128xf32>
    %mul3A = vector.broadcast %rsqrt3A : vector<1000x1xf32> to vector<1000x128xf32>
    %mul3A_16 = arith.mulf %get3A_15, %mul3A : vector<1000x128xf32>
    %swap3A = arith.constant 0 : index
    %swap3A_17 = arith.constant 0 : index
    %swap3A_18 = vector.load %arg4[%swap3A, %swap3A_17] : memref<1000x128xf32, #tpu.memory_space<vmem>>, vector<1000x128xf32>
    tpu.vector_store %arg4[%swap3A, %swap3A_17], %mul3A_16 {strides = array<i32>} : memref<1000x128xf32, #tpu.memory_space<vmem>>, vector<1000x128xf32>,
    %get3A_19 = arith.constant 0 : index
    %get3A_20 = arith.constant 0 : index
    %get3A_21 = vector.load %arg2[%get3A_19, %get3A_20] : memref<1000x128xf32, #tpu.memory_space<vmem>>, vector<1000x128xf32>
    %mul3A_22 = vector.broadcast %rsqrt3A : vector<1000x1xf32> to vector<1000x128xf32>
    %mul3A_23 = arith.mulf %get3A_21, %mul3A_22 : vector<1000x128xf32>
    %swap3A_24 = arith.constant 0 : index
    %swap3A_25 = arith.constant 0 : index
    %swap3A_26 = vector.load %arg5[%swap3A_24, %swap3A_25] : memref<1000x128xf32, #tpu.memory_space<vmem>>, vector<1000x128xf32>
    tpu.vector_store %arg5[%swap3A_24, %swap3A_25], %mul3A_23 {strides = array<i32>} : memref<1000x128xf32, #tpu.memory_space<vmem>>, vector<1000x128xf32>,
    %broadcast_in_dim3A = vector.shape_cast %rsqrt3A : vector<1000x1xf32> to vector<1000x1xf32>
    %broadcast_in_dim3A_27 = vector.broadcast %broadcast_in_dim3A : vector<1000x1xf32> to vector<1000x128xf32>
    %swap3A_28 = arith.constant 0 : index
    %swap3A_29 = arith.constant 0 : index
    %swap3A_30 = vector.load %arg6[%swap3A_28, %swap3A_29] : memref<1000x128xf32, #tpu.memory_space<vmem>>, vector<1000x128xf32>
    tpu.vector_store %arg6[%swap3A_28, %swap3A_29], %broadcast_in_dim3A_27 {strides = array<i32>} : memref<1000x128xf32, #tpu.memory_space<vmem>>, vector<1000x128xf32>,
    return
  }
  func.func @transform_0(%arg0: i32) -> (i32, i32) {
    %c0_i32 = arith.constant 0 : i32
    %c0_i32_0 = arith.constant 0 : i32
    return %arg0, %c0_i32 : i32, i32
  }
  func.func @transform_1(%arg0: i32) -> (i32, i32) {
    %c0_i32 = arith.constant 0 : i32
    %c0_i32_0 = arith.constant 0 : i32
    return %arg0, %c0_i32 : i32, i32
  }
  func.func @transform_2(%arg0: i32) -> (i32, i32, i32) {
    %c0_i32 = arith.constant 0 : i32
    %c0_i32_0 = arith.constant 0 : i32
    %c0_i32_1 = arith.constant 0 : i32
    return %c0_i32, %arg0, %c0_i32_0 : i32, i32, i32
  }
  func.func @transform_3(%arg0: i32) -> (i32, i32) {
    %c0_i32 = arith.constant 0 : i32
    %c0_i32_0 = arith.constant 0 : i32
    return %arg0, %c0_i32 : i32, i32
  }
  func.func @transform_4(%arg0: i32) -> (i32, i32) {
    %c0_i32 = arith.constant 0 : i32
    %c0_i32_0 = arith.constant 0 : i32
    return %arg0, %c0_i32 : i32, i32
  }
  func.func @transform_5(%arg0: i32) -> (i32, i32) {
    %c0_i32 = arith.constant 0 : i32
    %c0_i32_0 = arith.constant 0 : i32
    return %arg0, %c0_i32 : i32, i32
  }
}

module attributes {stable_mosaic.version = 14 : i64} {
  func.func @body(%arg0: i32, %arg1: memref<6400x128xf32, #tpu.memory_space<vmem>>, %arg2: memref<256x768xf32, #tpu.memory_space<vmem>>, %arg3: memref<256x768xf32, #tpu.memory_space<vmem>>, %arg4: memref<1x768xf32, #tpu.memory_space<vmem>>, %arg5: memref<1x768xf32, #tpu.memory_space<vmem>>, %arg6: memref<256x256xf32, #tpu.memory_space<vmem>>, %arg7: memref<1x256xf32, #tpu.memory_space<vmem>>, %arg8: memref<400x256xf32, #tpu.memory_space<vmem>>) attributes {dimension_semantics = [#tpu.dimension_semantics<arbitrary>], iteration_bounds = array<i64: 50>, scalar_prefetch = 0 : i64, scratch_operands = 0 : i64, tpu.core_type = #tpu.core_type<tc>, window_params = [{transform_indices = @transform_0, window_bounds = array<i64: 6400, 128>}, {pipeline_mode = #tpu.pipeline_mode<synchronous>, transform_indices = @transform_1, window_bounds = array<i64: 256, 768>}, {pipeline_mode = #tpu.pipeline_mode<synchronous>, transform_indices = @transform_2, window_bounds = array<i64: 256, 768>}, {pipeline_mode = #tpu.pipeline_mode<synchronous>, transform_indices = @transform_3, window_bounds = array<i64: 1, 768>}, {pipeline_mode = #tpu.pipeline_mode<synchronous>, transform_indices = @transform_4, window_bounds = array<i64: 1, 768>}, {pipeline_mode = #tpu.pipeline_mode<synchronous>, transform_indices = @transform_5, window_bounds = array<i64: 256, 256>}, {pipeline_mode = #tpu.pipeline_mode<synchronous>, transform_indices = @transform_6, window_bounds = array<i64: 1, 256>}, {transform_indices = @transform_7, window_bounds = array<i64: 400, 256>}]} {
    %get3A = arith.constant 0 : index
    %get3A_0 = arith.constant 0 : index
    %get3A_1 = vector.load %arg2[%get3A, %get3A_0] : memref<256x768xf32, #tpu.memory_space<vmem>>, vector<256x768xf32>
    %get3A_2 = arith.constant 0 : index
    %get3A_3 = arith.constant 0 : index
    %get3A_4 = vector.load %arg3[%get3A_2, %get3A_3] : memref<256x768xf32, #tpu.memory_space<vmem>>, vector<256x768xf32>
    %get3A_5 = arith.constant 0 : index
    %get3A_6 = arith.constant 0 : index
    %get3A_7 = vector.load %arg4[%get3A_5, %get3A_6] : memref<1x768xf32, #tpu.memory_space<vmem>>, vector<1x768xf32>
    %get3A_8 = arith.constant 0 : index
    %get3A_9 = arith.constant 0 : index
    %get3A_10 = vector.load %arg5[%get3A_8, %get3A_9] : memref<1x768xf32, #tpu.memory_space<vmem>>, vector<1x768xf32>
    %broadcast_in_dim3A = arith.constant 0.000000e+00 : f32
    %broadcast_in_dim3A_11 = vector.broadcast %broadcast_in_dim3A : f32 to vector<400x256xf32>
    %get3A_12 = arith.constant 0 : index
    %get3A_13 = arith.constant 0 : index
    %get3A_14 = vector.load %arg1[%get3A_12, %get3A_13] : memref<6400x128xf32, #tpu.memory_space<vmem>>, vector<400x16xf32>
    %get3A_15 = arith.constant 400 : index
    %get3A_16 = arith.constant 0 : index
    %get3A_17 = vector.load %arg1[%get3A_15, %get3A_16] : memref<6400x128xf32, #tpu.memory_space<vmem>>, vector<400x16xf32>
    %get3A_18 = arith.constant 800 : index
    %get3A_19 = arith.constant 0 : index
    %get3A_20 = vector.load %arg1[%get3A_18, %get3A_19] : memref<6400x128xf32, #tpu.memory_space<vmem>>, vector<400x16xf32>
    %get3A_21 = arith.constant 1200 : index
    %get3A_22 = arith.constant 0 : index
    %get3A_23 = vector.load %arg1[%get3A_21, %get3A_22] : memref<6400x128xf32, #tpu.memory_space<vmem>>, vector<400x16xf32>
    %get3A_24 = arith.constant 1600 : index
    %get3A_25 = arith.constant 0 : index
    %get3A_26 = vector.load %arg1[%get3A_24, %get3A_25] : memref<6400x128xf32, #tpu.memory_space<vmem>>, vector<400x16xf32>
    %get3A_27 = arith.constant 2000 : index
    %get3A_28 = arith.constant 0 : index
    %get3A_29 = vector.load %arg1[%get3A_27, %get3A_28] : memref<6400x128xf32, #tpu.memory_space<vmem>>, vector<400x16xf32>
    %get3A_30 = arith.constant 2400 : index
    %get3A_31 = arith.constant 0 : index
    %get3A_32 = vector.load %arg1[%get3A_30, %get3A_31] : memref<6400x128xf32, #tpu.memory_space<vmem>>, vector<400x16xf32>
    %get3A_33 = arith.constant 2800 : index
    %get3A_34 = arith.constant 0 : index
    %get3A_35 = vector.load %arg1[%get3A_33, %get3A_34] : memref<6400x128xf32, #tpu.memory_space<vmem>>, vector<400x16xf32>
    %get3A_36 = arith.constant 3200 : index
    %get3A_37 = arith.constant 0 : index
    %get3A_38 = vector.load %arg1[%get3A_36, %get3A_37] : memref<6400x128xf32, #tpu.memory_space<vmem>>, vector<400x16xf32>
    %get3A_39 = arith.constant 3600 : index
    %get3A_40 = arith.constant 0 : index
    %get3A_41 = vector.load %arg1[%get3A_39, %get3A_40] : memref<6400x128xf32, #tpu.memory_space<vmem>>, vector<400x16xf32>
    %get3A_42 = arith.constant 4000 : index
    %get3A_43 = arith.constant 0 : index
    %get3A_44 = vector.load %arg1[%get3A_42, %get3A_43] : memref<6400x128xf32, #tpu.memory_space<vmem>>, vector<400x16xf32>
    %get3A_45 = arith.constant 4400 : index
    %get3A_46 = arith.constant 0 : index
    %get3A_47 = vector.load %arg1[%get3A_45, %get3A_46] : memref<6400x128xf32, #tpu.memory_space<vmem>>, vector<400x16xf32>
    %get3A_48 = arith.constant 4800 : index
    %get3A_49 = arith.constant 0 : index
    %get3A_50 = vector.load %arg1[%get3A_48, %get3A_49] : memref<6400x128xf32, #tpu.memory_space<vmem>>, vector<400x16xf32>
    %get3A_51 = arith.constant 5200 : index
    %get3A_52 = arith.constant 0 : index
    %get3A_53 = vector.load %arg1[%get3A_51, %get3A_52] : memref<6400x128xf32, #tpu.memory_space<vmem>>, vector<400x16xf32>
    %get3A_54 = arith.constant 5600 : index
    %get3A_55 = arith.constant 0 : index
    %get3A_56 = vector.load %arg1[%get3A_54, %get3A_55] : memref<6400x128xf32, #tpu.memory_space<vmem>>, vector<400x16xf32>
    %get3A_57 = arith.constant 6000 : index
    %get3A_58 = arith.constant 0 : index
    %get3A_59 = vector.load %arg1[%get3A_57, %get3A_58] : memref<6400x128xf32, #tpu.memory_space<vmem>>, vector<400x16xf32>
    %concatenate3A = tpu.concatenate %get3A_14, %get3A_17, %get3A_20, %get3A_23, %get3A_26, %get3A_29, %get3A_32, %get3A_35, %get3A_38, %get3A_41, %get3A_44, %get3A_47, %get3A_50, %get3A_53, %get3A_56, %get3A_59 in 1 : vector<400x16xf32>, vector<400x16xf32>, vector<400x16xf32>, vector<400x16xf32>, vector<400x16xf32>, vector<400x16xf32>, vector<400x16xf32>, vector<400x16xf32>, vector<400x16xf32>, vector<400x16xf32>, vector<400x16xf32>, vector<400x16xf32>, vector<400x16xf32>, vector<400x16xf32>, vector<400x16xf32>, vector<400x16xf32> -> vector<400x256xf32>
    %dot_general3A = arith.constant dense<0.000000e+00> : vector<400x768xf32>
    %dot_general3A_60 = tpu.matmul %concatenate3A, %get3A_1, %dot_general3A {dimension_numbers = #tpu.dot_dimension_numbers<[1], [0], [0], [1], [0, 0, 1, 1], [], []>, transpose_lhs_hint = false} : vector<400x256xf32>, vector<256x768xf32>, vector<400x768xf32> -> vector<400x768xf32>
    %add3A = vector.broadcast %get3A_7 : vector<1x768xf32> to vector<400x768xf32>
    %add3A_61 = arith.addf %dot_general3A_60, %add3A : vector<400x768xf32>
    %dot_general3A_62 = arith.constant dense<0.000000e+00> : vector<400x768xf32>
    %dot_general3A_63 = tpu.matmul %broadcast_in_dim3A_11, %get3A_4, %dot_general3A_62 {dimension_numbers = #tpu.dot_dimension_numbers<[1], [0], [0], [1], [0, 0, 1, 1], [], []>, transpose_lhs_hint = false} : vector<400x256xf32>, vector<256x768xf32>, vector<400x768xf32> -> vector<400x768xf32>
    %add3A_64 = vector.broadcast %get3A_10 : vector<1x768xf32> to vector<400x768xf32>
    %add3A_65 = arith.addf %dot_general3A_63, %add3A_64 : vector<400x768xf32>
    %slice3A = vector.extract_strided_slice %add3A_61 {offsets = [0, 0], sizes = [400, 256], strides = [1, 1]} : vector<400x768xf32> to vector<400x256xf32>
    %slice3A_66 = vector.extract_strided_slice %add3A_65 {offsets = [0, 0], sizes = [400, 256], strides = [1, 1]} : vector<400x768xf32> to vector<400x256xf32>
    %add3A_67 = arith.addf %slice3A, %slice3A_66 : vector<400x256xf32>
    %logistic3A = arith.negf %add3A_67 : vector<400x256xf32>
    %logistic3A_68 = math.exp %logistic3A : vector<400x256xf32>
    %logistic3A_69 = arith.constant 1.000000e+00 : f32
    %logistic3A_70 = vector.broadcast %logistic3A_69 : f32 to vector<400x256xf32>
    %logistic3A_71 = arith.addf %logistic3A_70, %logistic3A_68 : vector<400x256xf32>
    %logistic3A_72 = arith.divf %logistic3A_70, %logistic3A_71 : vector<400x256xf32>
    %slice3A_73 = vector.extract_strided_slice %add3A_61 {offsets = [0, 256], sizes = [400, 256], strides = [1, 1]} : vector<400x768xf32> to vector<400x256xf32>
    %slice3A_74 = vector.extract_strided_slice %add3A_65 {offsets = [0, 256], sizes = [400, 256], strides = [1, 1]} : vector<400x768xf32> to vector<400x256xf32>
    %add3A_75 = arith.addf %slice3A_73, %slice3A_74 : vector<400x256xf32>
    %logistic3A_76 = arith.negf %add3A_75 : vector<400x256xf32>
    %logistic3A_77 = math.exp %logistic3A_76 : vector<400x256xf32>
    %logistic3A_78 = arith.constant 1.000000e+00 : f32
    %logistic3A_79 = vector.broadcast %logistic3A_78 : f32 to vector<400x256xf32>
    %logistic3A_80 = arith.addf %logistic3A_79, %logistic3A_77 : vector<400x256xf32>
    %logistic3A_81 = arith.divf %logistic3A_79, %logistic3A_80 : vector<400x256xf32>
    %slice3A_82 = vector.extract_strided_slice %add3A_61 {offsets = [0, 512], sizes = [400, 256], strides = [1, 1]} : vector<400x768xf32> to vector<400x256xf32>
    %slice3A_83 = vector.extract_strided_slice %add3A_65 {offsets = [0, 512], sizes = [400, 256], strides = [1, 1]} : vector<400x768xf32> to vector<400x256xf32>
    %mul3A = arith.mulf %logistic3A_72, %slice3A_83 : vector<400x256xf32>
    %add3A_84 = arith.addf %slice3A_82, %mul3A : vector<400x256xf32>
    %tanh3A = math.tanh %add3A_84 : vector<400x256xf32>
    %sub3A = arith.constant 1.000000e+00 : f32
    %sub3A_85 = vector.broadcast %sub3A : f32 to vector<400x256xf32>
    %sub3A_86 = arith.subf %sub3A_85, %logistic3A_81 : vector<400x256xf32>
    %mul3A_87 = arith.mulf %sub3A_86, %tanh3A : vector<400x256xf32>
    %mul3A_88 = arith.mulf %logistic3A_81, %broadcast_in_dim3A_11 : vector<400x256xf32>
    %add3A_89 = arith.addf %mul3A_87, %mul3A_88 : vector<400x256xf32>
    %get3A_90 = arith.constant 0 : index
    %get3A_91 = arith.constant 16 : index
    %get3A_92 = vector.load %arg1[%get3A_90, %get3A_91] : memref<6400x128xf32, #tpu.memory_space<vmem>>, vector<400x16xf32>
    %get3A_93 = arith.constant 400 : index
    %get3A_94 = arith.constant 16 : index
    %get3A_95 = vector.load %arg1[%get3A_93, %get3A_94] : memref<6400x128xf32, #tpu.memory_space<vmem>>, vector<400x16xf32>
    %get3A_96 = arith.constant 800 : index
    %get3A_97 = arith.constant 16 : index
    %get3A_98 = vector.load %arg1[%get3A_96, %get3A_97] : memref<6400x128xf32, #tpu.memory_space<vmem>>, vector<400x16xf32>
    %get3A_99 = arith.constant 1200 : index
    %get3A_100 = arith.constant 16 : index
    %get3A_101 = vector.load %arg1[%get3A_99, %get3A_100] : memref<6400x128xf32, #tpu.memory_space<vmem>>, vector<400x16xf32>
    %get3A_102 = arith.constant 1600 : index
    %get3A_103 = arith.constant 16 : index
    %get3A_104 = vector.load %arg1[%get3A_102, %get3A_103] : memref<6400x128xf32, #tpu.memory_space<vmem>>, vector<400x16xf32>
    %get3A_105 = arith.constant 2000 : index
    %get3A_106 = arith.constant 16 : index
    %get3A_107 = vector.load %arg1[%get3A_105, %get3A_106] : memref<6400x128xf32, #tpu.memory_space<vmem>>, vector<400x16xf32>
    %get3A_108 = arith.constant 2400 : index
    %get3A_109 = arith.constant 16 : index
    %get3A_110 = vector.load %arg1[%get3A_108, %get3A_109] : memref<6400x128xf32, #tpu.memory_space<vmem>>, vector<400x16xf32>
    %get3A_111 = arith.constant 2800 : index
    %get3A_112 = arith.constant 16 : index
    %get3A_113 = vector.load %arg1[%get3A_111, %get3A_112] : memref<6400x128xf32, #tpu.memory_space<vmem>>, vector<400x16xf32>
    %get3A_114 = arith.constant 3200 : index
    %get3A_115 = arith.constant 16 : index
    %get3A_116 = vector.load %arg1[%get3A_114, %get3A_115] : memref<6400x128xf32, #tpu.memory_space<vmem>>, vector<400x16xf32>
    %get3A_117 = arith.constant 3600 : index
    %get3A_118 = arith.constant 16 : index
    %get3A_119 = vector.load %arg1[%get3A_117, %get3A_118] : memref<6400x128xf32, #tpu.memory_space<vmem>>, vector<400x16xf32>
    %get3A_120 = arith.constant 4000 : index
    %get3A_121 = arith.constant 16 : index
    %get3A_122 = vector.load %arg1[%get3A_120, %get3A_121] : memref<6400x128xf32, #tpu.memory_space<vmem>>, vector<400x16xf32>
    %get3A_123 = arith.constant 4400 : index
    %get3A_124 = arith.constant 16 : index
    %get3A_125 = vector.load %arg1[%get3A_123, %get3A_124] : memref<6400x128xf32, #tpu.memory_space<vmem>>, vector<400x16xf32>
    %get3A_126 = arith.constant 4800 : index
    %get3A_127 = arith.constant 16 : index
    %get3A_128 = vector.load %arg1[%get3A_126, %get3A_127] : memref<6400x128xf32, #tpu.memory_space<vmem>>, vector<400x16xf32>
    %get3A_129 = arith.constant 5200 : index
    %get3A_130 = arith.constant 16 : index
    %get3A_131 = vector.load %arg1[%get3A_129, %get3A_130] : memref<6400x128xf32, #tpu.memory_space<vmem>>, vector<400x16xf32>
    %get3A_132 = arith.constant 5600 : index
    %get3A_133 = arith.constant 16 : index
    %get3A_134 = vector.load %arg1[%get3A_132, %get3A_133] : memref<6400x128xf32, #tpu.memory_space<vmem>>, vector<400x16xf32>
    %get3A_135 = arith.constant 6000 : index
    %get3A_136 = arith.constant 16 : index
    %get3A_137 = vector.load %arg1[%get3A_135, %get3A_136] : memref<6400x128xf32, #tpu.memory_space<vmem>>, vector<400x16xf32>
    %concatenate3A_138 = tpu.concatenate %get3A_92, %get3A_95, %get3A_98, %get3A_101, %get3A_104, %get3A_107, %get3A_110, %get3A_113, %get3A_116, %get3A_119, %get3A_122, %get3A_125, %get3A_128, %get3A_131, %get3A_134, %get3A_137 in 1 : vector<400x16xf32>, vector<400x16xf32>, vector<400x16xf32>, vector<400x16xf32>, vector<400x16xf32>, vector<400x16xf32>, vector<400x16xf32>, vector<400x16xf32>, vector<400x16xf32>, vector<400x16xf32>, vector<400x16xf32>, vector<400x16xf32>, vector<400x16xf32>, vector<400x16xf32>, vector<400x16xf32>, vector<400x16xf32> -> vector<400x256xf32>
    %dot_general3A_139 = arith.constant dense<0.000000e+00> : vector<400x768xf32>
    %dot_general3A_140 = tpu.matmul %concatenate3A_138, %get3A_1, %dot_general3A_139 {dimension_numbers = #tpu.dot_dimension_numbers<[1], [0], [0], [1], [0, 0, 1, 1], [], []>, transpose_lhs_hint = false} : vector<400x256xf32>, vector<256x768xf32>, vector<400x768xf32> -> vector<400x768xf32>
    %add3A_141 = vector.broadcast %get3A_7 : vector<1x768xf32> to vector<400x768xf32>
    %add3A_142 = arith.addf %dot_general3A_140, %add3A_141 : vector<400x768xf32>
    %dot_general3A_143 = arith.constant dense<0.000000e+00> : vector<400x768xf32>
    %dot_general3A_144 = tpu.matmul %add3A_89, %get3A_4, %dot_general3A_143 {dimension_numbers = #tpu.dot_dimension_numbers<[1], [0], [0], [1], [0, 0, 1, 1], [], []>, transpose_lhs_hint = false} : vector<400x256xf32>, vector<256x768xf32>, vector<400x768xf32> -> vector<400x768xf32>
    %add3A_145 = vector.broadcast %get3A_10 : vector<1x768xf32> to vector<400x768xf32>
    %add3A_146 = arith.addf %dot_general3A_144, %add3A_145 : vector<400x768xf32>
    %slice3A_147 = vector.extract_strided_slice %add3A_142 {offsets = [0, 0], sizes = [400, 256], strides = [1, 1]} : vector<400x768xf32> to vector<400x256xf32>
    %slice3A_148 = vector.extract_strided_slice %add3A_146 {offsets = [0, 0], sizes = [400, 256], strides = [1, 1]} : vector<400x768xf32> to vector<400x256xf32>
    %add3A_149 = arith.addf %slice3A_147, %slice3A_148 : vector<400x256xf32>
    %logistic3A_150 = arith.negf %add3A_149 : vector<400x256xf32>
    %logistic3A_151 = math.exp %logistic3A_150 : vector<400x256xf32>
    %logistic3A_152 = arith.constant 1.000000e+00 : f32
    %logistic3A_153 = vector.broadcast %logistic3A_152 : f32 to vector<400x256xf32>
    %logistic3A_154 = arith.addf %logistic3A_153, %logistic3A_151 : vector<400x256xf32>
    %logistic3A_155 = arith.divf %logistic3A_153, %logistic3A_154 : vector<400x256xf32>
    %slice3A_156 = vector.extract_strided_slice %add3A_142 {offsets = [0, 256], sizes = [400, 256], strides = [1, 1]} : vector<400x768xf32> to vector<400x256xf32>
    %slice3A_157 = vector.extract_strided_slice %add3A_146 {offsets = [0, 256], sizes = [400, 256], strides = [1, 1]} : vector<400x768xf32> to vector<400x256xf32>
    %add3A_158 = arith.addf %slice3A_156, %slice3A_157 : vector<400x256xf32>
    %logistic3A_159 = arith.negf %add3A_158 : vector<400x256xf32>
    %logistic3A_160 = math.exp %logistic3A_159 : vector<400x256xf32>
    %logistic3A_161 = arith.constant 1.000000e+00 : f32
    %logistic3A_162 = vector.broadcast %logistic3A_161 : f32 to vector<400x256xf32>
    %logistic3A_163 = arith.addf %logistic3A_162, %logistic3A_160 : vector<400x256xf32>
    %logistic3A_164 = arith.divf %logistic3A_162, %logistic3A_163 : vector<400x256xf32>
    %slice3A_165 = vector.extract_strided_slice %add3A_142 {offsets = [0, 512], sizes = [400, 256], strides = [1, 1]} : vector<400x768xf32> to vector<400x256xf32>
    %slice3A_166 = vector.extract_strided_slice %add3A_146 {offsets = [0, 512], sizes = [400, 256], strides = [1, 1]} : vector<400x768xf32> to vector<400x256xf32>
    %mul3A_167 = arith.mulf %logistic3A_155, %slice3A_166 : vector<400x256xf32>
    %add3A_168 = arith.addf %slice3A_165, %mul3A_167 : vector<400x256xf32>
    %tanh3A_169 = math.tanh %add3A_168 : vector<400x256xf32>
    %sub3A_170 = arith.constant 1.000000e+00 : f32
    %sub3A_171 = vector.broadcast %sub3A_170 : f32 to vector<400x256xf32>
    %sub3A_172 = arith.subf %sub3A_171, %logistic3A_164 : vector<400x256xf32>
    %mul3A_173 = arith.mulf %sub3A_172, %tanh3A_169 : vector<400x256xf32>
    %mul3A_174 = arith.mulf %logistic3A_164, %add3A_89 : vector<400x256xf32>
    %add3A_175 = arith.addf %mul3A_173, %mul3A_174 : vector<400x256xf32>
    %get3A_176 = arith.constant 0 : index
    %get3A_177 = arith.constant 32 : index
    %get3A_178 = vector.load %arg1[%get3A_176, %get3A_177] : memref<6400x128xf32, #tpu.memory_space<vmem>>, vector<400x16xf32>
    %get3A_179 = arith.constant 400 : index
    %get3A_180 = arith.constant 32 : index
    %get3A_181 = vector.load %arg1[%get3A_179, %get3A_180] : memref<6400x128xf32, #tpu.memory_space<vmem>>, vector<400x16xf32>
    %get3A_182 = arith.constant 800 : index
    %get3A_183 = arith.constant 32 : index
    %get3A_184 = vector.load %arg1[%get3A_182, %get3A_183] : memref<6400x128xf32, #tpu.memory_space<vmem>>, vector<400x16xf32>
    %get3A_185 = arith.constant 1200 : index
    %get3A_186 = arith.constant 32 : index
    %get3A_187 = vector.load %arg1[%get3A_185, %get3A_186] : memref<6400x128xf32, #tpu.memory_space<vmem>>, vector<400x16xf32>
    %get3A_188 = arith.constant 1600 : index
    %get3A_189 = arith.constant 32 : index
    %get3A_190 = vector.load %arg1[%get3A_188, %get3A_189] : memref<6400x128xf32, #tpu.memory_space<vmem>>, vector<400x16xf32>
    %get3A_191 = arith.constant 2000 : index
    %get3A_192 = arith.constant 32 : index
    %get3A_193 = vector.load %arg1[%get3A_191, %get3A_192] : memref<6400x128xf32, #tpu.memory_space<vmem>>, vector<400x16xf32>
    %get3A_194 = arith.constant 2400 : index
    %get3A_195 = arith.constant 32 : index
    %get3A_196 = vector.load %arg1[%get3A_194, %get3A_195] : memref<6400x128xf32, #tpu.memory_space<vmem>>, vector<400x16xf32>
    %get3A_197 = arith.constant 2800 : index
    %get3A_198 = arith.constant 32 : index
    %get3A_199 = vector.load %arg1[%get3A_197, %get3A_198] : memref<6400x128xf32, #tpu.memory_space<vmem>>, vector<400x16xf32>
    %get3A_200 = arith.constant 3200 : index
    %get3A_201 = arith.constant 32 : index
    %get3A_202 = vector.load %arg1[%get3A_200, %get3A_201] : memref<6400x128xf32, #tpu.memory_space<vmem>>, vector<400x16xf32>
    %get3A_203 = arith.constant 3600 : index
    %get3A_204 = arith.constant 32 : index
    %get3A_205 = vector.load %arg1[%get3A_203, %get3A_204] : memref<6400x128xf32, #tpu.memory_space<vmem>>, vector<400x16xf32>
    %get3A_206 = arith.constant 4000 : index
    %get3A_207 = arith.constant 32 : index
    %get3A_208 = vector.load %arg1[%get3A_206, %get3A_207] : memref<6400x128xf32, #tpu.memory_space<vmem>>, vector<400x16xf32>
    %get3A_209 = arith.constant 4400 : index
    %get3A_210 = arith.constant 32 : index
    %get3A_211 = vector.load %arg1[%get3A_209, %get3A_210] : memref<6400x128xf32, #tpu.memory_space<vmem>>, vector<400x16xf32>
    %get3A_212 = arith.constant 4800 : index
    %get3A_213 = arith.constant 32 : index
    %get3A_214 = vector.load %arg1[%get3A_212, %get3A_213] : memref<6400x128xf32, #tpu.memory_space<vmem>>, vector<400x16xf32>
    %get3A_215 = arith.constant 5200 : index
    %get3A_216 = arith.constant 32 : index
    %get3A_217 = vector.load %arg1[%get3A_215, %get3A_216] : memref<6400x128xf32, #tpu.memory_space<vmem>>, vector<400x16xf32>
    %get3A_218 = arith.constant 5600 : index
    %get3A_219 = arith.constant 32 : index
    %get3A_220 = vector.load %arg1[%get3A_218, %get3A_219] : memref<6400x128xf32, #tpu.memory_space<vmem>>, vector<400x16xf32>
    %get3A_221 = arith.constant 6000 : index
    %get3A_222 = arith.constant 32 : index
    %get3A_223 = vector.load %arg1[%get3A_221, %get3A_222] : memref<6400x128xf32, #tpu.memory_space<vmem>>, vector<400x16xf32>
    %concatenate3A_224 = tpu.concatenate %get3A_178, %get3A_181, %get3A_184, %get3A_187, %get3A_190, %get3A_193, %get3A_196, %get3A_199, %get3A_202, %get3A_205, %get3A_208, %get3A_211, %get3A_214, %get3A_217, %get3A_220, %get3A_223 in 1 : vector<400x16xf32>, vector<400x16xf32>, vector<400x16xf32>, vector<400x16xf32>, vector<400x16xf32>, vector<400x16xf32>, vector<400x16xf32>, vector<400x16xf32>, vector<400x16xf32>, vector<400x16xf32>, vector<400x16xf32>, vector<400x16xf32>, vector<400x16xf32>, vector<400x16xf32>, vector<400x16xf32>, vector<400x16xf32> -> vector<400x256xf32>
    %dot_general3A_225 = arith.constant dense<0.000000e+00> : vector<400x768xf32>
    %dot_general3A_226 = tpu.matmul %concatenate3A_224, %get3A_1, %dot_general3A_225 {dimension_numbers = #tpu.dot_dimension_numbers<[1], [0], [0], [1], [0, 0, 1, 1], [], []>, transpose_lhs_hint = false} : vector<400x256xf32>, vector<256x768xf32>, vector<400x768xf32> -> vector<400x768xf32>
    %add3A_227 = vector.broadcast %get3A_7 : vector<1x768xf32> to vector<400x768xf32>
    %add3A_228 = arith.addf %dot_general3A_226, %add3A_227 : vector<400x768xf32>
    %dot_general3A_229 = arith.constant dense<0.000000e+00> : vector<400x768xf32>
    %dot_general3A_230 = tpu.matmul %add3A_175, %get3A_4, %dot_general3A_229 {dimension_numbers = #tpu.dot_dimension_numbers<[1], [0], [0], [1], [0, 0, 1, 1], [], []>, transpose_lhs_hint = false} : vector<400x256xf32>, vector<256x768xf32>, vector<400x768xf32> -> vector<400x768xf32>
    %add3A_231 = vector.broadcast %get3A_10 : vector<1x768xf32> to vector<400x768xf32>
    %add3A_232 = arith.addf %dot_general3A_230, %add3A_231 : vector<400x768xf32>
    %slice3A_233 = vector.extract_strided_slice %add3A_228 {offsets = [0, 0], sizes = [400, 256], strides = [1, 1]} : vector<400x768xf32> to vector<400x256xf32>
    %slice3A_234 = vector.extract_strided_slice %add3A_232 {offsets = [0, 0], sizes = [400, 256], strides = [1, 1]} : vector<400x768xf32> to vector<400x256xf32>
    %add3A_235 = arith.addf %slice3A_233, %slice3A_234 : vector<400x256xf32>
    %logistic3A_236 = arith.negf %add3A_235 : vector<400x256xf32>
    %logistic3A_237 = math.exp %logistic3A_236 : vector<400x256xf32>
    %logistic3A_238 = arith.constant 1.000000e+00 : f32
    %logistic3A_239 = vector.broadcast %logistic3A_238 : f32 to vector<400x256xf32>
    %logistic3A_240 = arith.addf %logistic3A_239, %logistic3A_237 : vector<400x256xf32>
    %logistic3A_241 = arith.divf %logistic3A_239, %logistic3A_240 : vector<400x256xf32>
    %slice3A_242 = vector.extract_strided_slice %add3A_228 {offsets = [0, 256], sizes = [400, 256], strides = [1, 1]} : vector<400x768xf32> to vector<400x256xf32>
    %slice3A_243 = vector.extract_strided_slice %add3A_232 {offsets = [0, 256], sizes = [400, 256], strides = [1, 1]} : vector<400x768xf32> to vector<400x256xf32>
    %add3A_244 = arith.addf %slice3A_242, %slice3A_243 : vector<400x256xf32>
    %logistic3A_245 = arith.negf %add3A_244 : vector<400x256xf32>
    %logistic3A_246 = math.exp %logistic3A_245 : vector<400x256xf32>
    %logistic3A_247 = arith.constant 1.000000e+00 : f32
    %logistic3A_248 = vector.broadcast %logistic3A_247 : f32 to vector<400x256xf32>
    %logistic3A_249 = arith.addf %logistic3A_248, %logistic3A_246 : vector<400x256xf32>
    %logistic3A_250 = arith.divf %logistic3A_248, %logistic3A_249 : vector<400x256xf32>
    %slice3A_251 = vector.extract_strided_slice %add3A_228 {offsets = [0, 512], sizes = [400, 256], strides = [1, 1]} : vector<400x768xf32> to vector<400x256xf32>
    %slice3A_252 = vector.extract_strided_slice %add3A_232 {offsets = [0, 512], sizes = [400, 256], strides = [1, 1]} : vector<400x768xf32> to vector<400x256xf32>
    %mul3A_253 = arith.mulf %logistic3A_241, %slice3A_252 : vector<400x256xf32>
    %add3A_254 = arith.addf %slice3A_251, %mul3A_253 : vector<400x256xf32>
    %tanh3A_255 = math.tanh %add3A_254 : vector<400x256xf32>
    %sub3A_256 = arith.constant 1.000000e+00 : f32
    %sub3A_257 = vector.broadcast %sub3A_256 : f32 to vector<400x256xf32>
    %sub3A_258 = arith.subf %sub3A_257, %logistic3A_250 : vector<400x256xf32>
    %mul3A_259 = arith.mulf %sub3A_258, %tanh3A_255 : vector<400x256xf32>
    %mul3A_260 = arith.mulf %logistic3A_250, %add3A_175 : vector<400x256xf32>
    %add3A_261 = arith.addf %mul3A_259, %mul3A_260 : vector<400x256xf32>
    %get3A_262 = arith.constant 0 : index
    %get3A_263 = arith.constant 48 : index
    %get3A_264 = vector.load %arg1[%get3A_262, %get3A_263] : memref<6400x128xf32, #tpu.memory_space<vmem>>, vector<400x16xf32>
    %get3A_265 = arith.constant 400 : index
    %get3A_266 = arith.constant 48 : index
    %get3A_267 = vector.load %arg1[%get3A_265, %get3A_266] : memref<6400x128xf32, #tpu.memory_space<vmem>>, vector<400x16xf32>
    %get3A_268 = arith.constant 800 : index
    %get3A_269 = arith.constant 48 : index
    %get3A_270 = vector.load %arg1[%get3A_268, %get3A_269] : memref<6400x128xf32, #tpu.memory_space<vmem>>, vector<400x16xf32>
    %get3A_271 = arith.constant 1200 : index
    %get3A_272 = arith.constant 48 : index
    %get3A_273 = vector.load %arg1[%get3A_271, %get3A_272] : memref<6400x128xf32, #tpu.memory_space<vmem>>, vector<400x16xf32>
    %get3A_274 = arith.constant 1600 : index
    %get3A_275 = arith.constant 48 : index
    %get3A_276 = vector.load %arg1[%get3A_274, %get3A_275] : memref<6400x128xf32, #tpu.memory_space<vmem>>, vector<400x16xf32>
    %get3A_277 = arith.constant 2000 : index
    %get3A_278 = arith.constant 48 : index
    %get3A_279 = vector.load %arg1[%get3A_277, %get3A_278] : memref<6400x128xf32, #tpu.memory_space<vmem>>, vector<400x16xf32>
    %get3A_280 = arith.constant 2400 : index
    %get3A_281 = arith.constant 48 : index
    %get3A_282 = vector.load %arg1[%get3A_280, %get3A_281] : memref<6400x128xf32, #tpu.memory_space<vmem>>, vector<400x16xf32>
    %get3A_283 = arith.constant 2800 : index
    %get3A_284 = arith.constant 48 : index
    %get3A_285 = vector.load %arg1[%get3A_283, %get3A_284] : memref<6400x128xf32, #tpu.memory_space<vmem>>, vector<400x16xf32>
    %get3A_286 = arith.constant 3200 : index
    %get3A_287 = arith.constant 48 : index
    %get3A_288 = vector.load %arg1[%get3A_286, %get3A_287] : memref<6400x128xf32, #tpu.memory_space<vmem>>, vector<400x16xf32>
    %get3A_289 = arith.constant 3600 : index
    %get3A_290 = arith.constant 48 : index
    %get3A_291 = vector.load %arg1[%get3A_289, %get3A_290] : memref<6400x128xf32, #tpu.memory_space<vmem>>, vector<400x16xf32>
    %get3A_292 = arith.constant 4000 : index
    %get3A_293 = arith.constant 48 : index
    %get3A_294 = vector.load %arg1[%get3A_292, %get3A_293] : memref<6400x128xf32, #tpu.memory_space<vmem>>, vector<400x16xf32>
    %get3A_295 = arith.constant 4400 : index
    %get3A_296 = arith.constant 48 : index
    %get3A_297 = vector.load %arg1[%get3A_295, %get3A_296] : memref<6400x128xf32, #tpu.memory_space<vmem>>, vector<400x16xf32>
    %get3A_298 = arith.constant 4800 : index
    %get3A_299 = arith.constant 48 : index
    %get3A_300 = vector.load %arg1[%get3A_298, %get3A_299] : memref<6400x128xf32, #tpu.memory_space<vmem>>, vector<400x16xf32>
    %get3A_301 = arith.constant 5200 : index
    %get3A_302 = arith.constant 48 : index
    %get3A_303 = vector.load %arg1[%get3A_301, %get3A_302] : memref<6400x128xf32, #tpu.memory_space<vmem>>, vector<400x16xf32>
    %get3A_304 = arith.constant 5600 : index
    %get3A_305 = arith.constant 48 : index
    %get3A_306 = vector.load %arg1[%get3A_304, %get3A_305] : memref<6400x128xf32, #tpu.memory_space<vmem>>, vector<400x16xf32>
    %get3A_307 = arith.constant 6000 : index
    %get3A_308 = arith.constant 48 : index
    %get3A_309 = vector.load %arg1[%get3A_307, %get3A_308] : memref<6400x128xf32, #tpu.memory_space<vmem>>, vector<400x16xf32>
    %concatenate3A_310 = tpu.concatenate %get3A_264, %get3A_267, %get3A_270, %get3A_273, %get3A_276, %get3A_279, %get3A_282, %get3A_285, %get3A_288, %get3A_291, %get3A_294, %get3A_297, %get3A_300, %get3A_303, %get3A_306, %get3A_309 in 1 : vector<400x16xf32>, vector<400x16xf32>, vector<400x16xf32>, vector<400x16xf32>, vector<400x16xf32>, vector<400x16xf32>, vector<400x16xf32>, vector<400x16xf32>, vector<400x16xf32>, vector<400x16xf32>, vector<400x16xf32>, vector<400x16xf32>, vector<400x16xf32>, vector<400x16xf32>, vector<400x16xf32>, vector<400x16xf32> -> vector<400x256xf32>
    %dot_general3A_311 = arith.constant dense<0.000000e+00> : vector<400x768xf32>
    %dot_general3A_312 = tpu.matmul %concatenate3A_310, %get3A_1, %dot_general3A_311 {dimension_numbers = #tpu.dot_dimension_numbers<[1], [0], [0], [1], [0, 0, 1, 1], [], []>, transpose_lhs_hint = false} : vector<400x256xf32>, vector<256x768xf32>, vector<400x768xf32> -> vector<400x768xf32>
    %add3A_313 = vector.broadcast %get3A_7 : vector<1x768xf32> to vector<400x768xf32>
    %add3A_314 = arith.addf %dot_general3A_312, %add3A_313 : vector<400x768xf32>
    %dot_general3A_315 = arith.constant dense<0.000000e+00> : vector<400x768xf32>
    %dot_general3A_316 = tpu.matmul %add3A_261, %get3A_4, %dot_general3A_315 {dimension_numbers = #tpu.dot_dimension_numbers<[1], [0], [0], [1], [0, 0, 1, 1], [], []>, transpose_lhs_hint = false} : vector<400x256xf32>, vector<256x768xf32>, vector<400x768xf32> -> vector<400x768xf32>
    %add3A_317 = vector.broadcast %get3A_10 : vector<1x768xf32> to vector<400x768xf32>
    %add3A_318 = arith.addf %dot_general3A_316, %add3A_317 : vector<400x768xf32>
    %slice3A_319 = vector.extract_strided_slice %add3A_314 {offsets = [0, 0], sizes = [400, 256], strides = [1, 1]} : vector<400x768xf32> to vector<400x256xf32>
    %slice3A_320 = vector.extract_strided_slice %add3A_318 {offsets = [0, 0], sizes = [400, 256], strides = [1, 1]} : vector<400x768xf32> to vector<400x256xf32>
    %add3A_321 = arith.addf %slice3A_319, %slice3A_320 : vector<400x256xf32>
    %logistic3A_322 = arith.negf %add3A_321 : vector<400x256xf32>
    %logistic3A_323 = math.exp %logistic3A_322 : vector<400x256xf32>
    %logistic3A_324 = arith.constant 1.000000e+00 : f32
    %logistic3A_325 = vector.broadcast %logistic3A_324 : f32 to vector<400x256xf32>
    %logistic3A_326 = arith.addf %logistic3A_325, %logistic3A_323 : vector<400x256xf32>
    %logistic3A_327 = arith.divf %logistic3A_325, %logistic3A_326 : vector<400x256xf32>
    %slice3A_328 = vector.extract_strided_slice %add3A_314 {offsets = [0, 256], sizes = [400, 256], strides = [1, 1]} : vector<400x768xf32> to vector<400x256xf32>
    %slice3A_329 = vector.extract_strided_slice %add3A_318 {offsets = [0, 256], sizes = [400, 256], strides = [1, 1]} : vector<400x768xf32> to vector<400x256xf32>
    %add3A_330 = arith.addf %slice3A_328, %slice3A_329 : vector<400x256xf32>
    %logistic3A_331 = arith.negf %add3A_330 : vector<400x256xf32>
    %logistic3A_332 = math.exp %logistic3A_331 : vector<400x256xf32>
    %logistic3A_333 = arith.constant 1.000000e+00 : f32
    %logistic3A_334 = vector.broadcast %logistic3A_333 : f32 to vector<400x256xf32>
    %logistic3A_335 = arith.addf %logistic3A_334, %logistic3A_332 : vector<400x256xf32>
    %logistic3A_336 = arith.divf %logistic3A_334, %logistic3A_335 : vector<400x256xf32>
    %slice3A_337 = vector.extract_strided_slice %add3A_314 {offsets = [0, 512], sizes = [400, 256], strides = [1, 1]} : vector<400x768xf32> to vector<400x256xf32>
    %slice3A_338 = vector.extract_strided_slice %add3A_318 {offsets = [0, 512], sizes = [400, 256], strides = [1, 1]} : vector<400x768xf32> to vector<400x256xf32>
    %mul3A_339 = arith.mulf %logistic3A_327, %slice3A_338 : vector<400x256xf32>
    %add3A_340 = arith.addf %slice3A_337, %mul3A_339 : vector<400x256xf32>
    %tanh3A_341 = math.tanh %add3A_340 : vector<400x256xf32>
    %sub3A_342 = arith.constant 1.000000e+00 : f32
    %sub3A_343 = vector.broadcast %sub3A_342 : f32 to vector<400x256xf32>
    %sub3A_344 = arith.subf %sub3A_343, %logistic3A_336 : vector<400x256xf32>
    %mul3A_345 = arith.mulf %sub3A_344, %tanh3A_341 : vector<400x256xf32>
    %mul3A_346 = arith.mulf %logistic3A_336, %add3A_261 : vector<400x256xf32>
    %add3A_347 = arith.addf %mul3A_345, %mul3A_346 : vector<400x256xf32>
    %get3A_348 = arith.constant 0 : index
    %get3A_349 = arith.constant 64 : index
    %get3A_350 = vector.load %arg1[%get3A_348, %get3A_349] : memref<6400x128xf32, #tpu.memory_space<vmem>>, vector<400x16xf32>
    %get3A_351 = arith.constant 400 : index
    %get3A_352 = arith.constant 64 : index
    %get3A_353 = vector.load %arg1[%get3A_351, %get3A_352] : memref<6400x128xf32, #tpu.memory_space<vmem>>, vector<400x16xf32>
    %get3A_354 = arith.constant 800 : index
    %get3A_355 = arith.constant 64 : index
    %get3A_356 = vector.load %arg1[%get3A_354, %get3A_355] : memref<6400x128xf32, #tpu.memory_space<vmem>>, vector<400x16xf32>
    %get3A_357 = arith.constant 1200 : index
    %get3A_358 = arith.constant 64 : index
    %get3A_359 = vector.load %arg1[%get3A_357, %get3A_358] : memref<6400x128xf32, #tpu.memory_space<vmem>>, vector<400x16xf32>
    %get3A_360 = arith.constant 1600 : index
    %get3A_361 = arith.constant 64 : index
    %get3A_362 = vector.load %arg1[%get3A_360, %get3A_361] : memref<6400x128xf32, #tpu.memory_space<vmem>>, vector<400x16xf32>
    %get3A_363 = arith.constant 2000 : index
    %get3A_364 = arith.constant 64 : index
    %get3A_365 = vector.load %arg1[%get3A_363, %get3A_364] : memref<6400x128xf32, #tpu.memory_space<vmem>>, vector<400x16xf32>
    %get3A_366 = arith.constant 2400 : index
    %get3A_367 = arith.constant 64 : index
    %get3A_368 = vector.load %arg1[%get3A_366, %get3A_367] : memref<6400x128xf32, #tpu.memory_space<vmem>>, vector<400x16xf32>
    %get3A_369 = arith.constant 2800 : index
    %get3A_370 = arith.constant 64 : index
    %get3A_371 = vector.load %arg1[%get3A_369, %get3A_370] : memref<6400x128xf32, #tpu.memory_space<vmem>>, vector<400x16xf32>
    %get3A_372 = arith.constant 3200 : index
    %get3A_373 = arith.constant 64 : index
    %get3A_374 = vector.load %arg1[%get3A_372, %get3A_373] : memref<6400x128xf32, #tpu.memory_space<vmem>>, vector<400x16xf32>
    %get3A_375 = arith.constant 3600 : index
    %get3A_376 = arith.constant 64 : index
    %get3A_377 = vector.load %arg1[%get3A_375, %get3A_376] : memref<6400x128xf32, #tpu.memory_space<vmem>>, vector<400x16xf32>
    %get3A_378 = arith.constant 4000 : index
    %get3A_379 = arith.constant 64 : index
    %get3A_380 = vector.load %arg1[%get3A_378, %get3A_379] : memref<6400x128xf32, #tpu.memory_space<vmem>>, vector<400x16xf32>
    %get3A_381 = arith.constant 4400 : index
    %get3A_382 = arith.constant 64 : index
    %get3A_383 = vector.load %arg1[%get3A_381, %get3A_382] : memref<6400x128xf32, #tpu.memory_space<vmem>>, vector<400x16xf32>
    %get3A_384 = arith.constant 4800 : index
    %get3A_385 = arith.constant 64 : index
    %get3A_386 = vector.load %arg1[%get3A_384, %get3A_385] : memref<6400x128xf32, #tpu.memory_space<vmem>>, vector<400x16xf32>
    %get3A_387 = arith.constant 5200 : index
    %get3A_388 = arith.constant 64 : index
    %get3A_389 = vector.load %arg1[%get3A_387, %get3A_388] : memref<6400x128xf32, #tpu.memory_space<vmem>>, vector<400x16xf32>
    %get3A_390 = arith.constant 5600 : index
    %get3A_391 = arith.constant 64 : index
    %get3A_392 = vector.load %arg1[%get3A_390, %get3A_391] : memref<6400x128xf32, #tpu.memory_space<vmem>>, vector<400x16xf32>
    %get3A_393 = arith.constant 6000 : index
    %get3A_394 = arith.constant 64 : index
    %get3A_395 = vector.load %arg1[%get3A_393, %get3A_394] : memref<6400x128xf32, #tpu.memory_space<vmem>>, vector<400x16xf32>
    %concatenate3A_396 = tpu.concatenate %get3A_350, %get3A_353, %get3A_356, %get3A_359, %get3A_362, %get3A_365, %get3A_368, %get3A_371, %get3A_374, %get3A_377, %get3A_380, %get3A_383, %get3A_386, %get3A_389, %get3A_392, %get3A_395 in 1 : vector<400x16xf32>, vector<400x16xf32>, vector<400x16xf32>, vector<400x16xf32>, vector<400x16xf32>, vector<400x16xf32>, vector<400x16xf32>, vector<400x16xf32>, vector<400x16xf32>, vector<400x16xf32>, vector<400x16xf32>, vector<400x16xf32>, vector<400x16xf32>, vector<400x16xf32>, vector<400x16xf32>, vector<400x16xf32> -> vector<400x256xf32>
    %dot_general3A_397 = arith.constant dense<0.000000e+00> : vector<400x768xf32>
    %dot_general3A_398 = tpu.matmul %concatenate3A_396, %get3A_1, %dot_general3A_397 {dimension_numbers = #tpu.dot_dimension_numbers<[1], [0], [0], [1], [0, 0, 1, 1], [], []>, transpose_lhs_hint = false} : vector<400x256xf32>, vector<256x768xf32>, vector<400x768xf32> -> vector<400x768xf32>
    %add3A_399 = vector.broadcast %get3A_7 : vector<1x768xf32> to vector<400x768xf32>
    %add3A_400 = arith.addf %dot_general3A_398, %add3A_399 : vector<400x768xf32>
    %dot_general3A_401 = arith.constant dense<0.000000e+00> : vector<400x768xf32>
    %dot_general3A_402 = tpu.matmul %add3A_347, %get3A_4, %dot_general3A_401 {dimension_numbers = #tpu.dot_dimension_numbers<[1], [0], [0], [1], [0, 0, 1, 1], [], []>, transpose_lhs_hint = false} : vector<400x256xf32>, vector<256x768xf32>, vector<400x768xf32> -> vector<400x768xf32>
    %add3A_403 = vector.broadcast %get3A_10 : vector<1x768xf32> to vector<400x768xf32>
    %add3A_404 = arith.addf %dot_general3A_402, %add3A_403 : vector<400x768xf32>
    %slice3A_405 = vector.extract_strided_slice %add3A_400 {offsets = [0, 0], sizes = [400, 256], strides = [1, 1]} : vector<400x768xf32> to vector<400x256xf32>
    %slice3A_406 = vector.extract_strided_slice %add3A_404 {offsets = [0, 0], sizes = [400, 256], strides = [1, 1]} : vector<400x768xf32> to vector<400x256xf32>
    %add3A_407 = arith.addf %slice3A_405, %slice3A_406 : vector<400x256xf32>
    %logistic3A_408 = arith.negf %add3A_407 : vector<400x256xf32>
    %logistic3A_409 = math.exp %logistic3A_408 : vector<400x256xf32>
    %logistic3A_410 = arith.constant 1.000000e+00 : f32
    %logistic3A_411 = vector.broadcast %logistic3A_410 : f32 to vector<400x256xf32>
    %logistic3A_412 = arith.addf %logistic3A_411, %logistic3A_409 : vector<400x256xf32>
    %logistic3A_413 = arith.divf %logistic3A_411, %logistic3A_412 : vector<400x256xf32>
    %slice3A_414 = vector.extract_strided_slice %add3A_400 {offsets = [0, 256], sizes = [400, 256], strides = [1, 1]} : vector<400x768xf32> to vector<400x256xf32>
    %slice3A_415 = vector.extract_strided_slice %add3A_404 {offsets = [0, 256], sizes = [400, 256], strides = [1, 1]} : vector<400x768xf32> to vector<400x256xf32>
    %add3A_416 = arith.addf %slice3A_414, %slice3A_415 : vector<400x256xf32>
    %logistic3A_417 = arith.negf %add3A_416 : vector<400x256xf32>
    %logistic3A_418 = math.exp %logistic3A_417 : vector<400x256xf32>
    %logistic3A_419 = arith.constant 1.000000e+00 : f32
    %logistic3A_420 = vector.broadcast %logistic3A_419 : f32 to vector<400x256xf32>
    %logistic3A_421 = arith.addf %logistic3A_420, %logistic3A_418 : vector<400x256xf32>
    %logistic3A_422 = arith.divf %logistic3A_420, %logistic3A_421 : vector<400x256xf32>
    %slice3A_423 = vector.extract_strided_slice %add3A_400 {offsets = [0, 512], sizes = [400, 256], strides = [1, 1]} : vector<400x768xf32> to vector<400x256xf32>
    %slice3A_424 = vector.extract_strided_slice %add3A_404 {offsets = [0, 512], sizes = [400, 256], strides = [1, 1]} : vector<400x768xf32> to vector<400x256xf32>
    %mul3A_425 = arith.mulf %logistic3A_413, %slice3A_424 : vector<400x256xf32>
    %add3A_426 = arith.addf %slice3A_423, %mul3A_425 : vector<400x256xf32>
    %tanh3A_427 = math.tanh %add3A_426 : vector<400x256xf32>
    %sub3A_428 = arith.constant 1.000000e+00 : f32
    %sub3A_429 = vector.broadcast %sub3A_428 : f32 to vector<400x256xf32>
    %sub3A_430 = arith.subf %sub3A_429, %logistic3A_422 : vector<400x256xf32>
    %mul3A_431 = arith.mulf %sub3A_430, %tanh3A_427 : vector<400x256xf32>
    %mul3A_432 = arith.mulf %logistic3A_422, %add3A_347 : vector<400x256xf32>
    %add3A_433 = arith.addf %mul3A_431, %mul3A_432 : vector<400x256xf32>
    %get3A_434 = arith.constant 0 : index
    %get3A_435 = arith.constant 80 : index
    %get3A_436 = vector.load %arg1[%get3A_434, %get3A_435] : memref<6400x128xf32, #tpu.memory_space<vmem>>, vector<400x16xf32>
    %get3A_437 = arith.constant 400 : index
    %get3A_438 = arith.constant 80 : index
    %get3A_439 = vector.load %arg1[%get3A_437, %get3A_438] : memref<6400x128xf32, #tpu.memory_space<vmem>>, vector<400x16xf32>
    %get3A_440 = arith.constant 800 : index
    %get3A_441 = arith.constant 80 : index
    %get3A_442 = vector.load %arg1[%get3A_440, %get3A_441] : memref<6400x128xf32, #tpu.memory_space<vmem>>, vector<400x16xf32>
    %get3A_443 = arith.constant 1200 : index
    %get3A_444 = arith.constant 80 : index
    %get3A_445 = vector.load %arg1[%get3A_443, %get3A_444] : memref<6400x128xf32, #tpu.memory_space<vmem>>, vector<400x16xf32>
    %get3A_446 = arith.constant 1600 : index
    %get3A_447 = arith.constant 80 : index
    %get3A_448 = vector.load %arg1[%get3A_446, %get3A_447] : memref<6400x128xf32, #tpu.memory_space<vmem>>, vector<400x16xf32>
    %get3A_449 = arith.constant 2000 : index
    %get3A_450 = arith.constant 80 : index
    %get3A_451 = vector.load %arg1[%get3A_449, %get3A_450] : memref<6400x128xf32, #tpu.memory_space<vmem>>, vector<400x16xf32>
    %get3A_452 = arith.constant 2400 : index
    %get3A_453 = arith.constant 80 : index
    %get3A_454 = vector.load %arg1[%get3A_452, %get3A_453] : memref<6400x128xf32, #tpu.memory_space<vmem>>, vector<400x16xf32>
    %get3A_455 = arith.constant 2800 : index
    %get3A_456 = arith.constant 80 : index
    %get3A_457 = vector.load %arg1[%get3A_455, %get3A_456] : memref<6400x128xf32, #tpu.memory_space<vmem>>, vector<400x16xf32>
    %get3A_458 = arith.constant 3200 : index
    %get3A_459 = arith.constant 80 : index
    %get3A_460 = vector.load %arg1[%get3A_458, %get3A_459] : memref<6400x128xf32, #tpu.memory_space<vmem>>, vector<400x16xf32>
    %get3A_461 = arith.constant 3600 : index
    %get3A_462 = arith.constant 80 : index
    %get3A_463 = vector.load %arg1[%get3A_461, %get3A_462] : memref<6400x128xf32, #tpu.memory_space<vmem>>, vector<400x16xf32>
    %get3A_464 = arith.constant 4000 : index
    %get3A_465 = arith.constant 80 : index
    %get3A_466 = vector.load %arg1[%get3A_464, %get3A_465] : memref<6400x128xf32, #tpu.memory_space<vmem>>, vector<400x16xf32>
    %get3A_467 = arith.constant 4400 : index
    %get3A_468 = arith.constant 80 : index
    %get3A_469 = vector.load %arg1[%get3A_467, %get3A_468] : memref<6400x128xf32, #tpu.memory_space<vmem>>, vector<400x16xf32>
    %get3A_470 = arith.constant 4800 : index
    %get3A_471 = arith.constant 80 : index
    %get3A_472 = vector.load %arg1[%get3A_470, %get3A_471] : memref<6400x128xf32, #tpu.memory_space<vmem>>, vector<400x16xf32>
    %get3A_473 = arith.constant 5200 : index
    %get3A_474 = arith.constant 80 : index
    %get3A_475 = vector.load %arg1[%get3A_473, %get3A_474] : memref<6400x128xf32, #tpu.memory_space<vmem>>, vector<400x16xf32>
    %get3A_476 = arith.constant 5600 : index
    %get3A_477 = arith.constant 80 : index
    %get3A_478 = vector.load %arg1[%get3A_476, %get3A_477] : memref<6400x128xf32, #tpu.memory_space<vmem>>, vector<400x16xf32>
    %get3A_479 = arith.constant 6000 : index
    %get3A_480 = arith.constant 80 : index
    %get3A_481 = vector.load %arg1[%get3A_479, %get3A_480] : memref<6400x128xf32, #tpu.memory_space<vmem>>, vector<400x16xf32>
    %concatenate3A_482 = tpu.concatenate %get3A_436, %get3A_439, %get3A_442, %get3A_445, %get3A_448, %get3A_451, %get3A_454, %get3A_457, %get3A_460, %get3A_463, %get3A_466, %get3A_469, %get3A_472, %get3A_475, %get3A_478, %get3A_481 in 1 : vector<400x16xf32>, vector<400x16xf32>, vector<400x16xf32>, vector<400x16xf32>, vector<400x16xf32>, vector<400x16xf32>, vector<400x16xf32>, vector<400x16xf32>, vector<400x16xf32>, vector<400x16xf32>, vector<400x16xf32>, vector<400x16xf32>, vector<400x16xf32>, vector<400x16xf32>, vector<400x16xf32>, vector<400x16xf32> -> vector<400x256xf32>
    %dot_general3A_483 = arith.constant dense<0.000000e+00> : vector<400x768xf32>
    %dot_general3A_484 = tpu.matmul %concatenate3A_482, %get3A_1, %dot_general3A_483 {dimension_numbers = #tpu.dot_dimension_numbers<[1], [0], [0], [1], [0, 0, 1, 1], [], []>, transpose_lhs_hint = false} : vector<400x256xf32>, vector<256x768xf32>, vector<400x768xf32> -> vector<400x768xf32>
    %add3A_485 = vector.broadcast %get3A_7 : vector<1x768xf32> to vector<400x768xf32>
    %add3A_486 = arith.addf %dot_general3A_484, %add3A_485 : vector<400x768xf32>
    %dot_general3A_487 = arith.constant dense<0.000000e+00> : vector<400x768xf32>
    %dot_general3A_488 = tpu.matmul %add3A_433, %get3A_4, %dot_general3A_487 {dimension_numbers = #tpu.dot_dimension_numbers<[1], [0], [0], [1], [0, 0, 1, 1], [], []>, transpose_lhs_hint = false} : vector<400x256xf32>, vector<256x768xf32>, vector<400x768xf32> -> vector<400x768xf32>
    %add3A_489 = vector.broadcast %get3A_10 : vector<1x768xf32> to vector<400x768xf32>
    %add3A_490 = arith.addf %dot_general3A_488, %add3A_489 : vector<400x768xf32>
    %slice3A_491 = vector.extract_strided_slice %add3A_486 {offsets = [0, 0], sizes = [400, 256], strides = [1, 1]} : vector<400x768xf32> to vector<400x256xf32>
    %slice3A_492 = vector.extract_strided_slice %add3A_490 {offsets = [0, 0], sizes = [400, 256], strides = [1, 1]} : vector<400x768xf32> to vector<400x256xf32>
    %add3A_493 = arith.addf %slice3A_491, %slice3A_492 : vector<400x256xf32>
    %logistic3A_494 = arith.negf %add3A_493 : vector<400x256xf32>
    %logistic3A_495 = math.exp %logistic3A_494 : vector<400x256xf32>
    %logistic3A_496 = arith.constant 1.000000e+00 : f32
    %logistic3A_497 = vector.broadcast %logistic3A_496 : f32 to vector<400x256xf32>
    %logistic3A_498 = arith.addf %logistic3A_497, %logistic3A_495 : vector<400x256xf32>
    %logistic3A_499 = arith.divf %logistic3A_497, %logistic3A_498 : vector<400x256xf32>
    %slice3A_500 = vector.extract_strided_slice %add3A_486 {offsets = [0, 256], sizes = [400, 256], strides = [1, 1]} : vector<400x768xf32> to vector<400x256xf32>
    %slice3A_501 = vector.extract_strided_slice %add3A_490 {offsets = [0, 256], sizes = [400, 256], strides = [1, 1]} : vector<400x768xf32> to vector<400x256xf32>
    %add3A_502 = arith.addf %slice3A_500, %slice3A_501 : vector<400x256xf32>
    %logistic3A_503 = arith.negf %add3A_502 : vector<400x256xf32>
    %logistic3A_504 = math.exp %logistic3A_503 : vector<400x256xf32>
    %logistic3A_505 = arith.constant 1.000000e+00 : f32
    %logistic3A_506 = vector.broadcast %logistic3A_505 : f32 to vector<400x256xf32>
    %logistic3A_507 = arith.addf %logistic3A_506, %logistic3A_504 : vector<400x256xf32>
    %logistic3A_508 = arith.divf %logistic3A_506, %logistic3A_507 : vector<400x256xf32>
    %slice3A_509 = vector.extract_strided_slice %add3A_486 {offsets = [0, 512], sizes = [400, 256], strides = [1, 1]} : vector<400x768xf32> to vector<400x256xf32>
    %slice3A_510 = vector.extract_strided_slice %add3A_490 {offsets = [0, 512], sizes = [400, 256], strides = [1, 1]} : vector<400x768xf32> to vector<400x256xf32>
    %mul3A_511 = arith.mulf %logistic3A_499, %slice3A_510 : vector<400x256xf32>
    %add3A_512 = arith.addf %slice3A_509, %mul3A_511 : vector<400x256xf32>
    %tanh3A_513 = math.tanh %add3A_512 : vector<400x256xf32>
    %sub3A_514 = arith.constant 1.000000e+00 : f32
    %sub3A_515 = vector.broadcast %sub3A_514 : f32 to vector<400x256xf32>
    %sub3A_516 = arith.subf %sub3A_515, %logistic3A_508 : vector<400x256xf32>
    %mul3A_517 = arith.mulf %sub3A_516, %tanh3A_513 : vector<400x256xf32>
    %mul3A_518 = arith.mulf %logistic3A_508, %add3A_433 : vector<400x256xf32>
    %add3A_519 = arith.addf %mul3A_517, %mul3A_518 : vector<400x256xf32>
    %get3A_520 = arith.constant 0 : index
    %get3A_521 = arith.constant 96 : index
    %get3A_522 = vector.load %arg1[%get3A_520, %get3A_521] : memref<6400x128xf32, #tpu.memory_space<vmem>>, vector<400x16xf32>
    %get3A_523 = arith.constant 400 : index
    %get3A_524 = arith.constant 96 : index
    %get3A_525 = vector.load %arg1[%get3A_523, %get3A_524] : memref<6400x128xf32, #tpu.memory_space<vmem>>, vector<400x16xf32>
    %get3A_526 = arith.constant 800 : index
    %get3A_527 = arith.constant 96 : index
    %get3A_528 = vector.load %arg1[%get3A_526, %get3A_527] : memref<6400x128xf32, #tpu.memory_space<vmem>>, vector<400x16xf32>
    %get3A_529 = arith.constant 1200 : index
    %get3A_530 = arith.constant 96 : index
    %get3A_531 = vector.load %arg1[%get3A_529, %get3A_530] : memref<6400x128xf32, #tpu.memory_space<vmem>>, vector<400x16xf32>
    %get3A_532 = arith.constant 1600 : index
    %get3A_533 = arith.constant 96 : index
    %get3A_534 = vector.load %arg1[%get3A_532, %get3A_533] : memref<6400x128xf32, #tpu.memory_space<vmem>>, vector<400x16xf32>
    %get3A_535 = arith.constant 2000 : index
    %get3A_536 = arith.constant 96 : index
    %get3A_537 = vector.load %arg1[%get3A_535, %get3A_536] : memref<6400x128xf32, #tpu.memory_space<vmem>>, vector<400x16xf32>
    %get3A_538 = arith.constant 2400 : index
    %get3A_539 = arith.constant 96 : index
    %get3A_540 = vector.load %arg1[%get3A_538, %get3A_539] : memref<6400x128xf32, #tpu.memory_space<vmem>>, vector<400x16xf32>
    %get3A_541 = arith.constant 2800 : index
    %get3A_542 = arith.constant 96 : index
    %get3A_543 = vector.load %arg1[%get3A_541, %get3A_542] : memref<6400x128xf32, #tpu.memory_space<vmem>>, vector<400x16xf32>
    %get3A_544 = arith.constant 3200 : index
    %get3A_545 = arith.constant 96 : index
    %get3A_546 = vector.load %arg1[%get3A_544, %get3A_545] : memref<6400x128xf32, #tpu.memory_space<vmem>>, vector<400x16xf32>
    %get3A_547 = arith.constant 3600 : index
    %get3A_548 = arith.constant 96 : index
    %get3A_549 = vector.load %arg1[%get3A_547, %get3A_548] : memref<6400x128xf32, #tpu.memory_space<vmem>>, vector<400x16xf32>
    %get3A_550 = arith.constant 4000 : index
    %get3A_551 = arith.constant 96 : index
    %get3A_552 = vector.load %arg1[%get3A_550, %get3A_551] : memref<6400x128xf32, #tpu.memory_space<vmem>>, vector<400x16xf32>
    %get3A_553 = arith.constant 4400 : index
    %get3A_554 = arith.constant 96 : index
    %get3A_555 = vector.load %arg1[%get3A_553, %get3A_554] : memref<6400x128xf32, #tpu.memory_space<vmem>>, vector<400x16xf32>
    %get3A_556 = arith.constant 4800 : index
    %get3A_557 = arith.constant 96 : index
    %get3A_558 = vector.load %arg1[%get3A_556, %get3A_557] : memref<6400x128xf32, #tpu.memory_space<vmem>>, vector<400x16xf32>
    %get3A_559 = arith.constant 5200 : index
    %get3A_560 = arith.constant 96 : index
    %get3A_561 = vector.load %arg1[%get3A_559, %get3A_560] : memref<6400x128xf32, #tpu.memory_space<vmem>>, vector<400x16xf32>
    %get3A_562 = arith.constant 5600 : index
    %get3A_563 = arith.constant 96 : index
    %get3A_564 = vector.load %arg1[%get3A_562, %get3A_563] : memref<6400x128xf32, #tpu.memory_space<vmem>>, vector<400x16xf32>
    %get3A_565 = arith.constant 6000 : index
    %get3A_566 = arith.constant 96 : index
    %get3A_567 = vector.load %arg1[%get3A_565, %get3A_566] : memref<6400x128xf32, #tpu.memory_space<vmem>>, vector<400x16xf32>
    %concatenate3A_568 = tpu.concatenate %get3A_522, %get3A_525, %get3A_528, %get3A_531, %get3A_534, %get3A_537, %get3A_540, %get3A_543, %get3A_546, %get3A_549, %get3A_552, %get3A_555, %get3A_558, %get3A_561, %get3A_564, %get3A_567 in 1 : vector<400x16xf32>, vector<400x16xf32>, vector<400x16xf32>, vector<400x16xf32>, vector<400x16xf32>, vector<400x16xf32>, vector<400x16xf32>, vector<400x16xf32>, vector<400x16xf32>, vector<400x16xf32>, vector<400x16xf32>, vector<400x16xf32>, vector<400x16xf32>, vector<400x16xf32>, vector<400x16xf32>, vector<400x16xf32> -> vector<400x256xf32>
    %dot_general3A_569 = arith.constant dense<0.000000e+00> : vector<400x768xf32>
    %dot_general3A_570 = tpu.matmul %concatenate3A_568, %get3A_1, %dot_general3A_569 {dimension_numbers = #tpu.dot_dimension_numbers<[1], [0], [0], [1], [0, 0, 1, 1], [], []>, transpose_lhs_hint = false} : vector<400x256xf32>, vector<256x768xf32>, vector<400x768xf32> -> vector<400x768xf32>
    %add3A_571 = vector.broadcast %get3A_7 : vector<1x768xf32> to vector<400x768xf32>
    %add3A_572 = arith.addf %dot_general3A_570, %add3A_571 : vector<400x768xf32>
    %dot_general3A_573 = arith.constant dense<0.000000e+00> : vector<400x768xf32>
    %dot_general3A_574 = tpu.matmul %add3A_519, %get3A_4, %dot_general3A_573 {dimension_numbers = #tpu.dot_dimension_numbers<[1], [0], [0], [1], [0, 0, 1, 1], [], []>, transpose_lhs_hint = false} : vector<400x256xf32>, vector<256x768xf32>, vector<400x768xf32> -> vector<400x768xf32>
    %add3A_575 = vector.broadcast %get3A_10 : vector<1x768xf32> to vector<400x768xf32>
    %add3A_576 = arith.addf %dot_general3A_574, %add3A_575 : vector<400x768xf32>
    %slice3A_577 = vector.extract_strided_slice %add3A_572 {offsets = [0, 0], sizes = [400, 256], strides = [1, 1]} : vector<400x768xf32> to vector<400x256xf32>
    %slice3A_578 = vector.extract_strided_slice %add3A_576 {offsets = [0, 0], sizes = [400, 256], strides = [1, 1]} : vector<400x768xf32> to vector<400x256xf32>
    %add3A_579 = arith.addf %slice3A_577, %slice3A_578 : vector<400x256xf32>
    %logistic3A_580 = arith.negf %add3A_579 : vector<400x256xf32>
    %logistic3A_581 = math.exp %logistic3A_580 : vector<400x256xf32>
    %logistic3A_582 = arith.constant 1.000000e+00 : f32
    %logistic3A_583 = vector.broadcast %logistic3A_582 : f32 to vector<400x256xf32>
    %logistic3A_584 = arith.addf %logistic3A_583, %logistic3A_581 : vector<400x256xf32>
    %logistic3A_585 = arith.divf %logistic3A_583, %logistic3A_584 : vector<400x256xf32>
    %slice3A_586 = vector.extract_strided_slice %add3A_572 {offsets = [0, 256], sizes = [400, 256], strides = [1, 1]} : vector<400x768xf32> to vector<400x256xf32>
    %slice3A_587 = vector.extract_strided_slice %add3A_576 {offsets = [0, 256], sizes = [400, 256], strides = [1, 1]} : vector<400x768xf32> to vector<400x256xf32>
    %add3A_588 = arith.addf %slice3A_586, %slice3A_587 : vector<400x256xf32>
    %logistic3A_589 = arith.negf %add3A_588 : vector<400x256xf32>
    %logistic3A_590 = math.exp %logistic3A_589 : vector<400x256xf32>
    %logistic3A_591 = arith.constant 1.000000e+00 : f32
    %logistic3A_592 = vector.broadcast %logistic3A_591 : f32 to vector<400x256xf32>
    %logistic3A_593 = arith.addf %logistic3A_592, %logistic3A_590 : vector<400x256xf32>
    %logistic3A_594 = arith.divf %logistic3A_592, %logistic3A_593 : vector<400x256xf32>
    %slice3A_595 = vector.extract_strided_slice %add3A_572 {offsets = [0, 512], sizes = [400, 256], strides = [1, 1]} : vector<400x768xf32> to vector<400x256xf32>
    %slice3A_596 = vector.extract_strided_slice %add3A_576 {offsets = [0, 512], sizes = [400, 256], strides = [1, 1]} : vector<400x768xf32> to vector<400x256xf32>
    %mul3A_597 = arith.mulf %logistic3A_585, %slice3A_596 : vector<400x256xf32>
    %add3A_598 = arith.addf %slice3A_595, %mul3A_597 : vector<400x256xf32>
    %tanh3A_599 = math.tanh %add3A_598 : vector<400x256xf32>
    %sub3A_600 = arith.constant 1.000000e+00 : f32
    %sub3A_601 = vector.broadcast %sub3A_600 : f32 to vector<400x256xf32>
    %sub3A_602 = arith.subf %sub3A_601, %logistic3A_594 : vector<400x256xf32>
    %mul3A_603 = arith.mulf %sub3A_602, %tanh3A_599 : vector<400x256xf32>
    %mul3A_604 = arith.mulf %logistic3A_594, %add3A_519 : vector<400x256xf32>
    %add3A_605 = arith.addf %mul3A_603, %mul3A_604 : vector<400x256xf32>
    %get3A_606 = arith.constant 0 : index
    %get3A_607 = arith.constant 112 : index
    %get3A_608 = vector.load %arg1[%get3A_606, %get3A_607] : memref<6400x128xf32, #tpu.memory_space<vmem>>, vector<400x16xf32>
    %get3A_609 = arith.constant 400 : index
    %get3A_610 = arith.constant 112 : index
    %get3A_611 = vector.load %arg1[%get3A_609, %get3A_610] : memref<6400x128xf32, #tpu.memory_space<vmem>>, vector<400x16xf32>
    %get3A_612 = arith.constant 800 : index
    %get3A_613 = arith.constant 112 : index
    %get3A_614 = vector.load %arg1[%get3A_612, %get3A_613] : memref<6400x128xf32, #tpu.memory_space<vmem>>, vector<400x16xf32>
    %get3A_615 = arith.constant 1200 : index
    %get3A_616 = arith.constant 112 : index
    %get3A_617 = vector.load %arg1[%get3A_615, %get3A_616] : memref<6400x128xf32, #tpu.memory_space<vmem>>, vector<400x16xf32>
    %get3A_618 = arith.constant 1600 : index
    %get3A_619 = arith.constant 112 : index
    %get3A_620 = vector.load %arg1[%get3A_618, %get3A_619] : memref<6400x128xf32, #tpu.memory_space<vmem>>, vector<400x16xf32>
    %get3A_621 = arith.constant 2000 : index
    %get3A_622 = arith.constant 112 : index
    %get3A_623 = vector.load %arg1[%get3A_621, %get3A_622] : memref<6400x128xf32, #tpu.memory_space<vmem>>, vector<400x16xf32>
    %get3A_624 = arith.constant 2400 : index
    %get3A_625 = arith.constant 112 : index
    %get3A_626 = vector.load %arg1[%get3A_624, %get3A_625] : memref<6400x128xf32, #tpu.memory_space<vmem>>, vector<400x16xf32>
    %get3A_627 = arith.constant 2800 : index
    %get3A_628 = arith.constant 112 : index
    %get3A_629 = vector.load %arg1[%get3A_627, %get3A_628] : memref<6400x128xf32, #tpu.memory_space<vmem>>, vector<400x16xf32>
    %get3A_630 = arith.constant 3200 : index
    %get3A_631 = arith.constant 112 : index
    %get3A_632 = vector.load %arg1[%get3A_630, %get3A_631] : memref<6400x128xf32, #tpu.memory_space<vmem>>, vector<400x16xf32>
    %get3A_633 = arith.constant 3600 : index
    %get3A_634 = arith.constant 112 : index
    %get3A_635 = vector.load %arg1[%get3A_633, %get3A_634] : memref<6400x128xf32, #tpu.memory_space<vmem>>, vector<400x16xf32>
    %get3A_636 = arith.constant 4000 : index
    %get3A_637 = arith.constant 112 : index
    %get3A_638 = vector.load %arg1[%get3A_636, %get3A_637] : memref<6400x128xf32, #tpu.memory_space<vmem>>, vector<400x16xf32>
    %get3A_639 = arith.constant 4400 : index
    %get3A_640 = arith.constant 112 : index
    %get3A_641 = vector.load %arg1[%get3A_639, %get3A_640] : memref<6400x128xf32, #tpu.memory_space<vmem>>, vector<400x16xf32>
    %get3A_642 = arith.constant 4800 : index
    %get3A_643 = arith.constant 112 : index
    %get3A_644 = vector.load %arg1[%get3A_642, %get3A_643] : memref<6400x128xf32, #tpu.memory_space<vmem>>, vector<400x16xf32>
    %get3A_645 = arith.constant 5200 : index
    %get3A_646 = arith.constant 112 : index
    %get3A_647 = vector.load %arg1[%get3A_645, %get3A_646] : memref<6400x128xf32, #tpu.memory_space<vmem>>, vector<400x16xf32>
    %get3A_648 = arith.constant 5600 : index
    %get3A_649 = arith.constant 112 : index
    %get3A_650 = vector.load %arg1[%get3A_648, %get3A_649] : memref<6400x128xf32, #tpu.memory_space<vmem>>, vector<400x16xf32>
    %get3A_651 = arith.constant 6000 : index
    %get3A_652 = arith.constant 112 : index
    %get3A_653 = vector.load %arg1[%get3A_651, %get3A_652] : memref<6400x128xf32, #tpu.memory_space<vmem>>, vector<400x16xf32>
    %concatenate3A_654 = tpu.concatenate %get3A_608, %get3A_611, %get3A_614, %get3A_617, %get3A_620, %get3A_623, %get3A_626, %get3A_629, %get3A_632, %get3A_635, %get3A_638, %get3A_641, %get3A_644, %get3A_647, %get3A_650, %get3A_653 in 1 : vector<400x16xf32>, vector<400x16xf32>, vector<400x16xf32>, vector<400x16xf32>, vector<400x16xf32>, vector<400x16xf32>, vector<400x16xf32>, vector<400x16xf32>, vector<400x16xf32>, vector<400x16xf32>, vector<400x16xf32>, vector<400x16xf32>, vector<400x16xf32>, vector<400x16xf32>, vector<400x16xf32>, vector<400x16xf32> -> vector<400x256xf32>
    %dot_general3A_655 = arith.constant dense<0.000000e+00> : vector<400x768xf32>
    %dot_general3A_656 = tpu.matmul %concatenate3A_654, %get3A_1, %dot_general3A_655 {dimension_numbers = #tpu.dot_dimension_numbers<[1], [0], [0], [1], [0, 0, 1, 1], [], []>, transpose_lhs_hint = false} : vector<400x256xf32>, vector<256x768xf32>, vector<400x768xf32> -> vector<400x768xf32>
    %add3A_657 = vector.broadcast %get3A_7 : vector<1x768xf32> to vector<400x768xf32>
    %add3A_658 = arith.addf %dot_general3A_656, %add3A_657 : vector<400x768xf32>
    %dot_general3A_659 = arith.constant dense<0.000000e+00> : vector<400x768xf32>
    %dot_general3A_660 = tpu.matmul %add3A_605, %get3A_4, %dot_general3A_659 {dimension_numbers = #tpu.dot_dimension_numbers<[1], [0], [0], [1], [0, 0, 1, 1], [], []>, transpose_lhs_hint = false} : vector<400x256xf32>, vector<256x768xf32>, vector<400x768xf32> -> vector<400x768xf32>
    %add3A_661 = vector.broadcast %get3A_10 : vector<1x768xf32> to vector<400x768xf32>
    %add3A_662 = arith.addf %dot_general3A_660, %add3A_661 : vector<400x768xf32>
    %slice3A_663 = vector.extract_strided_slice %add3A_658 {offsets = [0, 0], sizes = [400, 256], strides = [1, 1]} : vector<400x768xf32> to vector<400x256xf32>
    %slice3A_664 = vector.extract_strided_slice %add3A_662 {offsets = [0, 0], sizes = [400, 256], strides = [1, 1]} : vector<400x768xf32> to vector<400x256xf32>
    %add3A_665 = arith.addf %slice3A_663, %slice3A_664 : vector<400x256xf32>
    %logistic3A_666 = arith.negf %add3A_665 : vector<400x256xf32>
    %logistic3A_667 = math.exp %logistic3A_666 : vector<400x256xf32>
    %logistic3A_668 = arith.constant 1.000000e+00 : f32
    %logistic3A_669 = vector.broadcast %logistic3A_668 : f32 to vector<400x256xf32>
    %logistic3A_670 = arith.addf %logistic3A_669, %logistic3A_667 : vector<400x256xf32>
    %logistic3A_671 = arith.divf %logistic3A_669, %logistic3A_670 : vector<400x256xf32>
    %slice3A_672 = vector.extract_strided_slice %add3A_658 {offsets = [0, 256], sizes = [400, 256], strides = [1, 1]} : vector<400x768xf32> to vector<400x256xf32>
    %slice3A_673 = vector.extract_strided_slice %add3A_662 {offsets = [0, 256], sizes = [400, 256], strides = [1, 1]} : vector<400x768xf32> to vector<400x256xf32>
    %add3A_674 = arith.addf %slice3A_672, %slice3A_673 : vector<400x256xf32>
    %logistic3A_675 = arith.negf %add3A_674 : vector<400x256xf32>
    %logistic3A_676 = math.exp %logistic3A_675 : vector<400x256xf32>
    %logistic3A_677 = arith.constant 1.000000e+00 : f32
    %logistic3A_678 = vector.broadcast %logistic3A_677 : f32 to vector<400x256xf32>
    %logistic3A_679 = arith.addf %logistic3A_678, %logistic3A_676 : vector<400x256xf32>
    %logistic3A_680 = arith.divf %logistic3A_678, %logistic3A_679 : vector<400x256xf32>
    %slice3A_681 = vector.extract_strided_slice %add3A_658 {offsets = [0, 512], sizes = [400, 256], strides = [1, 1]} : vector<400x768xf32> to vector<400x256xf32>
    %slice3A_682 = vector.extract_strided_slice %add3A_662 {offsets = [0, 512], sizes = [400, 256], strides = [1, 1]} : vector<400x768xf32> to vector<400x256xf32>
    %mul3A_683 = arith.mulf %logistic3A_671, %slice3A_682 : vector<400x256xf32>
    %add3A_684 = arith.addf %slice3A_681, %mul3A_683 : vector<400x256xf32>
    %tanh3A_685 = math.tanh %add3A_684 : vector<400x256xf32>
    %sub3A_686 = arith.constant 1.000000e+00 : f32
    %sub3A_687 = vector.broadcast %sub3A_686 : f32 to vector<400x256xf32>
    %sub3A_688 = arith.subf %sub3A_687, %logistic3A_680 : vector<400x256xf32>
    %mul3A_689 = arith.mulf %sub3A_688, %tanh3A_685 : vector<400x256xf32>
    %mul3A_690 = arith.mulf %logistic3A_680, %add3A_605 : vector<400x256xf32>
    %add3A_691 = arith.addf %mul3A_689, %mul3A_690 : vector<400x256xf32>
    %get3A_692 = arith.constant 0 : index
    %get3A_693 = arith.constant 0 : index
    %get3A_694 = vector.load %arg6[%get3A_692, %get3A_693] : memref<256x256xf32, #tpu.memory_space<vmem>>, vector<256x256xf32>
    %dot_general3A_695 = arith.constant dense<0.000000e+00> : vector<400x256xf32>
    %dot_general3A_696 = tpu.matmul %add3A_691, %get3A_694, %dot_general3A_695 {dimension_numbers = #tpu.dot_dimension_numbers<[1], [0], [0], [1], [0, 0, 1, 1], [], []>, transpose_lhs_hint = false} : vector<400x256xf32>, vector<256x256xf32>, vector<400x256xf32> -> vector<400x256xf32>
    %get3A_697 = arith.constant 0 : index
    %get3A_698 = arith.constant 0 : index
    %get3A_699 = vector.load %arg7[%get3A_697, %get3A_698] : memref<1x256xf32, #tpu.memory_space<vmem>>, vector<1x256xf32>
    %add3A_700 = vector.broadcast %get3A_699 : vector<1x256xf32> to vector<400x256xf32>
    %add3A_701 = arith.addf %dot_general3A_696, %add3A_700 : vector<400x256xf32>
    %swap3A = arith.constant 0 : index
    %swap3A_702 = arith.constant 0 : index
    %swap3A_703 = vector.load %arg8[%swap3A, %swap3A_702] : memref<400x256xf32, #tpu.memory_space<vmem>>, vector<400x256xf32>
    tpu.vector_store %arg8[%swap3A, %swap3A_702], %add3A_701 {strides = array<i32>} : memref<400x256xf32, #tpu.memory_space<vmem>>, vector<400x256xf32>,
    return
  }
  func.func @transform_0(%arg0: i32) -> (i32, i32) {
    %c0_i32 = arith.constant 0 : i32
    %c0_i32_0 = arith.constant 0 : i32
    return %arg0, %c0_i32 : i32, i32
  }
  func.func @transform_1(%arg0: i32) -> (i32, i32) {
    %c0_i32 = arith.constant 0 : i32
    %c0_i32_0 = arith.constant 0 : i32
    %c0_i32_1 = arith.constant 0 : i32
    return %c0_i32, %c0_i32_0 : i32, i32
  }
  func.func @transform_2(%arg0: i32) -> (i32, i32) {
    %c0_i32 = arith.constant 0 : i32
    %c0_i32_0 = arith.constant 0 : i32
    %c0_i32_1 = arith.constant 0 : i32
    return %c0_i32, %c0_i32_0 : i32, i32
  }
  func.func @transform_3(%arg0: i32) -> (i32, i32) {
    %c0_i32 = arith.constant 0 : i32
    %c0_i32_0 = arith.constant 0 : i32
    %c0_i32_1 = arith.constant 0 : i32
    return %c0_i32, %c0_i32_0 : i32, i32
  }
  func.func @transform_4(%arg0: i32) -> (i32, i32) {
    %c0_i32 = arith.constant 0 : i32
    %c0_i32_0 = arith.constant 0 : i32
    %c0_i32_1 = arith.constant 0 : i32
    return %c0_i32, %c0_i32_0 : i32, i32
  }
  func.func @transform_5(%arg0: i32) -> (i32, i32) {
    %c0_i32 = arith.constant 0 : i32
    %c0_i32_0 = arith.constant 0 : i32
    %c0_i32_1 = arith.constant 0 : i32
    return %c0_i32, %c0_i32_0 : i32, i32
  }
  func.func @transform_6(%arg0: i32) -> (i32, i32) {
    %c0_i32 = arith.constant 0 : i32
    %c0_i32_0 = arith.constant 0 : i32
    %c0_i32_1 = arith.constant 0 : i32
    return %c0_i32, %c0_i32_0 : i32, i32
  }
  func.func @transform_7(%arg0: i32) -> (i32, i32) {
    %c0_i32 = arith.constant 0 : i32
    %c0_i32_0 = arith.constant 0 : i32
    return %arg0, %c0_i32 : i32, i32
  }
}

module attributes {stable_mosaic.version = 14 : i64} {
  func.func @body(%arg0: i32, %arg1: memref<2x1000x128xf32, #tpu.memory_space<vmem>>, %arg2: memref<1000x128xf32, #tpu.memory_space<vmem>>, %arg3: memref<1000x128xf32, #tpu.memory_space<vmem>>, %arg4: memref<1x128xf32, #tpu.memory_space<vmem>>, %arg5: memref<1000x128xf32, #tpu.memory_space<vmem>>) attributes {dimension_semantics = [#tpu.dimension_semantics<arbitrary>], iteration_bounds = array<i64: 10>, scalar_prefetch = 0 : i64, scratch_operands = 0 : i64, tpu.core_type = #tpu.core_type<tc>, window_params = [{transform_indices = @transform_0, window_bounds = array<i64: 2, 1000, 128>}, {transform_indices = @transform_1, window_bounds = array<i64: 1000, 128>}, {transform_indices = @transform_2, window_bounds = array<i64: 1000, 128>}, {pipeline_mode = #tpu.pipeline_mode<synchronous>, transform_indices = @transform_3, window_bounds = array<i64: 1, 128>}, {transform_indices = @transform_4, window_bounds = array<i64: 1000, 128>}]} {
    %get3A = arith.constant 0 : index
    %get3A_0 = arith.constant 0 : index
    %get3A_1 = vector.load %arg3[%get3A, %get3A_0] : memref<1000x128xf32, #tpu.memory_space<vmem>>, vector<1000x1xf32>
    %get3A_2 = arith.constant 0 : index
    %get3A_3 = arith.constant 0 : index
    %get3A_4 = arith.constant 0 : index
    %get3A_5 = vector.load %arg1[%get3A_2, %get3A_3, %get3A_4] : memref<2x1000x128xf32, #tpu.memory_space<vmem>>, vector<1x1000x128xf32>
    %get3A_6 = vector.shape_cast %get3A_5 : vector<1x1000x128xf32> to vector<1000x128xf32>
    %get3A_7 = arith.constant 1 : index
    %get3A_8 = arith.constant 0 : index
    %get3A_9 = arith.constant 0 : index
    %get3A_10 = vector.load %arg1[%get3A_7, %get3A_8, %get3A_9] : memref<2x1000x128xf32, #tpu.memory_space<vmem>>, vector<1x1000x128xf32>
    %get3A_11 = vector.shape_cast %get3A_10 : vector<1x1000x128xf32> to vector<1000x128xf32>
    %add3A = arith.addf %get3A_6, %get3A_11 : vector<1000x128xf32>
    %get3A_12 = arith.constant 0 : index
    %get3A_13 = arith.constant 0 : index
    %get3A_14 = vector.load %arg2[%get3A_12, %get3A_13] : memref<1000x128xf32, #tpu.memory_space<vmem>>, vector<1000x128xf32>
    %add3A_15 = arith.addf %add3A, %get3A_14 : vector<1000x128xf32>
    %mul3A = vector.broadcast %get3A_1 : vector<1000x1xf32> to vector<1000x128xf32>
    %mul3A_16 = arith.mulf %mul3A, %add3A_15 : vector<1000x128xf32>
    %get3A_17 = arith.constant 0 : index
    %get3A_18 = arith.constant 0 : index
    %get3A_19 = vector.load %arg4[%get3A_17, %get3A_18] : memref<1x128xf32, #tpu.memory_space<vmem>>, vector<1x128xf32>
    %add3A_20 = vector.broadcast %get3A_19 : vector<1x128xf32> to vector<1000x128xf32>
    %add3A_21 = arith.addf %mul3A_16, %add3A_20 : vector<1000x128xf32>
    %swap3A = arith.constant 0 : index
    %swap3A_22 = arith.constant 0 : index
    %swap3A_23 = vector.load %arg5[%swap3A, %swap3A_22] : memref<1000x128xf32, #tpu.memory_space<vmem>>, vector<1000x128xf32>
    tpu.vector_store %arg5[%swap3A, %swap3A_22], %add3A_21 {strides = array<i32>} : memref<1000x128xf32, #tpu.memory_space<vmem>>, vector<1000x128xf32>,
    return
  }
  func.func @transform_0(%arg0: i32) -> (i32, i32, i32) {
    %c0_i32 = arith.constant 0 : i32
    %c0_i32_0 = arith.constant 0 : i32
    %c0_i32_1 = arith.constant 0 : i32
    return %c0_i32, %arg0, %c0_i32_0 : i32, i32, i32
  }
  func.func @transform_1(%arg0: i32) -> (i32, i32) {
    %c0_i32 = arith.constant 0 : i32
    %c0_i32_0 = arith.constant 0 : i32
    return %arg0, %c0_i32 : i32, i32
  }
  func.func @transform_2(%arg0: i32) -> (i32, i32) {
    %c0_i32 = arith.constant 0 : i32
    %c0_i32_0 = arith.constant 0 : i32
    return %arg0, %c0_i32 : i32, i32
  }
  func.func @transform_3(%arg0: i32) -> (i32, i32) {
    %c0_i32 = arith.constant 0 : i32
    %c0_i32_0 = arith.constant 0 : i32
    %c0_i32_1 = arith.constant 0 : i32
    return %c0_i32, %c0_i32_0 : i32, i32
  }
  func.func @transform_4(%arg0: i32) -> (i32, i32) {
    %c0_i32 = arith.constant 0 : i32
    %c0_i32_0 = arith.constant 0 : i32
    return %arg0, %c0_i32 : i32, i32
  }
}

</mosaic_0001>

<sc_bundles>
// kernel: kernel.11.cloned.1.call-start
scs
__scs_entry_jumppad:
0x0: {  	(pc) =	sbr.rel $0x88, $3  }
0x1: {  	(tag) =	ssettag $0x0;
	lr =	simm.s32 $0x1  }
0x2: {  	[smem:$0x3F90] =	sst lr;
	_ =	strace $0xD0000000  }
0x3: {  	_ = 	snop  }
0x4: {  	_ = 	snop  }
0x5: {  	_ = 	snop  }
0x6: {  	_ = 	snop  }
0x7: {  	_ = 	snop  }
__scs_overlays_trampoline_lowered:
0x8: {  	[smem:$0x3F9F] =	sst s0  }
0x9: {  	[smem:$0x3FA0] =	sst s1  }
0xa: {  	[smem:$0x3FA1] =	sst s2  }
0xb: {  	[smem:$0x3FA2] =	sst s3  }
0xc: {  	[smem:$0x3FA3] =	sst s4  }
0xd: {  	[smem:$0x3FA4] =	sst s5  }
0xe: {  	[smem:$0x3FA5] =	sst s6  }
0xf: {  	[smem:$0x3FA6] =	sst s7  }
0x10: {  	[smem:$0x3FA7] =	sst s8  }
0x11: {  	[smem:$0x3FA8] =	sst s9;
	s0 =	simm.s32 @!p0 $0x0  }
0x12: {  	s1 =	sld [smem:$0x3F8E];
	s0 =	simm.s32 @p0 $0x1  }
0x13: {  	[smem:$0x3FA9] =	sst s0;
	s0 =	simm.s32 @!p1 $0x0  }
0x14: {  	s2 =	sld [smem:$0x3F8D];
	s0 =	simm.s32 @p1 $0x1  }
0x15: {  	[smem:$0x3FAA] =	sst s0;
	s0 =	simm.s32 @!p2 $0x0  }
0x16: {  	s3 =	sld [smem:$0x3FDB];
	s0 =	simm.s32 @p2 $0x1  }
0x17: {  	s4 =	simm.s32 $0x1BF5;
	[smem:$0x3FAC] =	sst s0  }
0x18: {  	s0 =	sld [smem:$0x3F8F];
	_ =	swait.ge [sflag:s4], $0x0  }
0x19: {  	s7 =	sld [smem:$0x3F90]  }
0x1a: {  	s8 =	sadd.s32 $0xFFFFE003, lr  }
0x1b: {  	s9 =	sadd.s32 $0xFFFFFEF7, lr;
	s5 =	simm.s32 $0xFFFFFFFF;
	p2 =	slt.u32 s8, $0xFFFFF086  }
0x1c: {  	p1 =	slt.u32 s9, $0xF7A;
	s5 =	simm.s32 @!p2 $0x0  }
0x1d: {  	s5 =	simm.s32 @p1 $0x1;
	p0 =	seq.s32 s7, s2  }
0x1e: {  	s7 =	smul.u32 @!p0 $0xF7A, s2;
	p2 =	seq.s32 @!p0 s5, $0x0  }
0x1f: {  	s9 =	smul.u32 $0xF7A, s1;
	s8 =	simm.s32 @!p0 $0x1BF5;
	p2 =	por !p2, p0  }
0x20: {  	[sflag:s8] =	ssyncset.s32 @!p0 $0xFFFFF086;
	s6 =	sadd.s32 @!p0 s3, s7;
	s7 =	simm.s32 @!p0 $0x108  }
0x21: {  	s3 =	sadd.s32 s3, s9;
	s6 =	sadd.s32 @!p0 $0x88, s6;
	s7 =	simm.s32 @p2 $0x1082  }
0x22: {  	[simem:s7], [sflag:s8] =	dma.local @!p0 [hbm:s6], $0xF7A  }
0x23: {  	s9 =	sor.u32 $0xD0000000, s2;
	s6 =	simm.s32 $0x108;
	_ =	swait.ge @!p0 [sflag:s8], $0x0  }
0x24: {  	s3 =	sadd.s32 $0x88, s3;
	s6 =	simm.s32 @!p1 $0x1082;
	[sflag:s4] =	ssyncset.s32 $0xFFFFF086  }
0x25: {  	[simem:s6], [sflag:s4] =	dma.local [hbm:s3], $0xF7A  }
0x26: {  	[smem:$0x3F90] =	sst s1;
	(tag) =	ssettag s2;
	_ =	strace s9  }
0x27: {  	s1 =	sld [smem:$0x3FA0]  }
0x28: {  	s2 =	sld [smem:$0x3FA1]  }
0x29: {  	s4 =	sld [smem:$0x3FA3]  }
0x2a: {  	p0 =	seq.s32 s5, $0x0;
	s5 =	sld [smem:$0x3FA4]  }
0x2b: {  	s6 =	sld [smem:$0x3FA5]  }
0x2c: {  	s7 =	sld [smem:$0x3FA6]  }
0x2d: {  	s3 =	simm.s32 $0x108;
	s8 =	sld [smem:$0x3FA7]  }
0x2e: {  	s3 =	simm.s32 @!p0 $0x1082;
	s9 =	sld [smem:$0x3FA8]  }
0x2f: {  	lr =	sadd.s32 s0, s3;
	s0 =	sld [smem:$0x3F9F]  }
0x30: {  	s3 =	sld [smem:$0x3FA2]  }
0x31: {  	[smem:$0x3FAB] =	sst s10  }
0x32: {  	s10 =	sld [smem:$0x3FA9];
	_ =	sdelay $0x3  }
0x33: {  	p0 =	seq.s32 s10, $0x1;
	s10 =	sld [smem:$0x3FAB];
	_ =	sdelay $0x3  }
0x34: {  	[smem:$0x3FAB] =	sst s10  }
0x35: {  	s10 =	sld [smem:$0x3FAA];
	_ =	sdelay $0x3  }
0x36: {  	p1 =	seq.s32 s10, $0x1;
	s10 =	sld [smem:$0x3FAB];
	_ =	sdelay $0x3  }
0x37: {  	[smem:$0x3FAB] =	sst s10  }
0x38: {  	s10 =	sld [smem:$0x3FAC]  }
0x39: {  	_ = 	snop;
	(pc) =	sbr.ind lr, $3  }
0x3a: {  	_ = 	snop  }
0x3b: {  	_ = 	snop  }
0x3c: {  	p2 =	seq.s32 s10, $0x1;
	s10 =	sld [smem:$0x3FAB]  }
0x3d: {  	_ =	shalt  }
0x3e: {  	_ =	shalt  }
0x3f: {  	_ =	shalt  }
0x40: {  	_ =	shalt  }
0x41: {  	_ =	shalt  }
0x42: {  	_ =	shalt  }
0x43: {  	_ =	shalt  }
0x44: {  	_ =	shalt  }
0x45: {  	_ =	shalt  }
0x46: {  	_ =	shalt  }
0x47: {  	_ =	shalt  }
0x48: {  	_ =	shalt  }
0x49: {  	_ =	shalt  }
0x4a: {  	_ =	shalt  }
0x4b: {  	_ =	shalt  }
0x4c: {  	_ =	shalt  }
0x4d: {  	_ =	shalt  }
0x4e: {  	_ =	shalt  }
0x4f: {  	_ =	shalt  }
0x50: {  	_ =	shalt  }
0x51: {  	_ =	shalt  }
0x52: {  	_ =	shalt  }
0x53: {  	_ =	shalt  }
0x54: {  	_ =	shalt  }
0x55: {  	_ =	shalt  }
0x56: {  	_ =	shalt  }
0x57: {  	_ =	shalt  }
0x58: {  	_ =	shalt  }
0x59: {  	_ =	shalt  }
0x5a: {  	_ =	shalt  }
0x5b: {  	_ =	shalt  }
0x5c: {  	_ =	shalt  }
0x5d: {  	_ =	shalt  }
0x5e: {  	_ =	shalt  }
0x5f: {  	_ =	shalt  }
0x60: {  	_ =	shalt  }
0x61: {  	_ =	shalt  }
0x62: {  	_ =	shalt  }
0x63: {  	_ =	shalt  }
0x64: {  	_ =	shalt  }
0x65: {  	_ =	shalt  }
0x66: {  	_ =	shalt  }
0x67: {  	_ =	shalt  }
0x68: {  	_ =	shalt  }
0x69: {  	_ =	shalt  }
0x6a: {  	_ =	shalt  }
0x6b: {  	_ =	shalt  }
0x6c: {  	_ =	shalt  }
0x6d: {  	_ =	shalt  }
0x6e: {  	_ =	shalt  }
0x6f: {  	_ =	shalt  }
0x70: {  	_ =	shalt  }
0x71: {  	_ =	shalt  }
0x72: {  	_ =	shalt  }
0x73: {  	_ =	shalt  }
0x74: {  	_ =	shalt  }
0x75: {  	_ =	shalt  }
0x76: {  	_ =	shalt  }
0x77: {  	_ =	shalt  }
0x78: {  	_ =	shalt  }
0x79: {  	_ =	shalt  }
0x7a: {  	_ =	shalt  }
0x7b: {  	_ =	shalt  }
0x7c: {  	_ =	shalt  }
0x7d: {  	_ =	shalt  }
0x7e: {  	_ =	shalt  }
0x7f: {  	_ =	shalt  }
0x80: {  	_ =	shalt  }
0x81: {  	_ =	shalt  }
0x82: {  	_ =	shalt  }
0x83: {  	_ =	shalt  }
0x84: {  	_ =	shalt  }
0x85: {  	_ =	shalt  }
0x86: {  	_ =	shalt  }
0x87: {  	_ =	shalt  }
.Lfunc_end0:
.L_simem_size_0:
called_computation_lowered:
.L_overlay_start_0:
0x88: {  	s2 =	sld [smem:$0x3FD9]  }
0x89: {  	s3 =	sld [smem:$0x3FFE];
	_ =	sdelay $0x1  }
0x8a: {  	s1 =	srdreg.scid  }
0x8b: {  	s0 =	sand.u32 $0x1, s1  }
0x8c: {  	s14 =	sshll.u32 s0, $0xA;
	s2 =	sadd.s32 s3, s2  }
0x8d: {  	s2 =	sadd.s32 s2, s14  }
0x8e: {  	[smem:$0x3FB7] =	sst s2  }
0x8f: {  	_ = 	snop  }
0x90: {  	s2 =	sld [smem:$0x3FD0];
	_ =	sdelay $0x2  }
0x91: {  	s15 =	simm.s32 $0xB;
	s4 =	simm.s32 $0x10  }
0x92: {  	[smem:s4], [sflag:s15] =	dma.local [hbm:s2], $0x1  }
0x93: {  	_ =	swait.eq [sflag:s15], $0x1  }
0x94: {  	[sflag:s15] =	ssyncset.done $0x0  }
0x95: {  	[sflag:s15] =	ssyncadd.s32 $0xFFFFFFFF  }
0x96: {  	s16 =	sld [smem:$0x11];
	(tm) =	ssettm $0x1  }
0x97: {  	s17 =	sld [smem:$0x3FFB];
	_ =	sdelay $0x3  }
0x98: {  	_ =	strace s17  }
0x99: {  	s3 =	sld [smem:$0x3FFC];
	_ =	sdelay $0x3  }
0x9a: {  	_ =	strace s3  }
0x9b: {  	s3 =	sld [smem:$0x3FFD];
	_ =	sdelay $0x3  }
0x9c: {  	_ =	strace s3  }
0x9d: {  	_ =	strace $0x8FFFFFFF  }
0x9e: {  	s18 =	sld [smem:$0x3FDB];
	_ =	sdelay $0x1  }
0x9f: {  	s19 =	simm.s32 $_scs_section_size  }
0xa0: {  	s5 =	simm.s32 $_size__tile_overlayer_lowered;
	s6 =	simm.s32 $_tile_overlayer_lowered  }
0xa1: {  	s22 =	simm.s32 $0x1BFF;
	s21 =	sshll.u32 s6, $0x1;
	s3 =	sadd.s32 s19, s18  }
0xa2: {  	s7 =	simm.s32 $0x0;
	s20 =	sshll.u32 s5, $0x1;
	s5 =	sadd.s32 s21, s3  }
0xa3: {  	[timem:s7], [sflag:s22] =	dma.local [hbm:s5], s20  }
0xa4: {  	_ =	swait.ge [sflag:s22], s20  }
0xa5: {  	s4 =	ssub.s32 $0x0, s20;
	[sflag:s22] =	ssyncset.done $0x0  }
0xa6: {  	[sflag:s22] =	ssyncadd.s32 s4;
	_ =	sdelay $0x1  }
0xa7: {  	s23 =	simm.s32 $0x1B8B  }
0xa8: {  	_ =	swait.ge [sflag:s23], $0x1  }
0xa9: {  	[sflag:s23] =	ssyncset.done $0x0  }
0xaa: {  	s25 =	simm.s32 $0x1B8E;
	s24 =	sld [smem:$0x3FFE];
	[sflag:s23] =	ssyncadd.s32 $0xFFFFFFFF  }
0xab: {  	s26 =	simm.s32 $execute0_lowered;
	[smem:$0x3FD2] =	sst s25  }
0xac: {  	s5 =	sshll.u32 s26, $0x1;
	_ =	strace $0x80000046;
	[dreg:$0x1] =	wrdreg $0xFFFFFFFF  }
0xad: {  	s28 =	simm.s32 $_size_execute0_lowered;
	s3 =	sadd.s32 s3, s5;
	[dreg:$0x0] =	wrdreg $0x0  }
0xae: {  	s5 =	sshll.u32 s28, $0x1;
	[dreg:$0x2] =	wrdreg s3  }
0xaf: {  	[dreg:$0x3] =	wrdreg s5  }
0xb0: {  	[dreg:$0x4] =	wrdreg $0xC0  }
0xb1: {  	_ =	task [dreg:s7], $0x5FFFF  }
0xb2: {  	[dreg:$0x1] =	wrdreg $0xFFFFFFFF  }
0xb3: {  	[dreg:$0x0] =	wrdreg $0x60  }
0xb4: {  	[dreg:$0x2] =	wrdreg s24  }
0xb5: {  	[dreg:$0x3] =	wrdreg s16  }
0xb6: {  	[dreg:$0x4] =	wrdreg $0x50800  }
0xb7: {  	[dreg:$0x5] =	wrdreg $0x9  }
0xb8: {  	_ =	task.clear_ibuf [dreg:s7], $0x6FFFF;
	_ =	strace $0x90000046  }
0xb9: {  	s29 =	simm.s32 $0x9;
	_ =	strace $0x80000048  }
0xba: {  	_ =	swait.ge [sflag:s29], $0x1  }
0xbb: {  	[sflag:s29] =	ssyncadd.s32 $0xFFFFFFFF  }
0xbc: {  	_ =	strace $0x90000048  }
0xbd: {  	_ =	sfence  }
0xbe: {  	s30 =	sld [smem:$0x0];
	_ =	sdelay $0x2  }
0xbf: {  	s31 =	sshll.u32 s1, $0xD;
	s1 =	sshrl.u32 s1, $0x2  }
0xc0: {  	s3 =	sand.u32 $0x4000, s31;
	s1 =	sadd.s32 s1, s30  }
0xc1: {  	s0 =	sor.u32 s3, s0;
	s1 =	sshll.u32 s1, $0x11  }
0xc2: {  	s0 =	sor.u32 s1, s0  }
0xc3: {  	s0 =	sadd.s32 $0x8F2B, s0  }
0xc4: {  	[sflag:s0] =	ssyncadd.remote.s32 $0x1  }
0xc5: {  	_ =	sfence.sel $0xFFFF  }
0xc6: {  	[dreg:$0x0] =	wrdreg $0xFFFFFFFF;
	(pc) =	sbr.abs _section_cstart, $3  }
0xc7: {  	[dreg:$0x1] =	wrdreg $0xFFFFFFFF  }
0xc8: {  	_ =	task.clear_ibuf [dreg:s7], $0x2FFFF;
	_ =	strace $0x9FFFFFFF  }
0xc9: {  	(tm) =	ssettm $0x7FFFFFFF  }
tec
execute0_lowered:
.L_overlay_start_1:
0x0: {  	(tag) =	ssettag $0x1  }
0x1: {  	s4 =	rddreg [dreg:$0x0]  }
0x2: {  	s8 =	rddreg [dreg:$0x1];
	s0 =	srdreg.scid  }
0x3: {  	s2 =	rddreg [dreg:$0x2];
	s1 =	stileid.u32;
	s3 =	simm.s32 $0x0  }
0x4: {  	s17 =	simm.s32 $0x2880;
	s18 =	simm.s32 $0x1;
	s7 =	smul.u32 $0x2710, s1  }
0x5: {  	s19 =	simm.s32 $0x50;
	s20 =	simm.s32 $0x80;
	s9 =	smul.u32 $0x4E000, s1  }
0x6: {  	s5 =	sand.u32 $0x1, s0;
	s0 =	rddreg [dreg:$0x3];
	s10 =	smul.u32 $0x13800, s1  }
0x7: {  	s21 =	simm.s32 $0x0;
	[smem:$0x7FF] =	sst s3;
	s6 =	smul.u32 $0x27100, s5  }
0x8: {  	p0 =	sne.s32 s1, $0xF;
	s26 =	smul.u32 $0x138800, s5;
	s5 =	ssub.s32 $0x2, s5  }
0x9: {  	_ =	strace $0x80000047;
	s28 =	sshrl.u32 s5, $0x1;
	s29 =	sshrl.u32 s9, $0x2  }
0xa: {  	s6 =	sadd.s32 s7, s6;
	s30 =	ssub.s32 s5, s28;
	s31 =	sadd.s32 s10, s26  }
0xb: {  	s11 =	sshrl.u32 s26, $0x3;
	s6 =	sshrl.u32 s6, $0x3;
	s10 =	sshrl.u32 s31, $0x3  }
0xc: {  	s9 =	smax.u32 s30, $0x1;
	s16 =	sadd.s32 s6, s4;
	s4 =	sadd.s32 s29, s2  }
0xd: {  	s6 =	sadd.s32 $0x138000, s2;
	s7 =	sadd.s32 s8, s10;
	s8 =	sadd.s32 s8, s11  }
0xe: {  	s5 =	sadd.s32 $0x11800, s4;
	s8 =	sadd.s32 $0x27000, s8;
	s10 =	sadd.s32 $0x2800, s4  }
0xf: {  	s11 =	sadd.s32 $0x5000, s4;
	s12 =	sadd.s32 $0x7800, s4;
	s13 =	sadd.s32 $0xA000, s4  }
0x10: {  	v0 =	vimm.f32 $1.000000000e+00;
	v1 =	vimm.f32 $0.0e+00;
	s14 =	sadd.s32 $0xC800, s4;
	s15 =	sadd.s32 $0xF000, s4;
	s16 =	sadd.s32 $0xFA00, s16  }
.LBB2_1:
0x11: {  	s22 =	simm.s32 $0x0  }
.LBB2_2:
0x12: {  	p1 =	sne.s32 s22, $0x9E00  }
.Ltmp0:
0x13: {  	_ = 	snop;
	(pc) =	sbr.rel @p1 .LBB2_2-.Ltmp0, $3  }
0x14: {  	_ =	sdelay $0x1  }
0x15: {  	s23 =	sshra.s32 s22, $0x2  }
0x16: {  	s22 =	sadd.s32 $0x200, s22;
	[tilespmem:s23+$0x80] =	vst v0  }
0x17: {  	s22 =	simm.s32 $0x200;
	s23 =	simm.s32 $0x0  }
.LBB2_4:
0x18: {  	p1 =	sne.s32 s22, $0x9E00;
	[tilespmem:s23+$0x2880] =	vst v1;
	s23 =	smov.u32 s22;
	s22 =	sadd.s32 $0x200, s22  }
.Ltmp1:
0x19: {  	(pc) =	sbr.rel @p1 .LBB2_4-.Ltmp1, $2  }
0x1a: {  	_ =	sdelay $0x2  }
0x1b: {  	s23 =	sshra.s32 s23, $0x2  }
0x1c: {  	[tilespmem:s23+$0x2880] =	vst v1  }
0x1d: {  	[spmem:s4] =	stream.linear.scatter [tilespmem:s17], [sflag:$0x1], $0x2800, $0x38;
	[tilespmem:$0x7790] =	vst v63  }
0x1e: {  	_ =	swait.ge [sflag:s18], $0x2800  }
0x1f: {  	[sflag:s18] =	ssyncset.done $0x0  }
0x20: {  	[sflag:s18] =	ssyncadd.s32 $0xFFFFD800  }
0x21: {  	[spmem:s10] =	stream.linear.scatter [tilespmem:s17], [sflag:$0x1], $0x2800, $0x38;
	[tilespmem:$0x7790] =	vst v63  }
0x22: {  	_ =	swait.ge [sflag:s18], $0x2800  }
0x23: {  	[sflag:s18] =	ssyncset.done $0x0  }
0x24: {  	[sflag:s18] =	ssyncadd.s32 $0xFFFFD800  }
0x25: {  	[spmem:s11] =	stream.linear.scatter [tilespmem:s17], [sflag:$0x1], $0x2800, $0x38;
	[tilespmem:$0x7790] =	vst v63  }
0x26: {  	_ =	swait.ge [sflag:s18], $0x2800  }
0x27: {  	[sflag:s18] =	ssyncset.done $0x0  }
0x28: {  	[sflag:s18] =	ssyncadd.s32 $0xFFFFD800  }
0x29: {  	[spmem:s12] =	stream.linear.scatter [tilespmem:s17], [sflag:$0x1], $0x2800, $0x38;
	[tilespmem:$0x7790] =	vst v63  }
0x2a: {  	_ =	swait.ge [sflag:s18], $0x2800  }
0x2b: {  	[sflag:s18] =	ssyncset.done $0x0  }
0x2c: {  	[sflag:s18] =	ssyncadd.s32 $0xFFFFD800  }
0x2d: {  	[spmem:s13] =	stream.linear.scatter [tilespmem:s17], [sflag:$0x1], $0x2800, $0x38;
	[tilespmem:$0x7790] =	vst v63  }
0x2e: {  	_ =	swait.ge [sflag:s18], $0x2800  }
0x2f: {  	[sflag:s18] =	ssyncset.done $0x0  }
0x30: {  	[sflag:s18] =	ssyncadd.s32 $0xFFFFD800  }
0x31: {  	[spmem:s14] =	stream.linear.scatter [tilespmem:s17], [sflag:$0x1], $0x2800, $0x38;
	[tilespmem:$0x7790] =	vst v63  }
0x32: {  	_ =	swait.ge [sflag:s18], $0x2800  }
0x33: {  	[sflag:s18] =	ssyncset.done $0x0  }
0x34: {  	[sflag:s18] =	ssyncadd.s32 $0xFFFFD800  }
0x35: {  	[spmem:s15] =	stream.linear.scatter [tilespmem:s17], [sflag:$0x1], $0x2800, $0x38;
	[tilespmem:$0x7790] =	vst v63  }
0x36: {  	_ =	swait.ge [sflag:s18], $0x2800  }
0x37: {  	[sflag:s18] =	ssyncset.done $0x0  }
0x38: {  	[sflag:s18] =	ssyncadd.s32 $0xFFFFD800  }
0x39: {  	[spmem:s5] =	stream.linear.scatter [tilespmem:s17], [sflag:$0x1], $0x2000, $0x38;
	[tilespmem:$0x7790] =	vst v63  }
0x3a: {  	_ =	swait.ge [sflag:s18], $0x2000  }
0x3b: {  	[sflag:s18] =	ssyncset.done $0x0  }
0x3c: {  	s22 =	simm.s32 @!p0 $0x2880;
	[sflag:s18] =	ssyncadd.s32 $0xFFFFE000  }
0x3d: {  	[spmem:s6] =	stream.linear.scatter @!p0 [tilespmem:s22], [sflag:$0x1], $0x800, $0x38;
	[tilespmem:$0x7790] =	vst v63  }
0x3e: {  	s22 =	simm.s32 @!p0 $0x1  }
0x3f: {  	_ =	swait.ge @!p0 [sflag:s22], $0x800  }
0x40: {  	[sflag:s22] =	ssyncset.done @!p0 $0x0  }
0x41: {  	[sflag:s22] =	ssyncadd.s32 @!p0 $0xFFFFF800  }
0x42: {  	s31 =	sadd.s32 $0x0, s16;
	[bflag:$0x0] =	sbarrier.arrive $0xFFFF  }
0x43: {  	[tilespmem:s3], [sflag:$0x1] =	stream.linear.gather [hbm4b:s31+s3], $0x50, $0x38;
	[tilespmem:$0x7790] =	vst v63  }
0x44: {  	_ =	swait.ge [sflag:s18], $0x50  }
0x45: {  	[sflag:s18] =	ssyncset.done $0x0  }
0x46: {  	[sflag:s18] =	ssyncadd.s32 $0xFFFFFFB0  }
0x47: {  	[spmem:s2] =	stream.indirect.scatter.add.f32 [tilespmem:s20], [sflag:$0x1], $0x10, s3, s19, $0xb8;
	[tilespmem:$0x7790] =	vst v63  }
0x48: {  	_ =	swait.ge [sflag:s18], $0x500  }
0x49: {  	s23 =	simm.s32 $0x14;
	s22 =	simm.s32 $0xA;
	[sflag:s18] =	ssyncset.done $0x0  }
.LBB2_6:
0x4a: {  	s24 =	sadd.s32 s22, s16  }
0x4b: {  	[sflag:s18] =	ssyncadd.s32 $0xFFFFFB00;
	s22 =	smov.u32 s23;
	s25 =	sadd.s32 $0xA, s23  }
0x4c: {  	[tilespmem:s3], [sflag:$0x1] =	stream.linear.gather [hbm4b:s24+s3], $0x50, $0x38;
	[tilespmem:$0x7790] =	vst v63  }
0x4d: {  	p1 =	sne.s32 s23, $0x4D8;
	_ =	swait.ge [sflag:s18], $0x50  }
.Ltmp2:
0x4e: {  	[sflag:s18] =	ssyncset.done $0x0;
	(pc) =	sbr.rel @p1 .LBB2_6-.Ltmp2, $4  }
0x4f: {  	[sflag:s18] =	ssyncadd.s32 $0xFFFFFFB0  }
0x50: {  	[spmem:s2] =	stream.indirect.scatter.add.f32 [tilespmem:s20], [sflag:$0x1], $0x10, s3, s19, $0xb8;
	[tilespmem:$0x7790] =	vst v63  }
0x51: {  	_ =	swait.ge [sflag:s18], $0x500  }
0x52: {  	s23 =	smov.u32 s25;
	[sflag:s18] =	ssyncset.done $0x0  }
0x53: {  	s22 =	sadd.s32 s22, s16;
	[sflag:s18] =	ssyncadd.s32 $0xFFFFFB00  }
0x54: {  	[tilespmem:s3], [sflag:$0x1] =	stream.linear.gather [hbm4b:s22+s3], $0x50, $0x38;
	[tilespmem:$0x7790] =	vst v63  }
0x55: {  	_ =	swait.ge [sflag:s18], $0x50  }
0x56: {  	[sflag:s18] =	ssyncset.done $0x0  }
0x57: {  	[sflag:s18] =	ssyncadd.s32 $0xFFFFFFB0  }
0x58: {  	[spmem:s2] =	stream.indirect.scatter.add.f32 [tilespmem:s20], [sflag:$0x1], $0x10, s3, s19, $0xb8;
	[tilespmem:$0x7790] =	vst v63  }
0x59: {  	_ =	swait.ge [sflag:s18], $0x500  }
0x5a: {  	[sflag:s18] =	ssyncset.done $0x0  }
0x5b: {  	s31 =	sshll.u32 s1, $0x6;
	[sflag:s18] =	ssyncadd.s32 $0xFFFFFB00  }
0x5c: {  	s23 =	sshrl.u32 s4, $0x3;
	s22 =	sor.u32 $0x1C01, s31;
	[bflag:$0x0] =	sbarrier.arrive $0xFFFF  }
0x5d: {  	[hbm:s7], [sflag:s22] =	dma.local [spmem:s23], $0x2700  }
0x5e: {  	_ =	swait.ge [sflag:s18], $0x2700  }
0x5f: {  	s21 =	sadd.s32 $0x1, s21;
	[sflag:s18] =	ssyncset.done $0x0  }
0x60: {  	p1 =	sne.s32 s21, s9;
	s23 =	sshrl.u32 @!p0 s6, $0x3;
	[sflag:s18] =	ssyncadd.s32 $0xFFFFD900  }
0x61: {  	[hbm:s8], [sflag:s22] =	dma.local @!p0 [spmem:s23], $0x100  }
.Ltmp3:
0x62: {  	_ = 	snop;
	(pc) =	sbr.rel @p1 .LBB2_1-.Ltmp3, $4  }
0x63: {  	s22 =	simm.s32 @!p0 $0x1  }
0x64: {  	_ =	swait.ge @!p0 [sflag:s22], $0x100  }
0x65: {  	[sflag:s22] =	ssyncset.done @!p0 $0x0  }
0x66: {  	[sflag:s22] =	ssyncadd.s32 @!p0 $0xFFFFFF00  }
0x67: {  	_ =	sfence.sel $0x180000  }
0x68: {  	[bflag:$0x0] =	sbarrier.arrive $0xFFFF  }
0x69: {  	p0 =	sne.s32 s1, $0x0;
	_ =	strace $0x90000047  }
0x6a: {  	s0 =	sadd.s32 @!p0 $0x100000, s0;
	[bflag:$0x2] =	sbarrier.arrive $0xFFFF  }
0x6b: {  	[sflag:s0] =	ssyncadd.tile.s32 @!p0 $0x1;
	_ =	shalt  }
.Lfunc_end2:
_tile_overlayer_lowered:
.L_overlay_start_2:
0x6c: {  	(tag) =	ssettag $0x2  }
0x6d: {  	s0 =	rddreg [dreg:$0x0];
	s2 =	stileid.u32  }
0x6e: {  	s1 =	rddreg [dreg:$0x1];
	p0 =	sne.s32 s2, $0x0  }
0x6f: {  	s3 =	rddreg [dreg:$0x2];
	[bflag:$0x3] =	sbarrier.arrive $0xFFFF;
	s2 =	simm.s32 @!p0 $0x1C01  }
0x70: {  	[timem:s3], [sflag:s2] =	dma.local @!p0 [hbm:s0], s1  }
0x71: {  	s0 =	simm.s32 @!p0 $0x1  }
0x72: {  	_ =	swait.ge @!p0 [sflag:s0], s1  }
0x73: {  	s1 =	ssub.s32 @!p0 $0x0, s1;
	[sflag:s0] =	ssyncset.done @!p0 $0x0  }
0x74: {  	[sflag:s0] =	ssyncadd.s32 @!p0 s1  }
0x75: {  	[bflag:$0x3] =	sbarrier.arrive $0xFFFF  }
0x76: {  	_ =	shalt  }

// kernel: kernel.14.cloned.1.call-start
scs
__scs_entry_jumppad:
0x0: {  	(pc) =	sbr.rel $0x88, $3  }
0x1: {  	(tag) =	ssettag $0x0;
	lr =	simm.s32 $0x1  }
0x2: {  	[smem:$0x3F90] =	sst lr;
	_ =	strace $0xD0000000  }
0x3: {  	_ = 	snop  }
0x4: {  	_ = 	snop  }
0x5: {  	_ = 	snop  }
0x6: {  	_ = 	snop  }
0x7: {  	_ = 	snop  }
__scs_overlays_trampoline_lowered:
0x8: {  	[smem:$0x3F9F] =	sst s0  }
0x9: {  	[smem:$0x3FA0] =	sst s1  }
0xa: {  	[smem:$0x3FA1] =	sst s2  }
0xb: {  	[smem:$0x3FA2] =	sst s3  }
0xc: {  	[smem:$0x3FA3] =	sst s4  }
0xd: {  	[smem:$0x3FA4] =	sst s5  }
0xe: {  	[smem:$0x3FA5] =	sst s6  }
0xf: {  	[smem:$0x3FA6] =	sst s7  }
0x10: {  	[smem:$0x3FA7] =	sst s8  }
0x11: {  	[smem:$0x3FA8] =	sst s9;
	s0 =	simm.s32 @!p0 $0x0  }
0x12: {  	s1 =	sld [smem:$0x3F8E];
	s0 =	simm.s32 @p0 $0x1  }
0x13: {  	[smem:$0x3FA9] =	sst s0;
	s0 =	simm.s32 @!p1 $0x0  }
0x14: {  	s2 =	sld [smem:$0x3F8D];
	s0 =	simm.s32 @p1 $0x1  }
0x15: {  	[smem:$0x3FAA] =	sst s0;
	s0 =	simm.s32 @!p2 $0x0  }
0x16: {  	s3 =	sld [smem:$0x3FDB];
	s0 =	simm.s32 @p2 $0x1  }
0x17: {  	s4 =	simm.s32 $0x1BF5;
	[smem:$0x3FAC] =	sst s0  }
0x18: {  	s0 =	sld [smem:$0x3F8F];
	_ =	swait.ge [sflag:s4], $0x0  }
0x19: {  	s7 =	sld [smem:$0x3F90]  }
0x1a: {  	s8 =	sadd.s32 $0xFFFFE003, lr  }
0x1b: {  	s9 =	sadd.s32 $0xFFFFFEF7, lr;
	s5 =	simm.s32 $0xFFFFFFFF;
	p2 =	slt.u32 s8, $0xFFFFF086  }
0x1c: {  	p1 =	slt.u32 s9, $0xF7A;
	s5 =	simm.s32 @!p2 $0x0  }
0x1d: {  	s5 =	simm.s32 @p1 $0x1;
	p0 =	seq.s32 s7, s2  }
0x1e: {  	s7 =	smul.u32 @!p0 $0xF7A, s2;
	p2 =	seq.s32 @!p0 s5, $0x0  }
0x1f: {  	s9 =	smul.u32 $0xF7A, s1;
	s8 =	simm.s32 @!p0 $0x1BF5;
	p2 =	por !p2, p0  }
0x20: {  	[sflag:s8] =	ssyncset.s32 @!p0 $0xFFFFF086;
	s6 =	sadd.s32 @!p0 s3, s7;
	s7 =	simm.s32 @!p0 $0x108  }
0x21: {  	s3 =	sadd.s32 s3, s9;
	s6 =	sadd.s32 @!p0 $0x88, s6;
	s7 =	simm.s32 @p2 $0x1082  }
0x22: {  	[simem:s7], [sflag:s8] =	dma.local @!p0 [hbm:s6], $0xF7A  }
0x23: {  	s9 =	sor.u32 $0xD0000000, s2;
	s6 =	simm.s32 $0x108;
	_ =	swait.ge @!p0 [sflag:s8], $0x0  }
0x24: {  	s3 =	sadd.s32 $0x88, s3;
	s6 =	simm.s32 @!p1 $0x1082;
	[sflag:s4] =	ssyncset.s32 $0xFFFFF086  }
0x25: {  	[simem:s6], [sflag:s4] =	dma.local [hbm:s3], $0xF7A  }
0x26: {  	[smem:$0x3F90] =	sst s1;
	(tag) =	ssettag s2;
	_ =	strace s9  }
0x27: {  	s1 =	sld [smem:$0x3FA0]  }
0x28: {  	s2 =	sld [smem:$0x3FA1]  }
0x29: {  	s4 =	sld [smem:$0x3FA3]  }
0x2a: {  	p0 =	seq.s32 s5, $0x0;
	s5 =	sld [smem:$0x3FA4]  }
0x2b: {  	s6 =	sld [smem:$0x3FA5]  }
0x2c: {  	s7 =	sld [smem:$0x3FA6]  }
0x2d: {  	s3 =	simm.s32 $0x108;
	s8 =	sld [smem:$0x3FA7]  }
0x2e: {  	s3 =	simm.s32 @!p0 $0x1082;
	s9 =	sld [smem:$0x3FA8]  }
0x2f: {  	lr =	sadd.s32 s0, s3;
	s0 =	sld [smem:$0x3F9F]  }
0x30: {  	s3 =	sld [smem:$0x3FA2]  }
0x31: {  	[smem:$0x3FAB] =	sst s10  }
0x32: {  	s10 =	sld [smem:$0x3FA9];
	_ =	sdelay $0x3  }
0x33: {  	p0 =	seq.s32 s10, $0x1;
	s10 =	sld [smem:$0x3FAB];
	_ =	sdelay $0x3  }
0x34: {  	[smem:$0x3FAB] =	sst s10  }
0x35: {  	s10 =	sld [smem:$0x3FAA];
	_ =	sdelay $0x3  }
0x36: {  	p1 =	seq.s32 s10, $0x1;
	s10 =	sld [smem:$0x3FAB];
	_ =	sdelay $0x3  }
0x37: {  	[smem:$0x3FAB] =	sst s10  }
0x38: {  	s10 =	sld [smem:$0x3FAC]  }
0x39: {  	_ = 	snop;
	(pc) =	sbr.ind lr, $3  }
0x3a: {  	_ = 	snop  }
0x3b: {  	_ = 	snop  }
0x3c: {  	p2 =	seq.s32 s10, $0x1;
	s10 =	sld [smem:$0x3FAB]  }
0x3d: {  	_ =	shalt  }
0x3e: {  	_ =	shalt  }
0x3f: {  	_ =	shalt  }
0x40: {  	_ =	shalt  }
0x41: {  	_ =	shalt  }
0x42: {  	_ =	shalt  }
0x43: {  	_ =	shalt  }
0x44: {  	_ =	shalt  }
0x45: {  	_ =	shalt  }
0x46: {  	_ =	shalt  }
0x47: {  	_ =	shalt  }
0x48: {  	_ =	shalt  }
0x49: {  	_ =	shalt  }
0x4a: {  	_ =	shalt  }
0x4b: {  	_ =	shalt  }
0x4c: {  	_ =	shalt  }
0x4d: {  	_ =	shalt  }
0x4e: {  	_ =	shalt  }
0x4f: {  	_ =	shalt  }
0x50: {  	_ =	shalt  }
0x51: {  	_ =	shalt  }
0x52: {  	_ =	shalt  }
0x53: {  	_ =	shalt  }
0x54: {  	_ =	shalt  }
0x55: {  	_ =	shalt  }
0x56: {  	_ =	shalt  }
0x57: {  	_ =	shalt  }
0x58: {  	_ =	shalt  }
0x59: {  	_ =	shalt  }
0x5a: {  	_ =	shalt  }
0x5b: {  	_ =	shalt  }
0x5c: {  	_ =	shalt  }
0x5d: {  	_ =	shalt  }
0x5e: {  	_ =	shalt  }
0x5f: {  	_ =	shalt  }
0x60: {  	_ =	shalt  }
0x61: {  	_ =	shalt  }
0x62: {  	_ =	shalt  }
0x63: {  	_ =	shalt  }
0x64: {  	_ =	shalt  }
0x65: {  	_ =	shalt  }
0x66: {  	_ =	shalt  }
0x67: {  	_ =	shalt  }
0x68: {  	_ =	shalt  }
0x69: {  	_ =	shalt  }
0x6a: {  	_ =	shalt  }
0x6b: {  	_ =	shalt  }
0x6c: {  	_ =	shalt  }
0x6d: {  	_ =	shalt  }
0x6e: {  	_ =	shalt  }
0x6f: {  	_ =	shalt  }
0x70: {  	_ =	shalt  }
0x71: {  	_ =	shalt  }
0x72: {  	_ =	shalt  }
0x73: {  	_ =	shalt  }
0x74: {  	_ =	shalt  }
0x75: {  	_ =	shalt  }
0x76: {  	_ =	shalt  }
0x77: {  	_ =	shalt  }
0x78: {  	_ =	shalt  }
0x79: {  	_ =	shalt  }
0x7a: {  	_ =	shalt  }
0x7b: {  	_ =	shalt  }
0x7c: {  	_ =	shalt  }
0x7d: {  	_ =	shalt  }
0x7e: {  	_ =	shalt  }
0x7f: {  	_ =	shalt  }
0x80: {  	_ =	shalt  }
0x81: {  	_ =	shalt  }
0x82: {  	_ =	shalt  }
0x83: {  	_ =	shalt  }
0x84: {  	_ =	shalt  }
0x85: {  	_ =	shalt  }
0x86: {  	_ =	shalt  }
0x87: {  	_ =	shalt  }
.Lfunc_end0:
.L_simem_size_0:
called_computation.1_lowered:
.L_overlay_start_0:
0x88: {  	s2 =	sld [smem:$0x3FD9]  }
0x89: {  	s3 =	sld [smem:$0x3FFE];
	_ =	sdelay $0x1  }
0x8a: {  	s1 =	srdreg.scid  }
0x8b: {  	s0 =	sand.u32 $0x1, s1  }
0x8c: {  	s15 =	sshll.u32 s0, $0xA;
	s2 =	sadd.s32 s3, s2  }
0x8d: {  	s2 =	sadd.s32 s2, s15  }
0x8e: {  	[smem:$0x3FB7] =	sst s2  }
0x8f: {  	_ = 	snop  }
0x90: {  	s2 =	sld [smem:$0x3FD0];
	_ =	sdelay $0x2  }
0x91: {  	s16 =	simm.s32 $0xB;
	s4 =	simm.s32 $0x10  }
0x92: {  	[smem:s4], [sflag:s16] =	dma.local [hbm:s2], $0x1  }
0x93: {  	_ =	swait.eq [sflag:s16], $0x1  }
0x94: {  	[sflag:s16] =	ssyncset.done $0x0  }
0x95: {  	s17 =	sld [smem:$0x10];
	[sflag:s16] =	ssyncadd.s32 $0xFFFFFFFF  }
0x96: {  	s18 =	sld [smem:$0x11];
	(tm) =	ssettm $0x1  }
0x97: {  	s19 =	sld [smem:$0x3FFB];
	_ =	sdelay $0x3  }
0x98: {  	_ =	strace s19  }
0x99: {  	s2 =	sld [smem:$0x3FFC];
	_ =	sdelay $0x3  }
0x9a: {  	_ =	strace s2  }
0x9b: {  	s2 =	sld [smem:$0x3FFD];
	_ =	sdelay $0x3  }
0x9c: {  	_ =	strace s2  }
0x9d: {  	_ =	strace $0x8FFFFFFF  }
0x9e: {  	s20 =	sld [smem:$0x3FDB];
	_ =	sdelay $0x1  }
0x9f: {  	s5 =	simm.s32 $_scs_section_size  }
0xa0: {  	s6 =	simm.s32 $_size__tile_overlayer_lowered;
	s7 =	simm.s32 $_tile_overlayer_lowered  }
0xa1: {  	s8 =	simm.s32 $0x1BFF;
	s21 =	sshll.u32 s7, $0x1;
	s5 =	sadd.s32 s5, s20  }
0xa2: {  	s22 =	simm.s32 $0x0;
	s6 =	sshll.u32 s6, $0x1;
	s7 =	sadd.s32 s21, s5  }
0xa3: {  	[timem:s22], [sflag:s8] =	dma.local [hbm:s7], s6  }
0xa4: {  	_ =	swait.ge [sflag:s8], s6  }
0xa5: {  	s6 =	ssub.s32 $0x0, s6;
	[sflag:s8] =	ssyncset.done $0x0  }
0xa6: {  	[sflag:s8] =	ssyncadd.s32 s6;
	_ =	sdelay $0x1  }
0xa7: {  	s23 =	simm.s32 $0x1B8B  }
0xa8: {  	_ =	swait.ge [sflag:s23], $0x1  }
0xa9: {  	[sflag:s23] =	ssyncset.done $0x0  }
0xaa: {  	[sflag:s23] =	ssyncadd.s32 $0xFFFFFFFF  }
0xab: {  	s6 =	sld [smem:$0x0]  }
0xac: {  	s7 =	sand.u32 $0xFFFFFFFE, s1  }
0xad: {  	p0 =	sne.s32 s1, s7  }
0xae: {  	s7 =	sshll.u32 @p0 s7, $0xE  }
0xaf: {  	s7 =	sadd.s32 @p0 $0x11B8D, s7;
	s8 =	sshll.u32 @p0 s6, $0x11  }
0xb0: {  	s7 =	sor.u32 @p0 s8, s7  }
0xb1: {  	[sflag:s7] =	ssyncadd.remote.s32 @p0 $0x1;
	_ =	sdelay $0x1  }
0xb2: {  	s7 =	simm.s32 @p0 $0x1B8D  }
0xb3: {  	_ =	swait.eq @p0 [sflag:s7], $0x1  }
0xb4: {  	[sflag:s7] =	ssyncadd.s32 @p0 $0xFFFFFFFF  }
0xb5: {  	s8 =	sshll.u32 @!p0 s1, $0xE  }
0xb6: {  	s8 =	sor.u32 @!p0 $0x4000, s8;
	s7 =	simm.s32 @!p0 $0x1B8D  }
0xb7: {  	s6 =	sshll.u32 @!p0 s6, $0x11;
	s8 =	sadd.s32 @!p0 $0x11B8D, s8;
	_ =	swait.eq @!p0 [sflag:s7], $0x1  }
0xb8: {  	s6 =	sor.u32 @!p0 s6, s8;
	[sflag:s7] =	ssyncadd.s32 @!p0 $0xFFFFFFFF  }
0xb9: {  	s25 =	simm.s32 $0x1B8E;
	s24 =	sld [smem:$0x3FFE];
	[sflag:s6] =	ssyncadd.remote.s32 @!p0 $0x1  }
0xba: {  	s26 =	simm.s32 $execute0_lowered;
	[smem:$0x3FD2] =	sst s25  }
0xbb: {  	s7 =	sshll.u32 s26, $0x1;
	_ =	strace $0x8000004C;
	[dreg:$0x1] =	wrdreg $0xFFFFFFFF  }
0xbc: {  	s28 =	simm.s32 $_size_execute0_lowered;
	s5 =	sadd.s32 s5, s7;
	[dreg:$0x0] =	wrdreg $0x0  }
0xbd: {  	s7 =	sshll.u32 s28, $0x1;
	[dreg:$0x2] =	wrdreg s5  }
0xbe: {  	[dreg:$0x3] =	wrdreg s7  }
0xbf: {  	[dreg:$0x4] =	wrdreg $0xC0  }
0xc0: {  	_ =	task [dreg:s22], $0x5FFFF  }
0xc1: {  	[dreg:$0x1] =	wrdreg $0xFFFFFFFF  }
0xc2: {  	[dreg:$0x0] =	wrdreg $0x60  }
0xc3: {  	[dreg:$0x2] =	wrdreg s17  }
0xc4: {  	[dreg:$0x3] =	wrdreg s24  }
0xc5: {  	[dreg:$0x4] =	wrdreg s18  }
0xc6: {  	[dreg:$0x5] =	wrdreg $0x52000  }
0xc7: {  	[dreg:$0x6] =	wrdreg $0x9  }
0xc8: {  	_ =	task.clear_ibuf [dreg:s22], $0x7FFFF;
	_ =	strace $0x9000004C  }
0xc9: {  	s29 =	simm.s32 $0x9;
	_ =	strace $0x8000004E  }
0xca: {  	_ =	swait.ge [sflag:s29], $0x1  }
0xcb: {  	[sflag:s29] =	ssyncadd.s32 $0xFFFFFFFF  }
0xcc: {  	_ =	strace $0x9000004E  }
0xcd: {  	_ =	sfence  }
0xce: {  	s30 =	sld [smem:$0x0];
	_ =	sdelay $0x2  }
0xcf: {  	s31 =	sshll.u32 s1, $0xD;
	s1 =	sshrl.u32 s1, $0x2  }
0xd0: {  	s4 =	sand.u32 $0x4000, s31;
	s1 =	sadd.s32 s1, s30  }
0xd1: {  	s0 =	sor.u32 s4, s0;
	s1 =	sshll.u32 s1, $0x11  }
0xd2: {  	s0 =	sor.u32 s1, s0  }
0xd3: {  	s0 =	sadd.s32 $0x8F2B, s0  }
0xd4: {  	[sflag:s0] =	ssyncadd.remote.s32 $0x1  }
0xd5: {  	_ =	sfence.sel $0xFFFF  }
0xd6: {  	[dreg:$0x0] =	wrdreg $0xFFFFFFFF;
	(pc) =	sbr.abs _section_cstart, $3  }
0xd7: {  	[dreg:$0x1] =	wrdreg $0xFFFFFFFF  }
0xd8: {  	_ =	task.clear_ibuf [dreg:s22], $0x2FFFF;
	_ =	strace $0x9FFFFFFF  }
0xd9: {  	(tm) =	ssettm $0x7FFFFFFF  }
tec
execute0_lowered:
.L_overlay_start_1:
0x0: {  	(tag) =	ssettag $0x1  }
0x1: {  	s1 =	rddreg [dreg:$0x0]  }
0x2: {  	s0 =	rddreg [dreg:$0x1]  }
0x3: {  	s4 =	rddreg [dreg:$0x2]  }
0x4: {  	s2 =	rddreg [dreg:$0x3]  }
0x5: {  	s3 =	simm.s32 $0x0;
	s5 =	srdreg.scid;
	s14 =	stileid.u32  }
0x6: {  	s28 =	simm.s32 $0x50;
	s29 =	simm.s32 $0x100;
	s30 =	simm.s32 $0x180  }
0x7: {  	s31 =	simm.s32 $0x2A00;
	[smem:$0x7FF] =	sst s3;
	s9 =	smul.u32 $0x4E000, s14  }
0x8: {  	s8 =	sand.u32 $0x1, s5;
	s5 =	sadd.s32 $0x5C00, s0;
	s12 =	smul.u32 $0x13800, s14  }
0x9: {  	s22 =	smul.u32 $0x2710, s14;
	p0 =	sne.s32 s14, $0xF;
	_ =	strace $0x8000004D  }
0xa: {  	s6 =	sshll.u32 s8, $0x4;
	s7 =	ssub.s32 $0x2, s8;
	s11 =	smul.u32 $0x138800, s8  }
0xb: {  	s8 =	smul.u32 $0x27100, s8;
	s10 =	sor.u32 s14, s6;
	s6 =	sadd.s32 $0xFA00, s0  }
0xc: {  	s19 =	sshrl.u32 s7, $0x1;
	s20 =	sshrl.u32 s9, $0x2;
	s9 =	sadd.s32 $0x138000, s2  }
0xd: {  	s10 =	smul.u32 $0x2710, s10;
	s0 =	ssub.s32 s7, s19;
	s7 =	sadd.s32 s20, s2  }
0xe: {  	s12 =	sadd.s32 s12, s11;
	s11 =	sshrl.u32 s11, $0x3;
	s25 =	sadd.s32 s22, s8  }
0xf: {  	s8 =	simm.s32 $0x0;
	s21 =	sadd.s32 $0x11800, s7;
	s12 =	sshrl.u32 s12, $0x3  }
0x10: {  	s11 =	sadd.s32 s4, s11;
	s0 =	smax.u32 s0, $0x1;
	s24 =	sadd.s32 $0x2800, s7  }
0x11: {  	s16 =	sadd.s32 $0x5000, s7;
	s17 =	sadd.s32 $0x7800, s7;
	s26 =	sadd.s32 $0x50, s25  }
0x12: {  	s18 =	sadd.s32 $0xA000, s7;
	s19 =	sadd.s32 $0xC800, s7;
	[dreg:$0x5] =	wrdreg s21  }
0x13: {  	s20 =	sadd.s32 $0xF000, s7;
	s10 =	sshrl.u32 s10, $0x3;
	[dreg:$0xa] =	wrdreg s0  }
0x14: {  	s4 =	sadd.s32 s4, s12;
	s23 =	sadd.s32 $0x27000, s11;
	[dreg:$0xb] =	wrdreg s24  }
0x15: {  	s21 =	sadd.s32 $0xA0, s25;
	s24 =	simm.s32 $0x200;
	[dreg:$0x8] =	wrdreg s4  }
0x16: {  	s25 =	simm.s32 $0x3;
	s13 =	sadd.s32 s5, s10;
	[dreg:$0x9] =	wrdreg s23  }
0x17: {  	s0 =	simm.s32 $0x1;
	s10 =	sadd.s32 s6, s10;
	[dreg:$0x6] =	wrdreg s13  }
0x18: {  	s4 =	sshrl.u32 s26, $0x3;
	s26 =	simm.s32 $0x80;
	[dreg:$0x7] =	wrdreg s10  }
0x19: {  	v0 =	vimm.f32 $0.0e+00;
	s22 =	sadd.s32 s4, s6;
	s23 =	sadd.s32 s4, s5;
	s4 =	simm.s32 $0x2  }
.LBB2_1:
0x1a: {  	s10 =	simm.s32 $0x70;
	s11 =	simm.s32 $0x3C0  }
.LBB2_2:
0x1b: {  	p1 =	sne.s32 s11, $0x9FC0;
	[tilespmem:s10+$0x200] =	vst v0  }
0x1c: {  	[tilespmem:s10+$0x190] =	vst v0  }
0x1d: {  	[tilespmem:s10+$0x1A0] =	vst v0  }
.Ltmp0:
0x1e: {  	[tilespmem:s10+$0x1B0] =	vst v0;
	(pc) =	sbr.rel @p1 .LBB2_2-.Ltmp0, $4  }
0x1f: {  	[tilespmem:s10+$0x1C0] =	vst v0  }
0x20: {  	[tilespmem:s10+$0x1D0] =	vst v0  }
0x21: {  	[tilespmem:s10+$0x1E0] =	vst v0  }
0x22: {  	[tilespmem:s10+$0x1F0] =	vst v0;
	s10 =	sshra.s32 s11, $0x2;
	s11 =	sadd.s32 $0x200, s11  }
0x23: {  	[tilespmem:s10+$0x200] =	vst v0  }
0x24: {  	[tilespmem:s10+$0x190] =	vst v0  }
0x25: {  	[tilespmem:s10+$0x1A0] =	vst v0  }
0x26: {  	[tilespmem:s10+$0x1B0] =	vst v0  }
0x27: {  	[tilespmem:s10+$0x1C0] =	vst v0  }
0x28: {  	[tilespmem:s10+$0x1D0] =	vst v0  }
0x29: {  	[tilespmem:s10+$0x1E0] =	vst v0  }
0x2a: {  	[tilespmem:s10+$0x1F0] =	vst v0  }
0x2b: {  	[spmem:s7] =	stream.linear.scatter [tilespmem:s24], [sflag:$0x3], $0x2800, $0x38;
	[tilespmem:$0x18A80] =	vst v63  }
0x2c: {  	_ =	swait.ge [sflag:s25], $0x2800  }
0x2d: {  	[sflag:s25] =	ssyncset.done $0x0  }
0x2e: {  	s12 =	rddreg [dreg:$0xb];
	[sflag:s25] =	ssyncadd.s32 $0xFFFFD800  }
0x2f: {  	[spmem:s12] =	stream.linear.scatter [tilespmem:s24], [sflag:$0x3], $0x2800, $0x38;
	[tilespmem:$0x18A80] =	vst v63  }
0x30: {  	_ =	swait.ge [sflag:s25], $0x2800  }
0x31: {  	[sflag:s25] =	ssyncset.done $0x0  }
0x32: {  	[sflag:s25] =	ssyncadd.s32 $0xFFFFD800  }
0x33: {  	[spmem:s16] =	stream.linear.scatter [tilespmem:s24], [sflag:$0x3], $0x2800, $0x38;
	[tilespmem:$0x18A80] =	vst v63  }
0x34: {  	_ =	swait.ge [sflag:s25], $0x2800  }
0x35: {  	[sflag:s25] =	ssyncset.done $0x0  }
0x36: {  	[sflag:s25] =	ssyncadd.s32 $0xFFFFD800  }
0x37: {  	[spmem:s17] =	stream.linear.scatter [tilespmem:s24], [sflag:$0x3], $0x2800, $0x38;
	[tilespmem:$0x18A80] =	vst v63  }
0x38: {  	_ =	swait.ge [sflag:s25], $0x2800  }
0x39: {  	[sflag:s25] =	ssyncset.done $0x0  }
0x3a: {  	[sflag:s25] =	ssyncadd.s32 $0xFFFFD800  }
0x3b: {  	[spmem:s18] =	stream.linear.scatter [tilespmem:s24], [sflag:$0x3], $0x2800, $0x38;
	[tilespmem:$0x18A80] =	vst v63  }
0x3c: {  	_ =	swait.ge [sflag:s25], $0x2800  }
0x3d: {  	[sflag:s25] =	ssyncset.done $0x0  }
0x3e: {  	[sflag:s25] =	ssyncadd.s32 $0xFFFFD800  }
0x3f: {  	[spmem:s19] =	stream.linear.scatter [tilespmem:s24], [sflag:$0x3], $0x2800, $0x38;
	[tilespmem:$0x18A80] =	vst v63  }
0x40: {  	_ =	swait.ge [sflag:s25], $0x2800  }
0x41: {  	[sflag:s25] =	ssyncset.done $0x0  }
0x42: {  	[sflag:s25] =	ssyncadd.s32 $0xFFFFD800  }
0x43: {  	[spmem:s20] =	stream.linear.scatter [tilespmem:s24], [sflag:$0x3], $0x2800, $0x38;
	[tilespmem:$0x18A80] =	vst v63  }
0x44: {  	_ =	swait.ge [sflag:s25], $0x2800  }
0x45: {  	[sflag:s25] =	ssyncset.done $0x0  }
0x46: {  	s13 =	rddreg [dreg:$0x5];
	[sflag:s25] =	ssyncadd.s32 $0xFFFFD800  }
0x47: {  	[spmem:s13] =	stream.linear.scatter [tilespmem:s24], [sflag:$0x3], $0x2000, $0x38;
	[tilespmem:$0x18A80] =	vst v63  }
0x48: {  	_ =	swait.ge [sflag:s25], $0x2000  }
0x49: {  	[sflag:s25] =	ssyncset.done $0x0  }
0x4a: {  	s10 =	simm.s32 @!p0 $0x200;
	[sflag:s25] =	ssyncadd.s32 $0xFFFFE000  }
0x4b: {  	[spmem:s9] =	stream.linear.scatter @!p0 [tilespmem:s10], [sflag:$0x3], $0x800, $0x38;
	[tilespmem:$0x18A80] =	vst v63  }
0x4c: {  	s10 =	simm.s32 @!p0 $0x3  }
0x4d: {  	_ =	swait.ge @!p0 [sflag:s10], $0x800  }
0x4e: {  	[sflag:s10] =	ssyncset.done @!p0 $0x0  }
0x4f: {  	[sflag:s10] =	ssyncadd.s32 @!p0 $0xFFFFF800  }
0x50: {  	[bflag:$0x0] =	sbarrier.arrive $0xFFFF  }
0x51: {  	s14 =	simm.s32 $0x0;
	s11 =	rddreg [dreg:$0x6]  }
0x52: {  	[tilespmem:s14], [sflag:$0x3] =	stream.linear.gather [hbm4b:s11+s14], $0x50, $0x38;
	[tilespmem:$0x18A80] =	vst v63  }
0x53: {  	_ =	swait.ge [sflag:s25], $0x50  }
0x54: {  	[sflag:s25] =	ssyncset.done $0x0  }
0x55: {  	s15 =	rddreg [dreg:$0x7];
	[sflag:s25] =	ssyncadd.s32 $0xFFFFFFB0  }
0x56: {  	[tilespmem:s26], [sflag:$0x3] =	stream.linear.gather [hbm4b:s15+s14], $0x50, $0x38;
	[tilespmem:$0x18A80] =	vst v63  }
0x57: {  	_ =	swait.ge [sflag:s25], $0x50  }
0x58: {  	[sflag:s25] =	ssyncset.done $0x0  }
0x59: {  	[sflag:s25] =	ssyncadd.s32 $0xFFFFFFB0  }
0x5a: {  	[tilespmem:s24], [sflag:$0x1] =	stream.indirect.gather [hbm4b:s1+s28], $0x80, s14, s28, $0xb8;
	[tilespmem:$0x18A80] =	vst v63  }
0x5b: {  	s12 =	sadd.s32 $0x0, s23  }
0x5c: {  	[tilespmem:s29], [sflag:$0x3] =	stream.linear.gather [hbm4b:s12+s3], $0x50, $0x38;
	[tilespmem:$0x18A80] =	vst v63  }
0x5d: {  	_ =	swait.ge [sflag:s25], $0x50  }
0x5e: {  	[sflag:s25] =	ssyncset.done $0x0  }
0x5f: {  	s13 =	sadd.s32 $0x0, s22;
	[sflag:s25] =	ssyncadd.s32 $0xFFFFFFB0  }
0x60: {  	[tilespmem:s30], [sflag:$0x3] =	stream.linear.gather [hbm4b:s13+s3], $0x50, $0x38;
	[tilespmem:$0x18A80] =	vst v63  }
0x61: {  	_ =	swait.ge [sflag:s25], $0x50  }
0x62: {  	[sflag:s25] =	ssyncset.done $0x0  }
0x63: {  	[sflag:s25] =	ssyncadd.s32 $0xFFFFFFB0  }
0x64: {  	[tilespmem:s31], [sflag:$0x2] =	stream.indirect.gather [hbm4b:s1+s28], $0x80, s29, s28, $0xb8;
	[tilespmem:$0x18A80] =	vst v63  }
0x65: {  	_ =	swait.ge [sflag:s0], $0x2800  }
0x66: {  	[sflag:s0] =	ssyncset.done $0x0  }
0x67: {  	[sflag:s0] =	ssyncadd.s32 $0xFFFFD800  }
0x68: {  	[spmem:s2] =	stream.indirect.scatter.add.f32 [tilespmem:s24], [sflag:$0x3], $0x80, s26, s28, $0xb8;
	[tilespmem:$0x18A80] =	vst v63  }
0x69: {  	_ =	swait.ge [sflag:s25], $0x2800  }
0x6a: {  	s14 =	sshrl.u32 s21, $0x3;
	[sflag:s25] =	ssyncset.done $0x0  }
0x6b: {  	s15 =	sadd.s32 s5, s14;
	[sflag:s25] =	ssyncadd.s32 $0xFFFFD800  }
0x6c: {  	[tilespmem:s3], [sflag:$0x3] =	stream.linear.gather [hbm4b:s15+s3], $0x50, $0x38;
	[tilespmem:$0x18A80] =	vst v63  }
0x6d: {  	_ =	swait.ge [sflag:s25], $0x50  }
0x6e: {  	[sflag:s25] =	ssyncset.done $0x0  }
0x6f: {  	s10 =	sadd.s32 s6, s14;
	[sflag:s25] =	ssyncadd.s32 $0xFFFFFFB0  }
0x70: {  	[tilespmem:s26], [sflag:$0x3] =	stream.linear.gather [hbm4b:s10+s3], $0x50, $0x38;
	[tilespmem:$0x18A80] =	vst v63  }
0x71: {  	_ =	swait.ge [sflag:s25], $0x50  }
0x72: {  	[sflag:s25] =	ssyncset.done $0x0  }
0x73: {  	[sflag:s25] =	ssyncadd.s32 $0xFFFFFFB0  }
0x74: {  	[tilespmem:s24], [sflag:$0x1] =	stream.indirect.gather [hbm4b:s1+s28], $0x80, s3, s28, $0xb8;
	[tilespmem:$0x18A80] =	vst v63  }
0x75: {  	_ =	swait.ge [sflag:s4], $0x2800  }
0x76: {  	[sflag:s4] =	ssyncset.done $0x0  }
0x77: {  	[sflag:s4] =	ssyncadd.s32 $0xFFFFD800  }
0x78: {  	[spmem:s2] =	stream.indirect.scatter.add.f32 [tilespmem:s31], [sflag:$0x3], $0x80, s30, s28, $0xb8;
	[tilespmem:$0x18A80] =	vst v63  }
0x79: {  	s11 =	simm.s32 $0x14;
	_ =	swait.ge [sflag:s25], $0x2800  }
0x7a: {  	s12 =	simm.s32 $0x28;
	s10 =	sadd.s32 $0xA0, s21;
	[sflag:s25] =	ssyncset.done $0x0  }
.LBB2_4:
0x7b: {  	s14 =	sadd.s32 s11, s23  }
0x7c: {  	[sflag:s25] =	ssyncadd.s32 $0xFFFFD800;
	s15 =	smov.u32 s12;
	s13 =	sadd.s32 $0x14, s12  }
0x7d: {  	[tilespmem:s29], [sflag:$0x3] =	stream.linear.gather [hbm4b:s14+s3], $0x50, $0x38;
	[tilespmem:$0x18A80] =	vst v63  }
0x7e: {  	p1 =	sne.s32 s12, $0x4C4;
	_ =	swait.ge [sflag:s25], $0x50  }
0x7f: {  	[sflag:s25] =	ssyncset.done $0x0  }
0x80: {  	s12 =	sadd.s32 s11, s22;
	s11 =	smov.u32 s15;
	[sflag:s25] =	ssyncadd.s32 $0xFFFFFFB0  }
0x81: {  	[tilespmem:s30], [sflag:$0x3] =	stream.linear.gather [hbm4b:s12+s3], $0x50, $0x38;
	[tilespmem:$0x18A80] =	vst v63  }
0x82: {  	_ =	swait.ge [sflag:s25], $0x50  }
0x83: {  	[sflag:s25] =	ssyncset.done $0x0  }
0x84: {  	[sflag:s25] =	ssyncadd.s32 $0xFFFFFFB0  }
0x85: {  	[tilespmem:s31], [sflag:$0x2] =	stream.indirect.gather [hbm4b:s1+s28], $0x80, s29, s28, $0xb8;
	[tilespmem:$0x18A80] =	vst v63  }
0x86: {  	_ =	swait.ge [sflag:s0], $0x2800  }
0x87: {  	[sflag:s0] =	ssyncset.done $0x0  }
0x88: {  	[sflag:s0] =	ssyncadd.s32 $0xFFFFD800  }
0x89: {  	[spmem:s2] =	stream.indirect.scatter.add.f32 [tilespmem:s24], [sflag:$0x3], $0x80, s26, s28, $0xb8;
	[tilespmem:$0x18A80] =	vst v63  }
0x8a: {  	_ =	swait.ge [sflag:s25], $0x2800  }
0x8b: {  	s12 =	sshrl.u32 s10, $0x3;
	[sflag:s25] =	ssyncset.done $0x0  }
0x8c: {  	s14 =	sadd.s32 s5, s12;
	[sflag:s25] =	ssyncadd.s32 $0xFFFFD800  }
0x8d: {  	[tilespmem:s3], [sflag:$0x3] =	stream.linear.gather [hbm4b:s14+s3], $0x50, $0x38;
	[tilespmem:$0x18A80] =	vst v63  }
0x8e: {  	_ =	swait.ge [sflag:s25], $0x50  }
0x8f: {  	[sflag:s25] =	ssyncset.done $0x0  }
0x90: {  	s12 =	sadd.s32 s6, s12;
	[sflag:s25] =	ssyncadd.s32 $0xFFFFFFB0  }
0x91: {  	[tilespmem:s26], [sflag:$0x3] =	stream.linear.gather [hbm4b:s12+s3], $0x50, $0x38;
	[tilespmem:$0x18A80] =	vst v63  }
0x92: {  	_ =	swait.ge [sflag:s25], $0x50  }
0x93: {  	[sflag:s25] =	ssyncset.done $0x0  }
0x94: {  	[sflag:s25] =	ssyncadd.s32 $0xFFFFFFB0  }
0x95: {  	[tilespmem:s24], [sflag:$0x1] =	stream.indirect.gather [hbm4b:s1+s28], $0x80, s3, s28, $0xb8;
	[tilespmem:$0x18A80] =	vst v63  }
0x96: {  	_ =	swait.ge [sflag:s4], $0x2800  }
.Ltmp1:
0x97: {  	[sflag:s4] =	ssyncset.done $0x0;
	(pc) =	sbr.rel @p1 .LBB2_4-.Ltmp1, $4  }
0x98: {  	[sflag:s4] =	ssyncadd.s32 $0xFFFFD800  }
0x99: {  	[spmem:s2] =	stream.indirect.scatter.add.f32 [tilespmem:s31], [sflag:$0x3], $0x80, s30, s28, $0xb8;
	[tilespmem:$0x18A80] =	vst v63  }
0x9a: {  	_ =	swait.ge [sflag:s25], $0x2800  }
0x9b: {  	s10 =	sadd.s32 $0xA0, s10;
	s12 =	smov.u32 s13;
	[sflag:s25] =	ssyncset.done $0x0  }
0x9c: {  	s12 =	sadd.s32 s11, s23;
	[sflag:s25] =	ssyncadd.s32 $0xFFFFD800  }
0x9d: {  	[tilespmem:s29], [sflag:$0x3] =	stream.linear.gather [hbm4b:s12+s3], $0x50, $0x38;
	[tilespmem:$0x18A80] =	vst v63  }
0x9e: {  	_ =	swait.ge [sflag:s25], $0x50  }
0x9f: {  	[sflag:s25] =	ssyncset.done $0x0  }
0xa0: {  	s14 =	sadd.s32 s11, s22;
	[sflag:s25] =	ssyncadd.s32 $0xFFFFFFB0  }
0xa1: {  	[tilespmem:s30], [sflag:$0x3] =	stream.linear.gather [hbm4b:s14+s3], $0x50, $0x38;
	[tilespmem:$0x18A80] =	vst v63  }
0xa2: {  	_ =	swait.ge [sflag:s25], $0x50  }
0xa3: {  	[sflag:s25] =	ssyncset.done $0x0  }
0xa4: {  	[sflag:s25] =	ssyncadd.s32 $0xFFFFFFB0  }
0xa5: {  	[tilespmem:s31], [sflag:$0x2] =	stream.indirect.gather [hbm4b:s1+s28], $0x80, s29, s28, $0xb8;
	[tilespmem:$0x18A80] =	vst v63  }
0xa6: {  	_ =	swait.ge [sflag:s0], $0x2800  }
0xa7: {  	[sflag:s0] =	ssyncset.done $0x0  }
0xa8: {  	[sflag:s0] =	ssyncadd.s32 $0xFFFFD800  }
0xa9: {  	[spmem:s2] =	stream.indirect.scatter.add.f32 [tilespmem:s24], [sflag:$0x3], $0x80, s26, s28, $0xb8;
	[tilespmem:$0x18A80] =	vst v63  }
0xaa: {  	_ =	swait.ge [sflag:s25], $0x2800  }
0xab: {  	s10 =	sshrl.u32 s10, $0x3;
	[sflag:s25] =	ssyncset.done $0x0  }
0xac: {  	s15 =	sadd.s32 s5, s10;
	[sflag:s25] =	ssyncadd.s32 $0xFFFFD800  }
0xad: {  	[tilespmem:s3], [sflag:$0x3] =	stream.linear.gather [hbm4b:s15+s3], $0x50, $0x38;
	[tilespmem:$0x18A80] =	vst v63  }
0xae: {  	_ =	swait.ge [sflag:s25], $0x50  }
0xaf: {  	[sflag:s25] =	ssyncset.done $0x0  }
0xb0: {  	s10 =	sadd.s32 s6, s10;
	[sflag:s25] =	ssyncadd.s32 $0xFFFFFFB0  }
0xb1: {  	[tilespmem:s26], [sflag:$0x3] =	stream.linear.gather [hbm4b:s10+s3], $0x50, $0x38;
	[tilespmem:$0x18A80] =	vst v63  }
0xb2: {  	_ =	swait.ge [sflag:s25], $0x50  }
0xb3: {  	[sflag:s25] =	ssyncset.done $0x0  }
0xb4: {  	[sflag:s25] =	ssyncadd.s32 $0xFFFFFFB0  }
0xb5: {  	[tilespmem:s24], [sflag:$0x1] =	stream.indirect.gather [hbm4b:s1+s28], $0x80, s3, s28, $0xb8;
	[tilespmem:$0x18A80] =	vst v63  }
0xb6: {  	_ =	swait.ge [sflag:s4], $0x2800  }
0xb7: {  	[sflag:s4] =	ssyncset.done $0x0  }
0xb8: {  	[sflag:s4] =	ssyncadd.s32 $0xFFFFD800  }
0xb9: {  	[spmem:s2] =	stream.indirect.scatter.add.f32 [tilespmem:s31], [sflag:$0x3], $0x80, s30, s28, $0xb8;
	[tilespmem:$0x18A80] =	vst v63  }
0xba: {  	_ =	swait.ge [sflag:s25], $0x2800  }
0xbb: {  	[sflag:s25] =	ssyncset.done $0x0  }
0xbc: {  	[sflag:s25] =	ssyncadd.s32 $0xFFFFD800  }
0xbd: {  	_ =	swait.ge [sflag:s0], $0x2800  }
0xbe: {  	[sflag:s0] =	ssyncset.done $0x0  }
0xbf: {  	[sflag:s0] =	ssyncadd.s32 $0xFFFFD800  }
0xc0: {  	[spmem:s2] =	stream.indirect.scatter.add.f32 [tilespmem:s24], [sflag:$0x3], $0x80, s26, s28, $0xb8;
	[tilespmem:$0x18A80] =	vst v63  }
0xc1: {  	_ =	swait.ge [sflag:s25], $0x2800  }
0xc2: {  	[sflag:s25] =	ssyncset.done $0x0  }
0xc3: {  	s12 =	stileid.u32;
	[sflag:s25] =	ssyncadd.s32 $0xFFFFD800  }
0xc4: {  	s10 =	sshll.u32 s12, $0x6;
	[bflag:$0x0] =	sbarrier.arrive $0xFFFF  }
0xc5: {  	s13 =	sshrl.u32 s7, $0x3;
	s10 =	sor.u32 $0x1C03, s10;
	s14 =	rddreg [dreg:$0x8]  }
0xc6: {  	[hbm:s14], [sflag:s10] =	dma.local [spmem:s13], $0x2700  }
0xc7: {  	_ =	swait.ge [sflag:s25], $0x2700  }
0xc8: {  	[sflag:s25] =	ssyncset.done $0x0  }
0xc9: {  	s11 =	sshrl.u32 @!p0 s9, $0x3;
	s12 =	rddreg [dreg:$0x9];
	[sflag:s25] =	ssyncadd.s32 $0xFFFFD900  }
0xca: {  	[hbm:s12], [sflag:s10] =	dma.local @!p0 [spmem:s11], $0x100  }
0xcb: {  	s10 =	simm.s32 @!p0 $0x3  }
0xcc: {  	_ =	swait.ge @!p0 [sflag:s10], $0x100  }
0xcd: {  	s8 =	sadd.s32 $0x1, s8;
	s15 =	rddreg [dreg:$0xa]  }
0xce: {  	p1 =	sne.s32 s8, s15  }
.Ltmp2:
0xcf: {  	_ = 	snop;
	(pc) =	sbr.rel @p1 .LBB2_1-.Ltmp2, $3  }
0xd0: {  	_ =	sdelay $0x1  }
0xd1: {  	[sflag:s10] =	ssyncset.done @!p0 $0x0  }
0xd2: {  	[sflag:s10] =	ssyncadd.s32 @!p0 $0xFFFFFF00  }
0xd3: {  	_ =	sfence.sel $0x180000  }
0xd4: {  	[bflag:$0x0] =	sbarrier.arrive $0xFFFF  }
0xd5: {  	_ =	strace $0x9000004D  }
0xd6: {  	s0 =	stileid.u32;
	[bflag:$0x2] =	sbarrier.arrive $0xFFFF  }
0xd7: {  	p0 =	sne.s32 s0, $0x0;
	s0 =	rddreg [dreg:$0x4]  }
0xd8: {  	s0 =	sadd.s32 @!p0 $0x100000, s0  }
0xd9: {  	[sflag:s0] =	ssyncadd.tile.s32 @!p0 $0x1;
	_ =	shalt  }
.Lfunc_end2:
_tile_overlayer_lowered:
.L_overlay_start_2:
0xda: {  	(tag) =	ssettag $0x2  }
0xdb: {  	s0 =	rddreg [dreg:$0x0];
	s2 =	stileid.u32  }
0xdc: {  	s1 =	rddreg [dreg:$0x1];
	p0 =	sne.s32 s2, $0x0  }
0xdd: {  	s3 =	rddreg [dreg:$0x2];
	[bflag:$0x3] =	sbarrier.arrive $0xFFFF;
	s2 =	simm.s32 @!p0 $0x1C03  }
0xde: {  	[timem:s3], [sflag:s2] =	dma.local @!p0 [hbm:s0], s1  }
0xdf: {  	s0 =	simm.s32 @!p0 $0x3  }
0xe0: {  	_ =	swait.ge @!p0 [sflag:s0], s1  }
0xe1: {  	s1 =	ssub.s32 @!p0 $0x0, s1;
	[sflag:s0] =	ssyncset.done @!p0 $0x0  }
0xe2: {  	[sflag:s0] =	ssyncadd.s32 @!p0 s1  }
0xe3: {  	[bflag:$0x3] =	sbarrier.arrive $0xFFFF  }
0xe4: {  	_ =	shalt  }

// kernel: kernel.17.cloned.1.call-start
scs
__scs_entry_jumppad:
0x0: {  	(pc) =	sbr.rel $0x88, $3  }
0x1: {  	(tag) =	ssettag $0x0;
	lr =	simm.s32 $0x1  }
0x2: {  	[smem:$0x3F90] =	sst lr;
	_ =	strace $0xD0000000  }
0x3: {  	_ = 	snop  }
0x4: {  	_ = 	snop  }
0x5: {  	_ = 	snop  }
0x6: {  	_ = 	snop  }
0x7: {  	_ = 	snop  }
__scs_overlays_trampoline_lowered:
0x8: {  	[smem:$0x3F9F] =	sst s0  }
0x9: {  	[smem:$0x3FA0] =	sst s1  }
0xa: {  	[smem:$0x3FA1] =	sst s2  }
0xb: {  	[smem:$0x3FA2] =	sst s3  }
0xc: {  	[smem:$0x3FA3] =	sst s4  }
0xd: {  	[smem:$0x3FA4] =	sst s5  }
0xe: {  	[smem:$0x3FA5] =	sst s6  }
0xf: {  	[smem:$0x3FA6] =	sst s7  }
0x10: {  	[smem:$0x3FA7] =	sst s8  }
0x11: {  	[smem:$0x3FA8] =	sst s9;
	s0 =	simm.s32 @!p0 $0x0  }
0x12: {  	s1 =	sld [smem:$0x3F8E];
	s0 =	simm.s32 @p0 $0x1  }
0x13: {  	[smem:$0x3FA9] =	sst s0;
	s0 =	simm.s32 @!p1 $0x0  }
0x14: {  	s2 =	sld [smem:$0x3F8D];
	s0 =	simm.s32 @p1 $0x1  }
0x15: {  	[smem:$0x3FAA] =	sst s0;
	s0 =	simm.s32 @!p2 $0x0  }
0x16: {  	s3 =	sld [smem:$0x3FDB];
	s0 =	simm.s32 @p2 $0x1  }
0x17: {  	s4 =	simm.s32 $0x1BF5;
	[smem:$0x3FAC] =	sst s0  }
0x18: {  	s0 =	sld [smem:$0x3F8F];
	_ =	swait.ge [sflag:s4], $0x0  }
0x19: {  	s7 =	sld [smem:$0x3F90]  }
0x1a: {  	s8 =	sadd.s32 $0xFFFFE003, lr  }
0x1b: {  	s9 =	sadd.s32 $0xFFFFFEF7, lr;
	s5 =	simm.s32 $0xFFFFFFFF;
	p2 =	slt.u32 s8, $0xFFFFF086  }
0x1c: {  	p1 =	slt.u32 s9, $0xF7A;
	s5 =	simm.s32 @!p2 $0x0  }
0x1d: {  	s5 =	simm.s32 @p1 $0x1;
	p0 =	seq.s32 s7, s2  }
0x1e: {  	s7 =	smul.u32 @!p0 $0xF7A, s2;
	p2 =	seq.s32 @!p0 s5, $0x0  }
0x1f: {  	s9 =	smul.u32 $0xF7A, s1;
	s8 =	simm.s32 @!p0 $0x1BF5;
	p2 =	por !p2, p0  }
0x20: {  	[sflag:s8] =	ssyncset.s32 @!p0 $0xFFFFF086;
	s6 =	sadd.s32 @!p0 s3, s7;
	s7 =	simm.s32 @!p0 $0x108  }
0x21: {  	s3 =	sadd.s32 s3, s9;
	s6 =	sadd.s32 @!p0 $0x88, s6;
	s7 =	simm.s32 @p2 $0x1082  }
0x22: {  	[simem:s7], [sflag:s8] =	dma.local @!p0 [hbm:s6], $0xF7A  }
0x23: {  	s9 =	sor.u32 $0xD0000000, s2;
	s6 =	simm.s32 $0x108;
	_ =	swait.ge @!p0 [sflag:s8], $0x0  }
0x24: {  	s3 =	sadd.s32 $0x88, s3;
	s6 =	simm.s32 @!p1 $0x1082;
	[sflag:s4] =	ssyncset.s32 $0xFFFFF086  }
0x25: {  	[simem:s6], [sflag:s4] =	dma.local [hbm:s3], $0xF7A  }
0x26: {  	[smem:$0x3F90] =	sst s1;
	(tag) =	ssettag s2;
	_ =	strace s9  }
0x27: {  	s1 =	sld [smem:$0x3FA0]  }
0x28: {  	s2 =	sld [smem:$0x3FA1]  }
0x29: {  	s4 =	sld [smem:$0x3FA3]  }
0x2a: {  	p0 =	seq.s32 s5, $0x0;
	s5 =	sld [smem:$0x3FA4]  }
0x2b: {  	s6 =	sld [smem:$0x3FA5]  }
0x2c: {  	s7 =	sld [smem:$0x3FA6]  }
0x2d: {  	s3 =	simm.s32 $0x108;
	s8 =	sld [smem:$0x3FA7]  }
0x2e: {  	s3 =	simm.s32 @!p0 $0x1082;
	s9 =	sld [smem:$0x3FA8]  }
0x2f: {  	lr =	sadd.s32 s0, s3;
	s0 =	sld [smem:$0x3F9F]  }
0x30: {  	s3 =	sld [smem:$0x3FA2]  }
0x31: {  	[smem:$0x3FAB] =	sst s10  }
0x32: {  	s10 =	sld [smem:$0x3FA9];
	_ =	sdelay $0x3  }
0x33: {  	p0 =	seq.s32 s10, $0x1;
	s10 =	sld [smem:$0x3FAB];
	_ =	sdelay $0x3  }
0x34: {  	[smem:$0x3FAB] =	sst s10  }
0x35: {  	s10 =	sld [smem:$0x3FAA];
	_ =	sdelay $0x3  }
0x36: {  	p1 =	seq.s32 s10, $0x1;
	s10 =	sld [smem:$0x3FAB];
	_ =	sdelay $0x3  }
0x37: {  	[smem:$0x3FAB] =	sst s10  }
0x38: {  	s10 =	sld [smem:$0x3FAC]  }
0x39: {  	_ = 	snop;
	(pc) =	sbr.ind lr, $3  }
0x3a: {  	_ = 	snop  }
0x3b: {  	_ = 	snop  }
0x3c: {  	p2 =	seq.s32 s10, $0x1;
	s10 =	sld [smem:$0x3FAB]  }
0x3d: {  	_ =	shalt  }
0x3e: {  	_ =	shalt  }
0x3f: {  	_ =	shalt  }
0x40: {  	_ =	shalt  }
0x41: {  	_ =	shalt  }
0x42: {  	_ =	shalt  }
0x43: {  	_ =	shalt  }
0x44: {  	_ =	shalt  }
0x45: {  	_ =	shalt  }
0x46: {  	_ =	shalt  }
0x47: {  	_ =	shalt  }
0x48: {  	_ =	shalt  }
0x49: {  	_ =	shalt  }
0x4a: {  	_ =	shalt  }
0x4b: {  	_ =	shalt  }
0x4c: {  	_ =	shalt  }
0x4d: {  	_ =	shalt  }
0x4e: {  	_ =	shalt  }
0x4f: {  	_ =	shalt  }
0x50: {  	_ =	shalt  }
0x51: {  	_ =	shalt  }
0x52: {  	_ =	shalt  }
0x53: {  	_ =	shalt  }
0x54: {  	_ =	shalt  }
0x55: {  	_ =	shalt  }
0x56: {  	_ =	shalt  }
0x57: {  	_ =	shalt  }
0x58: {  	_ =	shalt  }
0x59: {  	_ =	shalt  }
0x5a: {  	_ =	shalt  }
0x5b: {  	_ =	shalt  }
0x5c: {  	_ =	shalt  }
0x5d: {  	_ =	shalt  }
0x5e: {  	_ =	shalt  }
0x5f: {  	_ =	shalt  }
0x60: {  	_ =	shalt  }
0x61: {  	_ =	shalt  }
0x62: {  	_ =	shalt  }
0x63: {  	_ =	shalt  }
0x64: {  	_ =	shalt  }
0x65: {  	_ =	shalt  }
0x66: {  	_ =	shalt  }
0x67: {  	_ =	shalt  }
0x68: {  	_ =	shalt  }
0x69: {  	_ =	shalt  }
0x6a: {  	_ =	shalt  }
0x6b: {  	_ =	shalt  }
0x6c: {  	_ =	shalt  }
0x6d: {  	_ =	shalt  }
0x6e: {  	_ =	shalt  }
0x6f: {  	_ =	shalt  }
0x70: {  	_ =	shalt  }
0x71: {  	_ =	shalt  }
0x72: {  	_ =	shalt  }
0x73: {  	_ =	shalt  }
0x74: {  	_ =	shalt  }
0x75: {  	_ =	shalt  }
0x76: {  	_ =	shalt  }
0x77: {  	_ =	shalt  }
0x78: {  	_ =	shalt  }
0x79: {  	_ =	shalt  }
0x7a: {  	_ =	shalt  }
0x7b: {  	_ =	shalt  }
0x7c: {  	_ =	shalt  }
0x7d: {  	_ =	shalt  }
0x7e: {  	_ =	shalt  }
0x7f: {  	_ =	shalt  }
0x80: {  	_ =	shalt  }
0x81: {  	_ =	shalt  }
0x82: {  	_ =	shalt  }
0x83: {  	_ =	shalt  }
0x84: {  	_ =	shalt  }
0x85: {  	_ =	shalt  }
0x86: {  	_ =	shalt  }
0x87: {  	_ =	shalt  }
.Lfunc_end0:
.L_simem_size_0:
called_computation.2_lowered:
.L_overlay_start_0:
0x88: {  	s2 =	sld [smem:$0x3FD9]  }
0x89: {  	s3 =	sld [smem:$0x3FFE];
	_ =	sdelay $0x1  }
0x8a: {  	s1 =	srdreg.scid  }
0x8b: {  	s0 =	sand.u32 $0x1, s1  }
0x8c: {  	s16 =	sshll.u32 s0, $0xA;
	s2 =	sadd.s32 s3, s2  }
0x8d: {  	s2 =	sadd.s32 s2, s16  }
0x8e: {  	[smem:$0x3FB7] =	sst s2  }
0x8f: {  	_ = 	snop  }
0x90: {  	(tm) =	ssettm $0x1  }
0x91: {  	s17 =	sld [smem:$0x3FFB];
	_ =	sdelay $0x3  }
0x92: {  	_ =	strace s17  }
0x93: {  	s2 =	sld [smem:$0x3FFC];
	_ =	sdelay $0x3  }
0x94: {  	_ =	strace s2  }
0x95: {  	s2 =	sld [smem:$0x3FFD];
	_ =	sdelay $0x3  }
0x96: {  	_ =	strace s2  }
0x97: {  	_ =	strace $0x8FFFFFFF  }
0x98: {  	s18 =	sld [smem:$0x3FDB];
	_ =	sdelay $0x1  }
0x99: {  	s19 =	simm.s32 $_scs_section_size  }
0x9a: {  	s4 =	simm.s32 $_size__tile_overlayer_lowered;
	s5 =	simm.s32 $_tile_overlayer_lowered  }
0x9b: {  	s22 =	simm.s32 $0x1BFF;
	s21 =	sshll.u32 s5, $0x1;
	s2 =	sadd.s32 s19, s18  }
0x9c: {  	s6 =	simm.s32 $0x0;
	s20 =	sshll.u32 s4, $0x1;
	s4 =	sadd.s32 s21, s2  }
0x9d: {  	[timem:s6], [sflag:s22] =	dma.local [hbm:s4], s20  }
0x9e: {  	_ =	swait.ge [sflag:s22], s20  }
0x9f: {  	s3 =	ssub.s32 $0x0, s20;
	[sflag:s22] =	ssyncset.done $0x0  }
0xa0: {  	[sflag:s22] =	ssyncadd.s32 s3;
	_ =	sdelay $0x1  }
0xa1: {  	s23 =	simm.s32 $0x1B8B  }
0xa2: {  	_ =	swait.ge [sflag:s23], $0x1  }
0xa3: {  	[sflag:s23] =	ssyncset.done $0x0  }
0xa4: {  	s25 =	simm.s32 $0x1B8E;
	s24 =	sld [smem:$0x3FFE];
	[sflag:s23] =	ssyncadd.s32 $0xFFFFFFFF  }
0xa5: {  	s26 =	simm.s32 $execute0_lowered;
	[smem:$0x3FD2] =	sst s25  }
0xa6: {  	s4 =	sshll.u32 s26, $0x1;
	_ =	strace $0x80000049;
	[dreg:$0x1] =	wrdreg $0xFFFFFFFF  }
0xa7: {  	s28 =	simm.s32 $_size_execute0_lowered;
	s2 =	sadd.s32 s2, s4;
	[dreg:$0x0] =	wrdreg $0x0  }
0xa8: {  	s4 =	sshll.u32 s28, $0x1;
	[dreg:$0x2] =	wrdreg s2  }
0xa9: {  	[dreg:$0x3] =	wrdreg s4  }
0xaa: {  	[dreg:$0x4] =	wrdreg $0xC0  }
0xab: {  	_ =	task [dreg:s6], $0x5FFFF  }
0xac: {  	[dreg:$0x1] =	wrdreg $0xFFFFFFFF  }
0xad: {  	[dreg:$0x0] =	wrdreg $0x60  }
0xae: {  	[dreg:$0x2] =	wrdreg s24  }
0xaf: {  	[dreg:$0x3] =	wrdreg $0x52000  }
0xb0: {  	[dreg:$0x4] =	wrdreg $0xA  }
0xb1: {  	_ =	task.clear_ibuf [dreg:s6], $0x5FFFF;
	_ =	strace $0x90000049  }
0xb2: {  	s29 =	simm.s32 $0xA;
	_ =	strace $0x8000004B  }
0xb3: {  	_ =	swait.ge [sflag:s29], $0x1  }
0xb4: {  	[sflag:s29] =	ssyncadd.s32 $0xFFFFFFFF  }
0xb5: {  	_ =	strace $0x9000004B  }
0xb6: {  	_ =	sfence  }
0xb7: {  	s30 =	sld [smem:$0x0];
	_ =	sdelay $0x2  }
0xb8: {  	s31 =	sshll.u32 s1, $0xD;
	s1 =	sshrl.u32 s1, $0x2  }
0xb9: {  	s3 =	sand.u32 $0x4000, s31;
	s1 =	sadd.s32 s1, s30  }
0xba: {  	s0 =	sor.u32 s3, s0;
	s1 =	sshll.u32 s1, $0x11  }
0xbb: {  	s0 =	sor.u32 s1, s0  }
0xbc: {  	s0 =	sadd.s32 $0x8F2B, s0  }
0xbd: {  	[sflag:s0] =	ssyncadd.remote.s32 $0x1  }
0xbe: {  	_ =	sfence.sel $0xFFFF  }
0xbf: {  	[dreg:$0x0] =	wrdreg $0xFFFFFFFF;
	(pc) =	sbr.abs _section_cstart, $3  }
0xc0: {  	[dreg:$0x1] =	wrdreg $0xFFFFFFFF  }
0xc1: {  	_ =	task.clear_ibuf [dreg:s6], $0x2FFFF;
	_ =	strace $0x9FFFFFFF  }
0xc2: {  	(tm) =	ssettm $0x7FFFFFFF  }
0xc3: {  	_ =	shalt  }
tec
execute0_lowered:
.L_overlay_start_1:
0x0: {  	(tag) =	ssettag $0x1  }
0x1: {  	s0 =	rddreg [dreg:$0x0]  }
0x2: {  	s1 =	rddreg [dreg:$0x1];
	s2 =	simm.s32 $0x0;
	s3 =	srdreg.scid  }
0x3: {  	s14 =	stileid.u32;
	s28 =	simm.s32 $0x50;
	s29 =	simm.s32 $0x100  }
0x4: {  	s30 =	simm.s32 $0x180;
	s31 =	simm.s32 $0x2A00;
	[smem:$0x7FF] =	sst s2  }
0x5: {  	s4 =	sadd.s32 $0x19800, s0;
	s5 =	sadd.s32 $0x5C00, s0;
	s9 =	smul.u32 $0x4E000, s14  }
0x6: {  	s3 =	sand.u32 $0x1, s3;
	s6 =	sadd.s32 $0xFA00, s0;
	s12 =	smul.u32 $0x13800, s14  }
0x7: {  	s0 =	sadd.s32 $0x67C00, s0;
	s22 =	smul.u32 $0x2710, s14;
	p0 =	sne.s32 s14, $0xF  }
0x8: {  	_ =	strace $0x8000004A;
	s7 =	sshll.u32 s3, $0x4;
	s20 =	smul.u32 $0x138800, s3  }
0x9: {  	s8 =	ssub.s32 $0x2, s3;
	s3 =	smul.u32 $0x27100, s3;
	s7 =	sor.u32 s14, s7  }
0xa: {  	s10 =	sshrl.u32 s8, $0x1;
	s19 =	sshrl.u32 s9, $0x2;
	s9 =	sadd.s32 $0x138000, s1  }
0xb: {  	s11 =	smul.u32 $0x2710, s7;
	s8 =	ssub.s32 s8, s10;
	s7 =	sadd.s32 s19, s1  }
0xc: {  	s12 =	sadd.s32 s12, s20;
	s10 =	sshrl.u32 s20, $0x3;
	s26 =	sadd.s32 s22, s3  }
0xd: {  	s21 =	sadd.s32 $0x11800, s7;
	s12 =	sshrl.u32 s12, $0x3;
	s10 =	sadd.s32 s0, s10  }
0xe: {  	s24 =	smax.u32 s8, $0x1;
	s25 =	sadd.s32 $0x2800, s7;
	s16 =	sadd.s32 $0x5000, s7  }
0xf: {  	s17 =	sadd.s32 $0x7800, s7;
	s3 =	sadd.s32 $0x50, s26;
	s18 =	sadd.s32 $0xA000, s7  }
0x10: {  	s19 =	sadd.s32 $0xC800, s7;
	s20 =	sadd.s32 $0xF000, s7;
	[dreg:$0x3] =	wrdreg s21  }
0x11: {  	s8 =	simm.s32 $0x0;
	s11 =	sshrl.u32 s11, $0x3;
	[dreg:$0x8] =	wrdreg s24  }
0x12: {  	s0 =	sadd.s32 s0, s12;
	s23 =	sadd.s32 $0x27000, s10;
	[dreg:$0x9] =	wrdreg s25  }
0x13: {  	s3 =	sshrl.u32 s3, $0x3;
	s21 =	sadd.s32 $0xA0, s26;
	s24 =	simm.s32 $0x200  }
0x14: {  	s25 =	simm.s32 $0x3;
	s26 =	simm.s32 $0x80;
	[dreg:$0x6] =	wrdreg s0  }
0x15: {  	s13 =	sadd.s32 s5, s11;
	s11 =	sadd.s32 s6, s11;
	[dreg:$0x7] =	wrdreg s23  }
0x16: {  	s22 =	sadd.s32 s3, s6;
	s23 =	sadd.s32 s3, s5;
	[dreg:$0x4] =	wrdreg s13  }
0x17: {  	v0 =	vimm.f32 $0.0e+00;
	s0 =	simm.s32 $0x1;
	s3 =	simm.s32 $0x2;
	[dreg:$0x5] =	wrdreg s11  }
.LBB2_1:
0x18: {  	s10 =	simm.s32 $0x70;
	s11 =	simm.s32 $0x3C0  }
.LBB2_2:
0x19: {  	p1 =	sne.s32 s11, $0x9FC0;
	[tilespmem:s10+$0x200] =	vst v0  }
0x1a: {  	[tilespmem:s10+$0x190] =	vst v0  }
0x1b: {  	[tilespmem:s10+$0x1A0] =	vst v0  }
.Ltmp0:
0x1c: {  	[tilespmem:s10+$0x1B0] =	vst v0;
	(pc) =	sbr.rel @p1 .LBB2_2-.Ltmp0, $4  }
0x1d: {  	[tilespmem:s10+$0x1C0] =	vst v0  }
0x1e: {  	[tilespmem:s10+$0x1D0] =	vst v0  }
0x1f: {  	[tilespmem:s10+$0x1E0] =	vst v0  }
0x20: {  	[tilespmem:s10+$0x1F0] =	vst v0;
	s10 =	sshra.s32 s11, $0x2;
	s11 =	sadd.s32 $0x200, s11  }
0x21: {  	[tilespmem:s10+$0x200] =	vst v0  }
0x22: {  	[tilespmem:s10+$0x190] =	vst v0  }
0x23: {  	[tilespmem:s10+$0x1A0] =	vst v0  }
0x24: {  	[tilespmem:s10+$0x1B0] =	vst v0  }
0x25: {  	[tilespmem:s10+$0x1C0] =	vst v0  }
0x26: {  	[tilespmem:s10+$0x1D0] =	vst v0  }
0x27: {  	[tilespmem:s10+$0x1E0] =	vst v0  }
0x28: {  	[tilespmem:s10+$0x1F0] =	vst v0  }
0x29: {  	[spmem:s7] =	stream.linear.scatter [tilespmem:s24], [sflag:$0x3], $0x2800, $0x38;
	[tilespmem:$0x18A80] =	vst v63  }
0x2a: {  	_ =	swait.ge [sflag:s25], $0x2800  }
0x2b: {  	[sflag:s25] =	ssyncset.done $0x0  }
0x2c: {  	s12 =	rddreg [dreg:$0x9];
	[sflag:s25] =	ssyncadd.s32 $0xFFFFD800  }
0x2d: {  	[spmem:s12] =	stream.linear.scatter [tilespmem:s24], [sflag:$0x3], $0x2800, $0x38;
	[tilespmem:$0x18A80] =	vst v63  }
0x2e: {  	_ =	swait.ge [sflag:s25], $0x2800  }
0x2f: {  	[sflag:s25] =	ssyncset.done $0x0  }
0x30: {  	[sflag:s25] =	ssyncadd.s32 $0xFFFFD800  }
0x31: {  	[spmem:s16] =	stream.linear.scatter [tilespmem:s24], [sflag:$0x3], $0x2800, $0x38;
	[tilespmem:$0x18A80] =	vst v63  }
0x32: {  	_ =	swait.ge [sflag:s25], $0x2800  }
0x33: {  	[sflag:s25] =	ssyncset.done $0x0  }
0x34: {  	[sflag:s25] =	ssyncadd.s32 $0xFFFFD800  }
0x35: {  	[spmem:s17] =	stream.linear.scatter [tilespmem:s24], [sflag:$0x3], $0x2800, $0x38;
	[tilespmem:$0x18A80] =	vst v63  }
0x36: {  	_ =	swait.ge [sflag:s25], $0x2800  }
0x37: {  	[sflag:s25] =	ssyncset.done $0x0  }
0x38: {  	[sflag:s25] =	ssyncadd.s32 $0xFFFFD800  }
0x39: {  	[spmem:s18] =	stream.linear.scatter [tilespmem:s24], [sflag:$0x3], $0x2800, $0x38;
	[tilespmem:$0x18A80] =	vst v63  }
0x3a: {  	_ =	swait.ge [sflag:s25], $0x2800  }
0x3b: {  	[sflag:s25] =	ssyncset.done $0x0  }
0x3c: {  	[sflag:s25] =	ssyncadd.s32 $0xFFFFD800  }
0x3d: {  	[spmem:s19] =	stream.linear.scatter [tilespmem:s24], [sflag:$0x3], $0x2800, $0x38;
	[tilespmem:$0x18A80] =	vst v63  }
0x3e: {  	_ =	swait.ge [sflag:s25], $0x2800  }
0x3f: {  	[sflag:s25] =	ssyncset.done $0x0  }
0x40: {  	[sflag:s25] =	ssyncadd.s32 $0xFFFFD800  }
0x41: {  	[spmem:s20] =	stream.linear.scatter [tilespmem:s24], [sflag:$0x3], $0x2800, $0x38;
	[tilespmem:$0x18A80] =	vst v63  }
0x42: {  	_ =	swait.ge [sflag:s25], $0x2800  }
0x43: {  	[sflag:s25] =	ssyncset.done $0x0  }
0x44: {  	s13 =	rddreg [dreg:$0x3];
	[sflag:s25] =	ssyncadd.s32 $0xFFFFD800  }
0x45: {  	[spmem:s13] =	stream.linear.scatter [tilespmem:s24], [sflag:$0x3], $0x2000, $0x38;
	[tilespmem:$0x18A80] =	vst v63  }
0x46: {  	_ =	swait.ge [sflag:s25], $0x2000  }
0x47: {  	[sflag:s25] =	ssyncset.done $0x0  }
0x48: {  	s10 =	simm.s32 @!p0 $0x200;
	[sflag:s25] =	ssyncadd.s32 $0xFFFFE000  }
0x49: {  	[spmem:s9] =	stream.linear.scatter @!p0 [tilespmem:s10], [sflag:$0x3], $0x800, $0x38;
	[tilespmem:$0x18A80] =	vst v63  }
0x4a: {  	s10 =	simm.s32 @!p0 $0x3  }
0x4b: {  	_ =	swait.ge @!p0 [sflag:s10], $0x800  }
0x4c: {  	[sflag:s10] =	ssyncset.done @!p0 $0x0  }
0x4d: {  	[sflag:s10] =	ssyncadd.s32 @!p0 $0xFFFFF800  }
0x4e: {  	[bflag:$0x0] =	sbarrier.arrive $0xFFFF  }
0x4f: {  	s14 =	simm.s32 $0x0;
	s11 =	rddreg [dreg:$0x4]  }
0x50: {  	[tilespmem:s14], [sflag:$0x3] =	stream.linear.gather [hbm4b:s11+s14], $0x50, $0x38;
	[tilespmem:$0x18A80] =	vst v63  }
0x51: {  	_ =	swait.ge [sflag:s25], $0x50  }
0x52: {  	[sflag:s25] =	ssyncset.done $0x0  }
0x53: {  	s15 =	rddreg [dreg:$0x5];
	[sflag:s25] =	ssyncadd.s32 $0xFFFFFFB0  }
0x54: {  	[tilespmem:s26], [sflag:$0x3] =	stream.linear.gather [hbm4b:s15+s14], $0x50, $0x38;
	[tilespmem:$0x18A80] =	vst v63  }
0x55: {  	_ =	swait.ge [sflag:s25], $0x50  }
0x56: {  	[sflag:s25] =	ssyncset.done $0x0  }
0x57: {  	[sflag:s25] =	ssyncadd.s32 $0xFFFFFFB0  }
0x58: {  	[tilespmem:s24], [sflag:$0x1] =	stream.indirect.gather [hbm4b:s4+s28], $0x80, s14, s28, $0xb8;
	[tilespmem:$0x18A80] =	vst v63  }
0x59: {  	s12 =	sadd.s32 $0x0, s23  }
0x5a: {  	[tilespmem:s29], [sflag:$0x3] =	stream.linear.gather [hbm4b:s12+s2], $0x50, $0x38;
	[tilespmem:$0x18A80] =	vst v63  }
0x5b: {  	_ =	swait.ge [sflag:s25], $0x50  }
0x5c: {  	[sflag:s25] =	ssyncset.done $0x0  }
0x5d: {  	s13 =	sadd.s32 $0x0, s22;
	[sflag:s25] =	ssyncadd.s32 $0xFFFFFFB0  }
0x5e: {  	[tilespmem:s30], [sflag:$0x3] =	stream.linear.gather [hbm4b:s13+s2], $0x50, $0x38;
	[tilespmem:$0x18A80] =	vst v63  }
0x5f: {  	_ =	swait.ge [sflag:s25], $0x50  }
0x60: {  	[sflag:s25] =	ssyncset.done $0x0  }
0x61: {  	[sflag:s25] =	ssyncadd.s32 $0xFFFFFFB0  }
0x62: {  	[tilespmem:s31], [sflag:$0x2] =	stream.indirect.gather [hbm4b:s4+s28], $0x80, s29, s28, $0xb8;
	[tilespmem:$0x18A80] =	vst v63  }
0x63: {  	_ =	swait.ge [sflag:s0], $0x2800  }
0x64: {  	[sflag:s0] =	ssyncset.done $0x0  }
0x65: {  	[sflag:s0] =	ssyncadd.s32 $0xFFFFD800  }
0x66: {  	[spmem:s1] =	stream.indirect.scatter.add.f32 [tilespmem:s24], [sflag:$0x3], $0x80, s26, s28, $0xb8;
	[tilespmem:$0x18A80] =	vst v63  }
0x67: {  	_ =	swait.ge [sflag:s25], $0x2800  }
0x68: {  	s14 =	sshrl.u32 s21, $0x3;
	[sflag:s25] =	ssyncset.done $0x0  }
0x69: {  	s15 =	sadd.s32 s5, s14;
	[sflag:s25] =	ssyncadd.s32 $0xFFFFD800  }
0x6a: {  	[tilespmem:s2], [sflag:$0x3] =	stream.linear.gather [hbm4b:s15+s2], $0x50, $0x38;
	[tilespmem:$0x18A80] =	vst v63  }
0x6b: {  	_ =	swait.ge [sflag:s25], $0x50  }
0x6c: {  	[sflag:s25] =	ssyncset.done $0x0  }
0x6d: {  	s10 =	sadd.s32 s6, s14;
	[sflag:s25] =	ssyncadd.s32 $0xFFFFFFB0  }
0x6e: {  	[tilespmem:s26], [sflag:$0x3] =	stream.linear.gather [hbm4b:s10+s2], $0x50, $0x38;
	[tilespmem:$0x18A80] =	vst v63  }
0x6f: {  	_ =	swait.ge [sflag:s25], $0x50  }
0x70: {  	[sflag:s25] =	ssyncset.done $0x0  }
0x71: {  	[sflag:s25] =	ssyncadd.s32 $0xFFFFFFB0  }
0x72: {  	[tilespmem:s24], [sflag:$0x1] =	stream.indirect.gather [hbm4b:s4+s28], $0x80, s2, s28, $0xb8;
	[tilespmem:$0x18A80] =	vst v63  }
0x73: {  	_ =	swait.ge [sflag:s3], $0x2800  }
0x74: {  	[sflag:s3] =	ssyncset.done $0x0  }
0x75: {  	[sflag:s3] =	ssyncadd.s32 $0xFFFFD800  }
0x76: {  	[spmem:s1] =	stream.indirect.scatter.add.f32 [tilespmem:s31], [sflag:$0x3], $0x80, s30, s28, $0xb8;
	[tilespmem:$0x18A80] =	vst v63  }
0x77: {  	s11 =	simm.s32 $0x14;
	_ =	swait.ge [sflag:s25], $0x2800  }
0x78: {  	s12 =	simm.s32 $0x28;
	s10 =	sadd.s32 $0xA0, s21;
	[sflag:s25] =	ssyncset.done $0x0  }
.LBB2_4:
0x79: {  	s14 =	sadd.s32 s11, s23  }
0x7a: {  	[sflag:s25] =	ssyncadd.s32 $0xFFFFD800;
	s15 =	smov.u32 s12;
	s13 =	sadd.s32 $0x14, s12  }
0x7b: {  	[tilespmem:s29], [sflag:$0x3] =	stream.linear.gather [hbm4b:s14+s2], $0x50, $0x38;
	[tilespmem:$0x18A80] =	vst v63  }
0x7c: {  	p1 =	sne.s32 s12, $0x4C4;
	_ =	swait.ge [sflag:s25], $0x50  }
0x7d: {  	[sflag:s25] =	ssyncset.done $0x0  }
0x7e: {  	s12 =	sadd.s32 s11, s22;
	s11 =	smov.u32 s15;
	[sflag:s25] =	ssyncadd.s32 $0xFFFFFFB0  }
0x7f: {  	[tilespmem:s30], [sflag:$0x3] =	stream.linear.gather [hbm4b:s12+s2], $0x50, $0x38;
	[tilespmem:$0x18A80] =	vst v63  }
0x80: {  	_ =	swait.ge [sflag:s25], $0x50  }
0x81: {  	[sflag:s25] =	ssyncset.done $0x0  }
0x82: {  	[sflag:s25] =	ssyncadd.s32 $0xFFFFFFB0  }
0x83: {  	[tilespmem:s31], [sflag:$0x2] =	stream.indirect.gather [hbm4b:s4+s28], $0x80, s29, s28, $0xb8;
	[tilespmem:$0x18A80] =	vst v63  }
0x84: {  	_ =	swait.ge [sflag:s0], $0x2800  }
0x85: {  	[sflag:s0] =	ssyncset.done $0x0  }
0x86: {  	[sflag:s0] =	ssyncadd.s32 $0xFFFFD800  }
0x87: {  	[spmem:s1] =	stream.indirect.scatter.add.f32 [tilespmem:s24], [sflag:$0x3], $0x80, s26, s28, $0xb8;
	[tilespmem:$0x18A80] =	vst v63  }
0x88: {  	_ =	swait.ge [sflag:s25], $0x2800  }
0x89: {  	s12 =	sshrl.u32 s10, $0x3;
	[sflag:s25] =	ssyncset.done $0x0  }
0x8a: {  	s14 =	sadd.s32 s5, s12;
	[sflag:s25] =	ssyncadd.s32 $0xFFFFD800  }
0x8b: {  	[tilespmem:s2], [sflag:$0x3] =	stream.linear.gather [hbm4b:s14+s2], $0x50, $0x38;
	[tilespmem:$0x18A80] =	vst v63  }
0x8c: {  	_ =	swait.ge [sflag:s25], $0x50  }
0x8d: {  	[sflag:s25] =	ssyncset.done $0x0  }
0x8e: {  	s12 =	sadd.s32 s6, s12;
	[sflag:s25] =	ssyncadd.s32 $0xFFFFFFB0  }
0x8f: {  	[tilespmem:s26], [sflag:$0x3] =	stream.linear.gather [hbm4b:s12+s2], $0x50, $0x38;
	[tilespmem:$0x18A80] =	vst v63  }
0x90: {  	_ =	swait.ge [sflag:s25], $0x50  }
0x91: {  	[sflag:s25] =	ssyncset.done $0x0  }
0x92: {  	[sflag:s25] =	ssyncadd.s32 $0xFFFFFFB0  }
0x93: {  	[tilespmem:s24], [sflag:$0x1] =	stream.indirect.gather [hbm4b:s4+s28], $0x80, s2, s28, $0xb8;
	[tilespmem:$0x18A80] =	vst v63  }
0x94: {  	_ =	swait.ge [sflag:s3], $0x2800  }
.Ltmp1:
0x95: {  	[sflag:s3] =	ssyncset.done $0x0;
	(pc) =	sbr.rel @p1 .LBB2_4-.Ltmp1, $4  }
0x96: {  	[sflag:s3] =	ssyncadd.s32 $0xFFFFD800  }
0x97: {  	[spmem:s1] =	stream.indirect.scatter.add.f32 [tilespmem:s31], [sflag:$0x3], $0x80, s30, s28, $0xb8;
	[tilespmem:$0x18A80] =	vst v63  }
0x98: {  	_ =	swait.ge [sflag:s25], $0x2800  }
0x99: {  	s10 =	sadd.s32 $0xA0, s10;
	s12 =	smov.u32 s13;
	[sflag:s25] =	ssyncset.done $0x0  }
0x9a: {  	s12 =	sadd.s32 s11, s23;
	[sflag:s25] =	ssyncadd.s32 $0xFFFFD800  }
0x9b: {  	[tilespmem:s29], [sflag:$0x3] =	stream.linear.gather [hbm4b:s12+s2], $0x50, $0x38;
	[tilespmem:$0x18A80] =	vst v63  }
0x9c: {  	_ =	swait.ge [sflag:s25], $0x50  }
0x9d: {  	[sflag:s25] =	ssyncset.done $0x0  }
0x9e: {  	s14 =	sadd.s32 s11, s22;
	[sflag:s25] =	ssyncadd.s32 $0xFFFFFFB0  }
0x9f: {  	[tilespmem:s30], [sflag:$0x3] =	stream.linear.gather [hbm4b:s14+s2], $0x50, $0x38;
	[tilespmem:$0x18A80] =	vst v63  }
0xa0: {  	_ =	swait.ge [sflag:s25], $0x50  }
0xa1: {  	[sflag:s25] =	ssyncset.done $0x0  }
0xa2: {  	[sflag:s25] =	ssyncadd.s32 $0xFFFFFFB0  }
0xa3: {  	[tilespmem:s31], [sflag:$0x2] =	stream.indirect.gather [hbm4b:s4+s28], $0x80, s29, s28, $0xb8;
	[tilespmem:$0x18A80] =	vst v63  }
0xa4: {  	_ =	swait.ge [sflag:s0], $0x2800  }
0xa5: {  	[sflag:s0] =	ssyncset.done $0x0  }
0xa6: {  	[sflag:s0] =	ssyncadd.s32 $0xFFFFD800  }
0xa7: {  	[spmem:s1] =	stream.indirect.scatter.add.f32 [tilespmem:s24], [sflag:$0x3], $0x80, s26, s28, $0xb8;
	[tilespmem:$0x18A80] =	vst v63  }
0xa8: {  	_ =	swait.ge [sflag:s25], $0x2800  }
0xa9: {  	s10 =	sshrl.u32 s10, $0x3;
	[sflag:s25] =	ssyncset.done $0x0  }
0xaa: {  	s15 =	sadd.s32 s5, s10;
	[sflag:s25] =	ssyncadd.s32 $0xFFFFD800  }
0xab: {  	[tilespmem:s2], [sflag:$0x3] =	stream.linear.gather [hbm4b:s15+s2], $0x50, $0x38;
	[tilespmem:$0x18A80] =	vst v63  }
0xac: {  	_ =	swait.ge [sflag:s25], $0x50  }
0xad: {  	[sflag:s25] =	ssyncset.done $0x0  }
0xae: {  	s10 =	sadd.s32 s6, s10;
	[sflag:s25] =	ssyncadd.s32 $0xFFFFFFB0  }
0xaf: {  	[tilespmem:s26], [sflag:$0x3] =	stream.linear.gather [hbm4b:s10+s2], $0x50, $0x38;
	[tilespmem:$0x18A80] =	vst v63  }
0xb0: {  	_ =	swait.ge [sflag:s25], $0x50  }
0xb1: {  	[sflag:s25] =	ssyncset.done $0x0  }
0xb2: {  	[sflag:s25] =	ssyncadd.s32 $0xFFFFFFB0  }
0xb3: {  	[tilespmem:s24], [sflag:$0x1] =	stream.indirect.gather [hbm4b:s4+s28], $0x80, s2, s28, $0xb8;
	[tilespmem:$0x18A80] =	vst v63  }
0xb4: {  	_ =	swait.ge [sflag:s3], $0x2800  }
0xb5: {  	[sflag:s3] =	ssyncset.done $0x0  }
0xb6: {  	[sflag:s3] =	ssyncadd.s32 $0xFFFFD800  }
0xb7: {  	[spmem:s1] =	stream.indirect.scatter.add.f32 [tilespmem:s31], [sflag:$0x3], $0x80, s30, s28, $0xb8;
	[tilespmem:$0x18A80] =	vst v63  }
0xb8: {  	_ =	swait.ge [sflag:s25], $0x2800  }
0xb9: {  	[sflag:s25] =	ssyncset.done $0x0  }
0xba: {  	[sflag:s25] =	ssyncadd.s32 $0xFFFFD800  }
0xbb: {  	_ =	swait.ge [sflag:s0], $0x2800  }
0xbc: {  	[sflag:s0] =	ssyncset.done $0x0  }
0xbd: {  	[sflag:s0] =	ssyncadd.s32 $0xFFFFD800  }
0xbe: {  	[spmem:s1] =	stream.indirect.scatter.add.f32 [tilespmem:s24], [sflag:$0x3], $0x80, s26, s28, $0xb8;
	[tilespmem:$0x18A80] =	vst v63  }
0xbf: {  	_ =	swait.ge [sflag:s25], $0x2800  }
0xc0: {  	[sflag:s25] =	ssyncset.done $0x0  }
0xc1: {  	s12 =	stileid.u32;
	[sflag:s25] =	ssyncadd.s32 $0xFFFFD800  }
0xc2: {  	s10 =	sshll.u32 s12, $0x6;
	[bflag:$0x0] =	sbarrier.arrive $0xFFFF  }
0xc3: {  	s13 =	sshrl.u32 s7, $0x3;
	s10 =	sor.u32 $0x1C03, s10;
	s14 =	rddreg [dreg:$0x6]  }
0xc4: {  	[hbm:s14], [sflag:s10] =	dma.local [spmem:s13], $0x2700  }
0xc5: {  	_ =	swait.ge [sflag:s25], $0x2700  }
0xc6: {  	[sflag:s25] =	ssyncset.done $0x0  }
0xc7: {  	s11 =	sshrl.u32 @!p0 s9, $0x3;
	s12 =	rddreg [dreg:$0x7];
	[sflag:s25] =	ssyncadd.s32 $0xFFFFD900  }
0xc8: {  	[hbm:s12], [sflag:s10] =	dma.local @!p0 [spmem:s11], $0x100  }
0xc9: {  	s10 =	simm.s32 @!p0 $0x3  }
0xca: {  	_ =	swait.ge @!p0 [sflag:s10], $0x100  }
0xcb: {  	s8 =	sadd.s32 $0x1, s8;
	s15 =	rddreg [dreg:$0x8]  }
0xcc: {  	p1 =	sne.s32 s8, s15  }
.Ltmp2:
0xcd: {  	_ = 	snop;
	(pc) =	sbr.rel @p1 .LBB2_1-.Ltmp2, $3  }
0xce: {  	_ =	sdelay $0x1  }
0xcf: {  	[sflag:s10] =	ssyncset.done @!p0 $0x0  }
0xd0: {  	[sflag:s10] =	ssyncadd.s32 @!p0 $0xFFFFFF00  }
0xd1: {  	_ =	sfence.sel $0x180000  }
0xd2: {  	[bflag:$0x0] =	sbarrier.arrive $0xFFFF  }
0xd3: {  	_ =	strace $0x9000004A  }
0xd4: {  	s0 =	stileid.u32;
	[bflag:$0x2] =	sbarrier.arrive $0xFFFF  }
0xd5: {  	p0 =	sne.s32 s0, $0x0;
	s0 =	rddreg [dreg:$0x2]  }
0xd6: {  	s0 =	sadd.s32 @!p0 $0x100000, s0  }
0xd7: {  	[sflag:s0] =	ssyncadd.tile.s32 @!p0 $0x1;
	_ =	shalt  }
.Lfunc_end2:
_tile_overlayer_lowered:
.L_overlay_start_2:
0xd8: {  	(tag) =	ssettag $0x2  }
0xd9: {  	s0 =	rddreg [dreg:$0x0];
	s2 =	stileid.u32  }
0xda: {  	s1 =	rddreg [dreg:$0x1];
	p0 =	sne.s32 s2, $0x0  }
0xdb: {  	s3 =	rddreg [dreg:$0x2];
	[bflag:$0x3] =	sbarrier.arrive $0xFFFF;
	s2 =	simm.s32 @!p0 $0x1C03  }
0xdc: {  	[timem:s3], [sflag:s2] =	dma.local @!p0 [hbm:s0], s1  }
0xdd: {  	s0 =	simm.s32 @!p0 $0x3  }
0xde: {  	_ =	swait.ge @!p0 [sflag:s0], s1  }
0xdf: {  	s1 =	ssub.s32 @!p0 $0x0, s1;
	[sflag:s0] =	ssyncset.done @!p0 $0x0  }
0xe0: {  	[sflag:s0] =	ssyncadd.s32 @!p0 s1  }
0xe1: {  	[bflag:$0x3] =	sbarrier.arrive $0xFFFF  }
0xe2: {  	_ =	shalt  }

// kernel: kernel.20.cloned.1.call-start
scs
__scs_entry_jumppad:
0x0: {  	(pc) =	sbr.rel $0x88, $3  }
0x1: {  	(tag) =	ssettag $0x0;
	lr =	simm.s32 $0x1  }
0x2: {  	[smem:$0x3F90] =	sst lr;
	_ =	strace $0xD0000000  }
0x3: {  	_ = 	snop  }
0x4: {  	_ = 	snop  }
0x5: {  	_ = 	snop  }
0x6: {  	_ = 	snop  }
0x7: {  	_ = 	snop  }
__scs_overlays_trampoline_lowered:
0x8: {  	[smem:$0x3F9F] =	sst s0  }
0x9: {  	[smem:$0x3FA0] =	sst s1  }
0xa: {  	[smem:$0x3FA1] =	sst s2  }
0xb: {  	[smem:$0x3FA2] =	sst s3  }
0xc: {  	[smem:$0x3FA3] =	sst s4  }
0xd: {  	[smem:$0x3FA4] =	sst s5  }
0xe: {  	[smem:$0x3FA5] =	sst s6  }
0xf: {  	[smem:$0x3FA6] =	sst s7  }
0x10: {  	[smem:$0x3FA7] =	sst s8  }
0x11: {  	[smem:$0x3FA8] =	sst s9;
	s0 =	simm.s32 @!p0 $0x0  }
0x12: {  	s1 =	sld [smem:$0x3F8E];
	s0 =	simm.s32 @p0 $0x1  }
0x13: {  	[smem:$0x3FA9] =	sst s0;
	s0 =	simm.s32 @!p1 $0x0  }
0x14: {  	s2 =	sld [smem:$0x3F8D];
	s0 =	simm.s32 @p1 $0x1  }
0x15: {  	[smem:$0x3FAA] =	sst s0;
	s0 =	simm.s32 @!p2 $0x0  }
0x16: {  	s3 =	sld [smem:$0x3FDB];
	s0 =	simm.s32 @p2 $0x1  }
0x17: {  	s4 =	simm.s32 $0x1BF5;
	[smem:$0x3FAC] =	sst s0  }
0x18: {  	s0 =	sld [smem:$0x3F8F];
	_ =	swait.ge [sflag:s4], $0x0  }
0x19: {  	s7 =	sld [smem:$0x3F90]  }
0x1a: {  	s8 =	sadd.s32 $0xFFFFE003, lr  }
0x1b: {  	s9 =	sadd.s32 $0xFFFFFEF7, lr;
	s5 =	simm.s32 $0xFFFFFFFF;
	p2 =	slt.u32 s8, $0xFFFFF086  }
0x1c: {  	p1 =	slt.u32 s9, $0xF7A;
	s5 =	simm.s32 @!p2 $0x0  }
0x1d: {  	s5 =	simm.s32 @p1 $0x1;
	p0 =	seq.s32 s7, s2  }
0x1e: {  	s7 =	smul.u32 @!p0 $0xF7A, s2;
	p2 =	seq.s32 @!p0 s5, $0x0  }
0x1f: {  	s9 =	smul.u32 $0xF7A, s1;
	s8 =	simm.s32 @!p0 $0x1BF5;
	p2 =	por !p2, p0  }
0x20: {  	[sflag:s8] =	ssyncset.s32 @!p0 $0xFFFFF086;
	s6 =	sadd.s32 @!p0 s3, s7;
	s7 =	simm.s32 @!p0 $0x108  }
0x21: {  	s3 =	sadd.s32 s3, s9;
	s6 =	sadd.s32 @!p0 $0x88, s6;
	s7 =	simm.s32 @p2 $0x1082  }
0x22: {  	[simem:s7], [sflag:s8] =	dma.local @!p0 [hbm:s6], $0xF7A  }
0x23: {  	s9 =	sor.u32 $0xD0000000, s2;
	s6 =	simm.s32 $0x108;
	_ =	swait.ge @!p0 [sflag:s8], $0x0  }
0x24: {  	s3 =	sadd.s32 $0x88, s3;
	s6 =	simm.s32 @!p1 $0x1082;
	[sflag:s4] =	ssyncset.s32 $0xFFFFF086  }
0x25: {  	[simem:s6], [sflag:s4] =	dma.local [hbm:s3], $0xF7A  }
0x26: {  	[smem:$0x3F90] =	sst s1;
	(tag) =	ssettag s2;
	_ =	strace s9  }
0x27: {  	s1 =	sld [smem:$0x3FA0]  }
0x28: {  	s2 =	sld [smem:$0x3FA1]  }
0x29: {  	s4 =	sld [smem:$0x3FA3]  }
0x2a: {  	p0 =	seq.s32 s5, $0x0;
	s5 =	sld [smem:$0x3FA4]  }
0x2b: {  	s6 =	sld [smem:$0x3FA5]  }
0x2c: {  	s7 =	sld [smem:$0x3FA6]  }
0x2d: {  	s3 =	simm.s32 $0x108;
	s8 =	sld [smem:$0x3FA7]  }
0x2e: {  	s3 =	simm.s32 @!p0 $0x1082;
	s9 =	sld [smem:$0x3FA8]  }
0x2f: {  	lr =	sadd.s32 s0, s3;
	s0 =	sld [smem:$0x3F9F]  }
0x30: {  	s3 =	sld [smem:$0x3FA2]  }
0x31: {  	[smem:$0x3FAB] =	sst s10  }
0x32: {  	s10 =	sld [smem:$0x3FA9];
	_ =	sdelay $0x3  }
0x33: {  	p0 =	seq.s32 s10, $0x1;
	s10 =	sld [smem:$0x3FAB];
	_ =	sdelay $0x3  }
0x34: {  	[smem:$0x3FAB] =	sst s10  }
0x35: {  	s10 =	sld [smem:$0x3FAA];
	_ =	sdelay $0x3  }
0x36: {  	p1 =	seq.s32 s10, $0x1;
	s10 =	sld [smem:$0x3FAB];
	_ =	sdelay $0x3  }
0x37: {  	[smem:$0x3FAB] =	sst s10  }
0x38: {  	s10 =	sld [smem:$0x3FAC]  }
0x39: {  	_ = 	snop;
	(pc) =	sbr.ind lr, $3  }
0x3a: {  	_ = 	snop  }
0x3b: {  	_ = 	snop  }
0x3c: {  	p2 =	seq.s32 s10, $0x1;
	s10 =	sld [smem:$0x3FAB]  }
0x3d: {  	_ =	shalt  }
0x3e: {  	_ =	shalt  }
0x3f: {  	_ =	shalt  }
0x40: {  	_ =	shalt  }
0x41: {  	_ =	shalt  }
0x42: {  	_ =	shalt  }
0x43: {  	_ =	shalt  }
0x44: {  	_ =	shalt  }
0x45: {  	_ =	shalt  }
0x46: {  	_ =	shalt  }
0x47: {  	_ =	shalt  }
0x48: {  	_ =	shalt  }
0x49: {  	_ =	shalt  }
0x4a: {  	_ =	shalt  }
0x4b: {  	_ =	shalt  }
0x4c: {  	_ =	shalt  }
0x4d: {  	_ =	shalt  }
0x4e: {  	_ =	shalt  }
0x4f: {  	_ =	shalt  }
0x50: {  	_ =	shalt  }
0x51: {  	_ =	shalt  }
0x52: {  	_ =	shalt  }
0x53: {  	_ =	shalt  }
0x54: {  	_ =	shalt  }
0x55: {  	_ =	shalt  }
0x56: {  	_ =	shalt  }
0x57: {  	_ =	shalt  }
0x58: {  	_ =	shalt  }
0x59: {  	_ =	shalt  }
0x5a: {  	_ =	shalt  }
0x5b: {  	_ =	shalt  }
0x5c: {  	_ =	shalt  }
0x5d: {  	_ =	shalt  }
0x5e: {  	_ =	shalt  }
0x5f: {  	_ =	shalt  }
0x60: {  	_ =	shalt  }
0x61: {  	_ =	shalt  }
0x62: {  	_ =	shalt  }
0x63: {  	_ =	shalt  }
0x64: {  	_ =	shalt  }
0x65: {  	_ =	shalt  }
0x66: {  	_ =	shalt  }
0x67: {  	_ =	shalt  }
0x68: {  	_ =	shalt  }
0x69: {  	_ =	shalt  }
0x6a: {  	_ =	shalt  }
0x6b: {  	_ =	shalt  }
0x6c: {  	_ =	shalt  }
0x6d: {  	_ =	shalt  }
0x6e: {  	_ =	shalt  }
0x6f: {  	_ =	shalt  }
0x70: {  	_ =	shalt  }
0x71: {  	_ =	shalt  }
0x72: {  	_ =	shalt  }
0x73: {  	_ =	shalt  }
0x74: {  	_ =	shalt  }
0x75: {  	_ =	shalt  }
0x76: {  	_ =	shalt  }
0x77: {  	_ =	shalt  }
0x78: {  	_ =	shalt  }
0x79: {  	_ =	shalt  }
0x7a: {  	_ =	shalt  }
0x7b: {  	_ =	shalt  }
0x7c: {  	_ =	shalt  }
0x7d: {  	_ =	shalt  }
0x7e: {  	_ =	shalt  }
0x7f: {  	_ =	shalt  }
0x80: {  	_ =	shalt  }
0x81: {  	_ =	shalt  }
0x82: {  	_ =	shalt  }
0x83: {  	_ =	shalt  }
0x84: {  	_ =	shalt  }
0x85: {  	_ =	shalt  }
0x86: {  	_ =	shalt  }
0x87: {  	_ =	shalt  }
.Lfunc_end0:
.L_simem_size_0:
called_computation.3_lowered:
.L_overlay_start_0:
0x88: {  	s2 =	sld [smem:$0x3FD9]  }
0x89: {  	s3 =	sld [smem:$0x3FFE];
	_ =	sdelay $0x1  }
0x8a: {  	s1 =	srdreg.scid  }
0x8b: {  	s0 =	sand.u32 $0x1, s1  }
0x8c: {  	s14 =	sshll.u32 s0, $0xA;
	s2 =	sadd.s32 s3, s2  }
0x8d: {  	s2 =	sadd.s32 s2, s14  }
0x8e: {  	[smem:$0x3FB7] =	sst s2  }
0x8f: {  	_ = 	snop  }
0x90: {  	s2 =	sld [smem:$0x3FD0];
	_ =	sdelay $0x2  }
0x91: {  	s15 =	simm.s32 $0xB;
	s4 =	simm.s32 $0x10  }
0x92: {  	[smem:s4], [sflag:s15] =	dma.local [hbm:s2], $0x1  }
0x93: {  	_ =	swait.eq [sflag:s15], $0x1  }
0x94: {  	[sflag:s15] =	ssyncset.done $0x0  }
0x95: {  	[sflag:s15] =	ssyncadd.s32 $0xFFFFFFFF  }
0x96: {  	s16 =	sld [smem:$0x10];
	(tm) =	ssettm $0x1  }
0x97: {  	s17 =	sld [smem:$0x3FFB];
	_ =	sdelay $0x3  }
0x98: {  	_ =	strace s17  }
0x99: {  	s3 =	sld [smem:$0x3FFC];
	_ =	sdelay $0x3  }
0x9a: {  	_ =	strace s3  }
0x9b: {  	s3 =	sld [smem:$0x3FFD];
	_ =	sdelay $0x3  }
0x9c: {  	_ =	strace s3  }
0x9d: {  	_ =	strace $0x8FFFFFFF  }
0x9e: {  	s18 =	sld [smem:$0x3FDB];
	_ =	sdelay $0x1  }
0x9f: {  	s19 =	simm.s32 $_scs_section_size  }
0xa0: {  	s5 =	simm.s32 $_size__tile_overlayer_lowered;
	s6 =	simm.s32 $_tile_overlayer_lowered  }
0xa1: {  	s22 =	simm.s32 $0x1BFF;
	s21 =	sshll.u32 s6, $0x1;
	s3 =	sadd.s32 s19, s18  }
0xa2: {  	s7 =	simm.s32 $0x0;
	s20 =	sshll.u32 s5, $0x1;
	s5 =	sadd.s32 s21, s3  }
0xa3: {  	[timem:s7], [sflag:s22] =	dma.local [hbm:s5], s20  }
0xa4: {  	_ =	swait.ge [sflag:s22], s20  }
0xa5: {  	s4 =	ssub.s32 $0x0, s20;
	[sflag:s22] =	ssyncset.done $0x0  }
0xa6: {  	[sflag:s22] =	ssyncadd.s32 s4;
	_ =	sdelay $0x1  }
0xa7: {  	s23 =	simm.s32 $0x1B8B  }
0xa8: {  	_ =	swait.ge [sflag:s23], $0x1  }
0xa9: {  	[sflag:s23] =	ssyncset.done $0x0  }
0xaa: {  	s25 =	simm.s32 $0x1B8E;
	s24 =	sld [smem:$0x3FFE];
	[sflag:s23] =	ssyncadd.s32 $0xFFFFFFFF  }
0xab: {  	s26 =	simm.s32 $execute0_lowered;
	[smem:$0x3FD2] =	sst s25  }
0xac: {  	s5 =	sshll.u32 s26, $0x1;
	_ =	strace $0x8000004F;
	[dreg:$0x1] =	wrdreg $0xFFFFFFFF  }
0xad: {  	s28 =	simm.s32 $_size_execute0_lowered;
	s3 =	sadd.s32 s3, s5;
	[dreg:$0x0] =	wrdreg $0x0  }
0xae: {  	s5 =	sshll.u32 s28, $0x1;
	[dreg:$0x2] =	wrdreg s3  }
0xaf: {  	[dreg:$0x3] =	wrdreg s5  }
0xb0: {  	[dreg:$0x4] =	wrdreg $0xC0  }
0xb1: {  	_ =	task [dreg:s7], $0x5FFFF  }
0xb2: {  	[dreg:$0x1] =	wrdreg $0xFFFFFFFF  }
0xb3: {  	[dreg:$0x0] =	wrdreg $0x60  }
0xb4: {  	[dreg:$0x2] =	wrdreg s16  }
0xb5: {  	[dreg:$0x3] =	wrdreg s24  }
0xb6: {  	[dreg:$0x4] =	wrdreg $0x52000  }
0xb7: {  	[dreg:$0x5] =	wrdreg $0x9  }
0xb8: {  	_ =	task.clear_ibuf [dreg:s7], $0x6FFFF;
	_ =	strace $0x9000004F  }
0xb9: {  	s29 =	simm.s32 $0x9;
	_ =	strace $0x80000051  }
0xba: {  	_ =	swait.ge [sflag:s29], $0x1  }
0xbb: {  	[sflag:s29] =	ssyncadd.s32 $0xFFFFFFFF  }
0xbc: {  	_ =	strace $0x90000051  }
0xbd: {  	_ =	sfence  }
0xbe: {  	s30 =	sld [smem:$0x0];
	_ =	sdelay $0x2  }
0xbf: {  	s31 =	sshll.u32 s1, $0xD;
	s1 =	sshrl.u32 s1, $0x2  }
0xc0: {  	s3 =	sand.u32 $0x4000, s31;
	s1 =	sadd.s32 s1, s30  }
0xc1: {  	s0 =	sor.u32 s3, s0;
	s1 =	sshll.u32 s1, $0x11  }
0xc2: {  	s0 =	sor.u32 s1, s0  }
0xc3: {  	s0 =	sadd.s32 $0x8F2B, s0  }
0xc4: {  	[sflag:s0] =	ssyncadd.remote.s32 $0x1  }
0xc5: {  	_ =	sfence.sel $0xFFFF  }
0xc6: {  	[dreg:$0x0] =	wrdreg $0xFFFFFFFF;
	(pc) =	sbr.abs _section_cstart, $3  }
0xc7: {  	[dreg:$0x1] =	wrdreg $0xFFFFFFFF  }
0xc8: {  	_ =	task.clear_ibuf [dreg:s7], $0x2FFFF;
	_ =	strace $0x9FFFFFFF  }
0xc9: {  	(tm) =	ssettm $0x7FFFFFFF  }
tec
execute0_lowered:
.L_overlay_start_1:
0x0: {  	(tag) =	ssettag $0x1  }
0x1: {  	s1 =	rddreg [dreg:$0x0]  }
0x2: {  	s0 =	rddreg [dreg:$0x1]  }
0x3: {  	s2 =	rddreg [dreg:$0x2];
	s3 =	simm.s32 $0x0  }
0x4: {  	s4 =	srdreg.scid;
	s14 =	stileid.u32;
	s28 =	simm.s32 $0x50  }
0x5: {  	s29 =	simm.s32 $0x100;
	s30 =	simm.s32 $0x180;
	s31 =	simm.s32 $0x2A00  }
0x6: {  	[smem:$0x7FF] =	sst s3;
	s5 =	sadd.s32 $0x5C00, s0;
	s9 =	smul.u32 $0x4E000, s14  }
0x7: {  	s4 =	sand.u32 $0x1, s4;
	s6 =	sadd.s32 $0xFA00, s0;
	s12 =	smul.u32 $0x13800, s14  }
0x8: {  	s0 =	sadd.s32 $0x67C00, s0;
	s22 =	smul.u32 $0x2710, s14;
	p0 =	sne.s32 s14, $0xF  }
0x9: {  	_ =	strace $0x80000050;
	s7 =	sshll.u32 s4, $0x4;
	s20 =	smul.u32 $0x138800, s4  }
0xa: {  	s8 =	ssub.s32 $0x2, s4;
	s4 =	smul.u32 $0x27100, s4;
	s7 =	sor.u32 s14, s7  }
0xb: {  	s10 =	sshrl.u32 s8, $0x1;
	s19 =	sshrl.u32 s9, $0x2;
	s9 =	sadd.s32 $0x138000, s2  }
0xc: {  	s11 =	smul.u32 $0x2710, s7;
	s8 =	ssub.s32 s8, s10;
	s7 =	sadd.s32 s19, s2  }
0xd: {  	s12 =	sadd.s32 s12, s20;
	s10 =	sshrl.u32 s20, $0x3;
	s26 =	sadd.s32 s22, s4  }
0xe: {  	s21 =	sadd.s32 $0x11800, s7;
	s12 =	sshrl.u32 s12, $0x3;
	s10 =	sadd.s32 s0, s10  }
0xf: {  	s24 =	smax.u32 s8, $0x1;
	s25 =	sadd.s32 $0x2800, s7;
	s16 =	sadd.s32 $0x5000, s7  }
0x10: {  	s17 =	sadd.s32 $0x7800, s7;
	s4 =	sadd.s32 $0x50, s26;
	s18 =	sadd.s32 $0xA000, s7  }
0x11: {  	s19 =	sadd.s32 $0xC800, s7;
	s20 =	sadd.s32 $0xF000, s7;
	[dreg:$0x4] =	wrdreg s21  }
0x12: {  	s8 =	simm.s32 $0x0;
	s11 =	sshrl.u32 s11, $0x3;
	[dreg:$0x9] =	wrdreg s24  }
0x13: {  	s0 =	sadd.s32 s0, s12;
	s23 =	sadd.s32 $0x27000, s10;
	[dreg:$0xa] =	wrdreg s25  }
0x14: {  	s4 =	sshrl.u32 s4, $0x3;
	s21 =	sadd.s32 $0xA0, s26;
	s24 =	simm.s32 $0x200  }
0x15: {  	s25 =	simm.s32 $0x3;
	s26 =	simm.s32 $0x80;
	[dreg:$0x7] =	wrdreg s0  }
0x16: {  	s13 =	sadd.s32 s5, s11;
	s11 =	sadd.s32 s6, s11;
	[dreg:$0x8] =	wrdreg s23  }
0x17: {  	s22 =	sadd.s32 s4, s6;
	s23 =	sadd.s32 s4, s5;
	[dreg:$0x5] =	wrdreg s13  }
0x18: {  	v0 =	vimm.f32 $0.0e+00;
	s0 =	simm.s32 $0x1;
	s4 =	simm.s32 $0x2;
	[dreg:$0x6] =	wrdreg s11  }
.LBB2_1:
0x19: {  	s10 =	simm.s32 $0x70;
	s11 =	simm.s32 $0x3C0  }
.LBB2_2:
0x1a: {  	p1 =	sne.s32 s11, $0x9FC0;
	[tilespmem:s10+$0x200] =	vst v0  }
0x1b: {  	[tilespmem:s10+$0x190] =	vst v0  }
0x1c: {  	[tilespmem:s10+$0x1A0] =	vst v0  }
.Ltmp0:
0x1d: {  	[tilespmem:s10+$0x1B0] =	vst v0;
	(pc) =	sbr.rel @p1 .LBB2_2-.Ltmp0, $4  }
0x1e: {  	[tilespmem:s10+$0x1C0] =	vst v0  }
0x1f: {  	[tilespmem:s10+$0x1D0] =	vst v0  }
0x20: {  	[tilespmem:s10+$0x1E0] =	vst v0  }
0x21: {  	[tilespmem:s10+$0x1F0] =	vst v0;
	s10 =	sshra.s32 s11, $0x2;
	s11 =	sadd.s32 $0x200, s11  }
0x22: {  	[tilespmem:s10+$0x200] =	vst v0  }
0x23: {  	[tilespmem:s10+$0x190] =	vst v0  }
0x24: {  	[tilespmem:s10+$0x1A0] =	vst v0  }
0x25: {  	[tilespmem:s10+$0x1B0] =	vst v0  }
0x26: {  	[tilespmem:s10+$0x1C0] =	vst v0  }
0x27: {  	[tilespmem:s10+$0x1D0] =	vst v0  }
0x28: {  	[tilespmem:s10+$0x1E0] =	vst v0  }
0x29: {  	[tilespmem:s10+$0x1F0] =	vst v0  }
0x2a: {  	[spmem:s7] =	stream.linear.scatter [tilespmem:s24], [sflag:$0x3], $0x2800, $0x38;
	[tilespmem:$0x18A80] =	vst v63  }
0x2b: {  	_ =	swait.ge [sflag:s25], $0x2800  }
0x2c: {  	[sflag:s25] =	ssyncset.done $0x0  }
0x2d: {  	s12 =	rddreg [dreg:$0xa];
	[sflag:s25] =	ssyncadd.s32 $0xFFFFD800  }
0x2e: {  	[spmem:s12] =	stream.linear.scatter [tilespmem:s24], [sflag:$0x3], $0x2800, $0x38;
	[tilespmem:$0x18A80] =	vst v63  }
0x2f: {  	_ =	swait.ge [sflag:s25], $0x2800  }
0x30: {  	[sflag:s25] =	ssyncset.done $0x0  }
0x31: {  	[sflag:s25] =	ssyncadd.s32 $0xFFFFD800  }
0x32: {  	[spmem:s16] =	stream.linear.scatter [tilespmem:s24], [sflag:$0x3], $0x2800, $0x38;
	[tilespmem:$0x18A80] =	vst v63  }
0x33: {  	_ =	swait.ge [sflag:s25], $0x2800  }
0x34: {  	[sflag:s25] =	ssyncset.done $0x0  }
0x35: {  	[sflag:s25] =	ssyncadd.s32 $0xFFFFD800  }
0x36: {  	[spmem:s17] =	stream.linear.scatter [tilespmem:s24], [sflag:$0x3], $0x2800, $0x38;
	[tilespmem:$0x18A80] =	vst v63  }
0x37: {  	_ =	swait.ge [sflag:s25], $0x2800  }
0x38: {  	[sflag:s25] =	ssyncset.done $0x0  }
0x39: {  	[sflag:s25] =	ssyncadd.s32 $0xFFFFD800  }
0x3a: {  	[spmem:s18] =	stream.linear.scatter [tilespmem:s24], [sflag:$0x3], $0x2800, $0x38;
	[tilespmem:$0x18A80] =	vst v63  }
0x3b: {  	_ =	swait.ge [sflag:s25], $0x2800  }
0x3c: {  	[sflag:s25] =	ssyncset.done $0x0  }
0x3d: {  	[sflag:s25] =	ssyncadd.s32 $0xFFFFD800  }
0x3e: {  	[spmem:s19] =	stream.linear.scatter [tilespmem:s24], [sflag:$0x3], $0x2800, $0x38;
	[tilespmem:$0x18A80] =	vst v63  }
0x3f: {  	_ =	swait.ge [sflag:s25], $0x2800  }
0x40: {  	[sflag:s25] =	ssyncset.done $0x0  }
0x41: {  	[sflag:s25] =	ssyncadd.s32 $0xFFFFD800  }
0x42: {  	[spmem:s20] =	stream.linear.scatter [tilespmem:s24], [sflag:$0x3], $0x2800, $0x38;
	[tilespmem:$0x18A80] =	vst v63  }
0x43: {  	_ =	swait.ge [sflag:s25], $0x2800  }
0x44: {  	[sflag:s25] =	ssyncset.done $0x0  }
0x45: {  	s13 =	rddreg [dreg:$0x4];
	[sflag:s25] =	ssyncadd.s32 $0xFFFFD800  }
0x46: {  	[spmem:s13] =	stream.linear.scatter [tilespmem:s24], [sflag:$0x3], $0x2000, $0x38;
	[tilespmem:$0x18A80] =	vst v63  }
0x47: {  	_ =	swait.ge [sflag:s25], $0x2000  }
0x48: {  	[sflag:s25] =	ssyncset.done $0x0  }
0x49: {  	s10 =	simm.s32 @!p0 $0x200;
	[sflag:s25] =	ssyncadd.s32 $0xFFFFE000  }
0x4a: {  	[spmem:s9] =	stream.linear.scatter @!p0 [tilespmem:s10], [sflag:$0x3], $0x800, $0x38;
	[tilespmem:$0x18A80] =	vst v63  }
0x4b: {  	s10 =	simm.s32 @!p0 $0x3  }
0x4c: {  	_ =	swait.ge @!p0 [sflag:s10], $0x800  }
0x4d: {  	[sflag:s10] =	ssyncset.done @!p0 $0x0  }
0x4e: {  	[sflag:s10] =	ssyncadd.s32 @!p0 $0xFFFFF800  }
0x4f: {  	[bflag:$0x0] =	sbarrier.arrive $0xFFFF  }
0x50: {  	s14 =	simm.s32 $0x0;
	s11 =	rddreg [dreg:$0x5]  }
0x51: {  	[tilespmem:s14], [sflag:$0x3] =	stream.linear.gather [hbm4b:s11+s14], $0x50, $0x38;
	[tilespmem:$0x18A80] =	vst v63  }
0x52: {  	_ =	swait.ge [sflag:s25], $0x50  }
0x53: {  	[sflag:s25] =	ssyncset.done $0x0  }
0x54: {  	s15 =	rddreg [dreg:$0x6];
	[sflag:s25] =	ssyncadd.s32 $0xFFFFFFB0  }
0x55: {  	[tilespmem:s26], [sflag:$0x3] =	stream.linear.gather [hbm4b:s15+s14], $0x50, $0x38;
	[tilespmem:$0x18A80] =	vst v63  }
0x56: {  	_ =	swait.ge [sflag:s25], $0x50  }
0x57: {  	[sflag:s25] =	ssyncset.done $0x0  }
0x58: {  	[sflag:s25] =	ssyncadd.s32 $0xFFFFFFB0  }
0x59: {  	[tilespmem:s24], [sflag:$0x1] =	stream.indirect.gather [hbm4b:s1+s28], $0x80, s14, s28, $0xb8;
	[tilespmem:$0x18A80] =	vst v63  }
0x5a: {  	s12 =	sadd.s32 $0x0, s23  }
0x5b: {  	[tilespmem:s29], [sflag:$0x3] =	stream.linear.gather [hbm4b:s12+s3], $0x50, $0x38;
	[tilespmem:$0x18A80] =	vst v63  }
0x5c: {  	_ =	swait.ge [sflag:s25], $0x50  }
0x5d: {  	[sflag:s25] =	ssyncset.done $0x0  }
0x5e: {  	s13 =	sadd.s32 $0x0, s22;
	[sflag:s25] =	ssyncadd.s32 $0xFFFFFFB0  }
0x5f: {  	[tilespmem:s30], [sflag:$0x3] =	stream.linear.gather [hbm4b:s13+s3], $0x50, $0x38;
	[tilespmem:$0x18A80] =	vst v63  }
0x60: {  	_ =	swait.ge [sflag:s25], $0x50  }
0x61: {  	[sflag:s25] =	ssyncset.done $0x0  }
0x62: {  	[sflag:s25] =	ssyncadd.s32 $0xFFFFFFB0  }
0x63: {  	[tilespmem:s31], [sflag:$0x2] =	stream.indirect.gather [hbm4b:s1+s28], $0x80, s29, s28, $0xb8;
	[tilespmem:$0x18A80] =	vst v63  }
0x64: {  	_ =	swait.ge [sflag:s0], $0x2800  }
0x65: {  	[sflag:s0] =	ssyncset.done $0x0  }
0x66: {  	[sflag:s0] =	ssyncadd.s32 $0xFFFFD800  }
0x67: {  	[spmem:s2] =	stream.indirect.scatter.add.f32 [tilespmem:s24], [sflag:$0x3], $0x80, s26, s28, $0xb8;
	[tilespmem:$0x18A80] =	vst v63  }
0x68: {  	_ =	swait.ge [sflag:s25], $0x2800  }
0x69: {  	s14 =	sshrl.u32 s21, $0x3;
	[sflag:s25] =	ssyncset.done $0x0  }
0x6a: {  	s15 =	sadd.s32 s5, s14;
	[sflag:s25] =	ssyncadd.s32 $0xFFFFD800  }
0x6b: {  	[tilespmem:s3], [sflag:$0x3] =	stream.linear.gather [hbm4b:s15+s3], $0x50, $0x38;
	[tilespmem:$0x18A80] =	vst v63  }
0x6c: {  	_ =	swait.ge [sflag:s25], $0x50  }
0x6d: {  	[sflag:s25] =	ssyncset.done $0x0  }
0x6e: {  	s10 =	sadd.s32 s6, s14;
	[sflag:s25] =	ssyncadd.s32 $0xFFFFFFB0  }
0x6f: {  	[tilespmem:s26], [sflag:$0x3] =	stream.linear.gather [hbm4b:s10+s3], $0x50, $0x38;
	[tilespmem:$0x18A80] =	vst v63  }
0x70: {  	_ =	swait.ge [sflag:s25], $0x50  }
0x71: {  	[sflag:s25] =	ssyncset.done $0x0  }
0x72: {  	[sflag:s25] =	ssyncadd.s32 $0xFFFFFFB0  }
0x73: {  	[tilespmem:s24], [sflag:$0x1] =	stream.indirect.gather [hbm4b:s1+s28], $0x80, s3, s28, $0xb8;
	[tilespmem:$0x18A80] =	vst v63  }
0x74: {  	_ =	swait.ge [sflag:s4], $0x2800  }
0x75: {  	[sflag:s4] =	ssyncset.done $0x0  }
0x76: {  	[sflag:s4] =	ssyncadd.s32 $0xFFFFD800  }
0x77: {  	[spmem:s2] =	stream.indirect.scatter.add.f32 [tilespmem:s31], [sflag:$0x3], $0x80, s30, s28, $0xb8;
	[tilespmem:$0x18A80] =	vst v63  }
0x78: {  	s11 =	simm.s32 $0x14;
	_ =	swait.ge [sflag:s25], $0x2800  }
0x79: {  	s12 =	simm.s32 $0x28;
	s10 =	sadd.s32 $0xA0, s21;
	[sflag:s25] =	ssyncset.done $0x0  }
.LBB2_4:
0x7a: {  	s14 =	sadd.s32 s11, s23  }
0x7b: {  	[sflag:s25] =	ssyncadd.s32 $0xFFFFD800;
	s15 =	smov.u32 s12;
	s13 =	sadd.s32 $0x14, s12  }
0x7c: {  	[tilespmem:s29], [sflag:$0x3] =	stream.linear.gather [hbm4b:s14+s3], $0x50, $0x38;
	[tilespmem:$0x18A80] =	vst v63  }
0x7d: {  	p1 =	sne.s32 s12, $0x4C4;
	_ =	swait.ge [sflag:s25], $0x50  }
0x7e: {  	[sflag:s25] =	ssyncset.done $0x0  }
0x7f: {  	s12 =	sadd.s32 s11, s22;
	s11 =	smov.u32 s15;
	[sflag:s25] =	ssyncadd.s32 $0xFFFFFFB0  }
0x80: {  	[tilespmem:s30], [sflag:$0x3] =	stream.linear.gather [hbm4b:s12+s3], $0x50, $0x38;
	[tilespmem:$0x18A80] =	vst v63  }
0x81: {  	_ =	swait.ge [sflag:s25], $0x50  }
0x82: {  	[sflag:s25] =	ssyncset.done $0x0  }
0x83: {  	[sflag:s25] =	ssyncadd.s32 $0xFFFFFFB0  }
0x84: {  	[tilespmem:s31], [sflag:$0x2] =	stream.indirect.gather [hbm4b:s1+s28], $0x80, s29, s28, $0xb8;
	[tilespmem:$0x18A80] =	vst v63  }
0x85: {  	_ =	swait.ge [sflag:s0], $0x2800  }
0x86: {  	[sflag:s0] =	ssyncset.done $0x0  }
0x87: {  	[sflag:s0] =	ssyncadd.s32 $0xFFFFD800  }
0x88: {  	[spmem:s2] =	stream.indirect.scatter.add.f32 [tilespmem:s24], [sflag:$0x3], $0x80, s26, s28, $0xb8;
	[tilespmem:$0x18A80] =	vst v63  }
0x89: {  	_ =	swait.ge [sflag:s25], $0x2800  }
0x8a: {  	s12 =	sshrl.u32 s10, $0x3;
	[sflag:s25] =	ssyncset.done $0x0  }
0x8b: {  	s14 =	sadd.s32 s5, s12;
	[sflag:s25] =	ssyncadd.s32 $0xFFFFD800  }
0x8c: {  	[tilespmem:s3], [sflag:$0x3] =	stream.linear.gather [hbm4b:s14+s3], $0x50, $0x38;
	[tilespmem:$0x18A80] =	vst v63  }
0x8d: {  	_ =	swait.ge [sflag:s25], $0x50  }
0x8e: {  	[sflag:s25] =	ssyncset.done $0x0  }
0x8f: {  	s12 =	sadd.s32 s6, s12;
	[sflag:s25] =	ssyncadd.s32 $0xFFFFFFB0  }
0x90: {  	[tilespmem:s26], [sflag:$0x3] =	stream.linear.gather [hbm4b:s12+s3], $0x50, $0x38;
	[tilespmem:$0x18A80] =	vst v63  }
0x91: {  	_ =	swait.ge [sflag:s25], $0x50  }
0x92: {  	[sflag:s25] =	ssyncset.done $0x0  }
0x93: {  	[sflag:s25] =	ssyncadd.s32 $0xFFFFFFB0  }
0x94: {  	[tilespmem:s24], [sflag:$0x1] =	stream.indirect.gather [hbm4b:s1+s28], $0x80, s3, s28, $0xb8;
	[tilespmem:$0x18A80] =	vst v63  }
0x95: {  	_ =	swait.ge [sflag:s4], $0x2800  }
.Ltmp1:
0x96: {  	[sflag:s4] =	ssyncset.done $0x0;
	(pc) =	sbr.rel @p1 .LBB2_4-.Ltmp1, $4  }
0x97: {  	[sflag:s4] =	ssyncadd.s32 $0xFFFFD800  }
0x98: {  	[spmem:s2] =	stream.indirect.scatter.add.f32 [tilespmem:s31], [sflag:$0x3], $0x80, s30, s28, $0xb8;
	[tilespmem:$0x18A80] =	vst v63  }
0x99: {  	_ =	swait.ge [sflag:s25], $0x2800  }
0x9a: {  	s10 =	sadd.s32 $0xA0, s10;
	s12 =	smov.u32 s13;
	[sflag:s25] =	ssyncset.done $0x0  }
0x9b: {  	s12 =	sadd.s32 s11, s23;
	[sflag:s25] =	ssyncadd.s32 $0xFFFFD800  }
0x9c: {  	[tilespmem:s29], [sflag:$0x3] =	stream.linear.gather [hbm4b:s12+s3], $0x50, $0x38;
	[tilespmem:$0x18A80] =	vst v63  }
0x9d: {  	_ =	swait.ge [sflag:s25], $0x50  }
0x9e: {  	[sflag:s25] =	ssyncset.done $0x0  }
0x9f: {  	s14 =	sadd.s32 s11, s22;
	[sflag:s25] =	ssyncadd.s32 $0xFFFFFFB0  }
0xa0: {  	[tilespmem:s30], [sflag:$0x3] =	stream.linear.gather [hbm4b:s14+s3], $0x50, $0x38;
	[tilespmem:$0x18A80] =	vst v63  }
0xa1: {  	_ =	swait.ge [sflag:s25], $0x50  }
0xa2: {  	[sflag:s25] =	ssyncset.done $0x0  }
0xa3: {  	[sflag:s25] =	ssyncadd.s32 $0xFFFFFFB0  }
0xa4: {  	[tilespmem:s31], [sflag:$0x2] =	stream.indirect.gather [hbm4b:s1+s28], $0x80, s29, s28, $0xb8;
	[tilespmem:$0x18A80] =	vst v63  }
0xa5: {  	_ =	swait.ge [sflag:s0], $0x2800  }
0xa6: {  	[sflag:s0] =	ssyncset.done $0x0  }
0xa7: {  	[sflag:s0] =	ssyncadd.s32 $0xFFFFD800  }
0xa8: {  	[spmem:s2] =	stream.indirect.scatter.add.f32 [tilespmem:s24], [sflag:$0x3], $0x80, s26, s28, $0xb8;
	[tilespmem:$0x18A80] =	vst v63  }
0xa9: {  	_ =	swait.ge [sflag:s25], $0x2800  }
0xaa: {  	s10 =	sshrl.u32 s10, $0x3;
	[sflag:s25] =	ssyncset.done $0x0  }
0xab: {  	s15 =	sadd.s32 s5, s10;
	[sflag:s25] =	ssyncadd.s32 $0xFFFFD800  }
0xac: {  	[tilespmem:s3], [sflag:$0x3] =	stream.linear.gather [hbm4b:s15+s3], $0x50, $0x38;
	[tilespmem:$0x18A80] =	vst v63  }
0xad: {  	_ =	swait.ge [sflag:s25], $0x50  }
0xae: {  	[sflag:s25] =	ssyncset.done $0x0  }
0xaf: {  	s10 =	sadd.s32 s6, s10;
	[sflag:s25] =	ssyncadd.s32 $0xFFFFFFB0  }
0xb0: {  	[tilespmem:s26], [sflag:$0x3] =	stream.linear.gather [hbm4b:s10+s3], $0x50, $0x38;
	[tilespmem:$0x18A80] =	vst v63  }
0xb1: {  	_ =	swait.ge [sflag:s25], $0x50  }
0xb2: {  	[sflag:s25] =	ssyncset.done $0x0  }
0xb3: {  	[sflag:s25] =	ssyncadd.s32 $0xFFFFFFB0  }
0xb4: {  	[tilespmem:s24], [sflag:$0x1] =	stream.indirect.gather [hbm4b:s1+s28], $0x80, s3, s28, $0xb8;
	[tilespmem:$0x18A80] =	vst v63  }
0xb5: {  	_ =	swait.ge [sflag:s4], $0x2800  }
0xb6: {  	[sflag:s4] =	ssyncset.done $0x0  }
0xb7: {  	[sflag:s4] =	ssyncadd.s32 $0xFFFFD800  }
0xb8: {  	[spmem:s2] =	stream.indirect.scatter.add.f32 [tilespmem:s31], [sflag:$0x3], $0x80, s30, s28, $0xb8;
	[tilespmem:$0x18A80] =	vst v63  }
0xb9: {  	_ =	swait.ge [sflag:s25], $0x2800  }
0xba: {  	[sflag:s25] =	ssyncset.done $0x0  }
0xbb: {  	[sflag:s25] =	ssyncadd.s32 $0xFFFFD800  }
0xbc: {  	_ =	swait.ge [sflag:s0], $0x2800  }
0xbd: {  	[sflag:s0] =	ssyncset.done $0x0  }
0xbe: {  	[sflag:s0] =	ssyncadd.s32 $0xFFFFD800  }
0xbf: {  	[spmem:s2] =	stream.indirect.scatter.add.f32 [tilespmem:s24], [sflag:$0x3], $0x80, s26, s28, $0xb8;
	[tilespmem:$0x18A80] =	vst v63  }
0xc0: {  	_ =	swait.ge [sflag:s25], $0x2800  }
0xc1: {  	[sflag:s25] =	ssyncset.done $0x0  }
0xc2: {  	s12 =	stileid.u32;
	[sflag:s25] =	ssyncadd.s32 $0xFFFFD800  }
0xc3: {  	s10 =	sshll.u32 s12, $0x6;
	[bflag:$0x0] =	sbarrier.arrive $0xFFFF  }
0xc4: {  	s13 =	sshrl.u32 s7, $0x3;
	s10 =	sor.u32 $0x1C03, s10;
	s14 =	rddreg [dreg:$0x7]  }
0xc5: {  	[hbm:s14], [sflag:s10] =	dma.local [spmem:s13], $0x2700  }
0xc6: {  	_ =	swait.ge [sflag:s25], $0x2700  }
0xc7: {  	[sflag:s25] =	ssyncset.done $0x0  }
0xc8: {  	s11 =	sshrl.u32 @!p0 s9, $0x3;
	s12 =	rddreg [dreg:$0x8];
	[sflag:s25] =	ssyncadd.s32 $0xFFFFD900  }
0xc9: {  	[hbm:s12], [sflag:s10] =	dma.local @!p0 [spmem:s11], $0x100  }
0xca: {  	s10 =	simm.s32 @!p0 $0x3  }
0xcb: {  	_ =	swait.ge @!p0 [sflag:s10], $0x100  }
0xcc: {  	s8 =	sadd.s32 $0x1, s8;
	s15 =	rddreg [dreg:$0x9]  }
0xcd: {  	p1 =	sne.s32 s8, s15  }
.Ltmp2:
0xce: {  	_ = 	snop;
	(pc) =	sbr.rel @p1 .LBB2_1-.Ltmp2, $3  }
0xcf: {  	_ =	sdelay $0x1  }
0xd0: {  	[sflag:s10] =	ssyncset.done @!p0 $0x0  }
0xd1: {  	[sflag:s10] =	ssyncadd.s32 @!p0 $0xFFFFFF00  }
0xd2: {  	_ =	sfence.sel $0x180000  }
0xd3: {  	[bflag:$0x0] =	sbarrier.arrive $0xFFFF  }
0xd4: {  	_ =	strace $0x90000050  }
0xd5: {  	s0 =	stileid.u32;
	[bflag:$0x2] =	sbarrier.arrive $0xFFFF  }
0xd6: {  	p0 =	sne.s32 s0, $0x0;
	s0 =	rddreg [dreg:$0x3]  }
0xd7: {  	s0 =	sadd.s32 @!p0 $0x100000, s0  }
0xd8: {  	[sflag:s0] =	ssyncadd.tile.s32 @!p0 $0x1;
	_ =	shalt  }
.Lfunc_end2:
_tile_overlayer_lowered:
.L_overlay_start_2:
0xd9: {  	(tag) =	ssettag $0x2  }
0xda: {  	s0 =	rddreg [dreg:$0x0];
	s2 =	stileid.u32  }
0xdb: {  	s1 =	rddreg [dreg:$0x1];
	p0 =	sne.s32 s2, $0x0  }
0xdc: {  	s3 =	rddreg [dreg:$0x2];
	[bflag:$0x3] =	sbarrier.arrive $0xFFFF;
	s2 =	simm.s32 @!p0 $0x1C03  }
0xdd: {  	[timem:s3], [sflag:s2] =	dma.local @!p0 [hbm:s0], s1  }
0xde: {  	s0 =	simm.s32 @!p0 $0x3  }
0xdf: {  	_ =	swait.ge @!p0 [sflag:s0], s1  }
0xe0: {  	s1 =	ssub.s32 @!p0 $0x0, s1;
	[sflag:s0] =	ssyncset.done @!p0 $0x0  }
0xe1: {  	[sflag:s0] =	ssyncadd.s32 @!p0 s1  }
0xe2: {  	[bflag:$0x3] =	sbarrier.arrive $0xFFFF  }
0xe3: {  	_ =	shalt  }

</sc_bundles>
